<compile_context>
chip_gen: v7x
topology: tpu7x:2x2x1
jax: 0.10.2.dev20260603
libtpu: 0.0.44.dev20260713+nightly
codegen_flags: <defaults>
</compile_context>

<pallas_src>
import functools

import jax
import jax.numpy as jnp
from jax import lax
from jax.experimental import pallas as pl
from jax.experimental.pallas import tpu as pltpu
from jax.experimental.pallas import tpu_sc as plsc

B = 1024
F = 26
V = 100000
D = 16

NC = 2
NS = 16
L = 16
FPC = F // NC
NW = NC * NS
BPW = B // NW
NQ = B // L


def _sweep_body(tab_hbm, idx_hbm, out_hbm, rowbuf, idxv, accsq, sem):
    c = lax.axis_index("c")
    t = lax.axis_index("s")
    pltpu.sync_copy(idx_hbm.at[pl.ds(c * L, L), :], idxv)
    zeros = jnp.zeros((L,), jnp.float32)
    for q in range(NQ):
        accsq[pl.ds(q * L, L)] = zeros
        accsq[pl.ds(B + q * L, L)] = zeros

    def per_field(i, chk):
        dep = lax.shift_right_logical(
            lax.convert_element_type(jnp.abs(chk[0]), jnp.int32), 31
        )
        gf = c * FPC + i
        r = gf * D + t + dep
        pltpu.async_copy(tab_hbm.at[r // 8, r % 8, :], rowbuf, sem).wait()
        for q in range(NQ):
            vv = idxv[i, pl.ds(q * L, L)]
            val = plsc.load_gather(rowbuf, [vv])
            chk = chk + val
            a = accsq[pl.ds(q * L, L)]
            accsq[pl.ds(q * L, L)] = a + val
            s = accsq[pl.ds(B + q * L, L)]
            accsq[pl.ds(B + q * L, L)] = s + val * val
        return chk

    lax.fori_loop(0, FPC, per_field, jnp.zeros((L,), jnp.float32))
    pltpu.sync_copy(accsq, out_hbm.at[c, t, :])


def _head_body(part_hbm, par_hbm, out_hbm, pbuf, parv, outv):
    wid = lax.axis_index("s") * NC + lax.axis_index("c")
    base = wid * BPW
    blk = pl.multiple_of((wid // 4) * 128, 128)
    off = (wid % 4) * BPW
    pltpu.sync_copy(par_hbm, parv)
    for c in range(NC):
        for k in range(2):
            pltpu.sync_copy(
                part_hbm.at[c, :, pl.ds(k * B + blk, 128)], pbuf.at[c * 2 + k]
            )
    wo = parv[0, pl.ds(0, L)]
    bo = parv[1, pl.ds(0, L)]
    for g in range(BPW // L):
        tot = jnp.zeros((L,), jnp.float32)
        for d in range(D):
            a = pbuf[0, d, pl.ds(off + g * L, L)] + pbuf[2, d, pl.ds(off + g * L, L)]
            q = pbuf[1, d, pl.ds(off + g * L, L)] + pbuf[3, d, pl.ds(off + g * L, L)]
            tot = tot + (a * a - q)
        z = (0.5 * tot) * wo + bo
        outv[pl.ds(g * L, L)] = 1.0 / (1.0 + jnp.exp(-z))
    pltpu.sync_copy(outv, out_hbm.at[pl.ds(base, BPW)])


@jax.jit
def _afm_call(tab3, idx32, par):
    mesh = plsc.VectorSubcoreMesh(
        core_axis_name="c", subcore_axis_name="s", num_cores=NC, num_subcores=NS
    )
    sweep = functools.partial(
        pl.kernel,
        out_type=jax.ShapeDtypeStruct((NC, D, 2 * B), jnp.float32),
        mesh=mesh,
        compiler_params=pltpu.CompilerParams(needs_layout_passes=False),
        scratch_types=[
            pltpu.VMEM((V,), jnp.float32),
            pltpu.VMEM((L, B), jnp.int32),
            pltpu.VMEM((2 * B,), jnp.float32),
            pltpu.SemaphoreType.DMA,
        ],
    )(_sweep_body)
    partials = sweep(tab3, idx32)

    head = functools.partial(
        pl.kernel,
        out_type=jax.ShapeDtypeStruct((B,), jnp.float32),
        mesh=mesh,
        compiler_params=pltpu.CompilerParams(needs_layout_passes=False),
        scratch_types=[
            pltpu.VMEM((4, D, 128), jnp.float32),
            pltpu.VMEM((2, 128), jnp.float32),
            pltpu.VMEM((BPW,), jnp.float32),
        ],
    )(_head_body)
    out = head(partials, par)
    return out


def kernel(inputs, tables, W1, b1, W2, b2, Wo, bo):
    sparse = inputs[:, 13:]
    spT = sparse.T
    pad = jnp.zeros((NC * L - F, B), jnp.int32)
    idx32 = jnp.concatenate(
        [spT[:FPC], pad[: L - FPC], spT[FPC:], pad[L - FPC :]], axis=0
    )
    tab3 = tables.transpose(0, 2, 1).reshape(F * D // 8, 8, V)
    par = jnp.stack(
        [jnp.full((128,), Wo[0, 0], jnp.float32), jnp.full((128,), bo[0], jnp.float32)]
    )
    out = _afm_call(tab3, idx32, par)
    return out.reshape(B, 1)

# --- scband reference (transcript-rebuilt; emitter-appended) ---
"""Pipeline reference for scband-afm-6700148981883 (READ-ONLY COPY).

The authoritative reference and input builder live on the scoring server;
editing this copy changes nothing except your own understanding.
"""

import jax, jax.numpy as jnp
import numpy as np

B = 1024
F = 26
V = 100000
D = 16
NP = F * (F - 1) // 2  # 325


def setup_inputs(seed: int = 0) -> dict:
    key = jax.random.key(seed)
    ks = jax.random.split(key, 8)
    inputs = jax.random.randint(ks[0], (B, 13 + F), 0, V, dtype=jnp.int32)
    tables = jax.random.normal(ks[1], (F, V, D), dtype=jnp.float32) * 0.05
    W1 = jax.random.normal(ks[2], (D, NP), dtype=jnp.float32) * 0.05
    b1 = jnp.zeros((NP,), dtype=jnp.float32)
    W2 = jax.random.normal(ks[3], (NP, 1), dtype=jnp.float32) * 0.05
    b2 = jnp.zeros((1,), dtype=jnp.float32)
    Wo = jax.random.normal(ks[4], (1, 1), dtype=jnp.float32) * 0.05
    bo = jnp.zeros((1,), dtype=jnp.float32)
    return {"inputs": inputs, "tables": tables, "W1": W1, "b1": b1, "W2": W2, "b2": b2, "Wo": Wo, "bo": bo}


def reference(inputs, tables, W1, b1, W2, b2, Wo, bo):
    # split dense / sparse columns (dense part is unused by the original model)
    sparse = inputs[:, 13:]  # [B, F] int
    # per-field embedding lookup: tables[i][sparse[:, i]] -> [B, F, D]
    embed = jax.vmap(lambda t, ix: jnp.take(t, ix, axis=0), in_axes=(0, 1), out_axes=1)(tables, sparse)
    # pairwise element-wise products (Interaction_layer): [B, NP, D]
    iu, ju = np.triu_indices(F, k=1)
    elem = embed[:, iu, :] * embed[:, ju, :]
    # Attention_layer
    x = jax.nn.relu(jnp.matmul(elem, W1) + b1)          # [B, NP, NP]
    x = jnp.matmul(x, W2) + b2                           # [B, NP, 1]
    a_score = jax.nn.softmax(x, axis=-1)                 # softmax over last axis (size 1), as in tf.nn.softmax default
    a_score = jnp.transpose(a_score, (0, 2, 1))          # [B, 1, NP]
    att_out = jnp.matmul(a_score, elem).reshape(-1, elem.shape[2])  # [B, D]
    # output head
    s = jnp.sum(att_out, axis=1).reshape(-1, 1)          # [B, 1]
    out = jax.nn.sigmoid(jnp.matmul(s, Wo) + bo)         # [B, 1]
    return out

if __name__ == "__main__":
    import jax
    _d = setup_inputs()
    print(jax.jit(kernel)(*tuple(_d.values())))

</pallas_src>

<mosaic_0001>
#map = affine_map<(d0, d1) -> (0, 0, 0)>
#map1 = affine_map<(d0, d1) -> (0, 0)>
module attributes {stable_mosaic.version = 14 : i64} {
  func.func @_sweep_body(%arg0: i32, %arg1: i32, %arg2: memref<52x8x100000xf32, #tpu.memory_space<hbm>>, %arg3: memref<32x1024xi32, #tpu.memory_space<hbm>>, %arg4: memref<2x16x2048xf32, #tpu.memory_space<hbm>>, %arg5: memref<100000xf32, #tpu.memory_space<vmem>>, %arg6: memref<16x1024xi32, #tpu.memory_space<vmem>>, %arg7: memref<2048xf32, #tpu.memory_space<vmem>>, %arg8: memref<!tpu.dma_semaphore, #tpu.memory_space<semaphore_mem>>) attributes {dimension_semantics = [#tpu.dimension_semantics<core_parallel>, #tpu.dimension_semantics<subcore_parallel>], iteration_bounds = array<i64: 2, 16>, scalar_prefetch = 0 : i64, scratch_operands = 4 : i64, tpu.core_type = #tpu.core_type<sc_vector_subcore>, window_params = [{transform_indices = #map}, {transform_indices = #map1}, {transform_indices = #map}]} {
    %mul3A = arith.constant 16 : i32
    %mul3A_0 = arith.muli %arg0, %mul3A : i32
    "tpu.region"() ({
      %run_scoped3A = tpu.sem_alloc : memref<!tpu.dma_semaphore, #tpu.memory_space<semaphore_mem>>
      %dma_start3A = arith.constant 0 : i32
      %dma_start3A_264 = tpu.memref_slice %arg3[%mul3A_0, %dma_start3A] : memref<32x1024xi32, #tpu.memory_space<hbm>> -> memref<16x1024xi32, #tpu.memory_space<hbm>>
      %dma_start3A_265 = arith.constant 0 : i32
      %dma_start3A_266 = tpu.memref_slice %arg3[%mul3A_0, %dma_start3A_265] : memref<32x1024xi32, #tpu.memory_space<hbm>> -> memref<16x1024xi32, #tpu.memory_space<hbm>>
      tpu.enqueue_dma source(%dma_start3A_266 : memref<16x1024xi32, #tpu.memory_space<hbm>>) target(%arg6 : memref<16x1024xi32, #tpu.memory_space<vmem>>) target_semaphore(%run_scoped3A : memref<!tpu.dma_semaphore, #tpu.memory_space<semaphore_mem>>)
      %dma_wait3A = arith.constant 0 : i32
      %dma_wait3A_267 = tpu.memref_slice %arg3[%mul3A_0, %dma_wait3A] : memref<32x1024xi32, #tpu.memory_space<hbm>> -> memref<16x1024xi32, #tpu.memory_space<hbm>>
      %dma_wait3A_268 = arith.constant 0 : i32
      %dma_wait3A_269 = tpu.memref_slice %arg3[%mul3A_0, %dma_wait3A_268] : memref<32x1024xi32, #tpu.memory_space<hbm>> -> memref<16x1024xi32, #tpu.memory_space<hbm>>
      tpu.wait_dma2 semaphore(%run_scoped3A : memref<!tpu.dma_semaphore, #tpu.memory_space<semaphore_mem>>) src(%dma_wait3A_269 : memref<16x1024xi32, #tpu.memory_space<hbm>>) dst(%arg6 : memref<16x1024xi32, #tpu.memory_space<vmem>>)
      tpu.yield
    }) : () -> ()
    %broadcast_in_dim3A = arith.constant 0.000000e+00 : f32
    %broadcast_in_dim3A_1 = vector.broadcast %broadcast_in_dim3A : f32 to vector<16xf32>
    %swap3A = arith.constant 0 : index
    %swap3A_2 = tpu.vector_load %arg7[%swap3A] {strides = array<i32>} : memref<2048xf32, #tpu.memory_space<vmem>>, vector<16xf32>,
    tpu.vector_store %arg7[%swap3A], %broadcast_in_dim3A_1 {strides = array<i32>} : memref<2048xf32, #tpu.memory_space<vmem>>, vector<16xf32>,
    %swap3A_3 = arith.constant 1024 : index
    %swap3A_4 = tpu.vector_load %arg7[%swap3A_3] {strides = array<i32>} : memref<2048xf32, #tpu.memory_space<vmem>>, vector<16xf32>,
    tpu.vector_store %arg7[%swap3A_3], %broadcast_in_dim3A_1 {strides = array<i32>} : memref<2048xf32, #tpu.memory_space<vmem>>, vector<16xf32>,
    %swap3A_5 = arith.constant 16 : index
    %swap3A_6 = tpu.vector_load %arg7[%swap3A_5] {strides = array<i32>} : memref<2048xf32, #tpu.memory_space<vmem>>, vector<16xf32>,
    tpu.vector_store %arg7[%swap3A_5], %broadcast_in_dim3A_1 {strides = array<i32>} : memref<2048xf32, #tpu.memory_space<vmem>>, vector<16xf32>,
    %swap3A_7 = arith.constant 1040 : index
    %swap3A_8 = tpu.vector_load %arg7[%swap3A_7] {strides = array<i32>} : memref<2048xf32, #tpu.memory_space<vmem>>, vector<16xf32>,
    tpu.vector_store %arg7[%swap3A_7], %broadcast_in_dim3A_1 {strides = array<i32>} : memref<2048xf32, #tpu.memory_space<vmem>>, vector<16xf32>,
    %swap3A_9 = arith.constant 32 : index
    %swap3A_10 = tpu.vector_load %arg7[%swap3A_9] {strides = array<i32>} : memref<2048xf32, #tpu.memory_space<vmem>>, vector<16xf32>,
    tpu.vector_store %arg7[%swap3A_9], %broadcast_in_dim3A_1 {strides = array<i32>} : memref<2048xf32, #tpu.memory_space<vmem>>, vector<16xf32>,
    %swap3A_11 = arith.constant 1056 : index
    %swap3A_12 = tpu.vector_load %arg7[%swap3A_11] {strides = array<i32>} : memref<2048xf32, #tpu.memory_space<vmem>>, vector<16xf32>,
    tpu.vector_store %arg7[%swap3A_11], %broadcast_in_dim3A_1 {strides = array<i32>} : memref<2048xf32, #tpu.memory_space<vmem>>, vector<16xf32>,
    %swap3A_13 = arith.constant 48 : index
    %swap3A_14 = tpu.vector_load %arg7[%swap3A_13] {strides = array<i32>} : memref<2048xf32, #tpu.memory_space<vmem>>, vector<16xf32>,
    tpu.vector_store %arg7[%swap3A_13], %broadcast_in_dim3A_1 {strides = array<i32>} : memref<2048xf32, #tpu.memory_space<vmem>>, vector<16xf32>,
    %swap3A_15 = arith.constant 1072 : index
    %swap3A_16 = tpu.vector_load %arg7[%swap3A_15] {strides = array<i32>} : memref<2048xf32, #tpu.memory_space<vmem>>, vector<16xf32>,
    tpu.vector_store %arg7[%swap3A_15], %broadcast_in_dim3A_1 {strides = array<i32>} : memref<2048xf32, #tpu.memory_space<vmem>>, vector<16xf32>,
    %swap3A_17 = arith.constant 64 : index
    %swap3A_18 = tpu.vector_load %arg7[%swap3A_17] {strides = array<i32>} : memref<2048xf32, #tpu.memory_space<vmem>>, vector<16xf32>,
    tpu.vector_store %arg7[%swap3A_17], %broadcast_in_dim3A_1 {strides = array<i32>} : memref<2048xf32, #tpu.memory_space<vmem>>, vector<16xf32>,
    %swap3A_19 = arith.constant 1088 : index
    %swap3A_20 = tpu.vector_load %arg7[%swap3A_19] {strides = array<i32>} : memref<2048xf32, #tpu.memory_space<vmem>>, vector<16xf32>,
    tpu.vector_store %arg7[%swap3A_19], %broadcast_in_dim3A_1 {strides = array<i32>} : memref<2048xf32, #tpu.memory_space<vmem>>, vector<16xf32>,
    %swap3A_21 = arith.constant 80 : index
    %swap3A_22 = tpu.vector_load %arg7[%swap3A_21] {strides = array<i32>} : memref<2048xf32, #tpu.memory_space<vmem>>, vector<16xf32>,
    tpu.vector_store %arg7[%swap3A_21], %broadcast_in_dim3A_1 {strides = array<i32>} : memref<2048xf32, #tpu.memory_space<vmem>>, vector<16xf32>,
    %swap3A_23 = arith.constant 1104 : index
    %swap3A_24 = tpu.vector_load %arg7[%swap3A_23] {strides = array<i32>} : memref<2048xf32, #tpu.memory_space<vmem>>, vector<16xf32>,
    tpu.vector_store %arg7[%swap3A_23], %broadcast_in_dim3A_1 {strides = array<i32>} : memref<2048xf32, #tpu.memory_space<vmem>>, vector<16xf32>,
    %swap3A_25 = arith.constant 96 : index
    %swap3A_26 = tpu.vector_load %arg7[%swap3A_25] {strides = array<i32>} : memref<2048xf32, #tpu.memory_space<vmem>>, vector<16xf32>,
    tpu.vector_store %arg7[%swap3A_25], %broadcast_in_dim3A_1 {strides = array<i32>} : memref<2048xf32, #tpu.memory_space<vmem>>, vector<16xf32>,
    %swap3A_27 = arith.constant 1120 : index
    %swap3A_28 = tpu.vector_load %arg7[%swap3A_27] {strides = array<i32>} : memref<2048xf32, #tpu.memory_space<vmem>>, vector<16xf32>,
    tpu.vector_store %arg7[%swap3A_27], %broadcast_in_dim3A_1 {strides = array<i32>} : memref<2048xf32, #tpu.memory_space<vmem>>, vector<16xf32>,
    %swap3A_29 = arith.constant 112 : index
    %swap3A_30 = tpu.vector_load %arg7[%swap3A_29] {strides = array<i32>} : memref<2048xf32, #tpu.memory_space<vmem>>, vector<16xf32>,
    tpu.vector_store %arg7[%swap3A_29], %broadcast_in_dim3A_1 {strides = array<i32>} : memref<2048xf32, #tpu.memory_space<vmem>>, vector<16xf32>,
    %swap3A_31 = arith.constant 1136 : index
    %swap3A_32 = tpu.vector_load %arg7[%swap3A_31] {strides = array<i32>} : memref<2048xf32, #tpu.memory_space<vmem>>, vector<16xf32>,
    tpu.vector_store %arg7[%swap3A_31], %broadcast_in_dim3A_1 {strides = array<i32>} : memref<2048xf32, #tpu.memory_space<vmem>>, vector<16xf32>,
    %swap3A_33 = arith.constant 128 : index
    %swap3A_34 = tpu.vector_load %arg7[%swap3A_33] {strides = array<i32>} : memref<2048xf32, #tpu.memory_space<vmem>>, vector<16xf32>,
    tpu.vector_store %arg7[%swap3A_33], %broadcast_in_dim3A_1 {strides = array<i32>} : memref<2048xf32, #tpu.memory_space<vmem>>, vector<16xf32>,
    %swap3A_35 = arith.constant 1152 : index
    %swap3A_36 = tpu.vector_load %arg7[%swap3A_35] {strides = array<i32>} : memref<2048xf32, #tpu.memory_space<vmem>>, vector<16xf32>,
    tpu.vector_store %arg7[%swap3A_35], %broadcast_in_dim3A_1 {strides = array<i32>} : memref<2048xf32, #tpu.memory_space<vmem>>, vector<16xf32>,
    %swap3A_37 = arith.constant 144 : index
    %swap3A_38 = tpu.vector_load %arg7[%swap3A_37] {strides = array<i32>} : memref<2048xf32, #tpu.memory_space<vmem>>, vector<16xf32>,
    tpu.vector_store %arg7[%swap3A_37], %broadcast_in_dim3A_1 {strides = array<i32>} : memref<2048xf32, #tpu.memory_space<vmem>>, vector<16xf32>,
    %swap3A_39 = arith.constant 1168 : index
    %swap3A_40 = tpu.vector_load %arg7[%swap3A_39] {strides = array<i32>} : memref<2048xf32, #tpu.memory_space<vmem>>, vector<16xf32>,
    tpu.vector_store %arg7[%swap3A_39], %broadcast_in_dim3A_1 {strides = array<i32>} : memref<2048xf32, #tpu.memory_space<vmem>>, vector<16xf32>,
    %swap3A_41 = arith.constant 160 : index
    %swap3A_42 = tpu.vector_load %arg7[%swap3A_41] {strides = array<i32>} : memref<2048xf32, #tpu.memory_space<vmem>>, vector<16xf32>,
    tpu.vector_store %arg7[%swap3A_41], %broadcast_in_dim3A_1 {strides = array<i32>} : memref<2048xf32, #tpu.memory_space<vmem>>, vector<16xf32>,
    %swap3A_43 = arith.constant 1184 : index
    %swap3A_44 = tpu.vector_load %arg7[%swap3A_43] {strides = array<i32>} : memref<2048xf32, #tpu.memory_space<vmem>>, vector<16xf32>,
    tpu.vector_store %arg7[%swap3A_43], %broadcast_in_dim3A_1 {strides = array<i32>} : memref<2048xf32, #tpu.memory_space<vmem>>, vector<16xf32>,
    %swap3A_45 = arith.constant 176 : index
    %swap3A_46 = tpu.vector_load %arg7[%swap3A_45] {strides = array<i32>} : memref<2048xf32, #tpu.memory_space<vmem>>, vector<16xf32>,
    tpu.vector_store %arg7[%swap3A_45], %broadcast_in_dim3A_1 {strides = array<i32>} : memref<2048xf32, #tpu.memory_space<vmem>>, vector<16xf32>,
    %swap3A_47 = arith.constant 1200 : index
    %swap3A_48 = tpu.vector_load %arg7[%swap3A_47] {strides = array<i32>} : memref<2048xf32, #tpu.memory_space<vmem>>, vector<16xf32>,
    tpu.vector_store %arg7[%swap3A_47], %broadcast_in_dim3A_1 {strides = array<i32>} : memref<2048xf32, #tpu.memory_space<vmem>>, vector<16xf32>,
    %swap3A_49 = arith.constant 192 : index
    %swap3A_50 = tpu.vector_load %arg7[%swap3A_49] {strides = array<i32>} : memref<2048xf32, #tpu.memory_space<vmem>>, vector<16xf32>,
    tpu.vector_store %arg7[%swap3A_49], %broadcast_in_dim3A_1 {strides = array<i32>} : memref<2048xf32, #tpu.memory_space<vmem>>, vector<16xf32>,
    %swap3A_51 = arith.constant 1216 : index
    %swap3A_52 = tpu.vector_load %arg7[%swap3A_51] {strides = array<i32>} : memref<2048xf32, #tpu.memory_space<vmem>>, vector<16xf32>,
    tpu.vector_store %arg7[%swap3A_51], %broadcast_in_dim3A_1 {strides = array<i32>} : memref<2048xf32, #tpu.memory_space<vmem>>, vector<16xf32>,
    %swap3A_53 = arith.constant 208 : index
    %swap3A_54 = tpu.vector_load %arg7[%swap3A_53] {strides = array<i32>} : memref<2048xf32, #tpu.memory_space<vmem>>, vector<16xf32>,
    tpu.vector_store %arg7[%swap3A_53], %broadcast_in_dim3A_1 {strides = array<i32>} : memref<2048xf32, #tpu.memory_space<vmem>>, vector<16xf32>,
    %swap3A_55 = arith.constant 1232 : index
    %swap3A_56 = tpu.vector_load %arg7[%swap3A_55] {strides = array<i32>} : memref<2048xf32, #tpu.memory_space<vmem>>, vector<16xf32>,
    tpu.vector_store %arg7[%swap3A_55], %broadcast_in_dim3A_1 {strides = array<i32>} : memref<2048xf32, #tpu.memory_space<vmem>>, vector<16xf32>,
    %swap3A_57 = arith.constant 224 : index
    %swap3A_58 = tpu.vector_load %arg7[%swap3A_57] {strides = array<i32>} : memref<2048xf32, #tpu.memory_space<vmem>>, vector<16xf32>,
    tpu.vector_store %arg7[%swap3A_57], %broadcast_in_dim3A_1 {strides = array<i32>} : memref<2048xf32, #tpu.memory_space<vmem>>, vector<16xf32>,
    %swap3A_59 = arith.constant 1248 : index
    %swap3A_60 = tpu.vector_load %arg7[%swap3A_59] {strides = array<i32>} : memref<2048xf32, #tpu.memory_space<vmem>>, vector<16xf32>,
    tpu.vector_store %arg7[%swap3A_59], %broadcast_in_dim3A_1 {strides = array<i32>} : memref<2048xf32, #tpu.memory_space<vmem>>, vector<16xf32>,
    %swap3A_61 = arith.constant 240 : index
    %swap3A_62 = tpu.vector_load %arg7[%swap3A_61] {strides = array<i32>} : memref<2048xf32, #tpu.memory_space<vmem>>, vector<16xf32>,
    tpu.vector_store %arg7[%swap3A_61], %broadcast_in_dim3A_1 {strides = array<i32>} : memref<2048xf32, #tpu.memory_space<vmem>>, vector<16xf32>,
    %swap3A_63 = arith.constant 1264 : index
    %swap3A_64 = tpu.vector_load %arg7[%swap3A_63] {strides = array<i32>} : memref<2048xf32, #tpu.memory_space<vmem>>, vector<16xf32>,
    tpu.vector_store %arg7[%swap3A_63], %broadcast_in_dim3A_1 {strides = array<i32>} : memref<2048xf32, #tpu.memory_space<vmem>>, vector<16xf32>,
    %swap3A_65 = arith.constant 256 : index
    %swap3A_66 = tpu.vector_load %arg7[%swap3A_65] {strides = array<i32>} : memref<2048xf32, #tpu.memory_space<vmem>>, vector<16xf32>,
    tpu.vector_store %arg7[%swap3A_65], %broadcast_in_dim3A_1 {strides = array<i32>} : memref<2048xf32, #tpu.memory_space<vmem>>, vector<16xf32>,
    %swap3A_67 = arith.constant 1280 : index
    %swap3A_68 = tpu.vector_load %arg7[%swap3A_67] {strides = array<i32>} : memref<2048xf32, #tpu.memory_space<vmem>>, vector<16xf32>,
    tpu.vector_store %arg7[%swap3A_67], %broadcast_in_dim3A_1 {strides = array<i32>} : memref<2048xf32, #tpu.memory_space<vmem>>, vector<16xf32>,
    %swap3A_69 = arith.constant 272 : index
    %swap3A_70 = tpu.vector_load %arg7[%swap3A_69] {strides = array<i32>} : memref<2048xf32, #tpu.memory_space<vmem>>, vector<16xf32>,
    tpu.vector_store %arg7[%swap3A_69], %broadcast_in_dim3A_1 {strides = array<i32>} : memref<2048xf32, #tpu.memory_space<vmem>>, vector<16xf32>,
    %swap3A_71 = arith.constant 1296 : index
    %swap3A_72 = tpu.vector_load %arg7[%swap3A_71] {strides = array<i32>} : memref<2048xf32, #tpu.memory_space<vmem>>, vector<16xf32>,
    tpu.vector_store %arg7[%swap3A_71], %broadcast_in_dim3A_1 {strides = array<i32>} : memref<2048xf32, #tpu.memory_space<vmem>>, vector<16xf32>,
    %swap3A_73 = arith.constant 288 : index
    %swap3A_74 = tpu.vector_load %arg7[%swap3A_73] {strides = array<i32>} : memref<2048xf32, #tpu.memory_space<vmem>>, vector<16xf32>,
    tpu.vector_store %arg7[%swap3A_73], %broadcast_in_dim3A_1 {strides = array<i32>} : memref<2048xf32, #tpu.memory_space<vmem>>, vector<16xf32>,
    %swap3A_75 = arith.constant 1312 : index
    %swap3A_76 = tpu.vector_load %arg7[%swap3A_75] {strides = array<i32>} : memref<2048xf32, #tpu.memory_space<vmem>>, vector<16xf32>,
    tpu.vector_store %arg7[%swap3A_75], %broadcast_in_dim3A_1 {strides = array<i32>} : memref<2048xf32, #tpu.memory_space<vmem>>, vector<16xf32>,
    %swap3A_77 = arith.constant 304 : index
    %swap3A_78 = tpu.vector_load %arg7[%swap3A_77] {strides = array<i32>} : memref<2048xf32, #tpu.memory_space<vmem>>, vector<16xf32>,
    tpu.vector_store %arg7[%swap3A_77], %broadcast_in_dim3A_1 {strides = array<i32>} : memref<2048xf32, #tpu.memory_space<vmem>>, vector<16xf32>,
    %swap3A_79 = arith.constant 1328 : index
    %swap3A_80 = tpu.vector_load %arg7[%swap3A_79] {strides = array<i32>} : memref<2048xf32, #tpu.memory_space<vmem>>, vector<16xf32>,
    tpu.vector_store %arg7[%swap3A_79], %broadcast_in_dim3A_1 {strides = array<i32>} : memref<2048xf32, #tpu.memory_space<vmem>>, vector<16xf32>,
    %swap3A_81 = arith.constant 320 : index
    %swap3A_82 = tpu.vector_load %arg7[%swap3A_81] {strides = array<i32>} : memref<2048xf32, #tpu.memory_space<vmem>>, vector<16xf32>,
    tpu.vector_store %arg7[%swap3A_81], %broadcast_in_dim3A_1 {strides = array<i32>} : memref<2048xf32, #tpu.memory_space<vmem>>, vector<16xf32>,
    %swap3A_83 = arith.constant 1344 : index
    %swap3A_84 = tpu.vector_load %arg7[%swap3A_83] {strides = array<i32>} : memref<2048xf32, #tpu.memory_space<vmem>>, vector<16xf32>,
    tpu.vector_store %arg7[%swap3A_83], %broadcast_in_dim3A_1 {strides = array<i32>} : memref<2048xf32, #tpu.memory_space<vmem>>, vector<16xf32>,
    %swap3A_85 = arith.constant 336 : index
    %swap3A_86 = tpu.vector_load %arg7[%swap3A_85] {strides = array<i32>} : memref<2048xf32, #tpu.memory_space<vmem>>, vector<16xf32>,
    tpu.vector_store %arg7[%swap3A_85], %broadcast_in_dim3A_1 {strides = array<i32>} : memref<2048xf32, #tpu.memory_space<vmem>>, vector<16xf32>,
    %swap3A_87 = arith.constant 1360 : index
    %swap3A_88 = tpu.vector_load %arg7[%swap3A_87] {strides = array<i32>} : memref<2048xf32, #tpu.memory_space<vmem>>, vector<16xf32>,
    tpu.vector_store %arg7[%swap3A_87], %broadcast_in_dim3A_1 {strides = array<i32>} : memref<2048xf32, #tpu.memory_space<vmem>>, vector<16xf32>,
    %swap3A_89 = arith.constant 352 : index
    %swap3A_90 = tpu.vector_load %arg7[%swap3A_89] {strides = array<i32>} : memref<2048xf32, #tpu.memory_space<vmem>>, vector<16xf32>,
    tpu.vector_store %arg7[%swap3A_89], %broadcast_in_dim3A_1 {strides = array<i32>} : memref<2048xf32, #tpu.memory_space<vmem>>, vector<16xf32>,
    %swap3A_91 = arith.constant 1376 : index
    %swap3A_92 = tpu.vector_load %arg7[%swap3A_91] {strides = array<i32>} : memref<2048xf32, #tpu.memory_space<vmem>>, vector<16xf32>,
    tpu.vector_store %arg7[%swap3A_91], %broadcast_in_dim3A_1 {strides = array<i32>} : memref<2048xf32, #tpu.memory_space<vmem>>, vector<16xf32>,
    %swap3A_93 = arith.constant 368 : index
    %swap3A_94 = tpu.vector_load %arg7[%swap3A_93] {strides = array<i32>} : memref<2048xf32, #tpu.memory_space<vmem>>, vector<16xf32>,
    tpu.vector_store %arg7[%swap3A_93], %broadcast_in_dim3A_1 {strides = array<i32>} : memref<2048xf32, #tpu.memory_space<vmem>>, vector<16xf32>,
    %swap3A_95 = arith.constant 1392 : index
    %swap3A_96 = tpu.vector_load %arg7[%swap3A_95] {strides = array<i32>} : memref<2048xf32, #tpu.memory_space<vmem>>, vector<16xf32>,
    tpu.vector_store %arg7[%swap3A_95], %broadcast_in_dim3A_1 {strides = array<i32>} : memref<2048xf32, #tpu.memory_space<vmem>>, vector<16xf32>,
    %swap3A_97 = arith.constant 384 : index
    %swap3A_98 = tpu.vector_load %arg7[%swap3A_97] {strides = array<i32>} : memref<2048xf32, #tpu.memory_space<vmem>>, vector<16xf32>,
    tpu.vector_store %arg7[%swap3A_97], %broadcast_in_dim3A_1 {strides = array<i32>} : memref<2048xf32, #tpu.memory_space<vmem>>, vector<16xf32>,
    %swap3A_99 = arith.constant 1408 : index
    %swap3A_100 = tpu.vector_load %arg7[%swap3A_99] {strides = array<i32>} : memref<2048xf32, #tpu.memory_space<vmem>>, vector<16xf32>,
    tpu.vector_store %arg7[%swap3A_99], %broadcast_in_dim3A_1 {strides = array<i32>} : memref<2048xf32, #tpu.memory_space<vmem>>, vector<16xf32>,
    %swap3A_101 = arith.constant 400 : index
    %swap3A_102 = tpu.vector_load %arg7[%swap3A_101] {strides = array<i32>} : memref<2048xf32, #tpu.memory_space<vmem>>, vector<16xf32>,
    tpu.vector_store %arg7[%swap3A_101], %broadcast_in_dim3A_1 {strides = array<i32>} : memref<2048xf32, #tpu.memory_space<vmem>>, vector<16xf32>,
    %swap3A_103 = arith.constant 1424 : index
    %swap3A_104 = tpu.vector_load %arg7[%swap3A_103] {strides = array<i32>} : memref<2048xf32, #tpu.memory_space<vmem>>, vector<16xf32>,
    tpu.vector_store %arg7[%swap3A_103], %broadcast_in_dim3A_1 {strides = array<i32>} : memref<2048xf32, #tpu.memory_space<vmem>>, vector<16xf32>,
    %swap3A_105 = arith.constant 416 : index
    %swap3A_106 = tpu.vector_load %arg7[%swap3A_105] {strides = array<i32>} : memref<2048xf32, #tpu.memory_space<vmem>>, vector<16xf32>,
    tpu.vector_store %arg7[%swap3A_105], %broadcast_in_dim3A_1 {strides = array<i32>} : memref<2048xf32, #tpu.memory_space<vmem>>, vector<16xf32>,
    %swap3A_107 = arith.constant 1440 : index
    %swap3A_108 = tpu.vector_load %arg7[%swap3A_107] {strides = array<i32>} : memref<2048xf32, #tpu.memory_space<vmem>>, vector<16xf32>,
    tpu.vector_store %arg7[%swap3A_107], %broadcast_in_dim3A_1 {strides = array<i32>} : memref<2048xf32, #tpu.memory_space<vmem>>, vector<16xf32>,
    %swap3A_109 = arith.constant 432 : index
    %swap3A_110 = tpu.vector_load %arg7[%swap3A_109] {strides = array<i32>} : memref<2048xf32, #tpu.memory_space<vmem>>, vector<16xf32>,
    tpu.vector_store %arg7[%swap3A_109], %broadcast_in_dim3A_1 {strides = array<i32>} : memref<2048xf32, #tpu.memory_space<vmem>>, vector<16xf32>,
    %swap3A_111 = arith.constant 1456 : index
    %swap3A_112 = tpu.vector_load %arg7[%swap3A_111] {strides = array<i32>} : memref<2048xf32, #tpu.memory_space<vmem>>, vector<16xf32>,
    tpu.vector_store %arg7[%swap3A_111], %broadcast_in_dim3A_1 {strides = array<i32>} : memref<2048xf32, #tpu.memory_space<vmem>>, vector<16xf32>,
    %swap3A_113 = arith.constant 448 : index
    %swap3A_114 = tpu.vector_load %arg7[%swap3A_113] {strides = array<i32>} : memref<2048xf32, #tpu.memory_space<vmem>>, vector<16xf32>,
    tpu.vector_store %arg7[%swap3A_113], %broadcast_in_dim3A_1 {strides = array<i32>} : memref<2048xf32, #tpu.memory_space<vmem>>, vector<16xf32>,
    %swap3A_115 = arith.constant 1472 : index
    %swap3A_116 = tpu.vector_load %arg7[%swap3A_115] {strides = array<i32>} : memref<2048xf32, #tpu.memory_space<vmem>>, vector<16xf32>,
    tpu.vector_store %arg7[%swap3A_115], %broadcast_in_dim3A_1 {strides = array<i32>} : memref<2048xf32, #tpu.memory_space<vmem>>, vector<16xf32>,
    %swap3A_117 = arith.constant 464 : index
    %swap3A_118 = tpu.vector_load %arg7[%swap3A_117] {strides = array<i32>} : memref<2048xf32, #tpu.memory_space<vmem>>, vector<16xf32>,
    tpu.vector_store %arg7[%swap3A_117], %broadcast_in_dim3A_1 {strides = array<i32>} : memref<2048xf32, #tpu.memory_space<vmem>>, vector<16xf32>,
    %swap3A_119 = arith.constant 1488 : index
    %swap3A_120 = tpu.vector_load %arg7[%swap3A_119] {strides = array<i32>} : memref<2048xf32, #tpu.memory_space<vmem>>, vector<16xf32>,
    tpu.vector_store %arg7[%swap3A_119], %broadcast_in_dim3A_1 {strides = array<i32>} : memref<2048xf32, #tpu.memory_space<vmem>>, vector<16xf32>,
    %swap3A_121 = arith.constant 480 : index
    %swap3A_122 = tpu.vector_load %arg7[%swap3A_121] {strides = array<i32>} : memref<2048xf32, #tpu.memory_space<vmem>>, vector<16xf32>,
    tpu.vector_store %arg7[%swap3A_121], %broadcast_in_dim3A_1 {strides = array<i32>} : memref<2048xf32, #tpu.memory_space<vmem>>, vector<16xf32>,
    %swap3A_123 = arith.constant 1504 : index
    %swap3A_124 = tpu.vector_load %arg7[%swap3A_123] {strides = array<i32>} : memref<2048xf32, #tpu.memory_space<vmem>>, vector<16xf32>,
    tpu.vector_store %arg7[%swap3A_123], %broadcast_in_dim3A_1 {strides = array<i32>} : memref<2048xf32, #tpu.memory_space<vmem>>, vector<16xf32>,
    %swap3A_125 = arith.constant 496 : index
    %swap3A_126 = tpu.vector_load %arg7[%swap3A_125] {strides = array<i32>} : memref<2048xf32, #tpu.memory_space<vmem>>, vector<16xf32>,
    tpu.vector_store %arg7[%swap3A_125], %broadcast_in_dim3A_1 {strides = array<i32>} : memref<2048xf32, #tpu.memory_space<vmem>>, vector<16xf32>,
    %swap3A_127 = arith.constant 1520 : index
    %swap3A_128 = tpu.vector_load %arg7[%swap3A_127] {strides = array<i32>} : memref<2048xf32, #tpu.memory_space<vmem>>, vector<16xf32>,
    tpu.vector_store %arg7[%swap3A_127], %broadcast_in_dim3A_1 {strides = array<i32>} : memref<2048xf32, #tpu.memory_space<vmem>>, vector<16xf32>,
    %swap3A_129 = arith.constant 512 : index
    %swap3A_130 = tpu.vector_load %arg7[%swap3A_129] {strides = array<i32>} : memref<2048xf32, #tpu.memory_space<vmem>>, vector<16xf32>,
    tpu.vector_store %arg7[%swap3A_129], %broadcast_in_dim3A_1 {strides = array<i32>} : memref<2048xf32, #tpu.memory_space<vmem>>, vector<16xf32>,
    %swap3A_131 = arith.constant 1536 : index
    %swap3A_132 = tpu.vector_load %arg7[%swap3A_131] {strides = array<i32>} : memref<2048xf32, #tpu.memory_space<vmem>>, vector<16xf32>,
    tpu.vector_store %arg7[%swap3A_131], %broadcast_in_dim3A_1 {strides = array<i32>} : memref<2048xf32, #tpu.memory_space<vmem>>, vector<16xf32>,
    %swap3A_133 = arith.constant 528 : index
    %swap3A_134 = tpu.vector_load %arg7[%swap3A_133] {strides = array<i32>} : memref<2048xf32, #tpu.memory_space<vmem>>, vector<16xf32>,
    tpu.vector_store %arg7[%swap3A_133], %broadcast_in_dim3A_1 {strides = array<i32>} : memref<2048xf32, #tpu.memory_space<vmem>>, vector<16xf32>,
    %swap3A_135 = arith.constant 1552 : index
    %swap3A_136 = tpu.vector_load %arg7[%swap3A_135] {strides = array<i32>} : memref<2048xf32, #tpu.memory_space<vmem>>, vector<16xf32>,
    tpu.vector_store %arg7[%swap3A_135], %broadcast_in_dim3A_1 {strides = array<i32>} : memref<2048xf32, #tpu.memory_space<vmem>>, vector<16xf32>,
    %swap3A_137 = arith.constant 544 : index
    %swap3A_138 = tpu.vector_load %arg7[%swap3A_137] {strides = array<i32>} : memref<2048xf32, #tpu.memory_space<vmem>>, vector<16xf32>,
    tpu.vector_store %arg7[%swap3A_137], %broadcast_in_dim3A_1 {strides = array<i32>} : memref<2048xf32, #tpu.memory_space<vmem>>, vector<16xf32>,
    %swap3A_139 = arith.constant 1568 : index
    %swap3A_140 = tpu.vector_load %arg7[%swap3A_139] {strides = array<i32>} : memref<2048xf32, #tpu.memory_space<vmem>>, vector<16xf32>,
    tpu.vector_store %arg7[%swap3A_139], %broadcast_in_dim3A_1 {strides = array<i32>} : memref<2048xf32, #tpu.memory_space<vmem>>, vector<16xf32>,
    %swap3A_141 = arith.constant 560 : index
    %swap3A_142 = tpu.vector_load %arg7[%swap3A_141] {strides = array<i32>} : memref<2048xf32, #tpu.memory_space<vmem>>, vector<16xf32>,
    tpu.vector_store %arg7[%swap3A_141], %broadcast_in_dim3A_1 {strides = array<i32>} : memref<2048xf32, #tpu.memory_space<vmem>>, vector<16xf32>,
    %swap3A_143 = arith.constant 1584 : index
    %swap3A_144 = tpu.vector_load %arg7[%swap3A_143] {strides = array<i32>} : memref<2048xf32, #tpu.memory_space<vmem>>, vector<16xf32>,
    tpu.vector_store %arg7[%swap3A_143], %broadcast_in_dim3A_1 {strides = array<i32>} : memref<2048xf32, #tpu.memory_space<vmem>>, vector<16xf32>,
    %swap3A_145 = arith.constant 576 : index
    %swap3A_146 = tpu.vector_load %arg7[%swap3A_145] {strides = array<i32>} : memref<2048xf32, #tpu.memory_space<vmem>>, vector<16xf32>,
    tpu.vector_store %arg7[%swap3A_145], %broadcast_in_dim3A_1 {strides = array<i32>} : memref<2048xf32, #tpu.memory_space<vmem>>, vector<16xf32>,
    %swap3A_147 = arith.constant 1600 : index
    %swap3A_148 = tpu.vector_load %arg7[%swap3A_147] {strides = array<i32>} : memref<2048xf32, #tpu.memory_space<vmem>>, vector<16xf32>,
    tpu.vector_store %arg7[%swap3A_147], %broadcast_in_dim3A_1 {strides = array<i32>} : memref<2048xf32, #tpu.memory_space<vmem>>, vector<16xf32>,
    %swap3A_149 = arith.constant 592 : index
    %swap3A_150 = tpu.vector_load %arg7[%swap3A_149] {strides = array<i32>} : memref<2048xf32, #tpu.memory_space<vmem>>, vector<16xf32>,
    tpu.vector_store %arg7[%swap3A_149], %broadcast_in_dim3A_1 {strides = array<i32>} : memref<2048xf32, #tpu.memory_space<vmem>>, vector<16xf32>,
    %swap3A_151 = arith.constant 1616 : index
    %swap3A_152 = tpu.vector_load %arg7[%swap3A_151] {strides = array<i32>} : memref<2048xf32, #tpu.memory_space<vmem>>, vector<16xf32>,
    tpu.vector_store %arg7[%swap3A_151], %broadcast_in_dim3A_1 {strides = array<i32>} : memref<2048xf32, #tpu.memory_space<vmem>>, vector<16xf32>,
    %swap3A_153 = arith.constant 608 : index
    %swap3A_154 = tpu.vector_load %arg7[%swap3A_153] {strides = array<i32>} : memref<2048xf32, #tpu.memory_space<vmem>>, vector<16xf32>,
    tpu.vector_store %arg7[%swap3A_153], %broadcast_in_dim3A_1 {strides = array<i32>} : memref<2048xf32, #tpu.memory_space<vmem>>, vector<16xf32>,
    %swap3A_155 = arith.constant 1632 : index
    %swap3A_156 = tpu.vector_load %arg7[%swap3A_155] {strides = array<i32>} : memref<2048xf32, #tpu.memory_space<vmem>>, vector<16xf32>,
    tpu.vector_store %arg7[%swap3A_155], %broadcast_in_dim3A_1 {strides = array<i32>} : memref<2048xf32, #tpu.memory_space<vmem>>, vector<16xf32>,
    %swap3A_157 = arith.constant 624 : index
    %swap3A_158 = tpu.vector_load %arg7[%swap3A_157] {strides = array<i32>} : memref<2048xf32, #tpu.memory_space<vmem>>, vector<16xf32>,
    tpu.vector_store %arg7[%swap3A_157], %broadcast_in_dim3A_1 {strides = array<i32>} : memref<2048xf32, #tpu.memory_space<vmem>>, vector<16xf32>,
    %swap3A_159 = arith.constant 1648 : index
    %swap3A_160 = tpu.vector_load %arg7[%swap3A_159] {strides = array<i32>} : memref<2048xf32, #tpu.memory_space<vmem>>, vector<16xf32>,
    tpu.vector_store %arg7[%swap3A_159], %broadcast_in_dim3A_1 {strides = array<i32>} : memref<2048xf32, #tpu.memory_space<vmem>>, vector<16xf32>,
    %swap3A_161 = arith.constant 640 : index
    %swap3A_162 = tpu.vector_load %arg7[%swap3A_161] {strides = array<i32>} : memref<2048xf32, #tpu.memory_space<vmem>>, vector<16xf32>,
    tpu.vector_store %arg7[%swap3A_161], %broadcast_in_dim3A_1 {strides = array<i32>} : memref<2048xf32, #tpu.memory_space<vmem>>, vector<16xf32>,
    %swap3A_163 = arith.constant 1664 : index
    %swap3A_164 = tpu.vector_load %arg7[%swap3A_163] {strides = array<i32>} : memref<2048xf32, #tpu.memory_space<vmem>>, vector<16xf32>,
    tpu.vector_store %arg7[%swap3A_163], %broadcast_in_dim3A_1 {strides = array<i32>} : memref<2048xf32, #tpu.memory_space<vmem>>, vector<16xf32>,
    %swap3A_165 = arith.constant 656 : index
    %swap3A_166 = tpu.vector_load %arg7[%swap3A_165] {strides = array<i32>} : memref<2048xf32, #tpu.memory_space<vmem>>, vector<16xf32>,
    tpu.vector_store %arg7[%swap3A_165], %broadcast_in_dim3A_1 {strides = array<i32>} : memref<2048xf32, #tpu.memory_space<vmem>>, vector<16xf32>,
    %swap3A_167 = arith.constant 1680 : index
    %swap3A_168 = tpu.vector_load %arg7[%swap3A_167] {strides = array<i32>} : memref<2048xf32, #tpu.memory_space<vmem>>, vector<16xf32>,
    tpu.vector_store %arg7[%swap3A_167], %broadcast_in_dim3A_1 {strides = array<i32>} : memref<2048xf32, #tpu.memory_space<vmem>>, vector<16xf32>,
    %swap3A_169 = arith.constant 672 : index
    %swap3A_170 = tpu.vector_load %arg7[%swap3A_169] {strides = array<i32>} : memref<2048xf32, #tpu.memory_space<vmem>>, vector<16xf32>,
    tpu.vector_store %arg7[%swap3A_169], %broadcast_in_dim3A_1 {strides = array<i32>} : memref<2048xf32, #tpu.memory_space<vmem>>, vector<16xf32>,
    %swap3A_171 = arith.constant 1696 : index
    %swap3A_172 = tpu.vector_load %arg7[%swap3A_171] {strides = array<i32>} : memref<2048xf32, #tpu.memory_space<vmem>>, vector<16xf32>,
    tpu.vector_store %arg7[%swap3A_171], %broadcast_in_dim3A_1 {strides = array<i32>} : memref<2048xf32, #tpu.memory_space<vmem>>, vector<16xf32>,
    %swap3A_173 = arith.constant 688 : index
    %swap3A_174 = tpu.vector_load %arg7[%swap3A_173] {strides = array<i32>} : memref<2048xf32, #tpu.memory_space<vmem>>, vector<16xf32>,
    tpu.vector_store %arg7[%swap3A_173], %broadcast_in_dim3A_1 {strides = array<i32>} : memref<2048xf32, #tpu.memory_space<vmem>>, vector<16xf32>,
    %swap3A_175 = arith.constant 1712 : index
    %swap3A_176 = tpu.vector_load %arg7[%swap3A_175] {strides = array<i32>} : memref<2048xf32, #tpu.memory_space<vmem>>, vector<16xf32>,
    tpu.vector_store %arg7[%swap3A_175], %broadcast_in_dim3A_1 {strides = array<i32>} : memref<2048xf32, #tpu.memory_space<vmem>>, vector<16xf32>,
    %swap3A_177 = arith.constant 704 : index
    %swap3A_178 = tpu.vector_load %arg7[%swap3A_177] {strides = array<i32>} : memref<2048xf32, #tpu.memory_space<vmem>>, vector<16xf32>,
    tpu.vector_store %arg7[%swap3A_177], %broadcast_in_dim3A_1 {strides = array<i32>} : memref<2048xf32, #tpu.memory_space<vmem>>, vector<16xf32>,
    %swap3A_179 = arith.constant 1728 : index
    %swap3A_180 = tpu.vector_load %arg7[%swap3A_179] {strides = array<i32>} : memref<2048xf32, #tpu.memory_space<vmem>>, vector<16xf32>,
    tpu.vector_store %arg7[%swap3A_179], %broadcast_in_dim3A_1 {strides = array<i32>} : memref<2048xf32, #tpu.memory_space<vmem>>, vector<16xf32>,
    %swap3A_181 = arith.constant 720 : index
    %swap3A_182 = tpu.vector_load %arg7[%swap3A_181] {strides = array<i32>} : memref<2048xf32, #tpu.memory_space<vmem>>, vector<16xf32>,
    tpu.vector_store %arg7[%swap3A_181], %broadcast_in_dim3A_1 {strides = array<i32>} : memref<2048xf32, #tpu.memory_space<vmem>>, vector<16xf32>,
    %swap3A_183 = arith.constant 1744 : index
    %swap3A_184 = tpu.vector_load %arg7[%swap3A_183] {strides = array<i32>} : memref<2048xf32, #tpu.memory_space<vmem>>, vector<16xf32>,
    tpu.vector_store %arg7[%swap3A_183], %broadcast_in_dim3A_1 {strides = array<i32>} : memref<2048xf32, #tpu.memory_space<vmem>>, vector<16xf32>,
    %swap3A_185 = arith.constant 736 : index
    %swap3A_186 = tpu.vector_load %arg7[%swap3A_185] {strides = array<i32>} : memref<2048xf32, #tpu.memory_space<vmem>>, vector<16xf32>,
    tpu.vector_store %arg7[%swap3A_185], %broadcast_in_dim3A_1 {strides = array<i32>} : memref<2048xf32, #tpu.memory_space<vmem>>, vector<16xf32>,
    %swap3A_187 = arith.constant 1760 : index
    %swap3A_188 = tpu.vector_load %arg7[%swap3A_187] {strides = array<i32>} : memref<2048xf32, #tpu.memory_space<vmem>>, vector<16xf32>,
    tpu.vector_store %arg7[%swap3A_187], %broadcast_in_dim3A_1 {strides = array<i32>} : memref<2048xf32, #tpu.memory_space<vmem>>, vector<16xf32>,
    %swap3A_189 = arith.constant 752 : index
    %swap3A_190 = tpu.vector_load %arg7[%swap3A_189] {strides = array<i32>} : memref<2048xf32, #tpu.memory_space<vmem>>, vector<16xf32>,
    tpu.vector_store %arg7[%swap3A_189], %broadcast_in_dim3A_1 {strides = array<i32>} : memref<2048xf32, #tpu.memory_space<vmem>>, vector<16xf32>,
    %swap3A_191 = arith.constant 1776 : index
    %swap3A_192 = tpu.vector_load %arg7[%swap3A_191] {strides = array<i32>} : memref<2048xf32, #tpu.memory_space<vmem>>, vector<16xf32>,
    tpu.vector_store %arg7[%swap3A_191], %broadcast_in_dim3A_1 {strides = array<i32>} : memref<2048xf32, #tpu.memory_space<vmem>>, vector<16xf32>,
    %swap3A_193 = arith.constant 768 : index
    %swap3A_194 = tpu.vector_load %arg7[%swap3A_193] {strides = array<i32>} : memref<2048xf32, #tpu.memory_space<vmem>>, vector<16xf32>,
    tpu.vector_store %arg7[%swap3A_193], %broadcast_in_dim3A_1 {strides = array<i32>} : memref<2048xf32, #tpu.memory_space<vmem>>, vector<16xf32>,
    %swap3A_195 = arith.constant 1792 : index
    %swap3A_196 = tpu.vector_load %arg7[%swap3A_195] {strides = array<i32>} : memref<2048xf32, #tpu.memory_space<vmem>>, vector<16xf32>,
    tpu.vector_store %arg7[%swap3A_195], %broadcast_in_dim3A_1 {strides = array<i32>} : memref<2048xf32, #tpu.memory_space<vmem>>, vector<16xf32>,
    %swap3A_197 = arith.constant 784 : index
    %swap3A_198 = tpu.vector_load %arg7[%swap3A_197] {strides = array<i32>} : memref<2048xf32, #tpu.memory_space<vmem>>, vector<16xf32>,
    tpu.vector_store %arg7[%swap3A_197], %broadcast_in_dim3A_1 {strides = array<i32>} : memref<2048xf32, #tpu.memory_space<vmem>>, vector<16xf32>,
    %swap3A_199 = arith.constant 1808 : index
    %swap3A_200 = tpu.vector_load %arg7[%swap3A_199] {strides = array<i32>} : memref<2048xf32, #tpu.memory_space<vmem>>, vector<16xf32>,
    tpu.vector_store %arg7[%swap3A_199], %broadcast_in_dim3A_1 {strides = array<i32>} : memref<2048xf32, #tpu.memory_space<vmem>>, vector<16xf32>,
    %swap3A_201 = arith.constant 800 : index
    %swap3A_202 = tpu.vector_load %arg7[%swap3A_201] {strides = array<i32>} : memref<2048xf32, #tpu.memory_space<vmem>>, vector<16xf32>,
    tpu.vector_store %arg7[%swap3A_201], %broadcast_in_dim3A_1 {strides = array<i32>} : memref<2048xf32, #tpu.memory_space<vmem>>, vector<16xf32>,
    %swap3A_203 = arith.constant 1824 : index
    %swap3A_204 = tpu.vector_load %arg7[%swap3A_203] {strides = array<i32>} : memref<2048xf32, #tpu.memory_space<vmem>>, vector<16xf32>,
    tpu.vector_store %arg7[%swap3A_203], %broadcast_in_dim3A_1 {strides = array<i32>} : memref<2048xf32, #tpu.memory_space<vmem>>, vector<16xf32>,
    %swap3A_205 = arith.constant 816 : index
    %swap3A_206 = tpu.vector_load %arg7[%swap3A_205] {strides = array<i32>} : memref<2048xf32, #tpu.memory_space<vmem>>, vector<16xf32>,
    tpu.vector_store %arg7[%swap3A_205], %broadcast_in_dim3A_1 {strides = array<i32>} : memref<2048xf32, #tpu.memory_space<vmem>>, vector<16xf32>,
    %swap3A_207 = arith.constant 1840 : index
    %swap3A_208 = tpu.vector_load %arg7[%swap3A_207] {strides = array<i32>} : memref<2048xf32, #tpu.memory_space<vmem>>, vector<16xf32>,
    tpu.vector_store %arg7[%swap3A_207], %broadcast_in_dim3A_1 {strides = array<i32>} : memref<2048xf32, #tpu.memory_space<vmem>>, vector<16xf32>,
    %swap3A_209 = arith.constant 832 : index
    %swap3A_210 = tpu.vector_load %arg7[%swap3A_209] {strides = array<i32>} : memref<2048xf32, #tpu.memory_space<vmem>>, vector<16xf32>,
    tpu.vector_store %arg7[%swap3A_209], %broadcast_in_dim3A_1 {strides = array<i32>} : memref<2048xf32, #tpu.memory_space<vmem>>, vector<16xf32>,
    %swap3A_211 = arith.constant 1856 : index
    %swap3A_212 = tpu.vector_load %arg7[%swap3A_211] {strides = array<i32>} : memref<2048xf32, #tpu.memory_space<vmem>>, vector<16xf32>,
    tpu.vector_store %arg7[%swap3A_211], %broadcast_in_dim3A_1 {strides = array<i32>} : memref<2048xf32, #tpu.memory_space<vmem>>, vector<16xf32>,
    %swap3A_213 = arith.constant 848 : index
    %swap3A_214 = tpu.vector_load %arg7[%swap3A_213] {strides = array<i32>} : memref<2048xf32, #tpu.memory_space<vmem>>, vector<16xf32>,
    tpu.vector_store %arg7[%swap3A_213], %broadcast_in_dim3A_1 {strides = array<i32>} : memref<2048xf32, #tpu.memory_space<vmem>>, vector<16xf32>,
    %swap3A_215 = arith.constant 1872 : index
    %swap3A_216 = tpu.vector_load %arg7[%swap3A_215] {strides = array<i32>} : memref<2048xf32, #tpu.memory_space<vmem>>, vector<16xf32>,
    tpu.vector_store %arg7[%swap3A_215], %broadcast_in_dim3A_1 {strides = array<i32>} : memref<2048xf32, #tpu.memory_space<vmem>>, vector<16xf32>,
    %swap3A_217 = arith.constant 864 : index
    %swap3A_218 = tpu.vector_load %arg7[%swap3A_217] {strides = array<i32>} : memref<2048xf32, #tpu.memory_space<vmem>>, vector<16xf32>,
    tpu.vector_store %arg7[%swap3A_217], %broadcast_in_dim3A_1 {strides = array<i32>} : memref<2048xf32, #tpu.memory_space<vmem>>, vector<16xf32>,
    %swap3A_219 = arith.constant 1888 : index
    %swap3A_220 = tpu.vector_load %arg7[%swap3A_219] {strides = array<i32>} : memref<2048xf32, #tpu.memory_space<vmem>>, vector<16xf32>,
    tpu.vector_store %arg7[%swap3A_219], %broadcast_in_dim3A_1 {strides = array<i32>} : memref<2048xf32, #tpu.memory_space<vmem>>, vector<16xf32>,
    %swap3A_221 = arith.constant 880 : index
    %swap3A_222 = tpu.vector_load %arg7[%swap3A_221] {strides = array<i32>} : memref<2048xf32, #tpu.memory_space<vmem>>, vector<16xf32>,
    tpu.vector_store %arg7[%swap3A_221], %broadcast_in_dim3A_1 {strides = array<i32>} : memref<2048xf32, #tpu.memory_space<vmem>>, vector<16xf32>,
    %swap3A_223 = arith.constant 1904 : index
    %swap3A_224 = tpu.vector_load %arg7[%swap3A_223] {strides = array<i32>} : memref<2048xf32, #tpu.memory_space<vmem>>, vector<16xf32>,
    tpu.vector_store %arg7[%swap3A_223], %broadcast_in_dim3A_1 {strides = array<i32>} : memref<2048xf32, #tpu.memory_space<vmem>>, vector<16xf32>,
    %swap3A_225 = arith.constant 896 : index
    %swap3A_226 = tpu.vector_load %arg7[%swap3A_225] {strides = array<i32>} : memref<2048xf32, #tpu.memory_space<vmem>>, vector<16xf32>,
    tpu.vector_store %arg7[%swap3A_225], %broadcast_in_dim3A_1 {strides = array<i32>} : memref<2048xf32, #tpu.memory_space<vmem>>, vector<16xf32>,
    %swap3A_227 = arith.constant 1920 : index
    %swap3A_228 = tpu.vector_load %arg7[%swap3A_227] {strides = array<i32>} : memref<2048xf32, #tpu.memory_space<vmem>>, vector<16xf32>,
    tpu.vector_store %arg7[%swap3A_227], %broadcast_in_dim3A_1 {strides = array<i32>} : memref<2048xf32, #tpu.memory_space<vmem>>, vector<16xf32>,
    %swap3A_229 = arith.constant 912 : index
    %swap3A_230 = tpu.vector_load %arg7[%swap3A_229] {strides = array<i32>} : memref<2048xf32, #tpu.memory_space<vmem>>, vector<16xf32>,
    tpu.vector_store %arg7[%swap3A_229], %broadcast_in_dim3A_1 {strides = array<i32>} : memref<2048xf32, #tpu.memory_space<vmem>>, vector<16xf32>,
    %swap3A_231 = arith.constant 1936 : index
    %swap3A_232 = tpu.vector_load %arg7[%swap3A_231] {strides = array<i32>} : memref<2048xf32, #tpu.memory_space<vmem>>, vector<16xf32>,
    tpu.vector_store %arg7[%swap3A_231], %broadcast_in_dim3A_1 {strides = array<i32>} : memref<2048xf32, #tpu.memory_space<vmem>>, vector<16xf32>,
    %swap3A_233 = arith.constant 928 : index
    %swap3A_234 = tpu.vector_load %arg7[%swap3A_233] {strides = array<i32>} : memref<2048xf32, #tpu.memory_space<vmem>>, vector<16xf32>,
    tpu.vector_store %arg7[%swap3A_233], %broadcast_in_dim3A_1 {strides = array<i32>} : memref<2048xf32, #tpu.memory_space<vmem>>, vector<16xf32>,
    %swap3A_235 = arith.constant 1952 : index
    %swap3A_236 = tpu.vector_load %arg7[%swap3A_235] {strides = array<i32>} : memref<2048xf32, #tpu.memory_space<vmem>>, vector<16xf32>,
    tpu.vector_store %arg7[%swap3A_235], %broadcast_in_dim3A_1 {strides = array<i32>} : memref<2048xf32, #tpu.memory_space<vmem>>, vector<16xf32>,
    %swap3A_237 = arith.constant 944 : index
    %swap3A_238 = tpu.vector_load %arg7[%swap3A_237] {strides = array<i32>} : memref<2048xf32, #tpu.memory_space<vmem>>, vector<16xf32>,
    tpu.vector_store %arg7[%swap3A_237], %broadcast_in_dim3A_1 {strides = array<i32>} : memref<2048xf32, #tpu.memory_space<vmem>>, vector<16xf32>,
    %swap3A_239 = arith.constant 1968 : index
    %swap3A_240 = tpu.vector_load %arg7[%swap3A_239] {strides = array<i32>} : memref<2048xf32, #tpu.memory_space<vmem>>, vector<16xf32>,
    tpu.vector_store %arg7[%swap3A_239], %broadcast_in_dim3A_1 {strides = array<i32>} : memref<2048xf32, #tpu.memory_space<vmem>>, vector<16xf32>,
    %swap3A_241 = arith.constant 960 : index
    %swap3A_242 = tpu.vector_load %arg7[%swap3A_241] {strides = array<i32>} : memref<2048xf32, #tpu.memory_space<vmem>>, vector<16xf32>,
    tpu.vector_store %arg7[%swap3A_241], %broadcast_in_dim3A_1 {strides = array<i32>} : memref<2048xf32, #tpu.memory_space<vmem>>, vector<16xf32>,
    %swap3A_243 = arith.constant 1984 : index
    %swap3A_244 = tpu.vector_load %arg7[%swap3A_243] {strides = array<i32>} : memref<2048xf32, #tpu.memory_space<vmem>>, vector<16xf32>,
    tpu.vector_store %arg7[%swap3A_243], %broadcast_in_dim3A_1 {strides = array<i32>} : memref<2048xf32, #tpu.memory_space<vmem>>, vector<16xf32>,
    %swap3A_245 = arith.constant 976 : index
    %swap3A_246 = tpu.vector_load %arg7[%swap3A_245] {strides = array<i32>} : memref<2048xf32, #tpu.memory_space<vmem>>, vector<16xf32>,
    tpu.vector_store %arg7[%swap3A_245], %broadcast_in_dim3A_1 {strides = array<i32>} : memref<2048xf32, #tpu.memory_space<vmem>>, vector<16xf32>,
    %swap3A_247 = arith.constant 2000 : index
    %swap3A_248 = tpu.vector_load %arg7[%swap3A_247] {strides = array<i32>} : memref<2048xf32, #tpu.memory_space<vmem>>, vector<16xf32>,
    tpu.vector_store %arg7[%swap3A_247], %broadcast_in_dim3A_1 {strides = array<i32>} : memref<2048xf32, #tpu.memory_space<vmem>>, vector<16xf32>,
    %swap3A_249 = arith.constant 992 : index
    %swap3A_250 = tpu.vector_load %arg7[%swap3A_249] {strides = array<i32>} : memref<2048xf32, #tpu.memory_space<vmem>>, vector<16xf32>,
    tpu.vector_store %arg7[%swap3A_249], %broadcast_in_dim3A_1 {strides = array<i32>} : memref<2048xf32, #tpu.memory_space<vmem>>, vector<16xf32>,
    %swap3A_251 = arith.constant 2016 : index
    %swap3A_252 = tpu.vector_load %arg7[%swap3A_251] {strides = array<i32>} : memref<2048xf32, #tpu.memory_space<vmem>>, vector<16xf32>,
    tpu.vector_store %arg7[%swap3A_251], %broadcast_in_dim3A_1 {strides = array<i32>} : memref<2048xf32, #tpu.memory_space<vmem>>, vector<16xf32>,
    %swap3A_253 = arith.constant 1008 : index
    %swap3A_254 = tpu.vector_load %arg7[%swap3A_253] {strides = array<i32>} : memref<2048xf32, #tpu.memory_space<vmem>>, vector<16xf32>,
    tpu.vector_store %arg7[%swap3A_253], %broadcast_in_dim3A_1 {strides = array<i32>} : memref<2048xf32, #tpu.memory_space<vmem>>, vector<16xf32>,
    %swap3A_255 = arith.constant 2032 : index
    %swap3A_256 = tpu.vector_load %arg7[%swap3A_255] {strides = array<i32>} : memref<2048xf32, #tpu.memory_space<vmem>>, vector<16xf32>,
    tpu.vector_store %arg7[%swap3A_255], %broadcast_in_dim3A_1 {strides = array<i32>} : memref<2048xf32, #tpu.memory_space<vmem>>, vector<16xf32>,
    %broadcast_in_dim3A_257 = arith.constant 0.000000e+00 : f32
    %broadcast_in_dim3A_258 = vector.broadcast %broadcast_in_dim3A_257 : f32 to vector<16xf32>
    %scan3A = arith.constant 0 : i32
    %scan3A_259 = arith.constant 13 : i32
    %scan3A_260 = arith.addi %scan3A, %scan3A_259 : i32
    %scan3A_261 = arith.constant 1 : i32
    %scan3A_262 = scf.for %scan3A_264 = %scan3A to %scan3A_260 step %scan3A_261 iter_args(%scan3A_265 = %broadcast_in_dim3A_258) -> (vector<16xf32>)  : i32 {
      %slice3A = vector.extract_strided_slice %scan3A_265 {offsets = [0], sizes = [1], strides = [1]} : vector<16xf32> to vector<1xf32>
      %squeeze3A = vector.extract %slice3A[0] : f32 from vector<1xf32>
      %abs3A = math.absf %squeeze3A : f32
      %convert_element_type3A = arith.fptosi %abs3A : f32 to i32
      %shift_right_logical3A = arith.constant 31 : i32
      %shift_right_logical3A_266 = arith.shrui %convert_element_type3A, %shift_right_logical3A : i32
      %mul3A_267 = arith.constant 13 : i32
      %mul3A_268 = arith.muli %arg0, %mul3A_267 : i32
      %add3A = arith.addi %mul3A_268, %scan3A_264 : i32
      %mul3A_269 = arith.constant 16 : i32
      %mul3A_270 = arith.muli %add3A, %mul3A_269 : i32
      %add3A_271 = arith.addi %mul3A_270, %arg1 : i32
      %add3A_272 = arith.addi %add3A_271, %shift_right_logical3A_266 : i32
      %jit3A = arith.constant 8 : i32
      %div3A = arith.divsi %add3A_272, %jit3A : i32
      %sign3A = arith.constant 0 : i32
      %sign3A_273 = arith.cmpi sgt, %add3A_272, %sign3A : i32
      %sign3A_274 = arith.extui %sign3A_273 : i1 to i32
      %sign3A_275 = arith.constant 0 : i32
      %sign3A_276 = arith.cmpi slt, %add3A_272, %sign3A_275 : i32
      %sign3A_277 = arith.extui %sign3A_276 : i1 to i32
      %sign3A_278 = arith.subi %sign3A_274, %sign3A_277 : i32
      %sign3A_279 = arith.constant 0 : i32
      %sign3A_280 = arith.cmpi sgt, %jit3A, %sign3A_279 : i32
      %sign3A_281 = arith.extui %sign3A_280 : i1 to i32
      %sign3A_282 = arith.constant 0 : i32
      %sign3A_283 = arith.cmpi slt, %jit3A, %sign3A_282 : i32
      %sign3A_284 = arith.extui %sign3A_283 : i1 to i32
      %sign3A_285 = arith.subi %sign3A_281, %sign3A_284 : i32
      %ne3A = arith.cmpi ne, %sign3A_278, %sign3A_285 : i32
      %rem3A = arith.remsi %add3A_272, %jit3A : i32
      %ne3A_286 = arith.constant 0 : i32
      %ne3A_287 = arith.cmpi ne, %rem3A, %ne3A_286 : i32
      %and3A = arith.andi %ne3A, %ne3A_287 : i1
      %sub3A = arith.constant 1 : i32
      %sub3A_288 = arith.subi %div3A, %sub3A : i32
      %select_n3A = arith.select %and3A, %sub3A_288, %div3A : i32
      %jit3A_289 = arith.constant 8 : i32
      %eq3A = arith.constant 0 : i32
      %eq3A_290 = arith.cmpi eq, %jit3A_289, %eq3A : i32
      %jit3A_291 = arith.constant 1 : i32
      %select_n3A_292 = arith.select %eq3A_290, %jit3A_291, %jit3A_289 : i32
      %rem3A_293 = arith.remsi %add3A_272, %select_n3A_292 : i32
      %ne3A_294 = arith.constant 0 : i32
      %ne3A_295 = arith.cmpi ne, %rem3A_293, %ne3A_294 : i32
      %lt3A = arith.constant 0 : i32
      %lt3A_296 = arith.cmpi slt, %rem3A_293, %lt3A : i32
      %lt3A_297 = arith.constant 0 : i32
      %lt3A_298 = arith.cmpi slt, %select_n3A_292, %lt3A_297 : i32
      %ne3A_299 = arith.xori %lt3A_296, %lt3A_298 : i1
      %and3A_300 = arith.andi %ne3A_299, %ne3A_295 : i1
      %add3A_301 = arith.addi %rem3A_293, %select_n3A_292 : i32
      %select_n3A_302 = arith.select %and3A_300, %add3A_301, %rem3A_293 : i32
      %dma_start3A = arith.constant 0 : i32
      %dma_start3A_303 = tpu.memref_slice %arg2[%select_n3A, %select_n3A_302, %dma_start3A] : memref<52x8x100000xf32, #tpu.memory_space<hbm>> -> memref<1x1x100000xf32, #tpu.memory_space<hbm>>
      %dma_start3A_304 = tpu.memref_squeeze %dma_start3A_303 : memref<1x1x100000xf32, #tpu.memory_space<hbm>> -> memref<100000xf32, #tpu.memory_space<hbm>>
      %dma_start3A_305 = arith.constant 0 : i32
      %dma_start3A_306 = tpu.memref_slice %arg2[%select_n3A, %select_n3A_302, %dma_start3A_305] : memref<52x8x100000xf32, #tpu.memory_space<hbm>> -> memref<1x1x100000xf32, #tpu.memory_space<hbm>>
      %dma_start3A_307 = tpu.memref_squeeze %dma_start3A_306 : memref<1x1x100000xf32, #tpu.memory_space<hbm>> -> memref<100000xf32, #tpu.memory_space<hbm>>
      tpu.enqueue_dma source(%dma_start3A_307 : memref<100000xf32, #tpu.memory_space<hbm>>) target(%arg5 : memref<100000xf32, #tpu.memory_space<vmem>>) target_semaphore(%arg8 : memref<!tpu.dma_semaphore, #tpu.memory_space<semaphore_mem>>)
      %dma_wait3A = arith.constant 0 : i32
      %dma_wait3A_308 = tpu.memref_slice %arg2[%select_n3A, %select_n3A_302, %dma_wait3A] : memref<52x8x100000xf32, #tpu.memory_space<hbm>> -> memref<1x1x100000xf32, #tpu.memory_space<hbm>>
      %dma_wait3A_309 = tpu.memref_squeeze %dma_wait3A_308 : memref<1x1x100000xf32, #tpu.memory_space<hbm>> -> memref<100000xf32, #tpu.memory_space<hbm>>
      %dma_wait3A_310 = arith.constant 0 : i32
      %dma_wait3A_311 = tpu.memref_slice %arg2[%select_n3A, %select_n3A_302, %dma_wait3A_310] : memref<52x8x100000xf32, #tpu.memory_space<hbm>> -> memref<1x1x100000xf32, #tpu.memory_space<hbm>>
      %dma_wait3A_312 = tpu.memref_squeeze %dma_wait3A_311 : memref<1x1x100000xf32, #tpu.memory_space<hbm>> -> memref<100000xf32, #tpu.memory_space<hbm>>
      tpu.wait_dma2 semaphore(%arg8 : memref<!tpu.dma_semaphore, #tpu.memory_space<semaphore_mem>>) src(%dma_wait3A_312 : memref<100000xf32, #tpu.memory_space<hbm>>) dst(%arg5 : memref<100000xf32, #tpu.memory_space<vmem>>)
      %get3A = arith.index_cast %scan3A_264 : i32 to index
      %get3A_313 = arith.constant 0 : index
      %get3A_314 = tpu.vector_load %arg6[%get3A, %get3A_313] {strides = array<i32>} : memref<16x1024xi32, #tpu.memory_space<vmem>>, vector<16xi32>,
      %gather3A = tpu.vector_load_idx %arg5[%get3A_314] : memref<100000xf32, #tpu.memory_space<vmem>>[vector<16xi32>], vector<16xf32>,
      %add3A_315 = arith.addf %scan3A_265, %gather3A : vector<16xf32>
      %get3A_316 = arith.constant 0 : index
      %get3A_317 = tpu.vector_load %arg7[%get3A_316] {strides = array<i32>} : memref<2048xf32, #tpu.memory_space<vmem>>, vector<16xf32>,
      %add3A_318 = arith.addf %get3A_317, %gather3A : vector<16xf32>
      %swap3A_319 = arith.constant 0 : index
      %swap3A_320 = tpu.vector_load %arg7[%swap3A_319] {strides = array<i32>} : memref<2048xf32, #tpu.memory_space<vmem>>, vector<16xf32>,
      tpu.vector_store %arg7[%swap3A_319], %add3A_318 {strides = array<i32>} : memref<2048xf32, #tpu.memory_space<vmem>>, vector<16xf32>,
      %get3A_321 = arith.constant 1024 : index
      %get3A_322 = tpu.vector_load %arg7[%get3A_321] {strides = array<i32>} : memref<2048xf32, #tpu.memory_space<vmem>>, vector<16xf32>,
      %mul3A_323 = arith.mulf %gather3A, %gather3A : vector<16xf32>
      %add3A_324 = arith.addf %get3A_322, %mul3A_323 : vector<16xf32>
      %swap3A_325 = arith.constant 1024 : index
      %swap3A_326 = tpu.vector_load %arg7[%swap3A_325] {strides = array<i32>} : memref<2048xf32, #tpu.memory_space<vmem>>, vector<16xf32>,
      tpu.vector_store %arg7[%swap3A_325], %add3A_324 {strides = array<i32>} : memref<2048xf32, #tpu.memory_space<vmem>>, vector<16xf32>,
      %get3A_327 = arith.index_cast %scan3A_264 : i32 to index
      %get3A_328 = arith.constant 16 : index
      %get3A_329 = tpu.vector_load %arg6[%get3A_327, %get3A_328] {strides = array<i32>} : memref<16x1024xi32, #tpu.memory_space<vmem>>, vector<16xi32>,
      %gather3A_330 = tpu.vector_load_idx %arg5[%get3A_329] : memref<100000xf32, #tpu.memory_space<vmem>>[vector<16xi32>], vector<16xf32>,
      %add3A_331 = arith.addf %add3A_315, %gather3A_330 : vector<16xf32>
      %get3A_332 = arith.constant 16 : index
      %get3A_333 = tpu.vector_load %arg7[%get3A_332] {strides = array<i32>} : memref<2048xf32, #tpu.memory_space<vmem>>, vector<16xf32>,
      %add3A_334 = arith.addf %get3A_333, %gather3A_330 : vector<16xf32>
      %swap3A_335 = arith.constant 16 : index
      %swap3A_336 = tpu.vector_load %arg7[%swap3A_335] {strides = array<i32>} : memref<2048xf32, #tpu.memory_space<vmem>>, vector<16xf32>,
      tpu.vector_store %arg7[%swap3A_335], %add3A_334 {strides = array<i32>} : memref<2048xf32, #tpu.memory_space<vmem>>, vector<16xf32>,
      %get3A_337 = arith.constant 1040 : index
      %get3A_338 = tpu.vector_load %arg7[%get3A_337] {strides = array<i32>} : memref<2048xf32, #tpu.memory_space<vmem>>, vector<16xf32>,
      %mul3A_339 = arith.mulf %gather3A_330, %gather3A_330 : vector<16xf32>
      %add3A_340 = arith.addf %get3A_338, %mul3A_339 : vector<16xf32>
      %swap3A_341 = arith.constant 1040 : index
      %swap3A_342 = tpu.vector_load %arg7[%swap3A_341] {strides = array<i32>} : memref<2048xf32, #tpu.memory_space<vmem>>, vector<16xf32>,
      tpu.vector_store %arg7[%swap3A_341], %add3A_340 {strides = array<i32>} : memref<2048xf32, #tpu.memory_space<vmem>>, vector<16xf32>,
      %get3A_343 = arith.index_cast %scan3A_264 : i32 to index
      %get3A_344 = arith.constant 32 : index
      %get3A_345 = tpu.vector_load %arg6[%get3A_343, %get3A_344] {strides = array<i32>} : memref<16x1024xi32, #tpu.memory_space<vmem>>, vector<16xi32>,
      %gather3A_346 = tpu.vector_load_idx %arg5[%get3A_345] : memref<100000xf32, #tpu.memory_space<vmem>>[vector<16xi32>], vector<16xf32>,
      %add3A_347 = arith.addf %add3A_331, %gather3A_346 : vector<16xf32>
      %get3A_348 = arith.constant 32 : index
      %get3A_349 = tpu.vector_load %arg7[%get3A_348] {strides = array<i32>} : memref<2048xf32, #tpu.memory_space<vmem>>, vector<16xf32>,
      %add3A_350 = arith.addf %get3A_349, %gather3A_346 : vector<16xf32>
      %swap3A_351 = arith.constant 32 : index
      %swap3A_352 = tpu.vector_load %arg7[%swap3A_351] {strides = array<i32>} : memref<2048xf32, #tpu.memory_space<vmem>>, vector<16xf32>,
      tpu.vector_store %arg7[%swap3A_351], %add3A_350 {strides = array<i32>} : memref<2048xf32, #tpu.memory_space<vmem>>, vector<16xf32>,
      %get3A_353 = arith.constant 1056 : index
      %get3A_354 = tpu.vector_load %arg7[%get3A_353] {strides = array<i32>} : memref<2048xf32, #tpu.memory_space<vmem>>, vector<16xf32>,
      %mul3A_355 = arith.mulf %gather3A_346, %gather3A_346 : vector<16xf32>
      %add3A_356 = arith.addf %get3A_354, %mul3A_355 : vector<16xf32>
      %swap3A_357 = arith.constant 1056 : index
      %swap3A_358 = tpu.vector_load %arg7[%swap3A_357] {strides = array<i32>} : memref<2048xf32, #tpu.memory_space<vmem>>, vector<16xf32>,
      tpu.vector_store %arg7[%swap3A_357], %add3A_356 {strides = array<i32>} : memref<2048xf32, #tpu.memory_space<vmem>>, vector<16xf32>,
      %get3A_359 = arith.index_cast %scan3A_264 : i32 to index
      %get3A_360 = arith.constant 48 : index
      %get3A_361 = tpu.vector_load %arg6[%get3A_359, %get3A_360] {strides = array<i32>} : memref<16x1024xi32, #tpu.memory_space<vmem>>, vector<16xi32>,
      %gather3A_362 = tpu.vector_load_idx %arg5[%get3A_361] : memref<100000xf32, #tpu.memory_space<vmem>>[vector<16xi32>], vector<16xf32>,
      %add3A_363 = arith.addf %add3A_347, %gather3A_362 : vector<16xf32>
      %get3A_364 = arith.constant 48 : index
      %get3A_365 = tpu.vector_load %arg7[%get3A_364] {strides = array<i32>} : memref<2048xf32, #tpu.memory_space<vmem>>, vector<16xf32>,
      %add3A_366 = arith.addf %get3A_365, %gather3A_362 : vector<16xf32>
      %swap3A_367 = arith.constant 48 : index
      %swap3A_368 = tpu.vector_load %arg7[%swap3A_367] {strides = array<i32>} : memref<2048xf32, #tpu.memory_space<vmem>>, vector<16xf32>,
      tpu.vector_store %arg7[%swap3A_367], %add3A_366 {strides = array<i32>} : memref<2048xf32, #tpu.memory_space<vmem>>, vector<16xf32>,
      %get3A_369 = arith.constant 1072 : index
      %get3A_370 = tpu.vector_load %arg7[%get3A_369] {strides = array<i32>} : memref<2048xf32, #tpu.memory_space<vmem>>, vector<16xf32>,
      %mul3A_371 = arith.mulf %gather3A_362, %gather3A_362 : vector<16xf32>
      %add3A_372 = arith.addf %get3A_370, %mul3A_371 : vector<16xf32>
      %swap3A_373 = arith.constant 1072 : index
      %swap3A_374 = tpu.vector_load %arg7[%swap3A_373] {strides = array<i32>} : memref<2048xf32, #tpu.memory_space<vmem>>, vector<16xf32>,
      tpu.vector_store %arg7[%swap3A_373], %add3A_372 {strides = array<i32>} : memref<2048xf32, #tpu.memory_space<vmem>>, vector<16xf32>,
      %get3A_375 = arith.index_cast %scan3A_264 : i32 to index
      %get3A_376 = arith.constant 64 : index
      %get3A_377 = tpu.vector_load %arg6[%get3A_375, %get3A_376] {strides = array<i32>} : memref<16x1024xi32, #tpu.memory_space<vmem>>, vector<16xi32>,
      %gather3A_378 = tpu.vector_load_idx %arg5[%get3A_377] : memref<100000xf32, #tpu.memory_space<vmem>>[vector<16xi32>], vector<16xf32>,
      %add3A_379 = arith.addf %add3A_363, %gather3A_378 : vector<16xf32>
      %get3A_380 = arith.constant 64 : index
      %get3A_381 = tpu.vector_load %arg7[%get3A_380] {strides = array<i32>} : memref<2048xf32, #tpu.memory_space<vmem>>, vector<16xf32>,
      %add3A_382 = arith.addf %get3A_381, %gather3A_378 : vector<16xf32>
      %swap3A_383 = arith.constant 64 : index
      %swap3A_384 = tpu.vector_load %arg7[%swap3A_383] {strides = array<i32>} : memref<2048xf32, #tpu.memory_space<vmem>>, vector<16xf32>,
      tpu.vector_store %arg7[%swap3A_383], %add3A_382 {strides = array<i32>} : memref<2048xf32, #tpu.memory_space<vmem>>, vector<16xf32>,
      %get3A_385 = arith.constant 1088 : index
      %get3A_386 = tpu.vector_load %arg7[%get3A_385] {strides = array<i32>} : memref<2048xf32, #tpu.memory_space<vmem>>, vector<16xf32>,
      %mul3A_387 = arith.mulf %gather3A_378, %gather3A_378 : vector<16xf32>
      %add3A_388 = arith.addf %get3A_386, %mul3A_387 : vector<16xf32>
      %swap3A_389 = arith.constant 1088 : index
      %swap3A_390 = tpu.vector_load %arg7[%swap3A_389] {strides = array<i32>} : memref<2048xf32, #tpu.memory_space<vmem>>, vector<16xf32>,
      tpu.vector_store %arg7[%swap3A_389], %add3A_388 {strides = array<i32>} : memref<2048xf32, #tpu.memory_space<vmem>>, vector<16xf32>,
      %get3A_391 = arith.index_cast %scan3A_264 : i32 to index
      %get3A_392 = arith.constant 80 : index
      %get3A_393 = tpu.vector_load %arg6[%get3A_391, %get3A_392] {strides = array<i32>} : memref<16x1024xi32, #tpu.memory_space<vmem>>, vector<16xi32>,
      %gather3A_394 = tpu.vector_load_idx %arg5[%get3A_393] : memref<100000xf32, #tpu.memory_space<vmem>>[vector<16xi32>], vector<16xf32>,
      %add3A_395 = arith.addf %add3A_379, %gather3A_394 : vector<16xf32>
      %get3A_396 = arith.constant 80 : index
      %get3A_397 = tpu.vector_load %arg7[%get3A_396] {strides = array<i32>} : memref<2048xf32, #tpu.memory_space<vmem>>, vector<16xf32>,
      %add3A_398 = arith.addf %get3A_397, %gather3A_394 : vector<16xf32>
      %swap3A_399 = arith.constant 80 : index
      %swap3A_400 = tpu.vector_load %arg7[%swap3A_399] {strides = array<i32>} : memref<2048xf32, #tpu.memory_space<vmem>>, vector<16xf32>,
      tpu.vector_store %arg7[%swap3A_399], %add3A_398 {strides = array<i32>} : memref<2048xf32, #tpu.memory_space<vmem>>, vector<16xf32>,
      %get3A_401 = arith.constant 1104 : index
      %get3A_402 = tpu.vector_load %arg7[%get3A_401] {strides = array<i32>} : memref<2048xf32, #tpu.memory_space<vmem>>, vector<16xf32>,
      %mul3A_403 = arith.mulf %gather3A_394, %gather3A_394 : vector<16xf32>
      %add3A_404 = arith.addf %get3A_402, %mul3A_403 : vector<16xf32>
      %swap3A_405 = arith.constant 1104 : index
      %swap3A_406 = tpu.vector_load %arg7[%swap3A_405] {strides = array<i32>} : memref<2048xf32, #tpu.memory_space<vmem>>, vector<16xf32>,
      tpu.vector_store %arg7[%swap3A_405], %add3A_404 {strides = array<i32>} : memref<2048xf32, #tpu.memory_space<vmem>>, vector<16xf32>,
      %get3A_407 = arith.index_cast %scan3A_264 : i32 to index
      %get3A_408 = arith.constant 96 : index
      %get3A_409 = tpu.vector_load %arg6[%get3A_407, %get3A_408] {strides = array<i32>} : memref<16x1024xi32, #tpu.memory_space<vmem>>, vector<16xi32>,
      %gather3A_410 = tpu.vector_load_idx %arg5[%get3A_409] : memref<100000xf32, #tpu.memory_space<vmem>>[vector<16xi32>], vector<16xf32>,
      %add3A_411 = arith.addf %add3A_395, %gather3A_410 : vector<16xf32>
      %get3A_412 = arith.constant 96 : index
      %get3A_413 = tpu.vector_load %arg7[%get3A_412] {strides = array<i32>} : memref<2048xf32, #tpu.memory_space<vmem>>, vector<16xf32>,
      %add3A_414 = arith.addf %get3A_413, %gather3A_410 : vector<16xf32>
      %swap3A_415 = arith.constant 96 : index
      %swap3A_416 = tpu.vector_load %arg7[%swap3A_415] {strides = array<i32>} : memref<2048xf32, #tpu.memory_space<vmem>>, vector<16xf32>,
      tpu.vector_store %arg7[%swap3A_415], %add3A_414 {strides = array<i32>} : memref<2048xf32, #tpu.memory_space<vmem>>, vector<16xf32>,
      %get3A_417 = arith.constant 1120 : index
      %get3A_418 = tpu.vector_load %arg7[%get3A_417] {strides = array<i32>} : memref<2048xf32, #tpu.memory_space<vmem>>, vector<16xf32>,
      %mul3A_419 = arith.mulf %gather3A_410, %gather3A_410 : vector<16xf32>
      %add3A_420 = arith.addf %get3A_418, %mul3A_419 : vector<16xf32>
      %swap3A_421 = arith.constant 1120 : index
      %swap3A_422 = tpu.vector_load %arg7[%swap3A_421] {strides = array<i32>} : memref<2048xf32, #tpu.memory_space<vmem>>, vector<16xf32>,
      tpu.vector_store %arg7[%swap3A_421], %add3A_420 {strides = array<i32>} : memref<2048xf32, #tpu.memory_space<vmem>>, vector<16xf32>,
      %get3A_423 = arith.index_cast %scan3A_264 : i32 to index
      %get3A_424 = arith.constant 112 : index
      %get3A_425 = tpu.vector_load %arg6[%get3A_423, %get3A_424] {strides = array<i32>} : memref<16x1024xi32, #tpu.memory_space<vmem>>, vector<16xi32>,
      %gather3A_426 = tpu.vector_load_idx %arg5[%get3A_425] : memref<100000xf32, #tpu.memory_space<vmem>>[vector<16xi32>], vector<16xf32>,
      %add3A_427 = arith.addf %add3A_411, %gather3A_426 : vector<16xf32>
      %get3A_428 = arith.constant 112 : index
      %get3A_429 = tpu.vector_load %arg7[%get3A_428] {strides = array<i32>} : memref<2048xf32, #tpu.memory_space<vmem>>, vector<16xf32>,
      %add3A_430 = arith.addf %get3A_429, %gather3A_426 : vector<16xf32>
      %swap3A_431 = arith.constant 112 : index
      %swap3A_432 = tpu.vector_load %arg7[%swap3A_431] {strides = array<i32>} : memref<2048xf32, #tpu.memory_space<vmem>>, vector<16xf32>,
      tpu.vector_store %arg7[%swap3A_431], %add3A_430 {strides = array<i32>} : memref<2048xf32, #tpu.memory_space<vmem>>, vector<16xf32>,
      %get3A_433 = arith.constant 1136 : index
      %get3A_434 = tpu.vector_load %arg7[%get3A_433] {strides = array<i32>} : memref<2048xf32, #tpu.memory_space<vmem>>, vector<16xf32>,
      %mul3A_435 = arith.mulf %gather3A_426, %gather3A_426 : vector<16xf32>
      %add3A_436 = arith.addf %get3A_434, %mul3A_435 : vector<16xf32>
      %swap3A_437 = arith.constant 1136 : index
      %swap3A_438 = tpu.vector_load %arg7[%swap3A_437] {strides = array<i32>} : memref<2048xf32, #tpu.memory_space<vmem>>, vector<16xf32>,
      tpu.vector_store %arg7[%swap3A_437], %add3A_436 {strides = array<i32>} : memref<2048xf32, #tpu.memory_space<vmem>>, vector<16xf32>,
      %get3A_439 = arith.index_cast %scan3A_264 : i32 to index
      %get3A_440 = arith.constant 128 : index
      %get3A_441 = tpu.vector_load %arg6[%get3A_439, %get3A_440] {strides = array<i32>} : memref<16x1024xi32, #tpu.memory_space<vmem>>, vector<16xi32>,
      %gather3A_442 = tpu.vector_load_idx %arg5[%get3A_441] : memref<100000xf32, #tpu.memory_space<vmem>>[vector<16xi32>], vector<16xf32>,
      %add3A_443 = arith.addf %add3A_427, %gather3A_442 : vector<16xf32>
      %get3A_444 = arith.constant 128 : index
      %get3A_445 = tpu.vector_load %arg7[%get3A_444] {strides = array<i32>} : memref<2048xf32, #tpu.memory_space<vmem>>, vector<16xf32>,
      %add3A_446 = arith.addf %get3A_445, %gather3A_442 : vector<16xf32>
      %swap3A_447 = arith.constant 128 : index
      %swap3A_448 = tpu.vector_load %arg7[%swap3A_447] {strides = array<i32>} : memref<2048xf32, #tpu.memory_space<vmem>>, vector<16xf32>,
      tpu.vector_store %arg7[%swap3A_447], %add3A_446 {strides = array<i32>} : memref<2048xf32, #tpu.memory_space<vmem>>, vector<16xf32>,
      %get3A_449 = arith.constant 1152 : index
      %get3A_450 = tpu.vector_load %arg7[%get3A_449] {strides = array<i32>} : memref<2048xf32, #tpu.memory_space<vmem>>, vector<16xf32>,
      %mul3A_451 = arith.mulf %gather3A_442, %gather3A_442 : vector<16xf32>
      %add3A_452 = arith.addf %get3A_450, %mul3A_451 : vector<16xf32>
      %swap3A_453 = arith.constant 1152 : index
      %swap3A_454 = tpu.vector_load %arg7[%swap3A_453] {strides = array<i32>} : memref<2048xf32, #tpu.memory_space<vmem>>, vector<16xf32>,
      tpu.vector_store %arg7[%swap3A_453], %add3A_452 {strides = array<i32>} : memref<2048xf32, #tpu.memory_space<vmem>>, vector<16xf32>,
      %get3A_455 = arith.index_cast %scan3A_264 : i32 to index
      %get3A_456 = arith.constant 144 : index
      %get3A_457 = tpu.vector_load %arg6[%get3A_455, %get3A_456] {strides = array<i32>} : memref<16x1024xi32, #tpu.memory_space<vmem>>, vector<16xi32>,
      %gather3A_458 = tpu.vector_load_idx %arg5[%get3A_457] : memref<100000xf32, #tpu.memory_space<vmem>>[vector<16xi32>], vector<16xf32>,
      %add3A_459 = arith.addf %add3A_443, %gather3A_458 : vector<16xf32>
      %get3A_460 = arith.constant 144 : index
      %get3A_461 = tpu.vector_load %arg7[%get3A_460] {strides = array<i32>} : memref<2048xf32, #tpu.memory_space<vmem>>, vector<16xf32>,
      %add3A_462 = arith.addf %get3A_461, %gather3A_458 : vector<16xf32>
      %swap3A_463 = arith.constant 144 : index
      %swap3A_464 = tpu.vector_load %arg7[%swap3A_463] {strides = array<i32>} : memref<2048xf32, #tpu.memory_space<vmem>>, vector<16xf32>,
      tpu.vector_store %arg7[%swap3A_463], %add3A_462 {strides = array<i32>} : memref<2048xf32, #tpu.memory_space<vmem>>, vector<16xf32>,
      %get3A_465 = arith.constant 1168 : index
      %get3A_466 = tpu.vector_load %arg7[%get3A_465] {strides = array<i32>} : memref<2048xf32, #tpu.memory_space<vmem>>, vector<16xf32>,
      %mul3A_467 = arith.mulf %gather3A_458, %gather3A_458 : vector<16xf32>
      %add3A_468 = arith.addf %get3A_466, %mul3A_467 : vector<16xf32>
      %swap3A_469 = arith.constant 1168 : index
      %swap3A_470 = tpu.vector_load %arg7[%swap3A_469] {strides = array<i32>} : memref<2048xf32, #tpu.memory_space<vmem>>, vector<16xf32>,
      tpu.vector_store %arg7[%swap3A_469], %add3A_468 {strides = array<i32>} : memref<2048xf32, #tpu.memory_space<vmem>>, vector<16xf32>,
      %get3A_471 = arith.index_cast %scan3A_264 : i32 to index
      %get3A_472 = arith.constant 160 : index
      %get3A_473 = tpu.vector_load %arg6[%get3A_471, %get3A_472] {strides = array<i32>} : memref<16x1024xi32, #tpu.memory_space<vmem>>, vector<16xi32>,
      %gather3A_474 = tpu.vector_load_idx %arg5[%get3A_473] : memref<100000xf32, #tpu.memory_space<vmem>>[vector<16xi32>], vector<16xf32>,
      %add3A_475 = arith.addf %add3A_459, %gather3A_474 : vector<16xf32>
      %get3A_476 = arith.constant 160 : index
      %get3A_477 = tpu.vector_load %arg7[%get3A_476] {strides = array<i32>} : memref<2048xf32, #tpu.memory_space<vmem>>, vector<16xf32>,
      %add3A_478 = arith.addf %get3A_477, %gather3A_474 : vector<16xf32>
      %swap3A_479 = arith.constant 160 : index
      %swap3A_480 = tpu.vector_load %arg7[%swap3A_479] {strides = array<i32>} : memref<2048xf32, #tpu.memory_space<vmem>>, vector<16xf32>,
      tpu.vector_store %arg7[%swap3A_479], %add3A_478 {strides = array<i32>} : memref<2048xf32, #tpu.memory_space<vmem>>, vector<16xf32>,
      %get3A_481 = arith.constant 1184 : index
      %get3A_482 = tpu.vector_load %arg7[%get3A_481] {strides = array<i32>} : memref<2048xf32, #tpu.memory_space<vmem>>, vector<16xf32>,
      %mul3A_483 = arith.mulf %gather3A_474, %gather3A_474 : vector<16xf32>
      %add3A_484 = arith.addf %get3A_482, %mul3A_483 : vector<16xf32>
      %swap3A_485 = arith.constant 1184 : index
      %swap3A_486 = tpu.vector_load %arg7[%swap3A_485] {strides = array<i32>} : memref<2048xf32, #tpu.memory_space<vmem>>, vector<16xf32>,
      tpu.vector_store %arg7[%swap3A_485], %add3A_484 {strides = array<i32>} : memref<2048xf32, #tpu.memory_space<vmem>>, vector<16xf32>,
      %get3A_487 = arith.index_cast %scan3A_264 : i32 to index
      %get3A_488 = arith.constant 176 : index
      %get3A_489 = tpu.vector_load %arg6[%get3A_487, %get3A_488] {strides = array<i32>} : memref<16x1024xi32, #tpu.memory_space<vmem>>, vector<16xi32>,
      %gather3A_490 = tpu.vector_load_idx %arg5[%get3A_489] : memref<100000xf32, #tpu.memory_space<vmem>>[vector<16xi32>], vector<16xf32>,
      %add3A_491 = arith.addf %add3A_475, %gather3A_490 : vector<16xf32>
      %get3A_492 = arith.constant 176 : index
      %get3A_493 = tpu.vector_load %arg7[%get3A_492] {strides = array<i32>} : memref<2048xf32, #tpu.memory_space<vmem>>, vector<16xf32>,
      %add3A_494 = arith.addf %get3A_493, %gather3A_490 : vector<16xf32>
      %swap3A_495 = arith.constant 176 : index
      %swap3A_496 = tpu.vector_load %arg7[%swap3A_495] {strides = array<i32>} : memref<2048xf32, #tpu.memory_space<vmem>>, vector<16xf32>,
      tpu.vector_store %arg7[%swap3A_495], %add3A_494 {strides = array<i32>} : memref<2048xf32, #tpu.memory_space<vmem>>, vector<16xf32>,
      %get3A_497 = arith.constant 1200 : index
      %get3A_498 = tpu.vector_load %arg7[%get3A_497] {strides = array<i32>} : memref<2048xf32, #tpu.memory_space<vmem>>, vector<16xf32>,
      %mul3A_499 = arith.mulf %gather3A_490, %gather3A_490 : vector<16xf32>
      %add3A_500 = arith.addf %get3A_498, %mul3A_499 : vector<16xf32>
      %swap3A_501 = arith.constant 1200 : index
      %swap3A_502 = tpu.vector_load %arg7[%swap3A_501] {strides = array<i32>} : memref<2048xf32, #tpu.memory_space<vmem>>, vector<16xf32>,
      tpu.vector_store %arg7[%swap3A_501], %add3A_500 {strides = array<i32>} : memref<2048xf32, #tpu.memory_space<vmem>>, vector<16xf32>,
      %get3A_503 = arith.index_cast %scan3A_264 : i32 to index
      %get3A_504 = arith.constant 192 : index
      %get3A_505 = tpu.vector_load %arg6[%get3A_503, %get3A_504] {strides = array<i32>} : memref<16x1024xi32, #tpu.memory_space<vmem>>, vector<16xi32>,
      %gather3A_506 = tpu.vector_load_idx %arg5[%get3A_505] : memref<100000xf32, #tpu.memory_space<vmem>>[vector<16xi32>], vector<16xf32>,
      %add3A_507 = arith.addf %add3A_491, %gather3A_506 : vector<16xf32>
      %get3A_508 = arith.constant 192 : index
      %get3A_509 = tpu.vector_load %arg7[%get3A_508] {strides = array<i32>} : memref<2048xf32, #tpu.memory_space<vmem>>, vector<16xf32>,
      %add3A_510 = arith.addf %get3A_509, %gather3A_506 : vector<16xf32>
      %swap3A_511 = arith.constant 192 : index
      %swap3A_512 = tpu.vector_load %arg7[%swap3A_511] {strides = array<i32>} : memref<2048xf32, #tpu.memory_space<vmem>>, vector<16xf32>,
      tpu.vector_store %arg7[%swap3A_511], %add3A_510 {strides = array<i32>} : memref<2048xf32, #tpu.memory_space<vmem>>, vector<16xf32>,
      %get3A_513 = arith.constant 1216 : index
      %get3A_514 = tpu.vector_load %arg7[%get3A_513] {strides = array<i32>} : memref<2048xf32, #tpu.memory_space<vmem>>, vector<16xf32>,
      %mul3A_515 = arith.mulf %gather3A_506, %gather3A_506 : vector<16xf32>
      %add3A_516 = arith.addf %get3A_514, %mul3A_515 : vector<16xf32>
      %swap3A_517 = arith.constant 1216 : index
      %swap3A_518 = tpu.vector_load %arg7[%swap3A_517] {strides = array<i32>} : memref<2048xf32, #tpu.memory_space<vmem>>, vector<16xf32>,
      tpu.vector_store %arg7[%swap3A_517], %add3A_516 {strides = array<i32>} : memref<2048xf32, #tpu.memory_space<vmem>>, vector<16xf32>,
      %get3A_519 = arith.index_cast %scan3A_264 : i32 to index
      %get3A_520 = arith.constant 208 : index
      %get3A_521 = tpu.vector_load %arg6[%get3A_519, %get3A_520] {strides = array<i32>} : memref<16x1024xi32, #tpu.memory_space<vmem>>, vector<16xi32>,
      %gather3A_522 = tpu.vector_load_idx %arg5[%get3A_521] : memref<100000xf32, #tpu.memory_space<vmem>>[vector<16xi32>], vector<16xf32>,
      %add3A_523 = arith.addf %add3A_507, %gather3A_522 : vector<16xf32>
      %get3A_524 = arith.constant 208 : index
      %get3A_525 = tpu.vector_load %arg7[%get3A_524] {strides = array<i32>} : memref<2048xf32, #tpu.memory_space<vmem>>, vector<16xf32>,
      %add3A_526 = arith.addf %get3A_525, %gather3A_522 : vector<16xf32>
      %swap3A_527 = arith.constant 208 : index
      %swap3A_528 = tpu.vector_load %arg7[%swap3A_527] {strides = array<i32>} : memref<2048xf32, #tpu.memory_space<vmem>>, vector<16xf32>,
      tpu.vector_store %arg7[%swap3A_527], %add3A_526 {strides = array<i32>} : memref<2048xf32, #tpu.memory_space<vmem>>, vector<16xf32>,
      %get3A_529 = arith.constant 1232 : index
      %get3A_530 = tpu.vector_load %arg7[%get3A_529] {strides = array<i32>} : memref<2048xf32, #tpu.memory_space<vmem>>, vector<16xf32>,
      %mul3A_531 = arith.mulf %gather3A_522, %gather3A_522 : vector<16xf32>
      %add3A_532 = arith.addf %get3A_530, %mul3A_531 : vector<16xf32>
      %swap3A_533 = arith.constant 1232 : index
      %swap3A_534 = tpu.vector_load %arg7[%swap3A_533] {strides = array<i32>} : memref<2048xf32, #tpu.memory_space<vmem>>, vector<16xf32>,
      tpu.vector_store %arg7[%swap3A_533], %add3A_532 {strides = array<i32>} : memref<2048xf32, #tpu.memory_space<vmem>>, vector<16xf32>,
      %get3A_535 = arith.index_cast %scan3A_264 : i32 to index
      %get3A_536 = arith.constant 224 : index
      %get3A_537 = tpu.vector_load %arg6[%get3A_535, %get3A_536] {strides = array<i32>} : memref<16x1024xi32, #tpu.memory_space<vmem>>, vector<16xi32>,
      %gather3A_538 = tpu.vector_load_idx %arg5[%get3A_537] : memref<100000xf32, #tpu.memory_space<vmem>>[vector<16xi32>], vector<16xf32>,
      %add3A_539 = arith.addf %add3A_523, %gather3A_538 : vector<16xf32>
      %get3A_540 = arith.constant 224 : index
      %get3A_541 = tpu.vector_load %arg7[%get3A_540] {strides = array<i32>} : memref<2048xf32, #tpu.memory_space<vmem>>, vector<16xf32>,
      %add3A_542 = arith.addf %get3A_541, %gather3A_538 : vector<16xf32>
      %swap3A_543 = arith.constant 224 : index
      %swap3A_544 = tpu.vector_load %arg7[%swap3A_543] {strides = array<i32>} : memref<2048xf32, #tpu.memory_space<vmem>>, vector<16xf32>,
      tpu.vector_store %arg7[%swap3A_543], %add3A_542 {strides = array<i32>} : memref<2048xf32, #tpu.memory_space<vmem>>, vector<16xf32>,
      %get3A_545 = arith.constant 1248 : index
      %get3A_546 = tpu.vector_load %arg7[%get3A_545] {strides = array<i32>} : memref<2048xf32, #tpu.memory_space<vmem>>, vector<16xf32>,
      %mul3A_547 = arith.mulf %gather3A_538, %gather3A_538 : vector<16xf32>
      %add3A_548 = arith.addf %get3A_546, %mul3A_547 : vector<16xf32>
      %swap3A_549 = arith.constant 1248 : index
      %swap3A_550 = tpu.vector_load %arg7[%swap3A_549] {strides = array<i32>} : memref<2048xf32, #tpu.memory_space<vmem>>, vector<16xf32>,
      tpu.vector_store %arg7[%swap3A_549], %add3A_548 {strides = array<i32>} : memref<2048xf32, #tpu.memory_space<vmem>>, vector<16xf32>,
      %get3A_551 = arith.index_cast %scan3A_264 : i32 to index
      %get3A_552 = arith.constant 240 : index
      %get3A_553 = tpu.vector_load %arg6[%get3A_551, %get3A_552] {strides = array<i32>} : memref<16x1024xi32, #tpu.memory_space<vmem>>, vector<16xi32>,
      %gather3A_554 = tpu.vector_load_idx %arg5[%get3A_553] : memref<100000xf32, #tpu.memory_space<vmem>>[vector<16xi32>], vector<16xf32>,
      %add3A_555 = arith.addf %add3A_539, %gather3A_554 : vector<16xf32>
      %get3A_556 = arith.constant 240 : index
      %get3A_557 = tpu.vector_load %arg7[%get3A_556] {strides = array<i32>} : memref<2048xf32, #tpu.memory_space<vmem>>, vector<16xf32>,
      %add3A_558 = arith.addf %get3A_557, %gather3A_554 : vector<16xf32>
      %swap3A_559 = arith.constant 240 : index
      %swap3A_560 = tpu.vector_load %arg7[%swap3A_559] {strides = array<i32>} : memref<2048xf32, #tpu.memory_space<vmem>>, vector<16xf32>,
      tpu.vector_store %arg7[%swap3A_559], %add3A_558 {strides = array<i32>} : memref<2048xf32, #tpu.memory_space<vmem>>, vector<16xf32>,
      %get3A_561 = arith.constant 1264 : index
      %get3A_562 = tpu.vector_load %arg7[%get3A_561] {strides = array<i32>} : memref<2048xf32, #tpu.memory_space<vmem>>, vector<16xf32>,
      %mul3A_563 = arith.mulf %gather3A_554, %gather3A_554 : vector<16xf32>
      %add3A_564 = arith.addf %get3A_562, %mul3A_563 : vector<16xf32>
      %swap3A_565 = arith.constant 1264 : index
      %swap3A_566 = tpu.vector_load %arg7[%swap3A_565] {strides = array<i32>} : memref<2048xf32, #tpu.memory_space<vmem>>, vector<16xf32>,
      tpu.vector_store %arg7[%swap3A_565], %add3A_564 {strides = array<i32>} : memref<2048xf32, #tpu.memory_space<vmem>>, vector<16xf32>,
      %get3A_567 = arith.index_cast %scan3A_264 : i32 to index
      %get3A_568 = arith.constant 256 : index
      %get3A_569 = tpu.vector_load %arg6[%get3A_567, %get3A_568] {strides = array<i32>} : memref<16x1024xi32, #tpu.memory_space<vmem>>, vector<16xi32>,
      %gather3A_570 = tpu.vector_load_idx %arg5[%get3A_569] : memref<100000xf32, #tpu.memory_space<vmem>>[vector<16xi32>], vector<16xf32>,
      %add3A_571 = arith.addf %add3A_555, %gather3A_570 : vector<16xf32>
      %get3A_572 = arith.constant 256 : index
      %get3A_573 = tpu.vector_load %arg7[%get3A_572] {strides = array<i32>} : memref<2048xf32, #tpu.memory_space<vmem>>, vector<16xf32>,
      %add3A_574 = arith.addf %get3A_573, %gather3A_570 : vector<16xf32>
      %swap3A_575 = arith.constant 256 : index
      %swap3A_576 = tpu.vector_load %arg7[%swap3A_575] {strides = array<i32>} : memref<2048xf32, #tpu.memory_space<vmem>>, vector<16xf32>,
      tpu.vector_store %arg7[%swap3A_575], %add3A_574 {strides = array<i32>} : memref<2048xf32, #tpu.memory_space<vmem>>, vector<16xf32>,
      %get3A_577 = arith.constant 1280 : index
      %get3A_578 = tpu.vector_load %arg7[%get3A_577] {strides = array<i32>} : memref<2048xf32, #tpu.memory_space<vmem>>, vector<16xf32>,
      %mul3A_579 = arith.mulf %gather3A_570, %gather3A_570 : vector<16xf32>
      %add3A_580 = arith.addf %get3A_578, %mul3A_579 : vector<16xf32>
      %swap3A_581 = arith.constant 1280 : index
      %swap3A_582 = tpu.vector_load %arg7[%swap3A_581] {strides = array<i32>} : memref<2048xf32, #tpu.memory_space<vmem>>, vector<16xf32>,
      tpu.vector_store %arg7[%swap3A_581], %add3A_580 {strides = array<i32>} : memref<2048xf32, #tpu.memory_space<vmem>>, vector<16xf32>,
      %get3A_583 = arith.index_cast %scan3A_264 : i32 to index
      %get3A_584 = arith.constant 272 : index
      %get3A_585 = tpu.vector_load %arg6[%get3A_583, %get3A_584] {strides = array<i32>} : memref<16x1024xi32, #tpu.memory_space<vmem>>, vector<16xi32>,
      %gather3A_586 = tpu.vector_load_idx %arg5[%get3A_585] : memref<100000xf32, #tpu.memory_space<vmem>>[vector<16xi32>], vector<16xf32>,
      %add3A_587 = arith.addf %add3A_571, %gather3A_586 : vector<16xf32>
      %get3A_588 = arith.constant 272 : index
      %get3A_589 = tpu.vector_load %arg7[%get3A_588] {strides = array<i32>} : memref<2048xf32, #tpu.memory_space<vmem>>, vector<16xf32>,
      %add3A_590 = arith.addf %get3A_589, %gather3A_586 : vector<16xf32>
      %swap3A_591 = arith.constant 272 : index
      %swap3A_592 = tpu.vector_load %arg7[%swap3A_591] {strides = array<i32>} : memref<2048xf32, #tpu.memory_space<vmem>>, vector<16xf32>,
      tpu.vector_store %arg7[%swap3A_591], %add3A_590 {strides = array<i32>} : memref<2048xf32, #tpu.memory_space<vmem>>, vector<16xf32>,
      %get3A_593 = arith.constant 1296 : index
      %get3A_594 = tpu.vector_load %arg7[%get3A_593] {strides = array<i32>} : memref<2048xf32, #tpu.memory_space<vmem>>, vector<16xf32>,
      %mul3A_595 = arith.mulf %gather3A_586, %gather3A_586 : vector<16xf32>
      %add3A_596 = arith.addf %get3A_594, %mul3A_595 : vector<16xf32>
      %swap3A_597 = arith.constant 1296 : index
      %swap3A_598 = tpu.vector_load %arg7[%swap3A_597] {strides = array<i32>} : memref<2048xf32, #tpu.memory_space<vmem>>, vector<16xf32>,
      tpu.vector_store %arg7[%swap3A_597], %add3A_596 {strides = array<i32>} : memref<2048xf32, #tpu.memory_space<vmem>>, vector<16xf32>,
      %get3A_599 = arith.index_cast %scan3A_264 : i32 to index
      %get3A_600 = arith.constant 288 : index
      %get3A_601 = tpu.vector_load %arg6[%get3A_599, %get3A_600] {strides = array<i32>} : memref<16x1024xi32, #tpu.memory_space<vmem>>, vector<16xi32>,
      %gather3A_602 = tpu.vector_load_idx %arg5[%get3A_601] : memref<100000xf32, #tpu.memory_space<vmem>>[vector<16xi32>], vector<16xf32>,
      %add3A_603 = arith.addf %add3A_587, %gather3A_602 : vector<16xf32>
      %get3A_604 = arith.constant 288 : index
      %get3A_605 = tpu.vector_load %arg7[%get3A_604] {strides = array<i32>} : memref<2048xf32, #tpu.memory_space<vmem>>, vector<16xf32>,
      %add3A_606 = arith.addf %get3A_605, %gather3A_602 : vector<16xf32>
      %swap3A_607 = arith.constant 288 : index
      %swap3A_608 = tpu.vector_load %arg7[%swap3A_607] {strides = array<i32>} : memref<2048xf32, #tpu.memory_space<vmem>>, vector<16xf32>,
      tpu.vector_store %arg7[%swap3A_607], %add3A_606 {strides = array<i32>} : memref<2048xf32, #tpu.memory_space<vmem>>, vector<16xf32>,
      %get3A_609 = arith.constant 1312 : index
      %get3A_610 = tpu.vector_load %arg7[%get3A_609] {strides = array<i32>} : memref<2048xf32, #tpu.memory_space<vmem>>, vector<16xf32>,
      %mul3A_611 = arith.mulf %gather3A_602, %gather3A_602 : vector<16xf32>
      %add3A_612 = arith.addf %get3A_610, %mul3A_611 : vector<16xf32>
      %swap3A_613 = arith.constant 1312 : index
      %swap3A_614 = tpu.vector_load %arg7[%swap3A_613] {strides = array<i32>} : memref<2048xf32, #tpu.memory_space<vmem>>, vector<16xf32>,
      tpu.vector_store %arg7[%swap3A_613], %add3A_612 {strides = array<i32>} : memref<2048xf32, #tpu.memory_space<vmem>>, vector<16xf32>,
      %get3A_615 = arith.index_cast %scan3A_264 : i32 to index
      %get3A_616 = arith.constant 304 : index
      %get3A_617 = tpu.vector_load %arg6[%get3A_615, %get3A_616] {strides = array<i32>} : memref<16x1024xi32, #tpu.memory_space<vmem>>, vector<16xi32>,
      %gather3A_618 = tpu.vector_load_idx %arg5[%get3A_617] : memref<100000xf32, #tpu.memory_space<vmem>>[vector<16xi32>], vector<16xf32>,
      %add3A_619 = arith.addf %add3A_603, %gather3A_618 : vector<16xf32>
      %get3A_620 = arith.constant 304 : index
      %get3A_621 = tpu.vector_load %arg7[%get3A_620] {strides = array<i32>} : memref<2048xf32, #tpu.memory_space<vmem>>, vector<16xf32>,
      %add3A_622 = arith.addf %get3A_621, %gather3A_618 : vector<16xf32>
      %swap3A_623 = arith.constant 304 : index
      %swap3A_624 = tpu.vector_load %arg7[%swap3A_623] {strides = array<i32>} : memref<2048xf32, #tpu.memory_space<vmem>>, vector<16xf32>,
      tpu.vector_store %arg7[%swap3A_623], %add3A_622 {strides = array<i32>} : memref<2048xf32, #tpu.memory_space<vmem>>, vector<16xf32>,
      %get3A_625 = arith.constant 1328 : index
      %get3A_626 = tpu.vector_load %arg7[%get3A_625] {strides = array<i32>} : memref<2048xf32, #tpu.memory_space<vmem>>, vector<16xf32>,
      %mul3A_627 = arith.mulf %gather3A_618, %gather3A_618 : vector<16xf32>
      %add3A_628 = arith.addf %get3A_626, %mul3A_627 : vector<16xf32>
      %swap3A_629 = arith.constant 1328 : index
      %swap3A_630 = tpu.vector_load %arg7[%swap3A_629] {strides = array<i32>} : memref<2048xf32, #tpu.memory_space<vmem>>, vector<16xf32>,
      tpu.vector_store %arg7[%swap3A_629], %add3A_628 {strides = array<i32>} : memref<2048xf32, #tpu.memory_space<vmem>>, vector<16xf32>,
      %get3A_631 = arith.index_cast %scan3A_264 : i32 to index
      %get3A_632 = arith.constant 320 : index
      %get3A_633 = tpu.vector_load %arg6[%get3A_631, %get3A_632] {strides = array<i32>} : memref<16x1024xi32, #tpu.memory_space<vmem>>, vector<16xi32>,
      %gather3A_634 = tpu.vector_load_idx %arg5[%get3A_633] : memref<100000xf32, #tpu.memory_space<vmem>>[vector<16xi32>], vector<16xf32>,
      %add3A_635 = arith.addf %add3A_619, %gather3A_634 : vector<16xf32>
      %get3A_636 = arith.constant 320 : index
      %get3A_637 = tpu.vector_load %arg7[%get3A_636] {strides = array<i32>} : memref<2048xf32, #tpu.memory_space<vmem>>, vector<16xf32>,
      %add3A_638 = arith.addf %get3A_637, %gather3A_634 : vector<16xf32>
      %swap3A_639 = arith.constant 320 : index
      %swap3A_640 = tpu.vector_load %arg7[%swap3A_639] {strides = array<i32>} : memref<2048xf32, #tpu.memory_space<vmem>>, vector<16xf32>,
      tpu.vector_store %arg7[%swap3A_639], %add3A_638 {strides = array<i32>} : memref<2048xf32, #tpu.memory_space<vmem>>, vector<16xf32>,
      %get3A_641 = arith.constant 1344 : index
      %get3A_642 = tpu.vector_load %arg7[%get3A_641] {strides = array<i32>} : memref<2048xf32, #tpu.memory_space<vmem>>, vector<16xf32>,
      %mul3A_643 = arith.mulf %gather3A_634, %gather3A_634 : vector<16xf32>
      %add3A_644 = arith.addf %get3A_642, %mul3A_643 : vector<16xf32>
      %swap3A_645 = arith.constant 1344 : index
      %swap3A_646 = tpu.vector_load %arg7[%swap3A_645] {strides = array<i32>} : memref<2048xf32, #tpu.memory_space<vmem>>, vector<16xf32>,
      tpu.vector_store %arg7[%swap3A_645], %add3A_644 {strides = array<i32>} : memref<2048xf32, #tpu.memory_space<vmem>>, vector<16xf32>,
      %get3A_647 = arith.index_cast %scan3A_264 : i32 to index
      %get3A_648 = arith.constant 336 : index
      %get3A_649 = tpu.vector_load %arg6[%get3A_647, %get3A_648] {strides = array<i32>} : memref<16x1024xi32, #tpu.memory_space<vmem>>, vector<16xi32>,
      %gather3A_650 = tpu.vector_load_idx %arg5[%get3A_649] : memref<100000xf32, #tpu.memory_space<vmem>>[vector<16xi32>], vector<16xf32>,
      %add3A_651 = arith.addf %add3A_635, %gather3A_650 : vector<16xf32>
      %get3A_652 = arith.constant 336 : index
      %get3A_653 = tpu.vector_load %arg7[%get3A_652] {strides = array<i32>} : memref<2048xf32, #tpu.memory_space<vmem>>, vector<16xf32>,
      %add3A_654 = arith.addf %get3A_653, %gather3A_650 : vector<16xf32>
      %swap3A_655 = arith.constant 336 : index
      %swap3A_656 = tpu.vector_load %arg7[%swap3A_655] {strides = array<i32>} : memref<2048xf32, #tpu.memory_space<vmem>>, vector<16xf32>,
      tpu.vector_store %arg7[%swap3A_655], %add3A_654 {strides = array<i32>} : memref<2048xf32, #tpu.memory_space<vmem>>, vector<16xf32>,
      %get3A_657 = arith.constant 1360 : index
      %get3A_658 = tpu.vector_load %arg7[%get3A_657] {strides = array<i32>} : memref<2048xf32, #tpu.memory_space<vmem>>, vector<16xf32>,
      %mul3A_659 = arith.mulf %gather3A_650, %gather3A_650 : vector<16xf32>
      %add3A_660 = arith.addf %get3A_658, %mul3A_659 : vector<16xf32>
      %swap3A_661 = arith.constant 1360 : index
      %swap3A_662 = tpu.vector_load %arg7[%swap3A_661] {strides = array<i32>} : memref<2048xf32, #tpu.memory_space<vmem>>, vector<16xf32>,
      tpu.vector_store %arg7[%swap3A_661], %add3A_660 {strides = array<i32>} : memref<2048xf32, #tpu.memory_space<vmem>>, vector<16xf32>,
      %get3A_663 = arith.index_cast %scan3A_264 : i32 to index
      %get3A_664 = arith.constant 352 : index
      %get3A_665 = tpu.vector_load %arg6[%get3A_663, %get3A_664] {strides = array<i32>} : memref<16x1024xi32, #tpu.memory_space<vmem>>, vector<16xi32>,
      %gather3A_666 = tpu.vector_load_idx %arg5[%get3A_665] : memref<100000xf32, #tpu.memory_space<vmem>>[vector<16xi32>], vector<16xf32>,
      %add3A_667 = arith.addf %add3A_651, %gather3A_666 : vector<16xf32>
      %get3A_668 = arith.constant 352 : index
      %get3A_669 = tpu.vector_load %arg7[%get3A_668] {strides = array<i32>} : memref<2048xf32, #tpu.memory_space<vmem>>, vector<16xf32>,
      %add3A_670 = arith.addf %get3A_669, %gather3A_666 : vector<16xf32>
      %swap3A_671 = arith.constant 352 : index
      %swap3A_672 = tpu.vector_load %arg7[%swap3A_671] {strides = array<i32>} : memref<2048xf32, #tpu.memory_space<vmem>>, vector<16xf32>,
      tpu.vector_store %arg7[%swap3A_671], %add3A_670 {strides = array<i32>} : memref<2048xf32, #tpu.memory_space<vmem>>, vector<16xf32>,
      %get3A_673 = arith.constant 1376 : index
      %get3A_674 = tpu.vector_load %arg7[%get3A_673] {strides = array<i32>} : memref<2048xf32, #tpu.memory_space<vmem>>, vector<16xf32>,
      %mul3A_675 = arith.mulf %gather3A_666, %gather3A_666 : vector<16xf32>
      %add3A_676 = arith.addf %get3A_674, %mul3A_675 : vector<16xf32>
      %swap3A_677 = arith.constant 1376 : index
      %swap3A_678 = tpu.vector_load %arg7[%swap3A_677] {strides = array<i32>} : memref<2048xf32, #tpu.memory_space<vmem>>, vector<16xf32>,
      tpu.vector_store %arg7[%swap3A_677], %add3A_676 {strides = array<i32>} : memref<2048xf32, #tpu.memory_space<vmem>>, vector<16xf32>,
      %get3A_679 = arith.index_cast %scan3A_264 : i32 to index
      %get3A_680 = arith.constant 368 : index
      %get3A_681 = tpu.vector_load %arg6[%get3A_679, %get3A_680] {strides = array<i32>} : memref<16x1024xi32, #tpu.memory_space<vmem>>, vector<16xi32>,
      %gather3A_682 = tpu.vector_load_idx %arg5[%get3A_681] : memref<100000xf32, #tpu.memory_space<vmem>>[vector<16xi32>], vector<16xf32>,
      %add3A_683 = arith.addf %add3A_667, %gather3A_682 : vector<16xf32>
      %get3A_684 = arith.constant 368 : index
      %get3A_685 = tpu.vector_load %arg7[%get3A_684] {strides = array<i32>} : memref<2048xf32, #tpu.memory_space<vmem>>, vector<16xf32>,
      %add3A_686 = arith.addf %get3A_685, %gather3A_682 : vector<16xf32>
      %swap3A_687 = arith.constant 368 : index
      %swap3A_688 = tpu.vector_load %arg7[%swap3A_687] {strides = array<i32>} : memref<2048xf32, #tpu.memory_space<vmem>>, vector<16xf32>,
      tpu.vector_store %arg7[%swap3A_687], %add3A_686 {strides = array<i32>} : memref<2048xf32, #tpu.memory_space<vmem>>, vector<16xf32>,
      %get3A_689 = arith.constant 1392 : index
      %get3A_690 = tpu.vector_load %arg7[%get3A_689] {strides = array<i32>} : memref<2048xf32, #tpu.memory_space<vmem>>, vector<16xf32>,
      %mul3A_691 = arith.mulf %gather3A_682, %gather3A_682 : vector<16xf32>
      %add3A_692 = arith.addf %get3A_690, %mul3A_691 : vector<16xf32>
      %swap3A_693 = arith.constant 1392 : index
      %swap3A_694 = tpu.vector_load %arg7[%swap3A_693] {strides = array<i32>} : memref<2048xf32, #tpu.memory_space<vmem>>, vector<16xf32>,
      tpu.vector_store %arg7[%swap3A_693], %add3A_692 {strides = array<i32>} : memref<2048xf32, #tpu.memory_space<vmem>>, vector<16xf32>,
      %get3A_695 = arith.index_cast %scan3A_264 : i32 to index
      %get3A_696 = arith.constant 384 : index
      %get3A_697 = tpu.vector_load %arg6[%get3A_695, %get3A_696] {strides = array<i32>} : memref<16x1024xi32, #tpu.memory_space<vmem>>, vector<16xi32>,
      %gather3A_698 = tpu.vector_load_idx %arg5[%get3A_697] : memref<100000xf32, #tpu.memory_space<vmem>>[vector<16xi32>], vector<16xf32>,
      %add3A_699 = arith.addf %add3A_683, %gather3A_698 : vector<16xf32>
      %get3A_700 = arith.constant 384 : index
      %get3A_701 = tpu.vector_load %arg7[%get3A_700] {strides = array<i32>} : memref<2048xf32, #tpu.memory_space<vmem>>, vector<16xf32>,
      %add3A_702 = arith.addf %get3A_701, %gather3A_698 : vector<16xf32>
      %swap3A_703 = arith.constant 384 : index
      %swap3A_704 = tpu.vector_load %arg7[%swap3A_703] {strides = array<i32>} : memref<2048xf32, #tpu.memory_space<vmem>>, vector<16xf32>,
      tpu.vector_store %arg7[%swap3A_703], %add3A_702 {strides = array<i32>} : memref<2048xf32, #tpu.memory_space<vmem>>, vector<16xf32>,
      %get3A_705 = arith.constant 1408 : index
      %get3A_706 = tpu.vector_load %arg7[%get3A_705] {strides = array<i32>} : memref<2048xf32, #tpu.memory_space<vmem>>, vector<16xf32>,
      %mul3A_707 = arith.mulf %gather3A_698, %gather3A_698 : vector<16xf32>
      %add3A_708 = arith.addf %get3A_706, %mul3A_707 : vector<16xf32>
      %swap3A_709 = arith.constant 1408 : index
      %swap3A_710 = tpu.vector_load %arg7[%swap3A_709] {strides = array<i32>} : memref<2048xf32, #tpu.memory_space<vmem>>, vector<16xf32>,
      tpu.vector_store %arg7[%swap3A_709], %add3A_708 {strides = array<i32>} : memref<2048xf32, #tpu.memory_space<vmem>>, vector<16xf32>,
      %get3A_711 = arith.index_cast %scan3A_264 : i32 to index
      %get3A_712 = arith.constant 400 : index
      %get3A_713 = tpu.vector_load %arg6[%get3A_711, %get3A_712] {strides = array<i32>} : memref<16x1024xi32, #tpu.memory_space<vmem>>, vector<16xi32>,
      %gather3A_714 = tpu.vector_load_idx %arg5[%get3A_713] : memref<100000xf32, #tpu.memory_space<vmem>>[vector<16xi32>], vector<16xf32>,
      %add3A_715 = arith.addf %add3A_699, %gather3A_714 : vector<16xf32>
      %get3A_716 = arith.constant 400 : index
      %get3A_717 = tpu.vector_load %arg7[%get3A_716] {strides = array<i32>} : memref<2048xf32, #tpu.memory_space<vmem>>, vector<16xf32>,
      %add3A_718 = arith.addf %get3A_717, %gather3A_714 : vector<16xf32>
      %swap3A_719 = arith.constant 400 : index
      %swap3A_720 = tpu.vector_load %arg7[%swap3A_719] {strides = array<i32>} : memref<2048xf32, #tpu.memory_space<vmem>>, vector<16xf32>,
      tpu.vector_store %arg7[%swap3A_719], %add3A_718 {strides = array<i32>} : memref<2048xf32, #tpu.memory_space<vmem>>, vector<16xf32>,
      %get3A_721 = arith.constant 1424 : index
      %get3A_722 = tpu.vector_load %arg7[%get3A_721] {strides = array<i32>} : memref<2048xf32, #tpu.memory_space<vmem>>, vector<16xf32>,
      %mul3A_723 = arith.mulf %gather3A_714, %gather3A_714 : vector<16xf32>
      %add3A_724 = arith.addf %get3A_722, %mul3A_723 : vector<16xf32>
      %swap3A_725 = arith.constant 1424 : index
      %swap3A_726 = tpu.vector_load %arg7[%swap3A_725] {strides = array<i32>} : memref<2048xf32, #tpu.memory_space<vmem>>, vector<16xf32>,
      tpu.vector_store %arg7[%swap3A_725], %add3A_724 {strides = array<i32>} : memref<2048xf32, #tpu.memory_space<vmem>>, vector<16xf32>,
      %get3A_727 = arith.index_cast %scan3A_264 : i32 to index
      %get3A_728 = arith.constant 416 : index
      %get3A_729 = tpu.vector_load %arg6[%get3A_727, %get3A_728] {strides = array<i32>} : memref<16x1024xi32, #tpu.memory_space<vmem>>, vector<16xi32>,
      %gather3A_730 = tpu.vector_load_idx %arg5[%get3A_729] : memref<100000xf32, #tpu.memory_space<vmem>>[vector<16xi32>], vector<16xf32>,
      %add3A_731 = arith.addf %add3A_715, %gather3A_730 : vector<16xf32>
      %get3A_732 = arith.constant 416 : index
      %get3A_733 = tpu.vector_load %arg7[%get3A_732] {strides = array<i32>} : memref<2048xf32, #tpu.memory_space<vmem>>, vector<16xf32>,
      %add3A_734 = arith.addf %get3A_733, %gather3A_730 : vector<16xf32>
      %swap3A_735 = arith.constant 416 : index
      %swap3A_736 = tpu.vector_load %arg7[%swap3A_735] {strides = array<i32>} : memref<2048xf32, #tpu.memory_space<vmem>>, vector<16xf32>,
      tpu.vector_store %arg7[%swap3A_735], %add3A_734 {strides = array<i32>} : memref<2048xf32, #tpu.memory_space<vmem>>, vector<16xf32>,
      %get3A_737 = arith.constant 1440 : index
      %get3A_738 = tpu.vector_load %arg7[%get3A_737] {strides = array<i32>} : memref<2048xf32, #tpu.memory_space<vmem>>, vector<16xf32>,
      %mul3A_739 = arith.mulf %gather3A_730, %gather3A_730 : vector<16xf32>
      %add3A_740 = arith.addf %get3A_738, %mul3A_739 : vector<16xf32>
      %swap3A_741 = arith.constant 1440 : index
      %swap3A_742 = tpu.vector_load %arg7[%swap3A_741] {strides = array<i32>} : memref<2048xf32, #tpu.memory_space<vmem>>, vector<16xf32>,
      tpu.vector_store %arg7[%swap3A_741], %add3A_740 {strides = array<i32>} : memref<2048xf32, #tpu.memory_space<vmem>>, vector<16xf32>,
      %get3A_743 = arith.index_cast %scan3A_264 : i32 to index
      %get3A_744 = arith.constant 432 : index
      %get3A_745 = tpu.vector_load %arg6[%get3A_743, %get3A_744] {strides = array<i32>} : memref<16x1024xi32, #tpu.memory_space<vmem>>, vector<16xi32>,
      %gather3A_746 = tpu.vector_load_idx %arg5[%get3A_745] : memref<100000xf32, #tpu.memory_space<vmem>>[vector<16xi32>], vector<16xf32>,
      %add3A_747 = arith.addf %add3A_731, %gather3A_746 : vector<16xf32>
      %get3A_748 = arith.constant 432 : index
      %get3A_749 = tpu.vector_load %arg7[%get3A_748] {strides = array<i32>} : memref<2048xf32, #tpu.memory_space<vmem>>, vector<16xf32>,
      %add3A_750 = arith.addf %get3A_749, %gather3A_746 : vector<16xf32>
      %swap3A_751 = arith.constant 432 : index
      %swap3A_752 = tpu.vector_load %arg7[%swap3A_751] {strides = array<i32>} : memref<2048xf32, #tpu.memory_space<vmem>>, vector<16xf32>,
      tpu.vector_store %arg7[%swap3A_751], %add3A_750 {strides = array<i32>} : memref<2048xf32, #tpu.memory_space<vmem>>, vector<16xf32>,
      %get3A_753 = arith.constant 1456 : index
      %get3A_754 = tpu.vector_load %arg7[%get3A_753] {strides = array<i32>} : memref<2048xf32, #tpu.memory_space<vmem>>, vector<16xf32>,
      %mul3A_755 = arith.mulf %gather3A_746, %gather3A_746 : vector<16xf32>
      %add3A_756 = arith.addf %get3A_754, %mul3A_755 : vector<16xf32>
      %swap3A_757 = arith.constant 1456 : index
      %swap3A_758 = tpu.vector_load %arg7[%swap3A_757] {strides = array<i32>} : memref<2048xf32, #tpu.memory_space<vmem>>, vector<16xf32>,
      tpu.vector_store %arg7[%swap3A_757], %add3A_756 {strides = array<i32>} : memref<2048xf32, #tpu.memory_space<vmem>>, vector<16xf32>,
      %get3A_759 = arith.index_cast %scan3A_264 : i32 to index
      %get3A_760 = arith.constant 448 : index
      %get3A_761 = tpu.vector_load %arg6[%get3A_759, %get3A_760] {strides = array<i32>} : memref<16x1024xi32, #tpu.memory_space<vmem>>, vector<16xi32>,
      %gather3A_762 = tpu.vector_load_idx %arg5[%get3A_761] : memref<100000xf32, #tpu.memory_space<vmem>>[vector<16xi32>], vector<16xf32>,
      %add3A_763 = arith.addf %add3A_747, %gather3A_762 : vector<16xf32>
      %get3A_764 = arith.constant 448 : index
      %get3A_765 = tpu.vector_load %arg7[%get3A_764] {strides = array<i32>} : memref<2048xf32, #tpu.memory_space<vmem>>, vector<16xf32>,
      %add3A_766 = arith.addf %get3A_765, %gather3A_762 : vector<16xf32>
      %swap3A_767 = arith.constant 448 : index
      %swap3A_768 = tpu.vector_load %arg7[%swap3A_767] {strides = array<i32>} : memref<2048xf32, #tpu.memory_space<vmem>>, vector<16xf32>,
      tpu.vector_store %arg7[%swap3A_767], %add3A_766 {strides = array<i32>} : memref<2048xf32, #tpu.memory_space<vmem>>, vector<16xf32>,
      %get3A_769 = arith.constant 1472 : index
      %get3A_770 = tpu.vector_load %arg7[%get3A_769] {strides = array<i32>} : memref<2048xf32, #tpu.memory_space<vmem>>, vector<16xf32>,
      %mul3A_771 = arith.mulf %gather3A_762, %gather3A_762 : vector<16xf32>
      %add3A_772 = arith.addf %get3A_770, %mul3A_771 : vector<16xf32>
      %swap3A_773 = arith.constant 1472 : index
      %swap3A_774 = tpu.vector_load %arg7[%swap3A_773] {strides = array<i32>} : memref<2048xf32, #tpu.memory_space<vmem>>, vector<16xf32>,
      tpu.vector_store %arg7[%swap3A_773], %add3A_772 {strides = array<i32>} : memref<2048xf32, #tpu.memory_space<vmem>>, vector<16xf32>,
      %get3A_775 = arith.index_cast %scan3A_264 : i32 to index
      %get3A_776 = arith.constant 464 : index
      %get3A_777 = tpu.vector_load %arg6[%get3A_775, %get3A_776] {strides = array<i32>} : memref<16x1024xi32, #tpu.memory_space<vmem>>, vector<16xi32>,
      %gather3A_778 = tpu.vector_load_idx %arg5[%get3A_777] : memref<100000xf32, #tpu.memory_space<vmem>>[vector<16xi32>], vector<16xf32>,
      %add3A_779 = arith.addf %add3A_763, %gather3A_778 : vector<16xf32>
      %get3A_780 = arith.constant 464 : index
      %get3A_781 = tpu.vector_load %arg7[%get3A_780] {strides = array<i32>} : memref<2048xf32, #tpu.memory_space<vmem>>, vector<16xf32>,
      %add3A_782 = arith.addf %get3A_781, %gather3A_778 : vector<16xf32>
      %swap3A_783 = arith.constant 464 : index
      %swap3A_784 = tpu.vector_load %arg7[%swap3A_783] {strides = array<i32>} : memref<2048xf32, #tpu.memory_space<vmem>>, vector<16xf32>,
      tpu.vector_store %arg7[%swap3A_783], %add3A_782 {strides = array<i32>} : memref<2048xf32, #tpu.memory_space<vmem>>, vector<16xf32>,
      %get3A_785 = arith.constant 1488 : index
      %get3A_786 = tpu.vector_load %arg7[%get3A_785] {strides = array<i32>} : memref<2048xf32, #tpu.memory_space<vmem>>, vector<16xf32>,
      %mul3A_787 = arith.mulf %gather3A_778, %gather3A_778 : vector<16xf32>
      %add3A_788 = arith.addf %get3A_786, %mul3A_787 : vector<16xf32>
      %swap3A_789 = arith.constant 1488 : index
      %swap3A_790 = tpu.vector_load %arg7[%swap3A_789] {strides = array<i32>} : memref<2048xf32, #tpu.memory_space<vmem>>, vector<16xf32>,
      tpu.vector_store %arg7[%swap3A_789], %add3A_788 {strides = array<i32>} : memref<2048xf32, #tpu.memory_space<vmem>>, vector<16xf32>,
      %get3A_791 = arith.index_cast %scan3A_264 : i32 to index
      %get3A_792 = arith.constant 480 : index
      %get3A_793 = tpu.vector_load %arg6[%get3A_791, %get3A_792] {strides = array<i32>} : memref<16x1024xi32, #tpu.memory_space<vmem>>, vector<16xi32>,
      %gather3A_794 = tpu.vector_load_idx %arg5[%get3A_793] : memref<100000xf32, #tpu.memory_space<vmem>>[vector<16xi32>], vector<16xf32>,
      %add3A_795 = arith.addf %add3A_779, %gather3A_794 : vector<16xf32>
      %get3A_796 = arith.constant 480 : index
      %get3A_797 = tpu.vector_load %arg7[%get3A_796] {strides = array<i32>} : memref<2048xf32, #tpu.memory_space<vmem>>, vector<16xf32>,
      %add3A_798 = arith.addf %get3A_797, %gather3A_794 : vector<16xf32>
      %swap3A_799 = arith.constant 480 : index
      %swap3A_800 = tpu.vector_load %arg7[%swap3A_799] {strides = array<i32>} : memref<2048xf32, #tpu.memory_space<vmem>>, vector<16xf32>,
      tpu.vector_store %arg7[%swap3A_799], %add3A_798 {strides = array<i32>} : memref<2048xf32, #tpu.memory_space<vmem>>, vector<16xf32>,
      %get3A_801 = arith.constant 1504 : index
      %get3A_802 = tpu.vector_load %arg7[%get3A_801] {strides = array<i32>} : memref<2048xf32, #tpu.memory_space<vmem>>, vector<16xf32>,
      %mul3A_803 = arith.mulf %gather3A_794, %gather3A_794 : vector<16xf32>
      %add3A_804 = arith.addf %get3A_802, %mul3A_803 : vector<16xf32>
      %swap3A_805 = arith.constant 1504 : index
      %swap3A_806 = tpu.vector_load %arg7[%swap3A_805] {strides = array<i32>} : memref<2048xf32, #tpu.memory_space<vmem>>, vector<16xf32>,
      tpu.vector_store %arg7[%swap3A_805], %add3A_804 {strides = array<i32>} : memref<2048xf32, #tpu.memory_space<vmem>>, vector<16xf32>,
      %get3A_807 = arith.index_cast %scan3A_264 : i32 to index
      %get3A_808 = arith.constant 496 : index
      %get3A_809 = tpu.vector_load %arg6[%get3A_807, %get3A_808] {strides = array<i32>} : memref<16x1024xi32, #tpu.memory_space<vmem>>, vector<16xi32>,
      %gather3A_810 = tpu.vector_load_idx %arg5[%get3A_809] : memref<100000xf32, #tpu.memory_space<vmem>>[vector<16xi32>], vector<16xf32>,
      %add3A_811 = arith.addf %add3A_795, %gather3A_810 : vector<16xf32>
      %get3A_812 = arith.constant 496 : index
      %get3A_813 = tpu.vector_load %arg7[%get3A_812] {strides = array<i32>} : memref<2048xf32, #tpu.memory_space<vmem>>, vector<16xf32>,
      %add3A_814 = arith.addf %get3A_813, %gather3A_810 : vector<16xf32>
      %swap3A_815 = arith.constant 496 : index
      %swap3A_816 = tpu.vector_load %arg7[%swap3A_815] {strides = array<i32>} : memref<2048xf32, #tpu.memory_space<vmem>>, vector<16xf32>,
      tpu.vector_store %arg7[%swap3A_815], %add3A_814 {strides = array<i32>} : memref<2048xf32, #tpu.memory_space<vmem>>, vector<16xf32>,
      %get3A_817 = arith.constant 1520 : index
      %get3A_818 = tpu.vector_load %arg7[%get3A_817] {strides = array<i32>} : memref<2048xf32, #tpu.memory_space<vmem>>, vector<16xf32>,
      %mul3A_819 = arith.mulf %gather3A_810, %gather3A_810 : vector<16xf32>
      %add3A_820 = arith.addf %get3A_818, %mul3A_819 : vector<16xf32>
      %swap3A_821 = arith.constant 1520 : index
      %swap3A_822 = tpu.vector_load %arg7[%swap3A_821] {strides = array<i32>} : memref<2048xf32, #tpu.memory_space<vmem>>, vector<16xf32>,
      tpu.vector_store %arg7[%swap3A_821], %add3A_820 {strides = array<i32>} : memref<2048xf32, #tpu.memory_space<vmem>>, vector<16xf32>,
      %get3A_823 = arith.index_cast %scan3A_264 : i32 to index
      %get3A_824 = arith.constant 512 : index
      %get3A_825 = tpu.vector_load %arg6[%get3A_823, %get3A_824] {strides = array<i32>} : memref<16x1024xi32, #tpu.memory_space<vmem>>, vector<16xi32>,
      %gather3A_826 = tpu.vector_load_idx %arg5[%get3A_825] : memref<100000xf32, #tpu.memory_space<vmem>>[vector<16xi32>], vector<16xf32>,
      %add3A_827 = arith.addf %add3A_811, %gather3A_826 : vector<16xf32>
      %get3A_828 = arith.constant 512 : index
      %get3A_829 = tpu.vector_load %arg7[%get3A_828] {strides = array<i32>} : memref<2048xf32, #tpu.memory_space<vmem>>, vector<16xf32>,
      %add3A_830 = arith.addf %get3A_829, %gather3A_826 : vector<16xf32>
      %swap3A_831 = arith.constant 512 : index
      %swap3A_832 = tpu.vector_load %arg7[%swap3A_831] {strides = array<i32>} : memref<2048xf32, #tpu.memory_space<vmem>>, vector<16xf32>,
      tpu.vector_store %arg7[%swap3A_831], %add3A_830 {strides = array<i32>} : memref<2048xf32, #tpu.memory_space<vmem>>, vector<16xf32>,
      %get3A_833 = arith.constant 1536 : index
      %get3A_834 = tpu.vector_load %arg7[%get3A_833] {strides = array<i32>} : memref<2048xf32, #tpu.memory_space<vmem>>, vector<16xf32>,
      %mul3A_835 = arith.mulf %gather3A_826, %gather3A_826 : vector<16xf32>
      %add3A_836 = arith.addf %get3A_834, %mul3A_835 : vector<16xf32>
      %swap3A_837 = arith.constant 1536 : index
      %swap3A_838 = tpu.vector_load %arg7[%swap3A_837] {strides = array<i32>} : memref<2048xf32, #tpu.memory_space<vmem>>, vector<16xf32>,
      tpu.vector_store %arg7[%swap3A_837], %add3A_836 {strides = array<i32>} : memref<2048xf32, #tpu.memory_space<vmem>>, vector<16xf32>,
      %get3A_839 = arith.index_cast %scan3A_264 : i32 to index
      %get3A_840 = arith.constant 528 : index
      %get3A_841 = tpu.vector_load %arg6[%get3A_839, %get3A_840] {strides = array<i32>} : memref<16x1024xi32, #tpu.memory_space<vmem>>, vector<16xi32>,
      %gather3A_842 = tpu.vector_load_idx %arg5[%get3A_841] : memref<100000xf32, #tpu.memory_space<vmem>>[vector<16xi32>], vector<16xf32>,
      %add3A_843 = arith.addf %add3A_827, %gather3A_842 : vector<16xf32>
      %get3A_844 = arith.constant 528 : index
      %get3A_845 = tpu.vector_load %arg7[%get3A_844] {strides = array<i32>} : memref<2048xf32, #tpu.memory_space<vmem>>, vector<16xf32>,
      %add3A_846 = arith.addf %get3A_845, %gather3A_842 : vector<16xf32>
      %swap3A_847 = arith.constant 528 : index
      %swap3A_848 = tpu.vector_load %arg7[%swap3A_847] {strides = array<i32>} : memref<2048xf32, #tpu.memory_space<vmem>>, vector<16xf32>,
      tpu.vector_store %arg7[%swap3A_847], %add3A_846 {strides = array<i32>} : memref<2048xf32, #tpu.memory_space<vmem>>, vector<16xf32>,
      %get3A_849 = arith.constant 1552 : index
      %get3A_850 = tpu.vector_load %arg7[%get3A_849] {strides = array<i32>} : memref<2048xf32, #tpu.memory_space<vmem>>, vector<16xf32>,
      %mul3A_851 = arith.mulf %gather3A_842, %gather3A_842 : vector<16xf32>
      %add3A_852 = arith.addf %get3A_850, %mul3A_851 : vector<16xf32>
      %swap3A_853 = arith.constant 1552 : index
      %swap3A_854 = tpu.vector_load %arg7[%swap3A_853] {strides = array<i32>} : memref<2048xf32, #tpu.memory_space<vmem>>, vector<16xf32>,
      tpu.vector_store %arg7[%swap3A_853], %add3A_852 {strides = array<i32>} : memref<2048xf32, #tpu.memory_space<vmem>>, vector<16xf32>,
      %get3A_855 = arith.index_cast %scan3A_264 : i32 to index
      %get3A_856 = arith.constant 544 : index
      %get3A_857 = tpu.vector_load %arg6[%get3A_855, %get3A_856] {strides = array<i32>} : memref<16x1024xi32, #tpu.memory_space<vmem>>, vector<16xi32>,
      %gather3A_858 = tpu.vector_load_idx %arg5[%get3A_857] : memref<100000xf32, #tpu.memory_space<vmem>>[vector<16xi32>], vector<16xf32>,
      %add3A_859 = arith.addf %add3A_843, %gather3A_858 : vector<16xf32>
      %get3A_860 = arith.constant 544 : index
      %get3A_861 = tpu.vector_load %arg7[%get3A_860] {strides = array<i32>} : memref<2048xf32, #tpu.memory_space<vmem>>, vector<16xf32>,
      %add3A_862 = arith.addf %get3A_861, %gather3A_858 : vector<16xf32>
      %swap3A_863 = arith.constant 544 : index
      %swap3A_864 = tpu.vector_load %arg7[%swap3A_863] {strides = array<i32>} : memref<2048xf32, #tpu.memory_space<vmem>>, vector<16xf32>,
      tpu.vector_store %arg7[%swap3A_863], %add3A_862 {strides = array<i32>} : memref<2048xf32, #tpu.memory_space<vmem>>, vector<16xf32>,
      %get3A_865 = arith.constant 1568 : index
      %get3A_866 = tpu.vector_load %arg7[%get3A_865] {strides = array<i32>} : memref<2048xf32, #tpu.memory_space<vmem>>, vector<16xf32>,
      %mul3A_867 = arith.mulf %gather3A_858, %gather3A_858 : vector<16xf32>
      %add3A_868 = arith.addf %get3A_866, %mul3A_867 : vector<16xf32>
      %swap3A_869 = arith.constant 1568 : index
      %swap3A_870 = tpu.vector_load %arg7[%swap3A_869] {strides = array<i32>} : memref<2048xf32, #tpu.memory_space<vmem>>, vector<16xf32>,
      tpu.vector_store %arg7[%swap3A_869], %add3A_868 {strides = array<i32>} : memref<2048xf32, #tpu.memory_space<vmem>>, vector<16xf32>,
      %get3A_871 = arith.index_cast %scan3A_264 : i32 to index
      %get3A_872 = arith.constant 560 : index
      %get3A_873 = tpu.vector_load %arg6[%get3A_871, %get3A_872] {strides = array<i32>} : memref<16x1024xi32, #tpu.memory_space<vmem>>, vector<16xi32>,
      %gather3A_874 = tpu.vector_load_idx %arg5[%get3A_873] : memref<100000xf32, #tpu.memory_space<vmem>>[vector<16xi32>], vector<16xf32>,
      %add3A_875 = arith.addf %add3A_859, %gather3A_874 : vector<16xf32>
      %get3A_876 = arith.constant 560 : index
      %get3A_877 = tpu.vector_load %arg7[%get3A_876] {strides = array<i32>} : memref<2048xf32, #tpu.memory_space<vmem>>, vector<16xf32>,
      %add3A_878 = arith.addf %get3A_877, %gather3A_874 : vector<16xf32>
      %swap3A_879 = arith.constant 560 : index
      %swap3A_880 = tpu.vector_load %arg7[%swap3A_879] {strides = array<i32>} : memref<2048xf32, #tpu.memory_space<vmem>>, vector<16xf32>,
      tpu.vector_store %arg7[%swap3A_879], %add3A_878 {strides = array<i32>} : memref<2048xf32, #tpu.memory_space<vmem>>, vector<16xf32>,
      %get3A_881 = arith.constant 1584 : index
      %get3A_882 = tpu.vector_load %arg7[%get3A_881] {strides = array<i32>} : memref<2048xf32, #tpu.memory_space<vmem>>, vector<16xf32>,
      %mul3A_883 = arith.mulf %gather3A_874, %gather3A_874 : vector<16xf32>
      %add3A_884 = arith.addf %get3A_882, %mul3A_883 : vector<16xf32>
      %swap3A_885 = arith.constant 1584 : index
      %swap3A_886 = tpu.vector_load %arg7[%swap3A_885] {strides = array<i32>} : memref<2048xf32, #tpu.memory_space<vmem>>, vector<16xf32>,
      tpu.vector_store %arg7[%swap3A_885], %add3A_884 {strides = array<i32>} : memref<2048xf32, #tpu.memory_space<vmem>>, vector<16xf32>,
      %get3A_887 = arith.index_cast %scan3A_264 : i32 to index
      %get3A_888 = arith.constant 576 : index
      %get3A_889 = tpu.vector_load %arg6[%get3A_887, %get3A_888] {strides = array<i32>} : memref<16x1024xi32, #tpu.memory_space<vmem>>, vector<16xi32>,
      %gather3A_890 = tpu.vector_load_idx %arg5[%get3A_889] : memref<100000xf32, #tpu.memory_space<vmem>>[vector<16xi32>], vector<16xf32>,
      %add3A_891 = arith.addf %add3A_875, %gather3A_890 : vector<16xf32>
      %get3A_892 = arith.constant 576 : index
      %get3A_893 = tpu.vector_load %arg7[%get3A_892] {strides = array<i32>} : memref<2048xf32, #tpu.memory_space<vmem>>, vector<16xf32>,
      %add3A_894 = arith.addf %get3A_893, %gather3A_890 : vector<16xf32>
      %swap3A_895 = arith.constant 576 : index
      %swap3A_896 = tpu.vector_load %arg7[%swap3A_895] {strides = array<i32>} : memref<2048xf32, #tpu.memory_space<vmem>>, vector<16xf32>,
      tpu.vector_store %arg7[%swap3A_895], %add3A_894 {strides = array<i32>} : memref<2048xf32, #tpu.memory_space<vmem>>, vector<16xf32>,
      %get3A_897 = arith.constant 1600 : index
      %get3A_898 = tpu.vector_load %arg7[%get3A_897] {strides = array<i32>} : memref<2048xf32, #tpu.memory_space<vmem>>, vector<16xf32>,
      %mul3A_899 = arith.mulf %gather3A_890, %gather3A_890 : vector<16xf32>
      %add3A_900 = arith.addf %get3A_898, %mul3A_899 : vector<16xf32>
      %swap3A_901 = arith.constant 1600 : index
      %swap3A_902 = tpu.vector_load %arg7[%swap3A_901] {strides = array<i32>} : memref<2048xf32, #tpu.memory_space<vmem>>, vector<16xf32>,
      tpu.vector_store %arg7[%swap3A_901], %add3A_900 {strides = array<i32>} : memref<2048xf32, #tpu.memory_space<vmem>>, vector<16xf32>,
      %get3A_903 = arith.index_cast %scan3A_264 : i32 to index
      %get3A_904 = arith.constant 592 : index
      %get3A_905 = tpu.vector_load %arg6[%get3A_903, %get3A_904] {strides = array<i32>} : memref<16x1024xi32, #tpu.memory_space<vmem>>, vector<16xi32>,
      %gather3A_906 = tpu.vector_load_idx %arg5[%get3A_905] : memref<100000xf32, #tpu.memory_space<vmem>>[vector<16xi32>], vector<16xf32>,
      %add3A_907 = arith.addf %add3A_891, %gather3A_906 : vector<16xf32>
      %get3A_908 = arith.constant 592 : index
      %get3A_909 = tpu.vector_load %arg7[%get3A_908] {strides = array<i32>} : memref<2048xf32, #tpu.memory_space<vmem>>, vector<16xf32>,
      %add3A_910 = arith.addf %get3A_909, %gather3A_906 : vector<16xf32>
      %swap3A_911 = arith.constant 592 : index
      %swap3A_912 = tpu.vector_load %arg7[%swap3A_911] {strides = array<i32>} : memref<2048xf32, #tpu.memory_space<vmem>>, vector<16xf32>,
      tpu.vector_store %arg7[%swap3A_911], %add3A_910 {strides = array<i32>} : memref<2048xf32, #tpu.memory_space<vmem>>, vector<16xf32>,
      %get3A_913 = arith.constant 1616 : index
      %get3A_914 = tpu.vector_load %arg7[%get3A_913] {strides = array<i32>} : memref<2048xf32, #tpu.memory_space<vmem>>, vector<16xf32>,
      %mul3A_915 = arith.mulf %gather3A_906, %gather3A_906 : vector<16xf32>
      %add3A_916 = arith.addf %get3A_914, %mul3A_915 : vector<16xf32>
      %swap3A_917 = arith.constant 1616 : index
      %swap3A_918 = tpu.vector_load %arg7[%swap3A_917] {strides = array<i32>} : memref<2048xf32, #tpu.memory_space<vmem>>, vector<16xf32>,
      tpu.vector_store %arg7[%swap3A_917], %add3A_916 {strides = array<i32>} : memref<2048xf32, #tpu.memory_space<vmem>>, vector<16xf32>,
      %get3A_919 = arith.index_cast %scan3A_264 : i32 to index
      %get3A_920 = arith.constant 608 : index
      %get3A_921 = tpu.vector_load %arg6[%get3A_919, %get3A_920] {strides = array<i32>} : memref<16x1024xi32, #tpu.memory_space<vmem>>, vector<16xi32>,
      %gather3A_922 = tpu.vector_load_idx %arg5[%get3A_921] : memref<100000xf32, #tpu.memory_space<vmem>>[vector<16xi32>], vector<16xf32>,
      %add3A_923 = arith.addf %add3A_907, %gather3A_922 : vector<16xf32>
      %get3A_924 = arith.constant 608 : index
      %get3A_925 = tpu.vector_load %arg7[%get3A_924] {strides = array<i32>} : memref<2048xf32, #tpu.memory_space<vmem>>, vector<16xf32>,
      %add3A_926 = arith.addf %get3A_925, %gather3A_922 : vector<16xf32>
      %swap3A_927 = arith.constant 608 : index
      %swap3A_928 = tpu.vector_load %arg7[%swap3A_927] {strides = array<i32>} : memref<2048xf32, #tpu.memory_space<vmem>>, vector<16xf32>,
      tpu.vector_store %arg7[%swap3A_927], %add3A_926 {strides = array<i32>} : memref<2048xf32, #tpu.memory_space<vmem>>, vector<16xf32>,
      %get3A_929 = arith.constant 1632 : index
      %get3A_930 = tpu.vector_load %arg7[%get3A_929] {strides = array<i32>} : memref<2048xf32, #tpu.memory_space<vmem>>, vector<16xf32>,
      %mul3A_931 = arith.mulf %gather3A_922, %gather3A_922 : vector<16xf32>
      %add3A_932 = arith.addf %get3A_930, %mul3A_931 : vector<16xf32>
      %swap3A_933 = arith.constant 1632 : index
      %swap3A_934 = tpu.vector_load %arg7[%swap3A_933] {strides = array<i32>} : memref<2048xf32, #tpu.memory_space<vmem>>, vector<16xf32>,
      tpu.vector_store %arg7[%swap3A_933], %add3A_932 {strides = array<i32>} : memref<2048xf32, #tpu.memory_space<vmem>>, vector<16xf32>,
      %get3A_935 = arith.index_cast %scan3A_264 : i32 to index
      %get3A_936 = arith.constant 624 : index
      %get3A_937 = tpu.vector_load %arg6[%get3A_935, %get3A_936] {strides = array<i32>} : memref<16x1024xi32, #tpu.memory_space<vmem>>, vector<16xi32>,
      %gather3A_938 = tpu.vector_load_idx %arg5[%get3A_937] : memref<100000xf32, #tpu.memory_space<vmem>>[vector<16xi32>], vector<16xf32>,
      %add3A_939 = arith.addf %add3A_923, %gather3A_938 : vector<16xf32>
      %get3A_940 = arith.constant 624 : index
      %get3A_941 = tpu.vector_load %arg7[%get3A_940] {strides = array<i32>} : memref<2048xf32, #tpu.memory_space<vmem>>, vector<16xf32>,
      %add3A_942 = arith.addf %get3A_941, %gather3A_938 : vector<16xf32>
      %swap3A_943 = arith.constant 624 : index
      %swap3A_944 = tpu.vector_load %arg7[%swap3A_943] {strides = array<i32>} : memref<2048xf32, #tpu.memory_space<vmem>>, vector<16xf32>,
      tpu.vector_store %arg7[%swap3A_943], %add3A_942 {strides = array<i32>} : memref<2048xf32, #tpu.memory_space<vmem>>, vector<16xf32>,
      %get3A_945 = arith.constant 1648 : index
      %get3A_946 = tpu.vector_load %arg7[%get3A_945] {strides = array<i32>} : memref<2048xf32, #tpu.memory_space<vmem>>, vector<16xf32>,
      %mul3A_947 = arith.mulf %gather3A_938, %gather3A_938 : vector<16xf32>
      %add3A_948 = arith.addf %get3A_946, %mul3A_947 : vector<16xf32>
      %swap3A_949 = arith.constant 1648 : index
      %swap3A_950 = tpu.vector_load %arg7[%swap3A_949] {strides = array<i32>} : memref<2048xf32, #tpu.memory_space<vmem>>, vector<16xf32>,
      tpu.vector_store %arg7[%swap3A_949], %add3A_948 {strides = array<i32>} : memref<2048xf32, #tpu.memory_space<vmem>>, vector<16xf32>,
      %get3A_951 = arith.index_cast %scan3A_264 : i32 to index
      %get3A_952 = arith.constant 640 : index
      %get3A_953 = tpu.vector_load %arg6[%get3A_951, %get3A_952] {strides = array<i32>} : memref<16x1024xi32, #tpu.memory_space<vmem>>, vector<16xi32>,
      %gather3A_954 = tpu.vector_load_idx %arg5[%get3A_953] : memref<100000xf32, #tpu.memory_space<vmem>>[vector<16xi32>], vector<16xf32>,
      %add3A_955 = arith.addf %add3A_939, %gather3A_954 : vector<16xf32>
      %get3A_956 = arith.constant 640 : index
      %get3A_957 = tpu.vector_load %arg7[%get3A_956] {strides = array<i32>} : memref<2048xf32, #tpu.memory_space<vmem>>, vector<16xf32>,
      %add3A_958 = arith.addf %get3A_957, %gather3A_954 : vector<16xf32>
      %swap3A_959 = arith.constant 640 : index
      %swap3A_960 = tpu.vector_load %arg7[%swap3A_959] {strides = array<i32>} : memref<2048xf32, #tpu.memory_space<vmem>>, vector<16xf32>,
      tpu.vector_store %arg7[%swap3A_959], %add3A_958 {strides = array<i32>} : memref<2048xf32, #tpu.memory_space<vmem>>, vector<16xf32>,
      %get3A_961 = arith.constant 1664 : index
      %get3A_962 = tpu.vector_load %arg7[%get3A_961] {strides = array<i32>} : memref<2048xf32, #tpu.memory_space<vmem>>, vector<16xf32>,
      %mul3A_963 = arith.mulf %gather3A_954, %gather3A_954 : vector<16xf32>
      %add3A_964 = arith.addf %get3A_962, %mul3A_963 : vector<16xf32>
      %swap3A_965 = arith.constant 1664 : index
      %swap3A_966 = tpu.vector_load %arg7[%swap3A_965] {strides = array<i32>} : memref<2048xf32, #tpu.memory_space<vmem>>, vector<16xf32>,
      tpu.vector_store %arg7[%swap3A_965], %add3A_964 {strides = array<i32>} : memref<2048xf32, #tpu.memory_space<vmem>>, vector<16xf32>,
      %get3A_967 = arith.index_cast %scan3A_264 : i32 to index
      %get3A_968 = arith.constant 656 : index
      %get3A_969 = tpu.vector_load %arg6[%get3A_967, %get3A_968] {strides = array<i32>} : memref<16x1024xi32, #tpu.memory_space<vmem>>, vector<16xi32>,
      %gather3A_970 = tpu.vector_load_idx %arg5[%get3A_969] : memref<100000xf32, #tpu.memory_space<vmem>>[vector<16xi32>], vector<16xf32>,
      %add3A_971 = arith.addf %add3A_955, %gather3A_970 : vector<16xf32>
      %get3A_972 = arith.constant 656 : index
      %get3A_973 = tpu.vector_load %arg7[%get3A_972] {strides = array<i32>} : memref<2048xf32, #tpu.memory_space<vmem>>, vector<16xf32>,
      %add3A_974 = arith.addf %get3A_973, %gather3A_970 : vector<16xf32>
      %swap3A_975 = arith.constant 656 : index
      %swap3A_976 = tpu.vector_load %arg7[%swap3A_975] {strides = array<i32>} : memref<2048xf32, #tpu.memory_space<vmem>>, vector<16xf32>,
      tpu.vector_store %arg7[%swap3A_975], %add3A_974 {strides = array<i32>} : memref<2048xf32, #tpu.memory_space<vmem>>, vector<16xf32>,
      %get3A_977 = arith.constant 1680 : index
      %get3A_978 = tpu.vector_load %arg7[%get3A_977] {strides = array<i32>} : memref<2048xf32, #tpu.memory_space<vmem>>, vector<16xf32>,
      %mul3A_979 = arith.mulf %gather3A_970, %gather3A_970 : vector<16xf32>
      %add3A_980 = arith.addf %get3A_978, %mul3A_979 : vector<16xf32>
      %swap3A_981 = arith.constant 1680 : index
      %swap3A_982 = tpu.vector_load %arg7[%swap3A_981] {strides = array<i32>} : memref<2048xf32, #tpu.memory_space<vmem>>, vector<16xf32>,
      tpu.vector_store %arg7[%swap3A_981], %add3A_980 {strides = array<i32>} : memref<2048xf32, #tpu.memory_space<vmem>>, vector<16xf32>,
      %get3A_983 = arith.index_cast %scan3A_264 : i32 to index
      %get3A_984 = arith.constant 672 : index
      %get3A_985 = tpu.vector_load %arg6[%get3A_983, %get3A_984] {strides = array<i32>} : memref<16x1024xi32, #tpu.memory_space<vmem>>, vector<16xi32>,
      %gather3A_986 = tpu.vector_load_idx %arg5[%get3A_985] : memref<100000xf32, #tpu.memory_space<vmem>>[vector<16xi32>], vector<16xf32>,
      %add3A_987 = arith.addf %add3A_971, %gather3A_986 : vector<16xf32>
      %get3A_988 = arith.constant 672 : index
      %get3A_989 = tpu.vector_load %arg7[%get3A_988] {strides = array<i32>} : memref<2048xf32, #tpu.memory_space<vmem>>, vector<16xf32>,
      %add3A_990 = arith.addf %get3A_989, %gather3A_986 : vector<16xf32>
      %swap3A_991 = arith.constant 672 : index
      %swap3A_992 = tpu.vector_load %arg7[%swap3A_991] {strides = array<i32>} : memref<2048xf32, #tpu.memory_space<vmem>>, vector<16xf32>,
      tpu.vector_store %arg7[%swap3A_991], %add3A_990 {strides = array<i32>} : memref<2048xf32, #tpu.memory_space<vmem>>, vector<16xf32>,
      %get3A_993 = arith.constant 1696 : index
      %get3A_994 = tpu.vector_load %arg7[%get3A_993] {strides = array<i32>} : memref<2048xf32, #tpu.memory_space<vmem>>, vector<16xf32>,
      %mul3A_995 = arith.mulf %gather3A_986, %gather3A_986 : vector<16xf32>
      %add3A_996 = arith.addf %get3A_994, %mul3A_995 : vector<16xf32>
      %swap3A_997 = arith.constant 1696 : index
      %swap3A_998 = tpu.vector_load %arg7[%swap3A_997] {strides = array<i32>} : memref<2048xf32, #tpu.memory_space<vmem>>, vector<16xf32>,
      tpu.vector_store %arg7[%swap3A_997], %add3A_996 {strides = array<i32>} : memref<2048xf32, #tpu.memory_space<vmem>>, vector<16xf32>,
      %get3A_999 = arith.index_cast %scan3A_264 : i32 to index
      %get3A_1000 = arith.constant 688 : index
      %get3A_1001 = tpu.vector_load %arg6[%get3A_999, %get3A_1000] {strides = array<i32>} : memref<16x1024xi32, #tpu.memory_space<vmem>>, vector<16xi32>,
      %gather3A_1002 = tpu.vector_load_idx %arg5[%get3A_1001] : memref<100000xf32, #tpu.memory_space<vmem>>[vector<16xi32>], vector<16xf32>,
      %add3A_1003 = arith.addf %add3A_987, %gather3A_1002 : vector<16xf32>
      %get3A_1004 = arith.constant 688 : index
      %get3A_1005 = tpu.vector_load %arg7[%get3A_1004] {strides = array<i32>} : memref<2048xf32, #tpu.memory_space<vmem>>, vector<16xf32>,
      %add3A_1006 = arith.addf %get3A_1005, %gather3A_1002 : vector<16xf32>
      %swap3A_1007 = arith.constant 688 : index
      %swap3A_1008 = tpu.vector_load %arg7[%swap3A_1007] {strides = array<i32>} : memref<2048xf32, #tpu.memory_space<vmem>>, vector<16xf32>,
      tpu.vector_store %arg7[%swap3A_1007], %add3A_1006 {strides = array<i32>} : memref<2048xf32, #tpu.memory_space<vmem>>, vector<16xf32>,
      %get3A_1009 = arith.constant 1712 : index
      %get3A_1010 = tpu.vector_load %arg7[%get3A_1009] {strides = array<i32>} : memref<2048xf32, #tpu.memory_space<vmem>>, vector<16xf32>,
      %mul3A_1011 = arith.mulf %gather3A_1002, %gather3A_1002 : vector<16xf32>
      %add3A_1012 = arith.addf %get3A_1010, %mul3A_1011 : vector<16xf32>
      %swap3A_1013 = arith.constant 1712 : index
      %swap3A_1014 = tpu.vector_load %arg7[%swap3A_1013] {strides = array<i32>} : memref<2048xf32, #tpu.memory_space<vmem>>, vector<16xf32>,
      tpu.vector_store %arg7[%swap3A_1013], %add3A_1012 {strides = array<i32>} : memref<2048xf32, #tpu.memory_space<vmem>>, vector<16xf32>,
      %get3A_1015 = arith.index_cast %scan3A_264 : i32 to index
      %get3A_1016 = arith.constant 704 : index
      %get3A_1017 = tpu.vector_load %arg6[%get3A_1015, %get3A_1016] {strides = array<i32>} : memref<16x1024xi32, #tpu.memory_space<vmem>>, vector<16xi32>,
      %gather3A_1018 = tpu.vector_load_idx %arg5[%get3A_1017] : memref<100000xf32, #tpu.memory_space<vmem>>[vector<16xi32>], vector<16xf32>,
      %add3A_1019 = arith.addf %add3A_1003, %gather3A_1018 : vector<16xf32>
      %get3A_1020 = arith.constant 704 : index
      %get3A_1021 = tpu.vector_load %arg7[%get3A_1020] {strides = array<i32>} : memref<2048xf32, #tpu.memory_space<vmem>>, vector<16xf32>,
      %add3A_1022 = arith.addf %get3A_1021, %gather3A_1018 : vector<16xf32>
      %swap3A_1023 = arith.constant 704 : index
      %swap3A_1024 = tpu.vector_load %arg7[%swap3A_1023] {strides = array<i32>} : memref<2048xf32, #tpu.memory_space<vmem>>, vector<16xf32>,
      tpu.vector_store %arg7[%swap3A_1023], %add3A_1022 {strides = array<i32>} : memref<2048xf32, #tpu.memory_space<vmem>>, vector<16xf32>,
      %get3A_1025 = arith.constant 1728 : index
      %get3A_1026 = tpu.vector_load %arg7[%get3A_1025] {strides = array<i32>} : memref<2048xf32, #tpu.memory_space<vmem>>, vector<16xf32>,
      %mul3A_1027 = arith.mulf %gather3A_1018, %gather3A_1018 : vector<16xf32>
      %add3A_1028 = arith.addf %get3A_1026, %mul3A_1027 : vector<16xf32>
      %swap3A_1029 = arith.constant 1728 : index
      %swap3A_1030 = tpu.vector_load %arg7[%swap3A_1029] {strides = array<i32>} : memref<2048xf32, #tpu.memory_space<vmem>>, vector<16xf32>,
      tpu.vector_store %arg7[%swap3A_1029], %add3A_1028 {strides = array<i32>} : memref<2048xf32, #tpu.memory_space<vmem>>, vector<16xf32>,
      %get3A_1031 = arith.index_cast %scan3A_264 : i32 to index
      %get3A_1032 = arith.constant 720 : index
      %get3A_1033 = tpu.vector_load %arg6[%get3A_1031, %get3A_1032] {strides = array<i32>} : memref<16x1024xi32, #tpu.memory_space<vmem>>, vector<16xi32>,
      %gather3A_1034 = tpu.vector_load_idx %arg5[%get3A_1033] : memref<100000xf32, #tpu.memory_space<vmem>>[vector<16xi32>], vector<16xf32>,
      %add3A_1035 = arith.addf %add3A_1019, %gather3A_1034 : vector<16xf32>
      %get3A_1036 = arith.constant 720 : index
      %get3A_1037 = tpu.vector_load %arg7[%get3A_1036] {strides = array<i32>} : memref<2048xf32, #tpu.memory_space<vmem>>, vector<16xf32>,
      %add3A_1038 = arith.addf %get3A_1037, %gather3A_1034 : vector<16xf32>
      %swap3A_1039 = arith.constant 720 : index
      %swap3A_1040 = tpu.vector_load %arg7[%swap3A_1039] {strides = array<i32>} : memref<2048xf32, #tpu.memory_space<vmem>>, vector<16xf32>,
      tpu.vector_store %arg7[%swap3A_1039], %add3A_1038 {strides = array<i32>} : memref<2048xf32, #tpu.memory_space<vmem>>, vector<16xf32>,
      %get3A_1041 = arith.constant 1744 : index
      %get3A_1042 = tpu.vector_load %arg7[%get3A_1041] {strides = array<i32>} : memref<2048xf32, #tpu.memory_space<vmem>>, vector<16xf32>,
      %mul3A_1043 = arith.mulf %gather3A_1034, %gather3A_1034 : vector<16xf32>
      %add3A_1044 = arith.addf %get3A_1042, %mul3A_1043 : vector<16xf32>
      %swap3A_1045 = arith.constant 1744 : index
      %swap3A_1046 = tpu.vector_load %arg7[%swap3A_1045] {strides = array<i32>} : memref<2048xf32, #tpu.memory_space<vmem>>, vector<16xf32>,
      tpu.vector_store %arg7[%swap3A_1045], %add3A_1044 {strides = array<i32>} : memref<2048xf32, #tpu.memory_space<vmem>>, vector<16xf32>,
      %get3A_1047 = arith.index_cast %scan3A_264 : i32 to index
      %get3A_1048 = arith.constant 736 : index
      %get3A_1049 = tpu.vector_load %arg6[%get3A_1047, %get3A_1048] {strides = array<i32>} : memref<16x1024xi32, #tpu.memory_space<vmem>>, vector<16xi32>,
      %gather3A_1050 = tpu.vector_load_idx %arg5[%get3A_1049] : memref<100000xf32, #tpu.memory_space<vmem>>[vector<16xi32>], vector<16xf32>,
      %add3A_1051 = arith.addf %add3A_1035, %gather3A_1050 : vector<16xf32>
      %get3A_1052 = arith.constant 736 : index
      %get3A_1053 = tpu.vector_load %arg7[%get3A_1052] {strides = array<i32>} : memref<2048xf32, #tpu.memory_space<vmem>>, vector<16xf32>,
      %add3A_1054 = arith.addf %get3A_1053, %gather3A_1050 : vector<16xf32>
      %swap3A_1055 = arith.constant 736 : index
      %swap3A_1056 = tpu.vector_load %arg7[%swap3A_1055] {strides = array<i32>} : memref<2048xf32, #tpu.memory_space<vmem>>, vector<16xf32>,
      tpu.vector_store %arg7[%swap3A_1055], %add3A_1054 {strides = array<i32>} : memref<2048xf32, #tpu.memory_space<vmem>>, vector<16xf32>,
      %get3A_1057 = arith.constant 1760 : index
      %get3A_1058 = tpu.vector_load %arg7[%get3A_1057] {strides = array<i32>} : memref<2048xf32, #tpu.memory_space<vmem>>, vector<16xf32>,
      %mul3A_1059 = arith.mulf %gather3A_1050, %gather3A_1050 : vector<16xf32>
      %add3A_1060 = arith.addf %get3A_1058, %mul3A_1059 : vector<16xf32>
      %swap3A_1061 = arith.constant 1760 : index
      %swap3A_1062 = tpu.vector_load %arg7[%swap3A_1061] {strides = array<i32>} : memref<2048xf32, #tpu.memory_space<vmem>>, vector<16xf32>,
      tpu.vector_store %arg7[%swap3A_1061], %add3A_1060 {strides = array<i32>} : memref<2048xf32, #tpu.memory_space<vmem>>, vector<16xf32>,
      %get3A_1063 = arith.index_cast %scan3A_264 : i32 to index
      %get3A_1064 = arith.constant 752 : index
      %get3A_1065 = tpu.vector_load %arg6[%get3A_1063, %get3A_1064] {strides = array<i32>} : memref<16x1024xi32, #tpu.memory_space<vmem>>, vector<16xi32>,
      %gather3A_1066 = tpu.vector_load_idx %arg5[%get3A_1065] : memref<100000xf32, #tpu.memory_space<vmem>>[vector<16xi32>], vector<16xf32>,
      %add3A_1067 = arith.addf %add3A_1051, %gather3A_1066 : vector<16xf32>
      %get3A_1068 = arith.constant 752 : index
      %get3A_1069 = tpu.vector_load %arg7[%get3A_1068] {strides = array<i32>} : memref<2048xf32, #tpu.memory_space<vmem>>, vector<16xf32>,
      %add3A_1070 = arith.addf %get3A_1069, %gather3A_1066 : vector<16xf32>
      %swap3A_1071 = arith.constant 752 : index
      %swap3A_1072 = tpu.vector_load %arg7[%swap3A_1071] {strides = array<i32>} : memref<2048xf32, #tpu.memory_space<vmem>>, vector<16xf32>,
      tpu.vector_store %arg7[%swap3A_1071], %add3A_1070 {strides = array<i32>} : memref<2048xf32, #tpu.memory_space<vmem>>, vector<16xf32>,
      %get3A_1073 = arith.constant 1776 : index
      %get3A_1074 = tpu.vector_load %arg7[%get3A_1073] {strides = array<i32>} : memref<2048xf32, #tpu.memory_space<vmem>>, vector<16xf32>,
      %mul3A_1075 = arith.mulf %gather3A_1066, %gather3A_1066 : vector<16xf32>
      %add3A_1076 = arith.addf %get3A_1074, %mul3A_1075 : vector<16xf32>
      %swap3A_1077 = arith.constant 1776 : index
      %swap3A_1078 = tpu.vector_load %arg7[%swap3A_1077] {strides = array<i32>} : memref<2048xf32, #tpu.memory_space<vmem>>, vector<16xf32>,
      tpu.vector_store %arg7[%swap3A_1077], %add3A_1076 {strides = array<i32>} : memref<2048xf32, #tpu.memory_space<vmem>>, vector<16xf32>,
      %get3A_1079 = arith.index_cast %scan3A_264 : i32 to index
      %get3A_1080 = arith.constant 768 : index
      %get3A_1081 = tpu.vector_load %arg6[%get3A_1079, %get3A_1080] {strides = array<i32>} : memref<16x1024xi32, #tpu.memory_space<vmem>>, vector<16xi32>,
      %gather3A_1082 = tpu.vector_load_idx %arg5[%get3A_1081] : memref<100000xf32, #tpu.memory_space<vmem>>[vector<16xi32>], vector<16xf32>,
      %add3A_1083 = arith.addf %add3A_1067, %gather3A_1082 : vector<16xf32>
      %get3A_1084 = arith.constant 768 : index
      %get3A_1085 = tpu.vector_load %arg7[%get3A_1084] {strides = array<i32>} : memref<2048xf32, #tpu.memory_space<vmem>>, vector<16xf32>,
      %add3A_1086 = arith.addf %get3A_1085, %gather3A_1082 : vector<16xf32>
      %swap3A_1087 = arith.constant 768 : index
      %swap3A_1088 = tpu.vector_load %arg7[%swap3A_1087] {strides = array<i32>} : memref<2048xf32, #tpu.memory_space<vmem>>, vector<16xf32>,
      tpu.vector_store %arg7[%swap3A_1087], %add3A_1086 {strides = array<i32>} : memref<2048xf32, #tpu.memory_space<vmem>>, vector<16xf32>,
      %get3A_1089 = arith.constant 1792 : index
      %get3A_1090 = tpu.vector_load %arg7[%get3A_1089] {strides = array<i32>} : memref<2048xf32, #tpu.memory_space<vmem>>, vector<16xf32>,
      %mul3A_1091 = arith.mulf %gather3A_1082, %gather3A_1082 : vector<16xf32>
      %add3A_1092 = arith.addf %get3A_1090, %mul3A_1091 : vector<16xf32>
      %swap3A_1093 = arith.constant 1792 : index
      %swap3A_1094 = tpu.vector_load %arg7[%swap3A_1093] {strides = array<i32>} : memref<2048xf32, #tpu.memory_space<vmem>>, vector<16xf32>,
      tpu.vector_store %arg7[%swap3A_1093], %add3A_1092 {strides = array<i32>} : memref<2048xf32, #tpu.memory_space<vmem>>, vector<16xf32>,
      %get3A_1095 = arith.index_cast %scan3A_264 : i32 to index
      %get3A_1096 = arith.constant 784 : index
      %get3A_1097 = tpu.vector_load %arg6[%get3A_1095, %get3A_1096] {strides = array<i32>} : memref<16x1024xi32, #tpu.memory_space<vmem>>, vector<16xi32>,
      %gather3A_1098 = tpu.vector_load_idx %arg5[%get3A_1097] : memref<100000xf32, #tpu.memory_space<vmem>>[vector<16xi32>], vector<16xf32>,
      %add3A_1099 = arith.addf %add3A_1083, %gather3A_1098 : vector<16xf32>
      %get3A_1100 = arith.constant 784 : index
      %get3A_1101 = tpu.vector_load %arg7[%get3A_1100] {strides = array<i32>} : memref<2048xf32, #tpu.memory_space<vmem>>, vector<16xf32>,
      %add3A_1102 = arith.addf %get3A_1101, %gather3A_1098 : vector<16xf32>
      %swap3A_1103 = arith.constant 784 : index
      %swap3A_1104 = tpu.vector_load %arg7[%swap3A_1103] {strides = array<i32>} : memref<2048xf32, #tpu.memory_space<vmem>>, vector<16xf32>,
      tpu.vector_store %arg7[%swap3A_1103], %add3A_1102 {strides = array<i32>} : memref<2048xf32, #tpu.memory_space<vmem>>, vector<16xf32>,
      %get3A_1105 = arith.constant 1808 : index
      %get3A_1106 = tpu.vector_load %arg7[%get3A_1105] {strides = array<i32>} : memref<2048xf32, #tpu.memory_space<vmem>>, vector<16xf32>,
      %mul3A_1107 = arith.mulf %gather3A_1098, %gather3A_1098 : vector<16xf32>
      %add3A_1108 = arith.addf %get3A_1106, %mul3A_1107 : vector<16xf32>
      %swap3A_1109 = arith.constant 1808 : index
      %swap3A_1110 = tpu.vector_load %arg7[%swap3A_1109] {strides = array<i32>} : memref<2048xf32, #tpu.memory_space<vmem>>, vector<16xf32>,
      tpu.vector_store %arg7[%swap3A_1109], %add3A_1108 {strides = array<i32>} : memref<2048xf32, #tpu.memory_space<vmem>>, vector<16xf32>,
      %get3A_1111 = arith.index_cast %scan3A_264 : i32 to index
      %get3A_1112 = arith.constant 800 : index
      %get3A_1113 = tpu.vector_load %arg6[%get3A_1111, %get3A_1112] {strides = array<i32>} : memref<16x1024xi32, #tpu.memory_space<vmem>>, vector<16xi32>,
      %gather3A_1114 = tpu.vector_load_idx %arg5[%get3A_1113] : memref<100000xf32, #tpu.memory_space<vmem>>[vector<16xi32>], vector<16xf32>,
      %add3A_1115 = arith.addf %add3A_1099, %gather3A_1114 : vector<16xf32>
      %get3A_1116 = arith.constant 800 : index
      %get3A_1117 = tpu.vector_load %arg7[%get3A_1116] {strides = array<i32>} : memref<2048xf32, #tpu.memory_space<vmem>>, vector<16xf32>,
      %add3A_1118 = arith.addf %get3A_1117, %gather3A_1114 : vector<16xf32>
      %swap3A_1119 = arith.constant 800 : index
      %swap3A_1120 = tpu.vector_load %arg7[%swap3A_1119] {strides = array<i32>} : memref<2048xf32, #tpu.memory_space<vmem>>, vector<16xf32>,
      tpu.vector_store %arg7[%swap3A_1119], %add3A_1118 {strides = array<i32>} : memref<2048xf32, #tpu.memory_space<vmem>>, vector<16xf32>,
      %get3A_1121 = arith.constant 1824 : index
      %get3A_1122 = tpu.vector_load %arg7[%get3A_1121] {strides = array<i32>} : memref<2048xf32, #tpu.memory_space<vmem>>, vector<16xf32>,
      %mul3A_1123 = arith.mulf %gather3A_1114, %gather3A_1114 : vector<16xf32>
      %add3A_1124 = arith.addf %get3A_1122, %mul3A_1123 : vector<16xf32>
      %swap3A_1125 = arith.constant 1824 : index
      %swap3A_1126 = tpu.vector_load %arg7[%swap3A_1125] {strides = array<i32>} : memref<2048xf32, #tpu.memory_space<vmem>>, vector<16xf32>,
      tpu.vector_store %arg7[%swap3A_1125], %add3A_1124 {strides = array<i32>} : memref<2048xf32, #tpu.memory_space<vmem>>, vector<16xf32>,
      %get3A_1127 = arith.index_cast %scan3A_264 : i32 to index
      %get3A_1128 = arith.constant 816 : index
      %get3A_1129 = tpu.vector_load %arg6[%get3A_1127, %get3A_1128] {strides = array<i32>} : memref<16x1024xi32, #tpu.memory_space<vmem>>, vector<16xi32>,
      %gather3A_1130 = tpu.vector_load_idx %arg5[%get3A_1129] : memref<100000xf32, #tpu.memory_space<vmem>>[vector<16xi32>], vector<16xf32>,
      %add3A_1131 = arith.addf %add3A_1115, %gather3A_1130 : vector<16xf32>
      %get3A_1132 = arith.constant 816 : index
      %get3A_1133 = tpu.vector_load %arg7[%get3A_1132] {strides = array<i32>} : memref<2048xf32, #tpu.memory_space<vmem>>, vector<16xf32>,
      %add3A_1134 = arith.addf %get3A_1133, %gather3A_1130 : vector<16xf32>
      %swap3A_1135 = arith.constant 816 : index
      %swap3A_1136 = tpu.vector_load %arg7[%swap3A_1135] {strides = array<i32>} : memref<2048xf32, #tpu.memory_space<vmem>>, vector<16xf32>,
      tpu.vector_store %arg7[%swap3A_1135], %add3A_1134 {strides = array<i32>} : memref<2048xf32, #tpu.memory_space<vmem>>, vector<16xf32>,
      %get3A_1137 = arith.constant 1840 : index
      %get3A_1138 = tpu.vector_load %arg7[%get3A_1137] {strides = array<i32>} : memref<2048xf32, #tpu.memory_space<vmem>>, vector<16xf32>,
      %mul3A_1139 = arith.mulf %gather3A_1130, %gather3A_1130 : vector<16xf32>
      %add3A_1140 = arith.addf %get3A_1138, %mul3A_1139 : vector<16xf32>
      %swap3A_1141 = arith.constant 1840 : index
      %swap3A_1142 = tpu.vector_load %arg7[%swap3A_1141] {strides = array<i32>} : memref<2048xf32, #tpu.memory_space<vmem>>, vector<16xf32>,
      tpu.vector_store %arg7[%swap3A_1141], %add3A_1140 {strides = array<i32>} : memref<2048xf32, #tpu.memory_space<vmem>>, vector<16xf32>,
      %get3A_1143 = arith.index_cast %scan3A_264 : i32 to index
      %get3A_1144 = arith.constant 832 : index
      %get3A_1145 = tpu.vector_load %arg6[%get3A_1143, %get3A_1144] {strides = array<i32>} : memref<16x1024xi32, #tpu.memory_space<vmem>>, vector<16xi32>,
      %gather3A_1146 = tpu.vector_load_idx %arg5[%get3A_1145] : memref<100000xf32, #tpu.memory_space<vmem>>[vector<16xi32>], vector<16xf32>,
      %add3A_1147 = arith.addf %add3A_1131, %gather3A_1146 : vector<16xf32>
      %get3A_1148 = arith.constant 832 : index
      %get3A_1149 = tpu.vector_load %arg7[%get3A_1148] {strides = array<i32>} : memref<2048xf32, #tpu.memory_space<vmem>>, vector<16xf32>,
      %add3A_1150 = arith.addf %get3A_1149, %gather3A_1146 : vector<16xf32>
      %swap3A_1151 = arith.constant 832 : index
      %swap3A_1152 = tpu.vector_load %arg7[%swap3A_1151] {strides = array<i32>} : memref<2048xf32, #tpu.memory_space<vmem>>, vector<16xf32>,
      tpu.vector_store %arg7[%swap3A_1151], %add3A_1150 {strides = array<i32>} : memref<2048xf32, #tpu.memory_space<vmem>>, vector<16xf32>,
      %get3A_1153 = arith.constant 1856 : index
      %get3A_1154 = tpu.vector_load %arg7[%get3A_1153] {strides = array<i32>} : memref<2048xf32, #tpu.memory_space<vmem>>, vector<16xf32>,
      %mul3A_1155 = arith.mulf %gather3A_1146, %gather3A_1146 : vector<16xf32>
      %add3A_1156 = arith.addf %get3A_1154, %mul3A_1155 : vector<16xf32>
      %swap3A_1157 = arith.constant 1856 : index
      %swap3A_1158 = tpu.vector_load %arg7[%swap3A_1157] {strides = array<i32>} : memref<2048xf32, #tpu.memory_space<vmem>>, vector<16xf32>,
      tpu.vector_store %arg7[%swap3A_1157], %add3A_1156 {strides = array<i32>} : memref<2048xf32, #tpu.memory_space<vmem>>, vector<16xf32>,
      %get3A_1159 = arith.index_cast %scan3A_264 : i32 to index
      %get3A_1160 = arith.constant 848 : index
      %get3A_1161 = tpu.vector_load %arg6[%get3A_1159, %get3A_1160] {strides = array<i32>} : memref<16x1024xi32, #tpu.memory_space<vmem>>, vector<16xi32>,
      %gather3A_1162 = tpu.vector_load_idx %arg5[%get3A_1161] : memref<100000xf32, #tpu.memory_space<vmem>>[vector<16xi32>], vector<16xf32>,
      %add3A_1163 = arith.addf %add3A_1147, %gather3A_1162 : vector<16xf32>
      %get3A_1164 = arith.constant 848 : index
      %get3A_1165 = tpu.vector_load %arg7[%get3A_1164] {strides = array<i32>} : memref<2048xf32, #tpu.memory_space<vmem>>, vector<16xf32>,
      %add3A_1166 = arith.addf %get3A_1165, %gather3A_1162 : vector<16xf32>
      %swap3A_1167 = arith.constant 848 : index
      %swap3A_1168 = tpu.vector_load %arg7[%swap3A_1167] {strides = array<i32>} : memref<2048xf32, #tpu.memory_space<vmem>>, vector<16xf32>,
      tpu.vector_store %arg7[%swap3A_1167], %add3A_1166 {strides = array<i32>} : memref<2048xf32, #tpu.memory_space<vmem>>, vector<16xf32>,
      %get3A_1169 = arith.constant 1872 : index
      %get3A_1170 = tpu.vector_load %arg7[%get3A_1169] {strides = array<i32>} : memref<2048xf32, #tpu.memory_space<vmem>>, vector<16xf32>,
      %mul3A_1171 = arith.mulf %gather3A_1162, %gather3A_1162 : vector<16xf32>
      %add3A_1172 = arith.addf %get3A_1170, %mul3A_1171 : vector<16xf32>
      %swap3A_1173 = arith.constant 1872 : index
      %swap3A_1174 = tpu.vector_load %arg7[%swap3A_1173] {strides = array<i32>} : memref<2048xf32, #tpu.memory_space<vmem>>, vector<16xf32>,
      tpu.vector_store %arg7[%swap3A_1173], %add3A_1172 {strides = array<i32>} : memref<2048xf32, #tpu.memory_space<vmem>>, vector<16xf32>,
      %get3A_1175 = arith.index_cast %scan3A_264 : i32 to index
      %get3A_1176 = arith.constant 864 : index
      %get3A_1177 = tpu.vector_load %arg6[%get3A_1175, %get3A_1176] {strides = array<i32>} : memref<16x1024xi32, #tpu.memory_space<vmem>>, vector<16xi32>,
      %gather3A_1178 = tpu.vector_load_idx %arg5[%get3A_1177] : memref<100000xf32, #tpu.memory_space<vmem>>[vector<16xi32>], vector<16xf32>,
      %add3A_1179 = arith.addf %add3A_1163, %gather3A_1178 : vector<16xf32>
      %get3A_1180 = arith.constant 864 : index
      %get3A_1181 = tpu.vector_load %arg7[%get3A_1180] {strides = array<i32>} : memref<2048xf32, #tpu.memory_space<vmem>>, vector<16xf32>,
      %add3A_1182 = arith.addf %get3A_1181, %gather3A_1178 : vector<16xf32>
      %swap3A_1183 = arith.constant 864 : index
      %swap3A_1184 = tpu.vector_load %arg7[%swap3A_1183] {strides = array<i32>} : memref<2048xf32, #tpu.memory_space<vmem>>, vector<16xf32>,
      tpu.vector_store %arg7[%swap3A_1183], %add3A_1182 {strides = array<i32>} : memref<2048xf32, #tpu.memory_space<vmem>>, vector<16xf32>,
      %get3A_1185 = arith.constant 1888 : index
      %get3A_1186 = tpu.vector_load %arg7[%get3A_1185] {strides = array<i32>} : memref<2048xf32, #tpu.memory_space<vmem>>, vector<16xf32>,
      %mul3A_1187 = arith.mulf %gather3A_1178, %gather3A_1178 : vector<16xf32>
      %add3A_1188 = arith.addf %get3A_1186, %mul3A_1187 : vector<16xf32>
      %swap3A_1189 = arith.constant 1888 : index
      %swap3A_1190 = tpu.vector_load %arg7[%swap3A_1189] {strides = array<i32>} : memref<2048xf32, #tpu.memory_space<vmem>>, vector<16xf32>,
      tpu.vector_store %arg7[%swap3A_1189], %add3A_1188 {strides = array<i32>} : memref<2048xf32, #tpu.memory_space<vmem>>, vector<16xf32>,
      %get3A_1191 = arith.index_cast %scan3A_264 : i32 to index
      %get3A_1192 = arith.constant 880 : index
      %get3A_1193 = tpu.vector_load %arg6[%get3A_1191, %get3A_1192] {strides = array<i32>} : memref<16x1024xi32, #tpu.memory_space<vmem>>, vector<16xi32>,
      %gather3A_1194 = tpu.vector_load_idx %arg5[%get3A_1193] : memref<100000xf32, #tpu.memory_space<vmem>>[vector<16xi32>], vector<16xf32>,
      %add3A_1195 = arith.addf %add3A_1179, %gather3A_1194 : vector<16xf32>
      %get3A_1196 = arith.constant 880 : index
      %get3A_1197 = tpu.vector_load %arg7[%get3A_1196] {strides = array<i32>} : memref<2048xf32, #tpu.memory_space<vmem>>, vector<16xf32>,
      %add3A_1198 = arith.addf %get3A_1197, %gather3A_1194 : vector<16xf32>
      %swap3A_1199 = arith.constant 880 : index
      %swap3A_1200 = tpu.vector_load %arg7[%swap3A_1199] {strides = array<i32>} : memref<2048xf32, #tpu.memory_space<vmem>>, vector<16xf32>,
      tpu.vector_store %arg7[%swap3A_1199], %add3A_1198 {strides = array<i32>} : memref<2048xf32, #tpu.memory_space<vmem>>, vector<16xf32>,
      %get3A_1201 = arith.constant 1904 : index
      %get3A_1202 = tpu.vector_load %arg7[%get3A_1201] {strides = array<i32>} : memref<2048xf32, #tpu.memory_space<vmem>>, vector<16xf32>,
      %mul3A_1203 = arith.mulf %gather3A_1194, %gather3A_1194 : vector<16xf32>
      %add3A_1204 = arith.addf %get3A_1202, %mul3A_1203 : vector<16xf32>
      %swap3A_1205 = arith.constant 1904 : index
      %swap3A_1206 = tpu.vector_load %arg7[%swap3A_1205] {strides = array<i32>} : memref<2048xf32, #tpu.memory_space<vmem>>, vector<16xf32>,
      tpu.vector_store %arg7[%swap3A_1205], %add3A_1204 {strides = array<i32>} : memref<2048xf32, #tpu.memory_space<vmem>>, vector<16xf32>,
      %get3A_1207 = arith.index_cast %scan3A_264 : i32 to index
      %get3A_1208 = arith.constant 896 : index
      %get3A_1209 = tpu.vector_load %arg6[%get3A_1207, %get3A_1208] {strides = array<i32>} : memref<16x1024xi32, #tpu.memory_space<vmem>>, vector<16xi32>,
      %gather3A_1210 = tpu.vector_load_idx %arg5[%get3A_1209] : memref<100000xf32, #tpu.memory_space<vmem>>[vector<16xi32>], vector<16xf32>,
      %add3A_1211 = arith.addf %add3A_1195, %gather3A_1210 : vector<16xf32>
      %get3A_1212 = arith.constant 896 : index
      %get3A_1213 = tpu.vector_load %arg7[%get3A_1212] {strides = array<i32>} : memref<2048xf32, #tpu.memory_space<vmem>>, vector<16xf32>,
      %add3A_1214 = arith.addf %get3A_1213, %gather3A_1210 : vector<16xf32>
      %swap3A_1215 = arith.constant 896 : index
      %swap3A_1216 = tpu.vector_load %arg7[%swap3A_1215] {strides = array<i32>} : memref<2048xf32, #tpu.memory_space<vmem>>, vector<16xf32>,
      tpu.vector_store %arg7[%swap3A_1215], %add3A_1214 {strides = array<i32>} : memref<2048xf32, #tpu.memory_space<vmem>>, vector<16xf32>,
      %get3A_1217 = arith.constant 1920 : index
      %get3A_1218 = tpu.vector_load %arg7[%get3A_1217] {strides = array<i32>} : memref<2048xf32, #tpu.memory_space<vmem>>, vector<16xf32>,
      %mul3A_1219 = arith.mulf %gather3A_1210, %gather3A_1210 : vector<16xf32>
      %add3A_1220 = arith.addf %get3A_1218, %mul3A_1219 : vector<16xf32>
      %swap3A_1221 = arith.constant 1920 : index
      %swap3A_1222 = tpu.vector_load %arg7[%swap3A_1221] {strides = array<i32>} : memref<2048xf32, #tpu.memory_space<vmem>>, vector<16xf32>,
      tpu.vector_store %arg7[%swap3A_1221], %add3A_1220 {strides = array<i32>} : memref<2048xf32, #tpu.memory_space<vmem>>, vector<16xf32>,
      %get3A_1223 = arith.index_cast %scan3A_264 : i32 to index
      %get3A_1224 = arith.constant 912 : index
      %get3A_1225 = tpu.vector_load %arg6[%get3A_1223, %get3A_1224] {strides = array<i32>} : memref<16x1024xi32, #tpu.memory_space<vmem>>, vector<16xi32>,
      %gather3A_1226 = tpu.vector_load_idx %arg5[%get3A_1225] : memref<100000xf32, #tpu.memory_space<vmem>>[vector<16xi32>], vector<16xf32>,
      %add3A_1227 = arith.addf %add3A_1211, %gather3A_1226 : vector<16xf32>
      %get3A_1228 = arith.constant 912 : index
      %get3A_1229 = tpu.vector_load %arg7[%get3A_1228] {strides = array<i32>} : memref<2048xf32, #tpu.memory_space<vmem>>, vector<16xf32>,
      %add3A_1230 = arith.addf %get3A_1229, %gather3A_1226 : vector<16xf32>
      %swap3A_1231 = arith.constant 912 : index
      %swap3A_1232 = tpu.vector_load %arg7[%swap3A_1231] {strides = array<i32>} : memref<2048xf32, #tpu.memory_space<vmem>>, vector<16xf32>,
      tpu.vector_store %arg7[%swap3A_1231], %add3A_1230 {strides = array<i32>} : memref<2048xf32, #tpu.memory_space<vmem>>, vector<16xf32>,
      %get3A_1233 = arith.constant 1936 : index
      %get3A_1234 = tpu.vector_load %arg7[%get3A_1233] {strides = array<i32>} : memref<2048xf32, #tpu.memory_space<vmem>>, vector<16xf32>,
      %mul3A_1235 = arith.mulf %gather3A_1226, %gather3A_1226 : vector<16xf32>
      %add3A_1236 = arith.addf %get3A_1234, %mul3A_1235 : vector<16xf32>
      %swap3A_1237 = arith.constant 1936 : index
      %swap3A_1238 = tpu.vector_load %arg7[%swap3A_1237] {strides = array<i32>} : memref<2048xf32, #tpu.memory_space<vmem>>, vector<16xf32>,
      tpu.vector_store %arg7[%swap3A_1237], %add3A_1236 {strides = array<i32>} : memref<2048xf32, #tpu.memory_space<vmem>>, vector<16xf32>,
      %get3A_1239 = arith.index_cast %scan3A_264 : i32 to index
      %get3A_1240 = arith.constant 928 : index
      %get3A_1241 = tpu.vector_load %arg6[%get3A_1239, %get3A_1240] {strides = array<i32>} : memref<16x1024xi32, #tpu.memory_space<vmem>>, vector<16xi32>,
      %gather3A_1242 = tpu.vector_load_idx %arg5[%get3A_1241] : memref<100000xf32, #tpu.memory_space<vmem>>[vector<16xi32>], vector<16xf32>,
      %add3A_1243 = arith.addf %add3A_1227, %gather3A_1242 : vector<16xf32>
      %get3A_1244 = arith.constant 928 : index
      %get3A_1245 = tpu.vector_load %arg7[%get3A_1244] {strides = array<i32>} : memref<2048xf32, #tpu.memory_space<vmem>>, vector<16xf32>,
      %add3A_1246 = arith.addf %get3A_1245, %gather3A_1242 : vector<16xf32>
      %swap3A_1247 = arith.constant 928 : index
      %swap3A_1248 = tpu.vector_load %arg7[%swap3A_1247] {strides = array<i32>} : memref<2048xf32, #tpu.memory_space<vmem>>, vector<16xf32>,
      tpu.vector_store %arg7[%swap3A_1247], %add3A_1246 {strides = array<i32>} : memref<2048xf32, #tpu.memory_space<vmem>>, vector<16xf32>,
      %get3A_1249 = arith.constant 1952 : index
      %get3A_1250 = tpu.vector_load %arg7[%get3A_1249] {strides = array<i32>} : memref<2048xf32, #tpu.memory_space<vmem>>, vector<16xf32>,
      %mul3A_1251 = arith.mulf %gather3A_1242, %gather3A_1242 : vector<16xf32>
      %add3A_1252 = arith.addf %get3A_1250, %mul3A_1251 : vector<16xf32>
      %swap3A_1253 = arith.constant 1952 : index
      %swap3A_1254 = tpu.vector_load %arg7[%swap3A_1253] {strides = array<i32>} : memref<2048xf32, #tpu.memory_space<vmem>>, vector<16xf32>,
      tpu.vector_store %arg7[%swap3A_1253], %add3A_1252 {strides = array<i32>} : memref<2048xf32, #tpu.memory_space<vmem>>, vector<16xf32>,
      %get3A_1255 = arith.index_cast %scan3A_264 : i32 to index
      %get3A_1256 = arith.constant 944 : index
      %get3A_1257 = tpu.vector_load %arg6[%get3A_1255, %get3A_1256] {strides = array<i32>} : memref<16x1024xi32, #tpu.memory_space<vmem>>, vector<16xi32>,
      %gather3A_1258 = tpu.vector_load_idx %arg5[%get3A_1257] : memref<100000xf32, #tpu.memory_space<vmem>>[vector<16xi32>], vector<16xf32>,
      %add3A_1259 = arith.addf %add3A_1243, %gather3A_1258 : vector<16xf32>
      %get3A_1260 = arith.constant 944 : index
      %get3A_1261 = tpu.vector_load %arg7[%get3A_1260] {strides = array<i32>} : memref<2048xf32, #tpu.memory_space<vmem>>, vector<16xf32>,
      %add3A_1262 = arith.addf %get3A_1261, %gather3A_1258 : vector<16xf32>
      %swap3A_1263 = arith.constant 944 : index
      %swap3A_1264 = tpu.vector_load %arg7[%swap3A_1263] {strides = array<i32>} : memref<2048xf32, #tpu.memory_space<vmem>>, vector<16xf32>,
      tpu.vector_store %arg7[%swap3A_1263], %add3A_1262 {strides = array<i32>} : memref<2048xf32, #tpu.memory_space<vmem>>, vector<16xf32>,
      %get3A_1265 = arith.constant 1968 : index
      %get3A_1266 = tpu.vector_load %arg7[%get3A_1265] {strides = array<i32>} : memref<2048xf32, #tpu.memory_space<vmem>>, vector<16xf32>,
      %mul3A_1267 = arith.mulf %gather3A_1258, %gather3A_1258 : vector<16xf32>
      %add3A_1268 = arith.addf %get3A_1266, %mul3A_1267 : vector<16xf32>
      %swap3A_1269 = arith.constant 1968 : index
      %swap3A_1270 = tpu.vector_load %arg7[%swap3A_1269] {strides = array<i32>} : memref<2048xf32, #tpu.memory_space<vmem>>, vector<16xf32>,
      tpu.vector_store %arg7[%swap3A_1269], %add3A_1268 {strides = array<i32>} : memref<2048xf32, #tpu.memory_space<vmem>>, vector<16xf32>,
      %get3A_1271 = arith.index_cast %scan3A_264 : i32 to index
      %get3A_1272 = arith.constant 960 : index
      %get3A_1273 = tpu.vector_load %arg6[%get3A_1271, %get3A_1272] {strides = array<i32>} : memref<16x1024xi32, #tpu.memory_space<vmem>>, vector<16xi32>,
      %gather3A_1274 = tpu.vector_load_idx %arg5[%get3A_1273] : memref<100000xf32, #tpu.memory_space<vmem>>[vector<16xi32>], vector<16xf32>,
      %add3A_1275 = arith.addf %add3A_1259, %gather3A_1274 : vector<16xf32>
      %get3A_1276 = arith.constant 960 : index
      %get3A_1277 = tpu.vector_load %arg7[%get3A_1276] {strides = array<i32>} : memref<2048xf32, #tpu.memory_space<vmem>>, vector<16xf32>,
      %add3A_1278 = arith.addf %get3A_1277, %gather3A_1274 : vector<16xf32>
      %swap3A_1279 = arith.constant 960 : index
      %swap3A_1280 = tpu.vector_load %arg7[%swap3A_1279] {strides = array<i32>} : memref<2048xf32, #tpu.memory_space<vmem>>, vector<16xf32>,
      tpu.vector_store %arg7[%swap3A_1279], %add3A_1278 {strides = array<i32>} : memref<2048xf32, #tpu.memory_space<vmem>>, vector<16xf32>,
      %get3A_1281 = arith.constant 1984 : index
      %get3A_1282 = tpu.vector_load %arg7[%get3A_1281] {strides = array<i32>} : memref<2048xf32, #tpu.memory_space<vmem>>, vector<16xf32>,
      %mul3A_1283 = arith.mulf %gather3A_1274, %gather3A_1274 : vector<16xf32>
      %add3A_1284 = arith.addf %get3A_1282, %mul3A_1283 : vector<16xf32>
      %swap3A_1285 = arith.constant 1984 : index
      %swap3A_1286 = tpu.vector_load %arg7[%swap3A_1285] {strides = array<i32>} : memref<2048xf32, #tpu.memory_space<vmem>>, vector<16xf32>,
      tpu.vector_store %arg7[%swap3A_1285], %add3A_1284 {strides = array<i32>} : memref<2048xf32, #tpu.memory_space<vmem>>, vector<16xf32>,
      %get3A_1287 = arith.index_cast %scan3A_264 : i32 to index
      %get3A_1288 = arith.constant 976 : index
      %get3A_1289 = tpu.vector_load %arg6[%get3A_1287, %get3A_1288] {strides = array<i32>} : memref<16x1024xi32, #tpu.memory_space<vmem>>, vector<16xi32>,
      %gather3A_1290 = tpu.vector_load_idx %arg5[%get3A_1289] : memref<100000xf32, #tpu.memory_space<vmem>>[vector<16xi32>], vector<16xf32>,
      %add3A_1291 = arith.addf %add3A_1275, %gather3A_1290 : vector<16xf32>
      %get3A_1292 = arith.constant 976 : index
      %get3A_1293 = tpu.vector_load %arg7[%get3A_1292] {strides = array<i32>} : memref<2048xf32, #tpu.memory_space<vmem>>, vector<16xf32>,
      %add3A_1294 = arith.addf %get3A_1293, %gather3A_1290 : vector<16xf32>
      %swap3A_1295 = arith.constant 976 : index
      %swap3A_1296 = tpu.vector_load %arg7[%swap3A_1295] {strides = array<i32>} : memref<2048xf32, #tpu.memory_space<vmem>>, vector<16xf32>,
      tpu.vector_store %arg7[%swap3A_1295], %add3A_1294 {strides = array<i32>} : memref<2048xf32, #tpu.memory_space<vmem>>, vector<16xf32>,
      %get3A_1297 = arith.constant 2000 : index
      %get3A_1298 = tpu.vector_load %arg7[%get3A_1297] {strides = array<i32>} : memref<2048xf32, #tpu.memory_space<vmem>>, vector<16xf32>,
      %mul3A_1299 = arith.mulf %gather3A_1290, %gather3A_1290 : vector<16xf32>
      %add3A_1300 = arith.addf %get3A_1298, %mul3A_1299 : vector<16xf32>
      %swap3A_1301 = arith.constant 2000 : index
      %swap3A_1302 = tpu.vector_load %arg7[%swap3A_1301] {strides = array<i32>} : memref<2048xf32, #tpu.memory_space<vmem>>, vector<16xf32>,
      tpu.vector_store %arg7[%swap3A_1301], %add3A_1300 {strides = array<i32>} : memref<2048xf32, #tpu.memory_space<vmem>>, vector<16xf32>,
      %get3A_1303 = arith.index_cast %scan3A_264 : i32 to index
      %get3A_1304 = arith.constant 992 : index
      %get3A_1305 = tpu.vector_load %arg6[%get3A_1303, %get3A_1304] {strides = array<i32>} : memref<16x1024xi32, #tpu.memory_space<vmem>>, vector<16xi32>,
      %gather3A_1306 = tpu.vector_load_idx %arg5[%get3A_1305] : memref<100000xf32, #tpu.memory_space<vmem>>[vector<16xi32>], vector<16xf32>,
      %add3A_1307 = arith.addf %add3A_1291, %gather3A_1306 : vector<16xf32>
      %get3A_1308 = arith.constant 992 : index
      %get3A_1309 = tpu.vector_load %arg7[%get3A_1308] {strides = array<i32>} : memref<2048xf32, #tpu.memory_space<vmem>>, vector<16xf32>,
      %add3A_1310 = arith.addf %get3A_1309, %gather3A_1306 : vector<16xf32>
      %swap3A_1311 = arith.constant 992 : index
      %swap3A_1312 = tpu.vector_load %arg7[%swap3A_1311] {strides = array<i32>} : memref<2048xf32, #tpu.memory_space<vmem>>, vector<16xf32>,
      tpu.vector_store %arg7[%swap3A_1311], %add3A_1310 {strides = array<i32>} : memref<2048xf32, #tpu.memory_space<vmem>>, vector<16xf32>,
      %get3A_1313 = arith.constant 2016 : index
      %get3A_1314 = tpu.vector_load %arg7[%get3A_1313] {strides = array<i32>} : memref<2048xf32, #tpu.memory_space<vmem>>, vector<16xf32>,
      %mul3A_1315 = arith.mulf %gather3A_1306, %gather3A_1306 : vector<16xf32>
      %add3A_1316 = arith.addf %get3A_1314, %mul3A_1315 : vector<16xf32>
      %swap3A_1317 = arith.constant 2016 : index
      %swap3A_1318 = tpu.vector_load %arg7[%swap3A_1317] {strides = array<i32>} : memref<2048xf32, #tpu.memory_space<vmem>>, vector<16xf32>,
      tpu.vector_store %arg7[%swap3A_1317], %add3A_1316 {strides = array<i32>} : memref<2048xf32, #tpu.memory_space<vmem>>, vector<16xf32>,
      %get3A_1319 = arith.index_cast %scan3A_264 : i32 to index
      %get3A_1320 = arith.constant 1008 : index
      %get3A_1321 = tpu.vector_load %arg6[%get3A_1319, %get3A_1320] {strides = array<i32>} : memref<16x1024xi32, #tpu.memory_space<vmem>>, vector<16xi32>,
      %gather3A_1322 = tpu.vector_load_idx %arg5[%get3A_1321] : memref<100000xf32, #tpu.memory_space<vmem>>[vector<16xi32>], vector<16xf32>,
      %add3A_1323 = arith.addf %add3A_1307, %gather3A_1322 : vector<16xf32>
      %get3A_1324 = arith.constant 1008 : index
      %get3A_1325 = tpu.vector_load %arg7[%get3A_1324] {strides = array<i32>} : memref<2048xf32, #tpu.memory_space<vmem>>, vector<16xf32>,
      %add3A_1326 = arith.addf %get3A_1325, %gather3A_1322 : vector<16xf32>
      %swap3A_1327 = arith.constant 1008 : index
      %swap3A_1328 = tpu.vector_load %arg7[%swap3A_1327] {strides = array<i32>} : memref<2048xf32, #tpu.memory_space<vmem>>, vector<16xf32>,
      tpu.vector_store %arg7[%swap3A_1327], %add3A_1326 {strides = array<i32>} : memref<2048xf32, #tpu.memory_space<vmem>>, vector<16xf32>,
      %get3A_1329 = arith.constant 2032 : index
      %get3A_1330 = tpu.vector_load %arg7[%get3A_1329] {strides = array<i32>} : memref<2048xf32, #tpu.memory_space<vmem>>, vector<16xf32>,
      %mul3A_1331 = arith.mulf %gather3A_1322, %gather3A_1322 : vector<16xf32>
      %add3A_1332 = arith.addf %get3A_1330, %mul3A_1331 : vector<16xf32>
      %swap3A_1333 = arith.constant 2032 : index
      %swap3A_1334 = tpu.vector_load %arg7[%swap3A_1333] {strides = array<i32>} : memref<2048xf32, #tpu.memory_space<vmem>>, vector<16xf32>,
      tpu.vector_store %arg7[%swap3A_1333], %add3A_1332 {strides = array<i32>} : memref<2048xf32, #tpu.memory_space<vmem>>, vector<16xf32>,
      scf.yield %add3A_1323 : vector<16xf32>
    }
    %scan3A_263 = arith.constant 13 : i32
    "tpu.region"() ({
      %run_scoped3A = tpu.sem_alloc : memref<!tpu.dma_semaphore, #tpu.memory_space<semaphore_mem>>
      %dma_start3A = arith.constant 0 : i32
      %dma_start3A_264 = tpu.memref_slice %arg4[%arg0, %arg1, %dma_start3A] : memref<2x16x2048xf32, #tpu.memory_space<hbm>> -> memref<1x1x2048xf32, #tpu.memory_space<hbm>>
      %dma_start3A_265 = tpu.memref_squeeze %dma_start3A_264 : memref<1x1x2048xf32, #tpu.memory_space<hbm>> -> memref<2048xf32, #tpu.memory_space<hbm>>
      %dma_start3A_266 = arith.constant 0 : i32
      %dma_start3A_267 = tpu.memref_slice %arg4[%arg0, %arg1, %dma_start3A_266] : memref<2x16x2048xf32, #tpu.memory_space<hbm>> -> memref<1x1x2048xf32, #tpu.memory_space<hbm>>
      %dma_start3A_268 = tpu.memref_squeeze %dma_start3A_267 : memref<1x1x2048xf32, #tpu.memory_space<hbm>> -> memref<2048xf32, #tpu.memory_space<hbm>>
      tpu.enqueue_dma source(%arg7 : memref<2048xf32, #tpu.memory_space<vmem>>) target(%dma_start3A_268 : memref<2048xf32, #tpu.memory_space<hbm>>) target_semaphore(%run_scoped3A : memref<!tpu.dma_semaphore, #tpu.memory_space<semaphore_mem>>)
      %dma_wait3A = arith.constant 0 : i32
      %dma_wait3A_269 = tpu.memref_slice %arg4[%arg0, %arg1, %dma_wait3A] : memref<2x16x2048xf32, #tpu.memory_space<hbm>> -> memref<1x1x2048xf32, #tpu.memory_space<hbm>>
      %dma_wait3A_270 = tpu.memref_squeeze %dma_wait3A_269 : memref<1x1x2048xf32, #tpu.memory_space<hbm>> -> memref<2048xf32, #tpu.memory_space<hbm>>
      %dma_wait3A_271 = arith.constant 0 : i32
      %dma_wait3A_272 = tpu.memref_slice %arg4[%arg0, %arg1, %dma_wait3A_271] : memref<2x16x2048xf32, #tpu.memory_space<hbm>> -> memref<1x1x2048xf32, #tpu.memory_space<hbm>>
      %dma_wait3A_273 = tpu.memref_squeeze %dma_wait3A_272 : memref<1x1x2048xf32, #tpu.memory_space<hbm>> -> memref<2048xf32, #tpu.memory_space<hbm>>
      tpu.wait_dma2 semaphore(%run_scoped3A : memref<!tpu.dma_semaphore, #tpu.memory_space<semaphore_mem>>) src(%arg7 : memref<2048xf32, #tpu.memory_space<vmem>>) dst(%dma_wait3A_273 : memref<2048xf32, #tpu.memory_space<hbm>>)
      tpu.yield
    }) : () -> ()
    return
  }
}

#map = affine_map<(d0, d1) -> (0, 0, 0)>
#map1 = affine_map<(d0, d1) -> (0, 0)>
#map2 = affine_map<(d0, d1) -> (0)>
module attributes {stable_mosaic.version = 14 : i64} {
  func.func @_head_body(%arg0: i32, %arg1: i32, %arg2: memref<2x16x2048xf32, #tpu.memory_space<hbm>>, %arg3: memref<2x128xf32, #tpu.memory_space<hbm>>, %arg4: memref<1024xf32, #tpu.memory_space<hbm>>, %arg5: memref<4x16x128xf32, #tpu.memory_space<vmem>>, %arg6: memref<2x128xf32, #tpu.memory_space<vmem>>, %arg7: memref<32xf32, #tpu.memory_space<vmem>>) attributes {dimension_semantics = [#tpu.dimension_semantics<core_parallel>, #tpu.dimension_semantics<subcore_parallel>], iteration_bounds = array<i64: 2, 16>, scalar_prefetch = 0 : i64, scratch_operands = 3 : i64, tpu.core_type = #tpu.core_type<sc_vector_subcore>, window_params = [{transform_indices = #map}, {transform_indices = #map1}, {transform_indices = #map2}]} {
    %mul3A = arith.constant 2 : i32
    %mul3A_0 = arith.muli %arg1, %mul3A : i32
    %add3A = arith.addi %mul3A_0, %arg0 : i32
    %mul3A_1 = arith.constant 32 : i32
    %mul3A_2 = arith.muli %add3A, %mul3A_1 : i32
    %jit3A = arith.constant 4 : i32
    %div3A = arith.divsi %add3A, %jit3A : i32
    %sign3A = arith.constant 0 : i32
    %sign3A_3 = arith.cmpi sgt, %add3A, %sign3A : i32
    %sign3A_4 = arith.extui %sign3A_3 : i1 to i32
    %sign3A_5 = arith.constant 0 : i32
    %sign3A_6 = arith.cmpi slt, %add3A, %sign3A_5 : i32
    %sign3A_7 = arith.extui %sign3A_6 : i1 to i32
    %sign3A_8 = arith.subi %sign3A_4, %sign3A_7 : i32
    %sign3A_9 = arith.constant 0 : i32
    %sign3A_10 = arith.cmpi sgt, %jit3A, %sign3A_9 : i32
    %sign3A_11 = arith.extui %sign3A_10 : i1 to i32
    %sign3A_12 = arith.constant 0 : i32
    %sign3A_13 = arith.cmpi slt, %jit3A, %sign3A_12 : i32
    %sign3A_14 = arith.extui %sign3A_13 : i1 to i32
    %sign3A_15 = arith.subi %sign3A_11, %sign3A_14 : i32
    %ne3A = arith.cmpi ne, %sign3A_8, %sign3A_15 : i32
    %rem3A = arith.remsi %add3A, %jit3A : i32
    %ne3A_16 = arith.constant 0 : i32
    %ne3A_17 = arith.cmpi ne, %rem3A, %ne3A_16 : i32
    %and3A = arith.andi %ne3A, %ne3A_17 : i1
    %sub3A = arith.constant 1 : i32
    %sub3A_18 = arith.subi %div3A, %sub3A : i32
    %select_n3A = arith.select %and3A, %sub3A_18, %div3A : i32
    %mul3A_19 = arith.constant 128 : i32
    %mul3A_20 = arith.muli %select_n3A, %mul3A_19 : i32
    %multiple_of3A = tpu.assume_multiple %mul3A_20, 128 : i32
    %jit3A_21 = arith.constant 4 : i32
    %eq3A = arith.constant 0 : i32
    %eq3A_22 = arith.cmpi eq, %jit3A_21, %eq3A : i32
    %jit3A_23 = arith.constant 1 : i32
    %select_n3A_24 = arith.select %eq3A_22, %jit3A_23, %jit3A_21 : i32
    %rem3A_25 = arith.remsi %add3A, %select_n3A_24 : i32
    %ne3A_26 = arith.constant 0 : i32
    %ne3A_27 = arith.cmpi ne, %rem3A_25, %ne3A_26 : i32
    %lt3A = arith.constant 0 : i32
    %lt3A_28 = arith.cmpi slt, %rem3A_25, %lt3A : i32
    %lt3A_29 = arith.constant 0 : i32
    %lt3A_30 = arith.cmpi slt, %select_n3A_24, %lt3A_29 : i32
    %ne3A_31 = arith.xori %lt3A_28, %lt3A_30 : i1
    %and3A_32 = arith.andi %ne3A_31, %ne3A_27 : i1
    %add3A_33 = arith.addi %rem3A_25, %select_n3A_24 : i32
    %select_n3A_34 = arith.select %and3A_32, %add3A_33, %rem3A_25 : i32
    %mul3A_35 = arith.constant 32 : i32
    %mul3A_36 = arith.muli %select_n3A_34, %mul3A_35 : i32
    "tpu.region"() ({
      %run_scoped3A_1277 = tpu.sem_alloc : memref<!tpu.dma_semaphore, #tpu.memory_space<semaphore_mem>>
      tpu.enqueue_dma source(%arg3 : memref<2x128xf32, #tpu.memory_space<hbm>>) target(%arg6 : memref<2x128xf32, #tpu.memory_space<vmem>>) target_semaphore(%run_scoped3A_1277 : memref<!tpu.dma_semaphore, #tpu.memory_space<semaphore_mem>>)
      tpu.wait_dma2 semaphore(%run_scoped3A_1277 : memref<!tpu.dma_semaphore, #tpu.memory_space<semaphore_mem>>) src(%arg3 : memref<2x128xf32, #tpu.memory_space<hbm>>) dst(%arg6 : memref<2x128xf32, #tpu.memory_space<vmem>>)
      tpu.yield
    }) : () -> ()
    %add3A_37 = arith.constant 0 : i32
    %add3A_38 = arith.addi %add3A_37, %multiple_of3A : i32
    %run_scoped3A = arith.constant 0 : i32
    %run_scoped3A_39 = arith.constant 0 : i32
    "tpu.region"() ({
      %run_scoped3A_1277 = tpu.sem_alloc : memref<!tpu.dma_semaphore, #tpu.memory_space<semaphore_mem>>
      %dma_start3A = arith.constant 0 : i32
      %dma_start3A_1278 = arith.constant 0 : i32
      %dma_start3A_1279 = tpu.memref_slice %arg5[%run_scoped3A_39, %dma_start3A, %dma_start3A_1278] : memref<4x16x128xf32, #tpu.memory_space<vmem>> -> memref<1x16x128xf32, #tpu.memory_space<vmem>>
      %dma_start3A_1280 = tpu.memref_squeeze %dma_start3A_1279 : memref<1x16x128xf32, #tpu.memory_space<vmem>> -> memref<16x128xf32, #tpu.memory_space<vmem>>
      %dma_start3A_1281 = arith.constant 0 : i32
      %dma_start3A_1282 = tpu.memref_slice %arg2[%run_scoped3A, %dma_start3A_1281, %add3A_38] : memref<2x16x2048xf32, #tpu.memory_space<hbm>> -> memref<1x16x128xf32, #tpu.memory_space<hbm>>
      %dma_start3A_1283 = tpu.memref_squeeze %dma_start3A_1282 : memref<1x16x128xf32, #tpu.memory_space<hbm>> -> memref<16x128xf32, #tpu.memory_space<hbm>>
      %dma_start3A_1284 = arith.constant 0 : i32
      %dma_start3A_1285 = arith.constant 0 : i32
      %dma_start3A_1286 = tpu.memref_slice %arg5[%run_scoped3A_39, %dma_start3A_1284, %dma_start3A_1285] : memref<4x16x128xf32, #tpu.memory_space<vmem>> -> memref<1x16x128xf32, #tpu.memory_space<vmem>>
      %dma_start3A_1287 = tpu.memref_squeeze %dma_start3A_1286 : memref<1x16x128xf32, #tpu.memory_space<vmem>> -> memref<16x128xf32, #tpu.memory_space<vmem>>
      %dma_start3A_1288 = arith.constant 0 : i32
      %dma_start3A_1289 = tpu.memref_slice %arg2[%run_scoped3A, %dma_start3A_1288, %add3A_38] : memref<2x16x2048xf32, #tpu.memory_space<hbm>> -> memref<1x16x128xf32, #tpu.memory_space<hbm>>
      %dma_start3A_1290 = tpu.memref_squeeze %dma_start3A_1289 : memref<1x16x128xf32, #tpu.memory_space<hbm>> -> memref<16x128xf32, #tpu.memory_space<hbm>>
      tpu.enqueue_dma source(%dma_start3A_1290 : memref<16x128xf32, #tpu.memory_space<hbm>>) target(%dma_start3A_1287 : memref<16x128xf32, #tpu.memory_space<vmem>>) target_semaphore(%run_scoped3A_1277 : memref<!tpu.dma_semaphore, #tpu.memory_space<semaphore_mem>>)
      %dma_wait3A = arith.constant 0 : i32
      %dma_wait3A_1291 = arith.constant 0 : i32
      %dma_wait3A_1292 = tpu.memref_slice %arg5[%run_scoped3A_39, %dma_wait3A, %dma_wait3A_1291] : memref<4x16x128xf32, #tpu.memory_space<vmem>> -> memref<1x16x128xf32, #tpu.memory_space<vmem>>
      %dma_wait3A_1293 = tpu.memref_squeeze %dma_wait3A_1292 : memref<1x16x128xf32, #tpu.memory_space<vmem>> -> memref<16x128xf32, #tpu.memory_space<vmem>>
      %dma_wait3A_1294 = arith.constant 0 : i32
      %dma_wait3A_1295 = tpu.memref_slice %arg2[%run_scoped3A, %dma_wait3A_1294, %add3A_38] : memref<2x16x2048xf32, #tpu.memory_space<hbm>> -> memref<1x16x128xf32, #tpu.memory_space<hbm>>
      %dma_wait3A_1296 = tpu.memref_squeeze %dma_wait3A_1295 : memref<1x16x128xf32, #tpu.memory_space<hbm>> -> memref<16x128xf32, #tpu.memory_space<hbm>>
      %dma_wait3A_1297 = arith.constant 0 : i32
      %dma_wait3A_1298 = arith.constant 0 : i32
      %dma_wait3A_1299 = tpu.memref_slice %arg5[%run_scoped3A_39, %dma_wait3A_1297, %dma_wait3A_1298] : memref<4x16x128xf32, #tpu.memory_space<vmem>> -> memref<1x16x128xf32, #tpu.memory_space<vmem>>
      %dma_wait3A_1300 = tpu.memref_squeeze %dma_wait3A_1299 : memref<1x16x128xf32, #tpu.memory_space<vmem>> -> memref<16x128xf32, #tpu.memory_space<vmem>>
      %dma_wait3A_1301 = arith.constant 0 : i32
      %dma_wait3A_1302 = tpu.memref_slice %arg2[%run_scoped3A, %dma_wait3A_1301, %add3A_38] : memref<2x16x2048xf32, #tpu.memory_space<hbm>> -> memref<1x16x128xf32, #tpu.memory_space<hbm>>
      %dma_wait3A_1303 = tpu.memref_squeeze %dma_wait3A_1302 : memref<1x16x128xf32, #tpu.memory_space<hbm>> -> memref<16x128xf32, #tpu.memory_space<hbm>>
      tpu.wait_dma2 semaphore(%run_scoped3A_1277 : memref<!tpu.dma_semaphore, #tpu.memory_space<semaphore_mem>>) src(%dma_wait3A_1303 : memref<16x128xf32, #tpu.memory_space<hbm>>) dst(%dma_wait3A_1300 : memref<16x128xf32, #tpu.memory_space<vmem>>)
      tpu.yield
    }) : () -> ()
    %add3A_40 = arith.constant 1024 : i32
    %add3A_41 = arith.addi %add3A_40, %multiple_of3A : i32
    %run_scoped3A_42 = arith.constant 0 : i32
    %run_scoped3A_43 = arith.constant 1 : i32
    "tpu.region"() ({
      %run_scoped3A_1277 = tpu.sem_alloc : memref<!tpu.dma_semaphore, #tpu.memory_space<semaphore_mem>>
      %dma_start3A = arith.constant 0 : i32
      %dma_start3A_1278 = arith.constant 0 : i32
      %dma_start3A_1279 = tpu.memref_slice %arg5[%run_scoped3A_43, %dma_start3A, %dma_start3A_1278] : memref<4x16x128xf32, #tpu.memory_space<vmem>> -> memref<1x16x128xf32, #tpu.memory_space<vmem>>
      %dma_start3A_1280 = tpu.memref_squeeze %dma_start3A_1279 : memref<1x16x128xf32, #tpu.memory_space<vmem>> -> memref<16x128xf32, #tpu.memory_space<vmem>>
      %dma_start3A_1281 = arith.constant 0 : i32
      %dma_start3A_1282 = tpu.memref_slice %arg2[%run_scoped3A_42, %dma_start3A_1281, %add3A_41] : memref<2x16x2048xf32, #tpu.memory_space<hbm>> -> memref<1x16x128xf32, #tpu.memory_space<hbm>>
      %dma_start3A_1283 = tpu.memref_squeeze %dma_start3A_1282 : memref<1x16x128xf32, #tpu.memory_space<hbm>> -> memref<16x128xf32, #tpu.memory_space<hbm>>
      %dma_start3A_1284 = arith.constant 0 : i32
      %dma_start3A_1285 = arith.constant 0 : i32
      %dma_start3A_1286 = tpu.memref_slice %arg5[%run_scoped3A_43, %dma_start3A_1284, %dma_start3A_1285] : memref<4x16x128xf32, #tpu.memory_space<vmem>> -> memref<1x16x128xf32, #tpu.memory_space<vmem>>
      %dma_start3A_1287 = tpu.memref_squeeze %dma_start3A_1286 : memref<1x16x128xf32, #tpu.memory_space<vmem>> -> memref<16x128xf32, #tpu.memory_space<vmem>>
      %dma_start3A_1288 = arith.constant 0 : i32
      %dma_start3A_1289 = tpu.memref_slice %arg2[%run_scoped3A_42, %dma_start3A_1288, %add3A_41] : memref<2x16x2048xf32, #tpu.memory_space<hbm>> -> memref<1x16x128xf32, #tpu.memory_space<hbm>>
      %dma_start3A_1290 = tpu.memref_squeeze %dma_start3A_1289 : memref<1x16x128xf32, #tpu.memory_space<hbm>> -> memref<16x128xf32, #tpu.memory_space<hbm>>
      tpu.enqueue_dma source(%dma_start3A_1290 : memref<16x128xf32, #tpu.memory_space<hbm>>) target(%dma_start3A_1287 : memref<16x128xf32, #tpu.memory_space<vmem>>) target_semaphore(%run_scoped3A_1277 : memref<!tpu.dma_semaphore, #tpu.memory_space<semaphore_mem>>)
      %dma_wait3A = arith.constant 0 : i32
      %dma_wait3A_1291 = arith.constant 0 : i32
      %dma_wait3A_1292 = tpu.memref_slice %arg5[%run_scoped3A_43, %dma_wait3A, %dma_wait3A_1291] : memref<4x16x128xf32, #tpu.memory_space<vmem>> -> memref<1x16x128xf32, #tpu.memory_space<vmem>>
      %dma_wait3A_1293 = tpu.memref_squeeze %dma_wait3A_1292 : memref<1x16x128xf32, #tpu.memory_space<vmem>> -> memref<16x128xf32, #tpu.memory_space<vmem>>
      %dma_wait3A_1294 = arith.constant 0 : i32
      %dma_wait3A_1295 = tpu.memref_slice %arg2[%run_scoped3A_42, %dma_wait3A_1294, %add3A_41] : memref<2x16x2048xf32, #tpu.memory_space<hbm>> -> memref<1x16x128xf32, #tpu.memory_space<hbm>>
      %dma_wait3A_1296 = tpu.memref_squeeze %dma_wait3A_1295 : memref<1x16x128xf32, #tpu.memory_space<hbm>> -> memref<16x128xf32, #tpu.memory_space<hbm>>
      %dma_wait3A_1297 = arith.constant 0 : i32
      %dma_wait3A_1298 = arith.constant 0 : i32
      %dma_wait3A_1299 = tpu.memref_slice %arg5[%run_scoped3A_43, %dma_wait3A_1297, %dma_wait3A_1298] : memref<4x16x128xf32, #tpu.memory_space<vmem>> -> memref<1x16x128xf32, #tpu.memory_space<vmem>>
      %dma_wait3A_1300 = tpu.memref_squeeze %dma_wait3A_1299 : memref<1x16x128xf32, #tpu.memory_space<vmem>> -> memref<16x128xf32, #tpu.memory_space<vmem>>
      %dma_wait3A_1301 = arith.constant 0 : i32
      %dma_wait3A_1302 = tpu.memref_slice %arg2[%run_scoped3A_42, %dma_wait3A_1301, %add3A_41] : memref<2x16x2048xf32, #tpu.memory_space<hbm>> -> memref<1x16x128xf32, #tpu.memory_space<hbm>>
      %dma_wait3A_1303 = tpu.memref_squeeze %dma_wait3A_1302 : memref<1x16x128xf32, #tpu.memory_space<hbm>> -> memref<16x128xf32, #tpu.memory_space<hbm>>
      tpu.wait_dma2 semaphore(%run_scoped3A_1277 : memref<!tpu.dma_semaphore, #tpu.memory_space<semaphore_mem>>) src(%dma_wait3A_1303 : memref<16x128xf32, #tpu.memory_space<hbm>>) dst(%dma_wait3A_1300 : memref<16x128xf32, #tpu.memory_space<vmem>>)
      tpu.yield
    }) : () -> ()
    %add3A_44 = arith.constant 0 : i32
    %add3A_45 = arith.addi %add3A_44, %multiple_of3A : i32
    %run_scoped3A_46 = arith.constant 1 : i32
    %run_scoped3A_47 = arith.constant 2 : i32
    "tpu.region"() ({
      %run_scoped3A_1277 = tpu.sem_alloc : memref<!tpu.dma_semaphore, #tpu.memory_space<semaphore_mem>>
      %dma_start3A = arith.constant 0 : i32
      %dma_start3A_1278 = arith.constant 0 : i32
      %dma_start3A_1279 = tpu.memref_slice %arg5[%run_scoped3A_47, %dma_start3A, %dma_start3A_1278] : memref<4x16x128xf32, #tpu.memory_space<vmem>> -> memref<1x16x128xf32, #tpu.memory_space<vmem>>
      %dma_start3A_1280 = tpu.memref_squeeze %dma_start3A_1279 : memref<1x16x128xf32, #tpu.memory_space<vmem>> -> memref<16x128xf32, #tpu.memory_space<vmem>>
      %dma_start3A_1281 = arith.constant 0 : i32
      %dma_start3A_1282 = tpu.memref_slice %arg2[%run_scoped3A_46, %dma_start3A_1281, %add3A_45] : memref<2x16x2048xf32, #tpu.memory_space<hbm>> -> memref<1x16x128xf32, #tpu.memory_space<hbm>>
      %dma_start3A_1283 = tpu.memref_squeeze %dma_start3A_1282 : memref<1x16x128xf32, #tpu.memory_space<hbm>> -> memref<16x128xf32, #tpu.memory_space<hbm>>
      %dma_start3A_1284 = arith.constant 0 : i32
      %dma_start3A_1285 = arith.constant 0 : i32
      %dma_start3A_1286 = tpu.memref_slice %arg5[%run_scoped3A_47, %dma_start3A_1284, %dma_start3A_1285] : memref<4x16x128xf32, #tpu.memory_space<vmem>> -> memref<1x16x128xf32, #tpu.memory_space<vmem>>
      %dma_start3A_1287 = tpu.memref_squeeze %dma_start3A_1286 : memref<1x16x128xf32, #tpu.memory_space<vmem>> -> memref<16x128xf32, #tpu.memory_space<vmem>>
      %dma_start3A_1288 = arith.constant 0 : i32
      %dma_start3A_1289 = tpu.memref_slice %arg2[%run_scoped3A_46, %dma_start3A_1288, %add3A_45] : memref<2x16x2048xf32, #tpu.memory_space<hbm>> -> memref<1x16x128xf32, #tpu.memory_space<hbm>>
      %dma_start3A_1290 = tpu.memref_squeeze %dma_start3A_1289 : memref<1x16x128xf32, #tpu.memory_space<hbm>> -> memref<16x128xf32, #tpu.memory_space<hbm>>
      tpu.enqueue_dma source(%dma_start3A_1290 : memref<16x128xf32, #tpu.memory_space<hbm>>) target(%dma_start3A_1287 : memref<16x128xf32, #tpu.memory_space<vmem>>) target_semaphore(%run_scoped3A_1277 : memref<!tpu.dma_semaphore, #tpu.memory_space<semaphore_mem>>)
      %dma_wait3A = arith.constant 0 : i32
      %dma_wait3A_1291 = arith.constant 0 : i32
      %dma_wait3A_1292 = tpu.memref_slice %arg5[%run_scoped3A_47, %dma_wait3A, %dma_wait3A_1291] : memref<4x16x128xf32, #tpu.memory_space<vmem>> -> memref<1x16x128xf32, #tpu.memory_space<vmem>>
      %dma_wait3A_1293 = tpu.memref_squeeze %dma_wait3A_1292 : memref<1x16x128xf32, #tpu.memory_space<vmem>> -> memref<16x128xf32, #tpu.memory_space<vmem>>
      %dma_wait3A_1294 = arith.constant 0 : i32
      %dma_wait3A_1295 = tpu.memref_slice %arg2[%run_scoped3A_46, %dma_wait3A_1294, %add3A_45] : memref<2x16x2048xf32, #tpu.memory_space<hbm>> -> memref<1x16x128xf32, #tpu.memory_space<hbm>>
      %dma_wait3A_1296 = tpu.memref_squeeze %dma_wait3A_1295 : memref<1x16x128xf32, #tpu.memory_space<hbm>> -> memref<16x128xf32, #tpu.memory_space<hbm>>
      %dma_wait3A_1297 = arith.constant 0 : i32
      %dma_wait3A_1298 = arith.constant 0 : i32
      %dma_wait3A_1299 = tpu.memref_slice %arg5[%run_scoped3A_47, %dma_wait3A_1297, %dma_wait3A_1298] : memref<4x16x128xf32, #tpu.memory_space<vmem>> -> memref<1x16x128xf32, #tpu.memory_space<vmem>>
      %dma_wait3A_1300 = tpu.memref_squeeze %dma_wait3A_1299 : memref<1x16x128xf32, #tpu.memory_space<vmem>> -> memref<16x128xf32, #tpu.memory_space<vmem>>
      %dma_wait3A_1301 = arith.constant 0 : i32
      %dma_wait3A_1302 = tpu.memref_slice %arg2[%run_scoped3A_46, %dma_wait3A_1301, %add3A_45] : memref<2x16x2048xf32, #tpu.memory_space<hbm>> -> memref<1x16x128xf32, #tpu.memory_space<hbm>>
      %dma_wait3A_1303 = tpu.memref_squeeze %dma_wait3A_1302 : memref<1x16x128xf32, #tpu.memory_space<hbm>> -> memref<16x128xf32, #tpu.memory_space<hbm>>
      tpu.wait_dma2 semaphore(%run_scoped3A_1277 : memref<!tpu.dma_semaphore, #tpu.memory_space<semaphore_mem>>) src(%dma_wait3A_1303 : memref<16x128xf32, #tpu.memory_space<hbm>>) dst(%dma_wait3A_1300 : memref<16x128xf32, #tpu.memory_space<vmem>>)
      tpu.yield
    }) : () -> ()
    %add3A_48 = arith.constant 1024 : i32
    %add3A_49 = arith.addi %add3A_48, %multiple_of3A : i32
    %run_scoped3A_50 = arith.constant 1 : i32
    %run_scoped3A_51 = arith.constant 3 : i32
    "tpu.region"() ({
      %run_scoped3A_1277 = tpu.sem_alloc : memref<!tpu.dma_semaphore, #tpu.memory_space<semaphore_mem>>
      %dma_start3A = arith.constant 0 : i32
      %dma_start3A_1278 = arith.constant 0 : i32
      %dma_start3A_1279 = tpu.memref_slice %arg5[%run_scoped3A_51, %dma_start3A, %dma_start3A_1278] : memref<4x16x128xf32, #tpu.memory_space<vmem>> -> memref<1x16x128xf32, #tpu.memory_space<vmem>>
      %dma_start3A_1280 = tpu.memref_squeeze %dma_start3A_1279 : memref<1x16x128xf32, #tpu.memory_space<vmem>> -> memref<16x128xf32, #tpu.memory_space<vmem>>
      %dma_start3A_1281 = arith.constant 0 : i32
      %dma_start3A_1282 = tpu.memref_slice %arg2[%run_scoped3A_50, %dma_start3A_1281, %add3A_49] : memref<2x16x2048xf32, #tpu.memory_space<hbm>> -> memref<1x16x128xf32, #tpu.memory_space<hbm>>
      %dma_start3A_1283 = tpu.memref_squeeze %dma_start3A_1282 : memref<1x16x128xf32, #tpu.memory_space<hbm>> -> memref<16x128xf32, #tpu.memory_space<hbm>>
      %dma_start3A_1284 = arith.constant 0 : i32
      %dma_start3A_1285 = arith.constant 0 : i32
      %dma_start3A_1286 = tpu.memref_slice %arg5[%run_scoped3A_51, %dma_start3A_1284, %dma_start3A_1285] : memref<4x16x128xf32, #tpu.memory_space<vmem>> -> memref<1x16x128xf32, #tpu.memory_space<vmem>>
      %dma_start3A_1287 = tpu.memref_squeeze %dma_start3A_1286 : memref<1x16x128xf32, #tpu.memory_space<vmem>> -> memref<16x128xf32, #tpu.memory_space<vmem>>
      %dma_start3A_1288 = arith.constant 0 : i32
      %dma_start3A_1289 = tpu.memref_slice %arg2[%run_scoped3A_50, %dma_start3A_1288, %add3A_49] : memref<2x16x2048xf32, #tpu.memory_space<hbm>> -> memref<1x16x128xf32, #tpu.memory_space<hbm>>
      %dma_start3A_1290 = tpu.memref_squeeze %dma_start3A_1289 : memref<1x16x128xf32, #tpu.memory_space<hbm>> -> memref<16x128xf32, #tpu.memory_space<hbm>>
      tpu.enqueue_dma source(%dma_start3A_1290 : memref<16x128xf32, #tpu.memory_space<hbm>>) target(%dma_start3A_1287 : memref<16x128xf32, #tpu.memory_space<vmem>>) target_semaphore(%run_scoped3A_1277 : memref<!tpu.dma_semaphore, #tpu.memory_space<semaphore_mem>>)
      %dma_wait3A = arith.constant 0 : i32
      %dma_wait3A_1291 = arith.constant 0 : i32
      %dma_wait3A_1292 = tpu.memref_slice %arg5[%run_scoped3A_51, %dma_wait3A, %dma_wait3A_1291] : memref<4x16x128xf32, #tpu.memory_space<vmem>> -> memref<1x16x128xf32, #tpu.memory_space<vmem>>
      %dma_wait3A_1293 = tpu.memref_squeeze %dma_wait3A_1292 : memref<1x16x128xf32, #tpu.memory_space<vmem>> -> memref<16x128xf32, #tpu.memory_space<vmem>>
      %dma_wait3A_1294 = arith.constant 0 : i32
      %dma_wait3A_1295 = tpu.memref_slice %arg2[%run_scoped3A_50, %dma_wait3A_1294, %add3A_49] : memref<2x16x2048xf32, #tpu.memory_space<hbm>> -> memref<1x16x128xf32, #tpu.memory_space<hbm>>
      %dma_wait3A_1296 = tpu.memref_squeeze %dma_wait3A_1295 : memref<1x16x128xf32, #tpu.memory_space<hbm>> -> memref<16x128xf32, #tpu.memory_space<hbm>>
      %dma_wait3A_1297 = arith.constant 0 : i32
      %dma_wait3A_1298 = arith.constant 0 : i32
      %dma_wait3A_1299 = tpu.memref_slice %arg5[%run_scoped3A_51, %dma_wait3A_1297, %dma_wait3A_1298] : memref<4x16x128xf32, #tpu.memory_space<vmem>> -> memref<1x16x128xf32, #tpu.memory_space<vmem>>
      %dma_wait3A_1300 = tpu.memref_squeeze %dma_wait3A_1299 : memref<1x16x128xf32, #tpu.memory_space<vmem>> -> memref<16x128xf32, #tpu.memory_space<vmem>>
      %dma_wait3A_1301 = arith.constant 0 : i32
      %dma_wait3A_1302 = tpu.memref_slice %arg2[%run_scoped3A_50, %dma_wait3A_1301, %add3A_49] : memref<2x16x2048xf32, #tpu.memory_space<hbm>> -> memref<1x16x128xf32, #tpu.memory_space<hbm>>
      %dma_wait3A_1303 = tpu.memref_squeeze %dma_wait3A_1302 : memref<1x16x128xf32, #tpu.memory_space<hbm>> -> memref<16x128xf32, #tpu.memory_space<hbm>>
      tpu.wait_dma2 semaphore(%run_scoped3A_1277 : memref<!tpu.dma_semaphore, #tpu.memory_space<semaphore_mem>>) src(%dma_wait3A_1303 : memref<16x128xf32, #tpu.memory_space<hbm>>) dst(%dma_wait3A_1300 : memref<16x128xf32, #tpu.memory_space<vmem>>)
      tpu.yield
    }) : () -> ()
    %get3A = arith.constant 0 : i32
    %get3A_52 = arith.index_cast %get3A : i32 to index
    %get3A_53 = arith.constant 0 : index
    %get3A_54 = tpu.vector_load %arg6[%get3A_52, %get3A_53] {strides = array<i32>} : memref<2x128xf32, #tpu.memory_space<vmem>>, vector<16xf32>,
    %get3A_55 = arith.constant 1 : i32
    %get3A_56 = arith.index_cast %get3A_55 : i32 to index
    %get3A_57 = arith.constant 0 : index
    %get3A_58 = tpu.vector_load %arg6[%get3A_56, %get3A_57] {strides = array<i32>} : memref<2x128xf32, #tpu.memory_space<vmem>>, vector<16xf32>,
    %broadcast_in_dim3A = arith.constant 0.000000e+00 : f32
    %broadcast_in_dim3A_59 = vector.broadcast %broadcast_in_dim3A : f32 to vector<16xf32>
    %add3A_60 = arith.constant 0 : i32
    %add3A_61 = arith.addi %mul3A_36, %add3A_60 : i32
    %get3A_62 = arith.constant 0 : i32
    %get3A_63 = arith.constant 0 : i32
    %get3A_64 = arith.index_cast %get3A_62 : i32 to index
    %get3A_65 = arith.index_cast %get3A_63 : i32 to index
    %get3A_66 = arith.index_cast %add3A_61 : i32 to index
    %get3A_67 = tpu.vector_load %arg5[%get3A_64, %get3A_65, %get3A_66] {strides = array<i32>} : memref<4x16x128xf32, #tpu.memory_space<vmem>>, vector<16xf32>,
    %add3A_68 = arith.constant 0 : i32
    %add3A_69 = arith.addi %mul3A_36, %add3A_68 : i32
    %get3A_70 = arith.constant 2 : i32
    %get3A_71 = arith.constant 0 : i32
    %get3A_72 = arith.index_cast %get3A_70 : i32 to index
    %get3A_73 = arith.index_cast %get3A_71 : i32 to index
    %get3A_74 = arith.index_cast %add3A_69 : i32 to index
    %get3A_75 = tpu.vector_load %arg5[%get3A_72, %get3A_73, %get3A_74] {strides = array<i32>} : memref<4x16x128xf32, #tpu.memory_space<vmem>>, vector<16xf32>,
    %add3A_76 = arith.addf %get3A_67, %get3A_75 : vector<16xf32>
    %add3A_77 = arith.constant 0 : i32
    %add3A_78 = arith.addi %mul3A_36, %add3A_77 : i32
    %get3A_79 = arith.constant 1 : i32
    %get3A_80 = arith.constant 0 : i32
    %get3A_81 = arith.index_cast %get3A_79 : i32 to index
    %get3A_82 = arith.index_cast %get3A_80 : i32 to index
    %get3A_83 = arith.index_cast %add3A_78 : i32 to index
    %get3A_84 = tpu.vector_load %arg5[%get3A_81, %get3A_82, %get3A_83] {strides = array<i32>} : memref<4x16x128xf32, #tpu.memory_space<vmem>>, vector<16xf32>,
    %add3A_85 = arith.constant 0 : i32
    %add3A_86 = arith.addi %mul3A_36, %add3A_85 : i32
    %get3A_87 = arith.constant 3 : i32
    %get3A_88 = arith.constant 0 : i32
    %get3A_89 = arith.index_cast %get3A_87 : i32 to index
    %get3A_90 = arith.index_cast %get3A_88 : i32 to index
    %get3A_91 = arith.index_cast %add3A_86 : i32 to index
    %get3A_92 = tpu.vector_load %arg5[%get3A_89, %get3A_90, %get3A_91] {strides = array<i32>} : memref<4x16x128xf32, #tpu.memory_space<vmem>>, vector<16xf32>,
    %add3A_93 = arith.addf %get3A_84, %get3A_92 : vector<16xf32>
    %mul3A_94 = arith.mulf %add3A_76, %add3A_76 : vector<16xf32>
    %sub3A_95 = arith.subf %mul3A_94, %add3A_93 : vector<16xf32>
    %add3A_96 = arith.addf %broadcast_in_dim3A_59, %sub3A_95 : vector<16xf32>
    %add3A_97 = arith.constant 0 : i32
    %add3A_98 = arith.addi %mul3A_36, %add3A_97 : i32
    %get3A_99 = arith.constant 0 : i32
    %get3A_100 = arith.constant 1 : i32
    %get3A_101 = arith.index_cast %get3A_99 : i32 to index
    %get3A_102 = arith.index_cast %get3A_100 : i32 to index
    %get3A_103 = arith.index_cast %add3A_98 : i32 to index
    %get3A_104 = tpu.vector_load %arg5[%get3A_101, %get3A_102, %get3A_103] {strides = array<i32>} : memref<4x16x128xf32, #tpu.memory_space<vmem>>, vector<16xf32>,
    %add3A_105 = arith.constant 0 : i32
    %add3A_106 = arith.addi %mul3A_36, %add3A_105 : i32
    %get3A_107 = arith.constant 2 : i32
    %get3A_108 = arith.constant 1 : i32
    %get3A_109 = arith.index_cast %get3A_107 : i32 to index
    %get3A_110 = arith.index_cast %get3A_108 : i32 to index
    %get3A_111 = arith.index_cast %add3A_106 : i32 to index
    %get3A_112 = tpu.vector_load %arg5[%get3A_109, %get3A_110, %get3A_111] {strides = array<i32>} : memref<4x16x128xf32, #tpu.memory_space<vmem>>, vector<16xf32>,
    %add3A_113 = arith.addf %get3A_104, %get3A_112 : vector<16xf32>
    %add3A_114 = arith.constant 0 : i32
    %add3A_115 = arith.addi %mul3A_36, %add3A_114 : i32
    %get3A_116 = arith.constant 1 : i32
    %get3A_117 = arith.constant 1 : i32
    %get3A_118 = arith.index_cast %get3A_116 : i32 to index
    %get3A_119 = arith.index_cast %get3A_117 : i32 to index
    %get3A_120 = arith.index_cast %add3A_115 : i32 to index
    %get3A_121 = tpu.vector_load %arg5[%get3A_118, %get3A_119, %get3A_120] {strides = array<i32>} : memref<4x16x128xf32, #tpu.memory_space<vmem>>, vector<16xf32>,
    %add3A_122 = arith.constant 0 : i32
    %add3A_123 = arith.addi %mul3A_36, %add3A_122 : i32
    %get3A_124 = arith.constant 3 : i32
    %get3A_125 = arith.constant 1 : i32
    %get3A_126 = arith.index_cast %get3A_124 : i32 to index
    %get3A_127 = arith.index_cast %get3A_125 : i32 to index
    %get3A_128 = arith.index_cast %add3A_123 : i32 to index
    %get3A_129 = tpu.vector_load %arg5[%get3A_126, %get3A_127, %get3A_128] {strides = array<i32>} : memref<4x16x128xf32, #tpu.memory_space<vmem>>, vector<16xf32>,
    %add3A_130 = arith.addf %get3A_121, %get3A_129 : vector<16xf32>
    %mul3A_131 = arith.mulf %add3A_113, %add3A_113 : vector<16xf32>
    %sub3A_132 = arith.subf %mul3A_131, %add3A_130 : vector<16xf32>
    %add3A_133 = arith.addf %add3A_96, %sub3A_132 : vector<16xf32>
    %add3A_134 = arith.constant 0 : i32
    %add3A_135 = arith.addi %mul3A_36, %add3A_134 : i32
    %get3A_136 = arith.constant 0 : i32
    %get3A_137 = arith.constant 2 : i32
    %get3A_138 = arith.index_cast %get3A_136 : i32 to index
    %get3A_139 = arith.index_cast %get3A_137 : i32 to index
    %get3A_140 = arith.index_cast %add3A_135 : i32 to index
    %get3A_141 = tpu.vector_load %arg5[%get3A_138, %get3A_139, %get3A_140] {strides = array<i32>} : memref<4x16x128xf32, #tpu.memory_space<vmem>>, vector<16xf32>,
    %add3A_142 = arith.constant 0 : i32
    %add3A_143 = arith.addi %mul3A_36, %add3A_142 : i32
    %get3A_144 = arith.constant 2 : i32
    %get3A_145 = arith.constant 2 : i32
    %get3A_146 = arith.index_cast %get3A_144 : i32 to index
    %get3A_147 = arith.index_cast %get3A_145 : i32 to index
    %get3A_148 = arith.index_cast %add3A_143 : i32 to index
    %get3A_149 = tpu.vector_load %arg5[%get3A_146, %get3A_147, %get3A_148] {strides = array<i32>} : memref<4x16x128xf32, #tpu.memory_space<vmem>>, vector<16xf32>,
    %add3A_150 = arith.addf %get3A_141, %get3A_149 : vector<16xf32>
    %add3A_151 = arith.constant 0 : i32
    %add3A_152 = arith.addi %mul3A_36, %add3A_151 : i32
    %get3A_153 = arith.constant 1 : i32
    %get3A_154 = arith.constant 2 : i32
    %get3A_155 = arith.index_cast %get3A_153 : i32 to index
    %get3A_156 = arith.index_cast %get3A_154 : i32 to index
    %get3A_157 = arith.index_cast %add3A_152 : i32 to index
    %get3A_158 = tpu.vector_load %arg5[%get3A_155, %get3A_156, %get3A_157] {strides = array<i32>} : memref<4x16x128xf32, #tpu.memory_space<vmem>>, vector<16xf32>,
    %add3A_159 = arith.constant 0 : i32
    %add3A_160 = arith.addi %mul3A_36, %add3A_159 : i32
    %get3A_161 = arith.constant 3 : i32
    %get3A_162 = arith.constant 2 : i32
    %get3A_163 = arith.index_cast %get3A_161 : i32 to index
    %get3A_164 = arith.index_cast %get3A_162 : i32 to index
    %get3A_165 = arith.index_cast %add3A_160 : i32 to index
    %get3A_166 = tpu.vector_load %arg5[%get3A_163, %get3A_164, %get3A_165] {strides = array<i32>} : memref<4x16x128xf32, #tpu.memory_space<vmem>>, vector<16xf32>,
    %add3A_167 = arith.addf %get3A_158, %get3A_166 : vector<16xf32>
    %mul3A_168 = arith.mulf %add3A_150, %add3A_150 : vector<16xf32>
    %sub3A_169 = arith.subf %mul3A_168, %add3A_167 : vector<16xf32>
    %add3A_170 = arith.addf %add3A_133, %sub3A_169 : vector<16xf32>
    %add3A_171 = arith.constant 0 : i32
    %add3A_172 = arith.addi %mul3A_36, %add3A_171 : i32
    %get3A_173 = arith.constant 0 : i32
    %get3A_174 = arith.constant 3 : i32
    %get3A_175 = arith.index_cast %get3A_173 : i32 to index
    %get3A_176 = arith.index_cast %get3A_174 : i32 to index
    %get3A_177 = arith.index_cast %add3A_172 : i32 to index
    %get3A_178 = tpu.vector_load %arg5[%get3A_175, %get3A_176, %get3A_177] {strides = array<i32>} : memref<4x16x128xf32, #tpu.memory_space<vmem>>, vector<16xf32>,
    %add3A_179 = arith.constant 0 : i32
    %add3A_180 = arith.addi %mul3A_36, %add3A_179 : i32
    %get3A_181 = arith.constant 2 : i32
    %get3A_182 = arith.constant 3 : i32
    %get3A_183 = arith.index_cast %get3A_181 : i32 to index
    %get3A_184 = arith.index_cast %get3A_182 : i32 to index
    %get3A_185 = arith.index_cast %add3A_180 : i32 to index
    %get3A_186 = tpu.vector_load %arg5[%get3A_183, %get3A_184, %get3A_185] {strides = array<i32>} : memref<4x16x128xf32, #tpu.memory_space<vmem>>, vector<16xf32>,
    %add3A_187 = arith.addf %get3A_178, %get3A_186 : vector<16xf32>
    %add3A_188 = arith.constant 0 : i32
    %add3A_189 = arith.addi %mul3A_36, %add3A_188 : i32
    %get3A_190 = arith.constant 1 : i32
    %get3A_191 = arith.constant 3 : i32
    %get3A_192 = arith.index_cast %get3A_190 : i32 to index
    %get3A_193 = arith.index_cast %get3A_191 : i32 to index
    %get3A_194 = arith.index_cast %add3A_189 : i32 to index
    %get3A_195 = tpu.vector_load %arg5[%get3A_192, %get3A_193, %get3A_194] {strides = array<i32>} : memref<4x16x128xf32, #tpu.memory_space<vmem>>, vector<16xf32>,
    %add3A_196 = arith.constant 0 : i32
    %add3A_197 = arith.addi %mul3A_36, %add3A_196 : i32
    %get3A_198 = arith.constant 3 : i32
    %get3A_199 = arith.constant 3 : i32
    %get3A_200 = arith.index_cast %get3A_198 : i32 to index
    %get3A_201 = arith.index_cast %get3A_199 : i32 to index
    %get3A_202 = arith.index_cast %add3A_197 : i32 to index
    %get3A_203 = tpu.vector_load %arg5[%get3A_200, %get3A_201, %get3A_202] {strides = array<i32>} : memref<4x16x128xf32, #tpu.memory_space<vmem>>, vector<16xf32>,
    %add3A_204 = arith.addf %get3A_195, %get3A_203 : vector<16xf32>
    %mul3A_205 = arith.mulf %add3A_187, %add3A_187 : vector<16xf32>
    %sub3A_206 = arith.subf %mul3A_205, %add3A_204 : vector<16xf32>
    %add3A_207 = arith.addf %add3A_170, %sub3A_206 : vector<16xf32>
    %add3A_208 = arith.constant 0 : i32
    %add3A_209 = arith.addi %mul3A_36, %add3A_208 : i32
    %get3A_210 = arith.constant 0 : i32
    %get3A_211 = arith.constant 4 : i32
    %get3A_212 = arith.index_cast %get3A_210 : i32 to index
    %get3A_213 = arith.index_cast %get3A_211 : i32 to index
    %get3A_214 = arith.index_cast %add3A_209 : i32 to index
    %get3A_215 = tpu.vector_load %arg5[%get3A_212, %get3A_213, %get3A_214] {strides = array<i32>} : memref<4x16x128xf32, #tpu.memory_space<vmem>>, vector<16xf32>,
    %add3A_216 = arith.constant 0 : i32
    %add3A_217 = arith.addi %mul3A_36, %add3A_216 : i32
    %get3A_218 = arith.constant 2 : i32
    %get3A_219 = arith.constant 4 : i32
    %get3A_220 = arith.index_cast %get3A_218 : i32 to index
    %get3A_221 = arith.index_cast %get3A_219 : i32 to index
    %get3A_222 = arith.index_cast %add3A_217 : i32 to index
    %get3A_223 = tpu.vector_load %arg5[%get3A_220, %get3A_221, %get3A_222] {strides = array<i32>} : memref<4x16x128xf32, #tpu.memory_space<vmem>>, vector<16xf32>,
    %add3A_224 = arith.addf %get3A_215, %get3A_223 : vector<16xf32>
    %add3A_225 = arith.constant 0 : i32
    %add3A_226 = arith.addi %mul3A_36, %add3A_225 : i32
    %get3A_227 = arith.constant 1 : i32
    %get3A_228 = arith.constant 4 : i32
    %get3A_229 = arith.index_cast %get3A_227 : i32 to index
    %get3A_230 = arith.index_cast %get3A_228 : i32 to index
    %get3A_231 = arith.index_cast %add3A_226 : i32 to index
    %get3A_232 = tpu.vector_load %arg5[%get3A_229, %get3A_230, %get3A_231] {strides = array<i32>} : memref<4x16x128xf32, #tpu.memory_space<vmem>>, vector<16xf32>,
    %add3A_233 = arith.constant 0 : i32
    %add3A_234 = arith.addi %mul3A_36, %add3A_233 : i32
    %get3A_235 = arith.constant 3 : i32
    %get3A_236 = arith.constant 4 : i32
    %get3A_237 = arith.index_cast %get3A_235 : i32 to index
    %get3A_238 = arith.index_cast %get3A_236 : i32 to index
    %get3A_239 = arith.index_cast %add3A_234 : i32 to index
    %get3A_240 = tpu.vector_load %arg5[%get3A_237, %get3A_238, %get3A_239] {strides = array<i32>} : memref<4x16x128xf32, #tpu.memory_space<vmem>>, vector<16xf32>,
    %add3A_241 = arith.addf %get3A_232, %get3A_240 : vector<16xf32>
    %mul3A_242 = arith.mulf %add3A_224, %add3A_224 : vector<16xf32>
    %sub3A_243 = arith.subf %mul3A_242, %add3A_241 : vector<16xf32>
    %add3A_244 = arith.addf %add3A_207, %sub3A_243 : vector<16xf32>
    %add3A_245 = arith.constant 0 : i32
    %add3A_246 = arith.addi %mul3A_36, %add3A_245 : i32
    %get3A_247 = arith.constant 0 : i32
    %get3A_248 = arith.constant 5 : i32
    %get3A_249 = arith.index_cast %get3A_247 : i32 to index
    %get3A_250 = arith.index_cast %get3A_248 : i32 to index
    %get3A_251 = arith.index_cast %add3A_246 : i32 to index
    %get3A_252 = tpu.vector_load %arg5[%get3A_249, %get3A_250, %get3A_251] {strides = array<i32>} : memref<4x16x128xf32, #tpu.memory_space<vmem>>, vector<16xf32>,
    %add3A_253 = arith.constant 0 : i32
    %add3A_254 = arith.addi %mul3A_36, %add3A_253 : i32
    %get3A_255 = arith.constant 2 : i32
    %get3A_256 = arith.constant 5 : i32
    %get3A_257 = arith.index_cast %get3A_255 : i32 to index
    %get3A_258 = arith.index_cast %get3A_256 : i32 to index
    %get3A_259 = arith.index_cast %add3A_254 : i32 to index
    %get3A_260 = tpu.vector_load %arg5[%get3A_257, %get3A_258, %get3A_259] {strides = array<i32>} : memref<4x16x128xf32, #tpu.memory_space<vmem>>, vector<16xf32>,
    %add3A_261 = arith.addf %get3A_252, %get3A_260 : vector<16xf32>
    %add3A_262 = arith.constant 0 : i32
    %add3A_263 = arith.addi %mul3A_36, %add3A_262 : i32
    %get3A_264 = arith.constant 1 : i32
    %get3A_265 = arith.constant 5 : i32
    %get3A_266 = arith.index_cast %get3A_264 : i32 to index
    %get3A_267 = arith.index_cast %get3A_265 : i32 to index
    %get3A_268 = arith.index_cast %add3A_263 : i32 to index
    %get3A_269 = tpu.vector_load %arg5[%get3A_266, %get3A_267, %get3A_268] {strides = array<i32>} : memref<4x16x128xf32, #tpu.memory_space<vmem>>, vector<16xf32>,
    %add3A_270 = arith.constant 0 : i32
    %add3A_271 = arith.addi %mul3A_36, %add3A_270 : i32
    %get3A_272 = arith.constant 3 : i32
    %get3A_273 = arith.constant 5 : i32
    %get3A_274 = arith.index_cast %get3A_272 : i32 to index
    %get3A_275 = arith.index_cast %get3A_273 : i32 to index
    %get3A_276 = arith.index_cast %add3A_271 : i32 to index
    %get3A_277 = tpu.vector_load %arg5[%get3A_274, %get3A_275, %get3A_276] {strides = array<i32>} : memref<4x16x128xf32, #tpu.memory_space<vmem>>, vector<16xf32>,
    %add3A_278 = arith.addf %get3A_269, %get3A_277 : vector<16xf32>
    %mul3A_279 = arith.mulf %add3A_261, %add3A_261 : vector<16xf32>
    %sub3A_280 = arith.subf %mul3A_279, %add3A_278 : vector<16xf32>
    %add3A_281 = arith.addf %add3A_244, %sub3A_280 : vector<16xf32>
    %add3A_282 = arith.constant 0 : i32
    %add3A_283 = arith.addi %mul3A_36, %add3A_282 : i32
    %get3A_284 = arith.constant 0 : i32
    %get3A_285 = arith.constant 6 : i32
    %get3A_286 = arith.index_cast %get3A_284 : i32 to index
    %get3A_287 = arith.index_cast %get3A_285 : i32 to index
    %get3A_288 = arith.index_cast %add3A_283 : i32 to index
    %get3A_289 = tpu.vector_load %arg5[%get3A_286, %get3A_287, %get3A_288] {strides = array<i32>} : memref<4x16x128xf32, #tpu.memory_space<vmem>>, vector<16xf32>,
    %add3A_290 = arith.constant 0 : i32
    %add3A_291 = arith.addi %mul3A_36, %add3A_290 : i32
    %get3A_292 = arith.constant 2 : i32
    %get3A_293 = arith.constant 6 : i32
    %get3A_294 = arith.index_cast %get3A_292 : i32 to index
    %get3A_295 = arith.index_cast %get3A_293 : i32 to index
    %get3A_296 = arith.index_cast %add3A_291 : i32 to index
    %get3A_297 = tpu.vector_load %arg5[%get3A_294, %get3A_295, %get3A_296] {strides = array<i32>} : memref<4x16x128xf32, #tpu.memory_space<vmem>>, vector<16xf32>,
    %add3A_298 = arith.addf %get3A_289, %get3A_297 : vector<16xf32>
    %add3A_299 = arith.constant 0 : i32
    %add3A_300 = arith.addi %mul3A_36, %add3A_299 : i32
    %get3A_301 = arith.constant 1 : i32
    %get3A_302 = arith.constant 6 : i32
    %get3A_303 = arith.index_cast %get3A_301 : i32 to index
    %get3A_304 = arith.index_cast %get3A_302 : i32 to index
    %get3A_305 = arith.index_cast %add3A_300 : i32 to index
    %get3A_306 = tpu.vector_load %arg5[%get3A_303, %get3A_304, %get3A_305] {strides = array<i32>} : memref<4x16x128xf32, #tpu.memory_space<vmem>>, vector<16xf32>,
    %add3A_307 = arith.constant 0 : i32
    %add3A_308 = arith.addi %mul3A_36, %add3A_307 : i32
    %get3A_309 = arith.constant 3 : i32
    %get3A_310 = arith.constant 6 : i32
    %get3A_311 = arith.index_cast %get3A_309 : i32 to index
    %get3A_312 = arith.index_cast %get3A_310 : i32 to index
    %get3A_313 = arith.index_cast %add3A_308 : i32 to index
    %get3A_314 = tpu.vector_load %arg5[%get3A_311, %get3A_312, %get3A_313] {strides = array<i32>} : memref<4x16x128xf32, #tpu.memory_space<vmem>>, vector<16xf32>,
    %add3A_315 = arith.addf %get3A_306, %get3A_314 : vector<16xf32>
    %mul3A_316 = arith.mulf %add3A_298, %add3A_298 : vector<16xf32>
    %sub3A_317 = arith.subf %mul3A_316, %add3A_315 : vector<16xf32>
    %add3A_318 = arith.addf %add3A_281, %sub3A_317 : vector<16xf32>
    %add3A_319 = arith.constant 0 : i32
    %add3A_320 = arith.addi %mul3A_36, %add3A_319 : i32
    %get3A_321 = arith.constant 0 : i32
    %get3A_322 = arith.constant 7 : i32
    %get3A_323 = arith.index_cast %get3A_321 : i32 to index
    %get3A_324 = arith.index_cast %get3A_322 : i32 to index
    %get3A_325 = arith.index_cast %add3A_320 : i32 to index
    %get3A_326 = tpu.vector_load %arg5[%get3A_323, %get3A_324, %get3A_325] {strides = array<i32>} : memref<4x16x128xf32, #tpu.memory_space<vmem>>, vector<16xf32>,
    %add3A_327 = arith.constant 0 : i32
    %add3A_328 = arith.addi %mul3A_36, %add3A_327 : i32
    %get3A_329 = arith.constant 2 : i32
    %get3A_330 = arith.constant 7 : i32
    %get3A_331 = arith.index_cast %get3A_329 : i32 to index
    %get3A_332 = arith.index_cast %get3A_330 : i32 to index
    %get3A_333 = arith.index_cast %add3A_328 : i32 to index
    %get3A_334 = tpu.vector_load %arg5[%get3A_331, %get3A_332, %get3A_333] {strides = array<i32>} : memref<4x16x128xf32, #tpu.memory_space<vmem>>, vector<16xf32>,
    %add3A_335 = arith.addf %get3A_326, %get3A_334 : vector<16xf32>
    %add3A_336 = arith.constant 0 : i32
    %add3A_337 = arith.addi %mul3A_36, %add3A_336 : i32
    %get3A_338 = arith.constant 1 : i32
    %get3A_339 = arith.constant 7 : i32
    %get3A_340 = arith.index_cast %get3A_338 : i32 to index
    %get3A_341 = arith.index_cast %get3A_339 : i32 to index
    %get3A_342 = arith.index_cast %add3A_337 : i32 to index
    %get3A_343 = tpu.vector_load %arg5[%get3A_340, %get3A_341, %get3A_342] {strides = array<i32>} : memref<4x16x128xf32, #tpu.memory_space<vmem>>, vector<16xf32>,
    %add3A_344 = arith.constant 0 : i32
    %add3A_345 = arith.addi %mul3A_36, %add3A_344 : i32
    %get3A_346 = arith.constant 3 : i32
    %get3A_347 = arith.constant 7 : i32
    %get3A_348 = arith.index_cast %get3A_346 : i32 to index
    %get3A_349 = arith.index_cast %get3A_347 : i32 to index
    %get3A_350 = arith.index_cast %add3A_345 : i32 to index
    %get3A_351 = tpu.vector_load %arg5[%get3A_348, %get3A_349, %get3A_350] {strides = array<i32>} : memref<4x16x128xf32, #tpu.memory_space<vmem>>, vector<16xf32>,
    %add3A_352 = arith.addf %get3A_343, %get3A_351 : vector<16xf32>
    %mul3A_353 = arith.mulf %add3A_335, %add3A_335 : vector<16xf32>
    %sub3A_354 = arith.subf %mul3A_353, %add3A_352 : vector<16xf32>
    %add3A_355 = arith.addf %add3A_318, %sub3A_354 : vector<16xf32>
    %add3A_356 = arith.constant 0 : i32
    %add3A_357 = arith.addi %mul3A_36, %add3A_356 : i32
    %get3A_358 = arith.constant 0 : i32
    %get3A_359 = arith.constant 8 : i32
    %get3A_360 = arith.index_cast %get3A_358 : i32 to index
    %get3A_361 = arith.index_cast %get3A_359 : i32 to index
    %get3A_362 = arith.index_cast %add3A_357 : i32 to index
    %get3A_363 = tpu.vector_load %arg5[%get3A_360, %get3A_361, %get3A_362] {strides = array<i32>} : memref<4x16x128xf32, #tpu.memory_space<vmem>>, vector<16xf32>,
    %add3A_364 = arith.constant 0 : i32
    %add3A_365 = arith.addi %mul3A_36, %add3A_364 : i32
    %get3A_366 = arith.constant 2 : i32
    %get3A_367 = arith.constant 8 : i32
    %get3A_368 = arith.index_cast %get3A_366 : i32 to index
    %get3A_369 = arith.index_cast %get3A_367 : i32 to index
    %get3A_370 = arith.index_cast %add3A_365 : i32 to index
    %get3A_371 = tpu.vector_load %arg5[%get3A_368, %get3A_369, %get3A_370] {strides = array<i32>} : memref<4x16x128xf32, #tpu.memory_space<vmem>>, vector<16xf32>,
    %add3A_372 = arith.addf %get3A_363, %get3A_371 : vector<16xf32>
    %add3A_373 = arith.constant 0 : i32
    %add3A_374 = arith.addi %mul3A_36, %add3A_373 : i32
    %get3A_375 = arith.constant 1 : i32
    %get3A_376 = arith.constant 8 : i32
    %get3A_377 = arith.index_cast %get3A_375 : i32 to index
    %get3A_378 = arith.index_cast %get3A_376 : i32 to index
    %get3A_379 = arith.index_cast %add3A_374 : i32 to index
    %get3A_380 = tpu.vector_load %arg5[%get3A_377, %get3A_378, %get3A_379] {strides = array<i32>} : memref<4x16x128xf32, #tpu.memory_space<vmem>>, vector<16xf32>,
    %add3A_381 = arith.constant 0 : i32
    %add3A_382 = arith.addi %mul3A_36, %add3A_381 : i32
    %get3A_383 = arith.constant 3 : i32
    %get3A_384 = arith.constant 8 : i32
    %get3A_385 = arith.index_cast %get3A_383 : i32 to index
    %get3A_386 = arith.index_cast %get3A_384 : i32 to index
    %get3A_387 = arith.index_cast %add3A_382 : i32 to index
    %get3A_388 = tpu.vector_load %arg5[%get3A_385, %get3A_386, %get3A_387] {strides = array<i32>} : memref<4x16x128xf32, #tpu.memory_space<vmem>>, vector<16xf32>,
    %add3A_389 = arith.addf %get3A_380, %get3A_388 : vector<16xf32>
    %mul3A_390 = arith.mulf %add3A_372, %add3A_372 : vector<16xf32>
    %sub3A_391 = arith.subf %mul3A_390, %add3A_389 : vector<16xf32>
    %add3A_392 = arith.addf %add3A_355, %sub3A_391 : vector<16xf32>
    %add3A_393 = arith.constant 0 : i32
    %add3A_394 = arith.addi %mul3A_36, %add3A_393 : i32
    %get3A_395 = arith.constant 0 : i32
    %get3A_396 = arith.constant 9 : i32
    %get3A_397 = arith.index_cast %get3A_395 : i32 to index
    %get3A_398 = arith.index_cast %get3A_396 : i32 to index
    %get3A_399 = arith.index_cast %add3A_394 : i32 to index
    %get3A_400 = tpu.vector_load %arg5[%get3A_397, %get3A_398, %get3A_399] {strides = array<i32>} : memref<4x16x128xf32, #tpu.memory_space<vmem>>, vector<16xf32>,
    %add3A_401 = arith.constant 0 : i32
    %add3A_402 = arith.addi %mul3A_36, %add3A_401 : i32
    %get3A_403 = arith.constant 2 : i32
    %get3A_404 = arith.constant 9 : i32
    %get3A_405 = arith.index_cast %get3A_403 : i32 to index
    %get3A_406 = arith.index_cast %get3A_404 : i32 to index
    %get3A_407 = arith.index_cast %add3A_402 : i32 to index
    %get3A_408 = tpu.vector_load %arg5[%get3A_405, %get3A_406, %get3A_407] {strides = array<i32>} : memref<4x16x128xf32, #tpu.memory_space<vmem>>, vector<16xf32>,
    %add3A_409 = arith.addf %get3A_400, %get3A_408 : vector<16xf32>
    %add3A_410 = arith.constant 0 : i32
    %add3A_411 = arith.addi %mul3A_36, %add3A_410 : i32
    %get3A_412 = arith.constant 1 : i32
    %get3A_413 = arith.constant 9 : i32
    %get3A_414 = arith.index_cast %get3A_412 : i32 to index
    %get3A_415 = arith.index_cast %get3A_413 : i32 to index
    %get3A_416 = arith.index_cast %add3A_411 : i32 to index
    %get3A_417 = tpu.vector_load %arg5[%get3A_414, %get3A_415, %get3A_416] {strides = array<i32>} : memref<4x16x128xf32, #tpu.memory_space<vmem>>, vector<16xf32>,
    %add3A_418 = arith.constant 0 : i32
    %add3A_419 = arith.addi %mul3A_36, %add3A_418 : i32
    %get3A_420 = arith.constant 3 : i32
    %get3A_421 = arith.constant 9 : i32
    %get3A_422 = arith.index_cast %get3A_420 : i32 to index
    %get3A_423 = arith.index_cast %get3A_421 : i32 to index
    %get3A_424 = arith.index_cast %add3A_419 : i32 to index
    %get3A_425 = tpu.vector_load %arg5[%get3A_422, %get3A_423, %get3A_424] {strides = array<i32>} : memref<4x16x128xf32, #tpu.memory_space<vmem>>, vector<16xf32>,
    %add3A_426 = arith.addf %get3A_417, %get3A_425 : vector<16xf32>
    %mul3A_427 = arith.mulf %add3A_409, %add3A_409 : vector<16xf32>
    %sub3A_428 = arith.subf %mul3A_427, %add3A_426 : vector<16xf32>
    %add3A_429 = arith.addf %add3A_392, %sub3A_428 : vector<16xf32>
    %add3A_430 = arith.constant 0 : i32
    %add3A_431 = arith.addi %mul3A_36, %add3A_430 : i32
    %get3A_432 = arith.constant 0 : i32
    %get3A_433 = arith.constant 10 : i32
    %get3A_434 = arith.index_cast %get3A_432 : i32 to index
    %get3A_435 = arith.index_cast %get3A_433 : i32 to index
    %get3A_436 = arith.index_cast %add3A_431 : i32 to index
    %get3A_437 = tpu.vector_load %arg5[%get3A_434, %get3A_435, %get3A_436] {strides = array<i32>} : memref<4x16x128xf32, #tpu.memory_space<vmem>>, vector<16xf32>,
    %add3A_438 = arith.constant 0 : i32
    %add3A_439 = arith.addi %mul3A_36, %add3A_438 : i32
    %get3A_440 = arith.constant 2 : i32
    %get3A_441 = arith.constant 10 : i32
    %get3A_442 = arith.index_cast %get3A_440 : i32 to index
    %get3A_443 = arith.index_cast %get3A_441 : i32 to index
    %get3A_444 = arith.index_cast %add3A_439 : i32 to index
    %get3A_445 = tpu.vector_load %arg5[%get3A_442, %get3A_443, %get3A_444] {strides = array<i32>} : memref<4x16x128xf32, #tpu.memory_space<vmem>>, vector<16xf32>,
    %add3A_446 = arith.addf %get3A_437, %get3A_445 : vector<16xf32>
    %add3A_447 = arith.constant 0 : i32
    %add3A_448 = arith.addi %mul3A_36, %add3A_447 : i32
    %get3A_449 = arith.constant 1 : i32
    %get3A_450 = arith.constant 10 : i32
    %get3A_451 = arith.index_cast %get3A_449 : i32 to index
    %get3A_452 = arith.index_cast %get3A_450 : i32 to index
    %get3A_453 = arith.index_cast %add3A_448 : i32 to index
    %get3A_454 = tpu.vector_load %arg5[%get3A_451, %get3A_452, %get3A_453] {strides = array<i32>} : memref<4x16x128xf32, #tpu.memory_space<vmem>>, vector<16xf32>,
    %add3A_455 = arith.constant 0 : i32
    %add3A_456 = arith.addi %mul3A_36, %add3A_455 : i32
    %get3A_457 = arith.constant 3 : i32
    %get3A_458 = arith.constant 10 : i32
    %get3A_459 = arith.index_cast %get3A_457 : i32 to index
    %get3A_460 = arith.index_cast %get3A_458 : i32 to index
    %get3A_461 = arith.index_cast %add3A_456 : i32 to index
    %get3A_462 = tpu.vector_load %arg5[%get3A_459, %get3A_460, %get3A_461] {strides = array<i32>} : memref<4x16x128xf32, #tpu.memory_space<vmem>>, vector<16xf32>,
    %add3A_463 = arith.addf %get3A_454, %get3A_462 : vector<16xf32>
    %mul3A_464 = arith.mulf %add3A_446, %add3A_446 : vector<16xf32>
    %sub3A_465 = arith.subf %mul3A_464, %add3A_463 : vector<16xf32>
    %add3A_466 = arith.addf %add3A_429, %sub3A_465 : vector<16xf32>
    %add3A_467 = arith.constant 0 : i32
    %add3A_468 = arith.addi %mul3A_36, %add3A_467 : i32
    %get3A_469 = arith.constant 0 : i32
    %get3A_470 = arith.constant 11 : i32
    %get3A_471 = arith.index_cast %get3A_469 : i32 to index
    %get3A_472 = arith.index_cast %get3A_470 : i32 to index
    %get3A_473 = arith.index_cast %add3A_468 : i32 to index
    %get3A_474 = tpu.vector_load %arg5[%get3A_471, %get3A_472, %get3A_473] {strides = array<i32>} : memref<4x16x128xf32, #tpu.memory_space<vmem>>, vector<16xf32>,
    %add3A_475 = arith.constant 0 : i32
    %add3A_476 = arith.addi %mul3A_36, %add3A_475 : i32
    %get3A_477 = arith.constant 2 : i32
    %get3A_478 = arith.constant 11 : i32
    %get3A_479 = arith.index_cast %get3A_477 : i32 to index
    %get3A_480 = arith.index_cast %get3A_478 : i32 to index
    %get3A_481 = arith.index_cast %add3A_476 : i32 to index
    %get3A_482 = tpu.vector_load %arg5[%get3A_479, %get3A_480, %get3A_481] {strides = array<i32>} : memref<4x16x128xf32, #tpu.memory_space<vmem>>, vector<16xf32>,
    %add3A_483 = arith.addf %get3A_474, %get3A_482 : vector<16xf32>
    %add3A_484 = arith.constant 0 : i32
    %add3A_485 = arith.addi %mul3A_36, %add3A_484 : i32
    %get3A_486 = arith.constant 1 : i32
    %get3A_487 = arith.constant 11 : i32
    %get3A_488 = arith.index_cast %get3A_486 : i32 to index
    %get3A_489 = arith.index_cast %get3A_487 : i32 to index
    %get3A_490 = arith.index_cast %add3A_485 : i32 to index
    %get3A_491 = tpu.vector_load %arg5[%get3A_488, %get3A_489, %get3A_490] {strides = array<i32>} : memref<4x16x128xf32, #tpu.memory_space<vmem>>, vector<16xf32>,
    %add3A_492 = arith.constant 0 : i32
    %add3A_493 = arith.addi %mul3A_36, %add3A_492 : i32
    %get3A_494 = arith.constant 3 : i32
    %get3A_495 = arith.constant 11 : i32
    %get3A_496 = arith.index_cast %get3A_494 : i32 to index
    %get3A_497 = arith.index_cast %get3A_495 : i32 to index
    %get3A_498 = arith.index_cast %add3A_493 : i32 to index
    %get3A_499 = tpu.vector_load %arg5[%get3A_496, %get3A_497, %get3A_498] {strides = array<i32>} : memref<4x16x128xf32, #tpu.memory_space<vmem>>, vector<16xf32>,
    %add3A_500 = arith.addf %get3A_491, %get3A_499 : vector<16xf32>
    %mul3A_501 = arith.mulf %add3A_483, %add3A_483 : vector<16xf32>
    %sub3A_502 = arith.subf %mul3A_501, %add3A_500 : vector<16xf32>
    %add3A_503 = arith.addf %add3A_466, %sub3A_502 : vector<16xf32>
    %add3A_504 = arith.constant 0 : i32
    %add3A_505 = arith.addi %mul3A_36, %add3A_504 : i32
    %get3A_506 = arith.constant 0 : i32
    %get3A_507 = arith.constant 12 : i32
    %get3A_508 = arith.index_cast %get3A_506 : i32 to index
    %get3A_509 = arith.index_cast %get3A_507 : i32 to index
    %get3A_510 = arith.index_cast %add3A_505 : i32 to index
    %get3A_511 = tpu.vector_load %arg5[%get3A_508, %get3A_509, %get3A_510] {strides = array<i32>} : memref<4x16x128xf32, #tpu.memory_space<vmem>>, vector<16xf32>,
    %add3A_512 = arith.constant 0 : i32
    %add3A_513 = arith.addi %mul3A_36, %add3A_512 : i32
    %get3A_514 = arith.constant 2 : i32
    %get3A_515 = arith.constant 12 : i32
    %get3A_516 = arith.index_cast %get3A_514 : i32 to index
    %get3A_517 = arith.index_cast %get3A_515 : i32 to index
    %get3A_518 = arith.index_cast %add3A_513 : i32 to index
    %get3A_519 = tpu.vector_load %arg5[%get3A_516, %get3A_517, %get3A_518] {strides = array<i32>} : memref<4x16x128xf32, #tpu.memory_space<vmem>>, vector<16xf32>,
    %add3A_520 = arith.addf %get3A_511, %get3A_519 : vector<16xf32>
    %add3A_521 = arith.constant 0 : i32
    %add3A_522 = arith.addi %mul3A_36, %add3A_521 : i32
    %get3A_523 = arith.constant 1 : i32
    %get3A_524 = arith.constant 12 : i32
    %get3A_525 = arith.index_cast %get3A_523 : i32 to index
    %get3A_526 = arith.index_cast %get3A_524 : i32 to index
    %get3A_527 = arith.index_cast %add3A_522 : i32 to index
    %get3A_528 = tpu.vector_load %arg5[%get3A_525, %get3A_526, %get3A_527] {strides = array<i32>} : memref<4x16x128xf32, #tpu.memory_space<vmem>>, vector<16xf32>,
    %add3A_529 = arith.constant 0 : i32
    %add3A_530 = arith.addi %mul3A_36, %add3A_529 : i32
    %get3A_531 = arith.constant 3 : i32
    %get3A_532 = arith.constant 12 : i32
    %get3A_533 = arith.index_cast %get3A_531 : i32 to index
    %get3A_534 = arith.index_cast %get3A_532 : i32 to index
    %get3A_535 = arith.index_cast %add3A_530 : i32 to index
    %get3A_536 = tpu.vector_load %arg5[%get3A_533, %get3A_534, %get3A_535] {strides = array<i32>} : memref<4x16x128xf32, #tpu.memory_space<vmem>>, vector<16xf32>,
    %add3A_537 = arith.addf %get3A_528, %get3A_536 : vector<16xf32>
    %mul3A_538 = arith.mulf %add3A_520, %add3A_520 : vector<16xf32>
    %sub3A_539 = arith.subf %mul3A_538, %add3A_537 : vector<16xf32>
    %add3A_540 = arith.addf %add3A_503, %sub3A_539 : vector<16xf32>
    %add3A_541 = arith.constant 0 : i32
    %add3A_542 = arith.addi %mul3A_36, %add3A_541 : i32
    %get3A_543 = arith.constant 0 : i32
    %get3A_544 = arith.constant 13 : i32
    %get3A_545 = arith.index_cast %get3A_543 : i32 to index
    %get3A_546 = arith.index_cast %get3A_544 : i32 to index
    %get3A_547 = arith.index_cast %add3A_542 : i32 to index
    %get3A_548 = tpu.vector_load %arg5[%get3A_545, %get3A_546, %get3A_547] {strides = array<i32>} : memref<4x16x128xf32, #tpu.memory_space<vmem>>, vector<16xf32>,
    %add3A_549 = arith.constant 0 : i32
    %add3A_550 = arith.addi %mul3A_36, %add3A_549 : i32
    %get3A_551 = arith.constant 2 : i32
    %get3A_552 = arith.constant 13 : i32
    %get3A_553 = arith.index_cast %get3A_551 : i32 to index
    %get3A_554 = arith.index_cast %get3A_552 : i32 to index
    %get3A_555 = arith.index_cast %add3A_550 : i32 to index
    %get3A_556 = tpu.vector_load %arg5[%get3A_553, %get3A_554, %get3A_555] {strides = array<i32>} : memref<4x16x128xf32, #tpu.memory_space<vmem>>, vector<16xf32>,
    %add3A_557 = arith.addf %get3A_548, %get3A_556 : vector<16xf32>
    %add3A_558 = arith.constant 0 : i32
    %add3A_559 = arith.addi %mul3A_36, %add3A_558 : i32
    %get3A_560 = arith.constant 1 : i32
    %get3A_561 = arith.constant 13 : i32
    %get3A_562 = arith.index_cast %get3A_560 : i32 to index
    %get3A_563 = arith.index_cast %get3A_561 : i32 to index
    %get3A_564 = arith.index_cast %add3A_559 : i32 to index
    %get3A_565 = tpu.vector_load %arg5[%get3A_562, %get3A_563, %get3A_564] {strides = array<i32>} : memref<4x16x128xf32, #tpu.memory_space<vmem>>, vector<16xf32>,
    %add3A_566 = arith.constant 0 : i32
    %add3A_567 = arith.addi %mul3A_36, %add3A_566 : i32
    %get3A_568 = arith.constant 3 : i32
    %get3A_569 = arith.constant 13 : i32
    %get3A_570 = arith.index_cast %get3A_568 : i32 to index
    %get3A_571 = arith.index_cast %get3A_569 : i32 to index
    %get3A_572 = arith.index_cast %add3A_567 : i32 to index
    %get3A_573 = tpu.vector_load %arg5[%get3A_570, %get3A_571, %get3A_572] {strides = array<i32>} : memref<4x16x128xf32, #tpu.memory_space<vmem>>, vector<16xf32>,
    %add3A_574 = arith.addf %get3A_565, %get3A_573 : vector<16xf32>
    %mul3A_575 = arith.mulf %add3A_557, %add3A_557 : vector<16xf32>
    %sub3A_576 = arith.subf %mul3A_575, %add3A_574 : vector<16xf32>
    %add3A_577 = arith.addf %add3A_540, %sub3A_576 : vector<16xf32>
    %add3A_578 = arith.constant 0 : i32
    %add3A_579 = arith.addi %mul3A_36, %add3A_578 : i32
    %get3A_580 = arith.constant 0 : i32
    %get3A_581 = arith.constant 14 : i32
    %get3A_582 = arith.index_cast %get3A_580 : i32 to index
    %get3A_583 = arith.index_cast %get3A_581 : i32 to index
    %get3A_584 = arith.index_cast %add3A_579 : i32 to index
    %get3A_585 = tpu.vector_load %arg5[%get3A_582, %get3A_583, %get3A_584] {strides = array<i32>} : memref<4x16x128xf32, #tpu.memory_space<vmem>>, vector<16xf32>,
    %add3A_586 = arith.constant 0 : i32
    %add3A_587 = arith.addi %mul3A_36, %add3A_586 : i32
    %get3A_588 = arith.constant 2 : i32
    %get3A_589 = arith.constant 14 : i32
    %get3A_590 = arith.index_cast %get3A_588 : i32 to index
    %get3A_591 = arith.index_cast %get3A_589 : i32 to index
    %get3A_592 = arith.index_cast %add3A_587 : i32 to index
    %get3A_593 = tpu.vector_load %arg5[%get3A_590, %get3A_591, %get3A_592] {strides = array<i32>} : memref<4x16x128xf32, #tpu.memory_space<vmem>>, vector<16xf32>,
    %add3A_594 = arith.addf %get3A_585, %get3A_593 : vector<16xf32>
    %add3A_595 = arith.constant 0 : i32
    %add3A_596 = arith.addi %mul3A_36, %add3A_595 : i32
    %get3A_597 = arith.constant 1 : i32
    %get3A_598 = arith.constant 14 : i32
    %get3A_599 = arith.index_cast %get3A_597 : i32 to index
    %get3A_600 = arith.index_cast %get3A_598 : i32 to index
    %get3A_601 = arith.index_cast %add3A_596 : i32 to index
    %get3A_602 = tpu.vector_load %arg5[%get3A_599, %get3A_600, %get3A_601] {strides = array<i32>} : memref<4x16x128xf32, #tpu.memory_space<vmem>>, vector<16xf32>,
    %add3A_603 = arith.constant 0 : i32
    %add3A_604 = arith.addi %mul3A_36, %add3A_603 : i32
    %get3A_605 = arith.constant 3 : i32
    %get3A_606 = arith.constant 14 : i32
    %get3A_607 = arith.index_cast %get3A_605 : i32 to index
    %get3A_608 = arith.index_cast %get3A_606 : i32 to index
    %get3A_609 = arith.index_cast %add3A_604 : i32 to index
    %get3A_610 = tpu.vector_load %arg5[%get3A_607, %get3A_608, %get3A_609] {strides = array<i32>} : memref<4x16x128xf32, #tpu.memory_space<vmem>>, vector<16xf32>,
    %add3A_611 = arith.addf %get3A_602, %get3A_610 : vector<16xf32>
    %mul3A_612 = arith.mulf %add3A_594, %add3A_594 : vector<16xf32>
    %sub3A_613 = arith.subf %mul3A_612, %add3A_611 : vector<16xf32>
    %add3A_614 = arith.addf %add3A_577, %sub3A_613 : vector<16xf32>
    %add3A_615 = arith.constant 0 : i32
    %add3A_616 = arith.addi %mul3A_36, %add3A_615 : i32
    %get3A_617 = arith.constant 0 : i32
    %get3A_618 = arith.constant 15 : i32
    %get3A_619 = arith.index_cast %get3A_617 : i32 to index
    %get3A_620 = arith.index_cast %get3A_618 : i32 to index
    %get3A_621 = arith.index_cast %add3A_616 : i32 to index
    %get3A_622 = tpu.vector_load %arg5[%get3A_619, %get3A_620, %get3A_621] {strides = array<i32>} : memref<4x16x128xf32, #tpu.memory_space<vmem>>, vector<16xf32>,
    %add3A_623 = arith.constant 0 : i32
    %add3A_624 = arith.addi %mul3A_36, %add3A_623 : i32
    %get3A_625 = arith.constant 2 : i32
    %get3A_626 = arith.constant 15 : i32
    %get3A_627 = arith.index_cast %get3A_625 : i32 to index
    %get3A_628 = arith.index_cast %get3A_626 : i32 to index
    %get3A_629 = arith.index_cast %add3A_624 : i32 to index
    %get3A_630 = tpu.vector_load %arg5[%get3A_627, %get3A_628, %get3A_629] {strides = array<i32>} : memref<4x16x128xf32, #tpu.memory_space<vmem>>, vector<16xf32>,
    %add3A_631 = arith.addf %get3A_622, %get3A_630 : vector<16xf32>
    %add3A_632 = arith.constant 0 : i32
    %add3A_633 = arith.addi %mul3A_36, %add3A_632 : i32
    %get3A_634 = arith.constant 1 : i32
    %get3A_635 = arith.constant 15 : i32
    %get3A_636 = arith.index_cast %get3A_634 : i32 to index
    %get3A_637 = arith.index_cast %get3A_635 : i32 to index
    %get3A_638 = arith.index_cast %add3A_633 : i32 to index
    %get3A_639 = tpu.vector_load %arg5[%get3A_636, %get3A_637, %get3A_638] {strides = array<i32>} : memref<4x16x128xf32, #tpu.memory_space<vmem>>, vector<16xf32>,
    %add3A_640 = arith.constant 0 : i32
    %add3A_641 = arith.addi %mul3A_36, %add3A_640 : i32
    %get3A_642 = arith.constant 3 : i32
    %get3A_643 = arith.constant 15 : i32
    %get3A_644 = arith.index_cast %get3A_642 : i32 to index
    %get3A_645 = arith.index_cast %get3A_643 : i32 to index
    %get3A_646 = arith.index_cast %add3A_641 : i32 to index
    %get3A_647 = tpu.vector_load %arg5[%get3A_644, %get3A_645, %get3A_646] {strides = array<i32>} : memref<4x16x128xf32, #tpu.memory_space<vmem>>, vector<16xf32>,
    %add3A_648 = arith.addf %get3A_639, %get3A_647 : vector<16xf32>
    %mul3A_649 = arith.mulf %add3A_631, %add3A_631 : vector<16xf32>
    %sub3A_650 = arith.subf %mul3A_649, %add3A_648 : vector<16xf32>
    %add3A_651 = arith.addf %add3A_614, %sub3A_650 : vector<16xf32>
    %mul3A_652 = arith.constant 5.000000e-01 : f32
    %mul3A_653 = vector.broadcast %mul3A_652 : f32 to vector<16xf32>
    %mul3A_654 = arith.mulf %mul3A_653, %add3A_651 : vector<16xf32>
    %mul3A_655 = arith.mulf %mul3A_654, %get3A_54 : vector<16xf32>
    %add3A_656 = arith.addf %mul3A_655, %get3A_58 : vector<16xf32>
    %neg3A = arith.constant 0.000000e+00 : f32
    %neg3A_657 = vector.broadcast %neg3A : f32 to vector<16xf32>
    %neg3A_658 = arith.subf %neg3A_657, %add3A_656 : vector<16xf32>
    %exp3A = math.exp %neg3A_658 : vector<16xf32>
    %add3A_659 = arith.constant 1.000000e+00 : f32
    %add3A_660 = vector.broadcast %add3A_659 : f32 to vector<16xf32>
    %add3A_661 = arith.addf %add3A_660, %exp3A : vector<16xf32>
    %div3A_662 = arith.constant 1.000000e+00 : f32
    %div3A_663 = vector.broadcast %div3A_662 : f32 to vector<16xf32>
    %div3A_664 = arith.divf %div3A_663, %add3A_661 : vector<16xf32>
    %swap3A = arith.constant 0 : index
    %swap3A_665 = tpu.vector_load %arg7[%swap3A] {strides = array<i32>} : memref<32xf32, #tpu.memory_space<vmem>>, vector<16xf32>,
    tpu.vector_store %arg7[%swap3A], %div3A_664 {strides = array<i32>} : memref<32xf32, #tpu.memory_space<vmem>>, vector<16xf32>,
    %broadcast_in_dim3A_666 = arith.constant 0.000000e+00 : f32
    %broadcast_in_dim3A_667 = vector.broadcast %broadcast_in_dim3A_666 : f32 to vector<16xf32>
    %add3A_668 = arith.constant 16 : i32
    %add3A_669 = arith.addi %mul3A_36, %add3A_668 : i32
    %get3A_670 = arith.constant 0 : i32
    %get3A_671 = arith.constant 0 : i32
    %get3A_672 = arith.index_cast %get3A_670 : i32 to index
    %get3A_673 = arith.index_cast %get3A_671 : i32 to index
    %get3A_674 = arith.index_cast %add3A_669 : i32 to index
    %get3A_675 = tpu.vector_load %arg5[%get3A_672, %get3A_673, %get3A_674] {strides = array<i32>} : memref<4x16x128xf32, #tpu.memory_space<vmem>>, vector<16xf32>,
    %add3A_676 = arith.constant 16 : i32
    %add3A_677 = arith.addi %mul3A_36, %add3A_676 : i32
    %get3A_678 = arith.constant 2 : i32
    %get3A_679 = arith.constant 0 : i32
    %get3A_680 = arith.index_cast %get3A_678 : i32 to index
    %get3A_681 = arith.index_cast %get3A_679 : i32 to index
    %get3A_682 = arith.index_cast %add3A_677 : i32 to index
    %get3A_683 = tpu.vector_load %arg5[%get3A_680, %get3A_681, %get3A_682] {strides = array<i32>} : memref<4x16x128xf32, #tpu.memory_space<vmem>>, vector<16xf32>,
    %add3A_684 = arith.addf %get3A_675, %get3A_683 : vector<16xf32>
    %add3A_685 = arith.constant 16 : i32
    %add3A_686 = arith.addi %mul3A_36, %add3A_685 : i32
    %get3A_687 = arith.constant 1 : i32
    %get3A_688 = arith.constant 0 : i32
    %get3A_689 = arith.index_cast %get3A_687 : i32 to index
    %get3A_690 = arith.index_cast %get3A_688 : i32 to index
    %get3A_691 = arith.index_cast %add3A_686 : i32 to index
    %get3A_692 = tpu.vector_load %arg5[%get3A_689, %get3A_690, %get3A_691] {strides = array<i32>} : memref<4x16x128xf32, #tpu.memory_space<vmem>>, vector<16xf32>,
    %add3A_693 = arith.constant 16 : i32
    %add3A_694 = arith.addi %mul3A_36, %add3A_693 : i32
    %get3A_695 = arith.constant 3 : i32
    %get3A_696 = arith.constant 0 : i32
    %get3A_697 = arith.index_cast %get3A_695 : i32 to index
    %get3A_698 = arith.index_cast %get3A_696 : i32 to index
    %get3A_699 = arith.index_cast %add3A_694 : i32 to index
    %get3A_700 = tpu.vector_load %arg5[%get3A_697, %get3A_698, %get3A_699] {strides = array<i32>} : memref<4x16x128xf32, #tpu.memory_space<vmem>>, vector<16xf32>,
    %add3A_701 = arith.addf %get3A_692, %get3A_700 : vector<16xf32>
    %mul3A_702 = arith.mulf %add3A_684, %add3A_684 : vector<16xf32>
    %sub3A_703 = arith.subf %mul3A_702, %add3A_701 : vector<16xf32>
    %add3A_704 = arith.addf %broadcast_in_dim3A_667, %sub3A_703 : vector<16xf32>
    %add3A_705 = arith.constant 16 : i32
    %add3A_706 = arith.addi %mul3A_36, %add3A_705 : i32
    %get3A_707 = arith.constant 0 : i32
    %get3A_708 = arith.constant 1 : i32
    %get3A_709 = arith.index_cast %get3A_707 : i32 to index
    %get3A_710 = arith.index_cast %get3A_708 : i32 to index
    %get3A_711 = arith.index_cast %add3A_706 : i32 to index
    %get3A_712 = tpu.vector_load %arg5[%get3A_709, %get3A_710, %get3A_711] {strides = array<i32>} : memref<4x16x128xf32, #tpu.memory_space<vmem>>, vector<16xf32>,
    %add3A_713 = arith.constant 16 : i32
    %add3A_714 = arith.addi %mul3A_36, %add3A_713 : i32
    %get3A_715 = arith.constant 2 : i32
    %get3A_716 = arith.constant 1 : i32
    %get3A_717 = arith.index_cast %get3A_715 : i32 to index
    %get3A_718 = arith.index_cast %get3A_716 : i32 to index
    %get3A_719 = arith.index_cast %add3A_714 : i32 to index
    %get3A_720 = tpu.vector_load %arg5[%get3A_717, %get3A_718, %get3A_719] {strides = array<i32>} : memref<4x16x128xf32, #tpu.memory_space<vmem>>, vector<16xf32>,
    %add3A_721 = arith.addf %get3A_712, %get3A_720 : vector<16xf32>
    %add3A_722 = arith.constant 16 : i32
    %add3A_723 = arith.addi %mul3A_36, %add3A_722 : i32
    %get3A_724 = arith.constant 1 : i32
    %get3A_725 = arith.constant 1 : i32
    %get3A_726 = arith.index_cast %get3A_724 : i32 to index
    %get3A_727 = arith.index_cast %get3A_725 : i32 to index
    %get3A_728 = arith.index_cast %add3A_723 : i32 to index
    %get3A_729 = tpu.vector_load %arg5[%get3A_726, %get3A_727, %get3A_728] {strides = array<i32>} : memref<4x16x128xf32, #tpu.memory_space<vmem>>, vector<16xf32>,
    %add3A_730 = arith.constant 16 : i32
    %add3A_731 = arith.addi %mul3A_36, %add3A_730 : i32
    %get3A_732 = arith.constant 3 : i32
    %get3A_733 = arith.constant 1 : i32
    %get3A_734 = arith.index_cast %get3A_732 : i32 to index
    %get3A_735 = arith.index_cast %get3A_733 : i32 to index
    %get3A_736 = arith.index_cast %add3A_731 : i32 to index
    %get3A_737 = tpu.vector_load %arg5[%get3A_734, %get3A_735, %get3A_736] {strides = array<i32>} : memref<4x16x128xf32, #tpu.memory_space<vmem>>, vector<16xf32>,
    %add3A_738 = arith.addf %get3A_729, %get3A_737 : vector<16xf32>
    %mul3A_739 = arith.mulf %add3A_721, %add3A_721 : vector<16xf32>
    %sub3A_740 = arith.subf %mul3A_739, %add3A_738 : vector<16xf32>
    %add3A_741 = arith.addf %add3A_704, %sub3A_740 : vector<16xf32>
    %add3A_742 = arith.constant 16 : i32
    %add3A_743 = arith.addi %mul3A_36, %add3A_742 : i32
    %get3A_744 = arith.constant 0 : i32
    %get3A_745 = arith.constant 2 : i32
    %get3A_746 = arith.index_cast %get3A_744 : i32 to index
    %get3A_747 = arith.index_cast %get3A_745 : i32 to index
    %get3A_748 = arith.index_cast %add3A_743 : i32 to index
    %get3A_749 = tpu.vector_load %arg5[%get3A_746, %get3A_747, %get3A_748] {strides = array<i32>} : memref<4x16x128xf32, #tpu.memory_space<vmem>>, vector<16xf32>,
    %add3A_750 = arith.constant 16 : i32
    %add3A_751 = arith.addi %mul3A_36, %add3A_750 : i32
    %get3A_752 = arith.constant 2 : i32
    %get3A_753 = arith.constant 2 : i32
    %get3A_754 = arith.index_cast %get3A_752 : i32 to index
    %get3A_755 = arith.index_cast %get3A_753 : i32 to index
    %get3A_756 = arith.index_cast %add3A_751 : i32 to index
    %get3A_757 = tpu.vector_load %arg5[%get3A_754, %get3A_755, %get3A_756] {strides = array<i32>} : memref<4x16x128xf32, #tpu.memory_space<vmem>>, vector<16xf32>,
    %add3A_758 = arith.addf %get3A_749, %get3A_757 : vector<16xf32>
    %add3A_759 = arith.constant 16 : i32
    %add3A_760 = arith.addi %mul3A_36, %add3A_759 : i32
    %get3A_761 = arith.constant 1 : i32
    %get3A_762 = arith.constant 2 : i32
    %get3A_763 = arith.index_cast %get3A_761 : i32 to index
    %get3A_764 = arith.index_cast %get3A_762 : i32 to index
    %get3A_765 = arith.index_cast %add3A_760 : i32 to index
    %get3A_766 = tpu.vector_load %arg5[%get3A_763, %get3A_764, %get3A_765] {strides = array<i32>} : memref<4x16x128xf32, #tpu.memory_space<vmem>>, vector<16xf32>,
    %add3A_767 = arith.constant 16 : i32
    %add3A_768 = arith.addi %mul3A_36, %add3A_767 : i32
    %get3A_769 = arith.constant 3 : i32
    %get3A_770 = arith.constant 2 : i32
    %get3A_771 = arith.index_cast %get3A_769 : i32 to index
    %get3A_772 = arith.index_cast %get3A_770 : i32 to index
    %get3A_773 = arith.index_cast %add3A_768 : i32 to index
    %get3A_774 = tpu.vector_load %arg5[%get3A_771, %get3A_772, %get3A_773] {strides = array<i32>} : memref<4x16x128xf32, #tpu.memory_space<vmem>>, vector<16xf32>,
    %add3A_775 = arith.addf %get3A_766, %get3A_774 : vector<16xf32>
    %mul3A_776 = arith.mulf %add3A_758, %add3A_758 : vector<16xf32>
    %sub3A_777 = arith.subf %mul3A_776, %add3A_775 : vector<16xf32>
    %add3A_778 = arith.addf %add3A_741, %sub3A_777 : vector<16xf32>
    %add3A_779 = arith.constant 16 : i32
    %add3A_780 = arith.addi %mul3A_36, %add3A_779 : i32
    %get3A_781 = arith.constant 0 : i32
    %get3A_782 = arith.constant 3 : i32
    %get3A_783 = arith.index_cast %get3A_781 : i32 to index
    %get3A_784 = arith.index_cast %get3A_782 : i32 to index
    %get3A_785 = arith.index_cast %add3A_780 : i32 to index
    %get3A_786 = tpu.vector_load %arg5[%get3A_783, %get3A_784, %get3A_785] {strides = array<i32>} : memref<4x16x128xf32, #tpu.memory_space<vmem>>, vector<16xf32>,
    %add3A_787 = arith.constant 16 : i32
    %add3A_788 = arith.addi %mul3A_36, %add3A_787 : i32
    %get3A_789 = arith.constant 2 : i32
    %get3A_790 = arith.constant 3 : i32
    %get3A_791 = arith.index_cast %get3A_789 : i32 to index
    %get3A_792 = arith.index_cast %get3A_790 : i32 to index
    %get3A_793 = arith.index_cast %add3A_788 : i32 to index
    %get3A_794 = tpu.vector_load %arg5[%get3A_791, %get3A_792, %get3A_793] {strides = array<i32>} : memref<4x16x128xf32, #tpu.memory_space<vmem>>, vector<16xf32>,
    %add3A_795 = arith.addf %get3A_786, %get3A_794 : vector<16xf32>
    %add3A_796 = arith.constant 16 : i32
    %add3A_797 = arith.addi %mul3A_36, %add3A_796 : i32
    %get3A_798 = arith.constant 1 : i32
    %get3A_799 = arith.constant 3 : i32
    %get3A_800 = arith.index_cast %get3A_798 : i32 to index
    %get3A_801 = arith.index_cast %get3A_799 : i32 to index
    %get3A_802 = arith.index_cast %add3A_797 : i32 to index
    %get3A_803 = tpu.vector_load %arg5[%get3A_800, %get3A_801, %get3A_802] {strides = array<i32>} : memref<4x16x128xf32, #tpu.memory_space<vmem>>, vector<16xf32>,
    %add3A_804 = arith.constant 16 : i32
    %add3A_805 = arith.addi %mul3A_36, %add3A_804 : i32
    %get3A_806 = arith.constant 3 : i32
    %get3A_807 = arith.constant 3 : i32
    %get3A_808 = arith.index_cast %get3A_806 : i32 to index
    %get3A_809 = arith.index_cast %get3A_807 : i32 to index
    %get3A_810 = arith.index_cast %add3A_805 : i32 to index
    %get3A_811 = tpu.vector_load %arg5[%get3A_808, %get3A_809, %get3A_810] {strides = array<i32>} : memref<4x16x128xf32, #tpu.memory_space<vmem>>, vector<16xf32>,
    %add3A_812 = arith.addf %get3A_803, %get3A_811 : vector<16xf32>
    %mul3A_813 = arith.mulf %add3A_795, %add3A_795 : vector<16xf32>
    %sub3A_814 = arith.subf %mul3A_813, %add3A_812 : vector<16xf32>
    %add3A_815 = arith.addf %add3A_778, %sub3A_814 : vector<16xf32>
    %add3A_816 = arith.constant 16 : i32
    %add3A_817 = arith.addi %mul3A_36, %add3A_816 : i32
    %get3A_818 = arith.constant 0 : i32
    %get3A_819 = arith.constant 4 : i32
    %get3A_820 = arith.index_cast %get3A_818 : i32 to index
    %get3A_821 = arith.index_cast %get3A_819 : i32 to index
    %get3A_822 = arith.index_cast %add3A_817 : i32 to index
    %get3A_823 = tpu.vector_load %arg5[%get3A_820, %get3A_821, %get3A_822] {strides = array<i32>} : memref<4x16x128xf32, #tpu.memory_space<vmem>>, vector<16xf32>,
    %add3A_824 = arith.constant 16 : i32
    %add3A_825 = arith.addi %mul3A_36, %add3A_824 : i32
    %get3A_826 = arith.constant 2 : i32
    %get3A_827 = arith.constant 4 : i32
    %get3A_828 = arith.index_cast %get3A_826 : i32 to index
    %get3A_829 = arith.index_cast %get3A_827 : i32 to index
    %get3A_830 = arith.index_cast %add3A_825 : i32 to index
    %get3A_831 = tpu.vector_load %arg5[%get3A_828, %get3A_829, %get3A_830] {strides = array<i32>} : memref<4x16x128xf32, #tpu.memory_space<vmem>>, vector<16xf32>,
    %add3A_832 = arith.addf %get3A_823, %get3A_831 : vector<16xf32>
    %add3A_833 = arith.constant 16 : i32
    %add3A_834 = arith.addi %mul3A_36, %add3A_833 : i32
    %get3A_835 = arith.constant 1 : i32
    %get3A_836 = arith.constant 4 : i32
    %get3A_837 = arith.index_cast %get3A_835 : i32 to index
    %get3A_838 = arith.index_cast %get3A_836 : i32 to index
    %get3A_839 = arith.index_cast %add3A_834 : i32 to index
    %get3A_840 = tpu.vector_load %arg5[%get3A_837, %get3A_838, %get3A_839] {strides = array<i32>} : memref<4x16x128xf32, #tpu.memory_space<vmem>>, vector<16xf32>,
    %add3A_841 = arith.constant 16 : i32
    %add3A_842 = arith.addi %mul3A_36, %add3A_841 : i32
    %get3A_843 = arith.constant 3 : i32
    %get3A_844 = arith.constant 4 : i32
    %get3A_845 = arith.index_cast %get3A_843 : i32 to index
    %get3A_846 = arith.index_cast %get3A_844 : i32 to index
    %get3A_847 = arith.index_cast %add3A_842 : i32 to index
    %get3A_848 = tpu.vector_load %arg5[%get3A_845, %get3A_846, %get3A_847] {strides = array<i32>} : memref<4x16x128xf32, #tpu.memory_space<vmem>>, vector<16xf32>,
    %add3A_849 = arith.addf %get3A_840, %get3A_848 : vector<16xf32>
    %mul3A_850 = arith.mulf %add3A_832, %add3A_832 : vector<16xf32>
    %sub3A_851 = arith.subf %mul3A_850, %add3A_849 : vector<16xf32>
    %add3A_852 = arith.addf %add3A_815, %sub3A_851 : vector<16xf32>
    %add3A_853 = arith.constant 16 : i32
    %add3A_854 = arith.addi %mul3A_36, %add3A_853 : i32
    %get3A_855 = arith.constant 0 : i32
    %get3A_856 = arith.constant 5 : i32
    %get3A_857 = arith.index_cast %get3A_855 : i32 to index
    %get3A_858 = arith.index_cast %get3A_856 : i32 to index
    %get3A_859 = arith.index_cast %add3A_854 : i32 to index
    %get3A_860 = tpu.vector_load %arg5[%get3A_857, %get3A_858, %get3A_859] {strides = array<i32>} : memref<4x16x128xf32, #tpu.memory_space<vmem>>, vector<16xf32>,
    %add3A_861 = arith.constant 16 : i32
    %add3A_862 = arith.addi %mul3A_36, %add3A_861 : i32
    %get3A_863 = arith.constant 2 : i32
    %get3A_864 = arith.constant 5 : i32
    %get3A_865 = arith.index_cast %get3A_863 : i32 to index
    %get3A_866 = arith.index_cast %get3A_864 : i32 to index
    %get3A_867 = arith.index_cast %add3A_862 : i32 to index
    %get3A_868 = tpu.vector_load %arg5[%get3A_865, %get3A_866, %get3A_867] {strides = array<i32>} : memref<4x16x128xf32, #tpu.memory_space<vmem>>, vector<16xf32>,
    %add3A_869 = arith.addf %get3A_860, %get3A_868 : vector<16xf32>
    %add3A_870 = arith.constant 16 : i32
    %add3A_871 = arith.addi %mul3A_36, %add3A_870 : i32
    %get3A_872 = arith.constant 1 : i32
    %get3A_873 = arith.constant 5 : i32
    %get3A_874 = arith.index_cast %get3A_872 : i32 to index
    %get3A_875 = arith.index_cast %get3A_873 : i32 to index
    %get3A_876 = arith.index_cast %add3A_871 : i32 to index
    %get3A_877 = tpu.vector_load %arg5[%get3A_874, %get3A_875, %get3A_876] {strides = array<i32>} : memref<4x16x128xf32, #tpu.memory_space<vmem>>, vector<16xf32>,
    %add3A_878 = arith.constant 16 : i32
    %add3A_879 = arith.addi %mul3A_36, %add3A_878 : i32
    %get3A_880 = arith.constant 3 : i32
    %get3A_881 = arith.constant 5 : i32
    %get3A_882 = arith.index_cast %get3A_880 : i32 to index
    %get3A_883 = arith.index_cast %get3A_881 : i32 to index
    %get3A_884 = arith.index_cast %add3A_879 : i32 to index
    %get3A_885 = tpu.vector_load %arg5[%get3A_882, %get3A_883, %get3A_884] {strides = array<i32>} : memref<4x16x128xf32, #tpu.memory_space<vmem>>, vector<16xf32>,
    %add3A_886 = arith.addf %get3A_877, %get3A_885 : vector<16xf32>
    %mul3A_887 = arith.mulf %add3A_869, %add3A_869 : vector<16xf32>
    %sub3A_888 = arith.subf %mul3A_887, %add3A_886 : vector<16xf32>
    %add3A_889 = arith.addf %add3A_852, %sub3A_888 : vector<16xf32>
    %add3A_890 = arith.constant 16 : i32
    %add3A_891 = arith.addi %mul3A_36, %add3A_890 : i32
    %get3A_892 = arith.constant 0 : i32
    %get3A_893 = arith.constant 6 : i32
    %get3A_894 = arith.index_cast %get3A_892 : i32 to index
    %get3A_895 = arith.index_cast %get3A_893 : i32 to index
    %get3A_896 = arith.index_cast %add3A_891 : i32 to index
    %get3A_897 = tpu.vector_load %arg5[%get3A_894, %get3A_895, %get3A_896] {strides = array<i32>} : memref<4x16x128xf32, #tpu.memory_space<vmem>>, vector<16xf32>,
    %add3A_898 = arith.constant 16 : i32
    %add3A_899 = arith.addi %mul3A_36, %add3A_898 : i32
    %get3A_900 = arith.constant 2 : i32
    %get3A_901 = arith.constant 6 : i32
    %get3A_902 = arith.index_cast %get3A_900 : i32 to index
    %get3A_903 = arith.index_cast %get3A_901 : i32 to index
    %get3A_904 = arith.index_cast %add3A_899 : i32 to index
    %get3A_905 = tpu.vector_load %arg5[%get3A_902, %get3A_903, %get3A_904] {strides = array<i32>} : memref<4x16x128xf32, #tpu.memory_space<vmem>>, vector<16xf32>,
    %add3A_906 = arith.addf %get3A_897, %get3A_905 : vector<16xf32>
    %add3A_907 = arith.constant 16 : i32
    %add3A_908 = arith.addi %mul3A_36, %add3A_907 : i32
    %get3A_909 = arith.constant 1 : i32
    %get3A_910 = arith.constant 6 : i32
    %get3A_911 = arith.index_cast %get3A_909 : i32 to index
    %get3A_912 = arith.index_cast %get3A_910 : i32 to index
    %get3A_913 = arith.index_cast %add3A_908 : i32 to index
    %get3A_914 = tpu.vector_load %arg5[%get3A_911, %get3A_912, %get3A_913] {strides = array<i32>} : memref<4x16x128xf32, #tpu.memory_space<vmem>>, vector<16xf32>,
    %add3A_915 = arith.constant 16 : i32
    %add3A_916 = arith.addi %mul3A_36, %add3A_915 : i32
    %get3A_917 = arith.constant 3 : i32
    %get3A_918 = arith.constant 6 : i32
    %get3A_919 = arith.index_cast %get3A_917 : i32 to index
    %get3A_920 = arith.index_cast %get3A_918 : i32 to index
    %get3A_921 = arith.index_cast %add3A_916 : i32 to index
    %get3A_922 = tpu.vector_load %arg5[%get3A_919, %get3A_920, %get3A_921] {strides = array<i32>} : memref<4x16x128xf32, #tpu.memory_space<vmem>>, vector<16xf32>,
    %add3A_923 = arith.addf %get3A_914, %get3A_922 : vector<16xf32>
    %mul3A_924 = arith.mulf %add3A_906, %add3A_906 : vector<16xf32>
    %sub3A_925 = arith.subf %mul3A_924, %add3A_923 : vector<16xf32>
    %add3A_926 = arith.addf %add3A_889, %sub3A_925 : vector<16xf32>
    %add3A_927 = arith.constant 16 : i32
    %add3A_928 = arith.addi %mul3A_36, %add3A_927 : i32
    %get3A_929 = arith.constant 0 : i32
    %get3A_930 = arith.constant 7 : i32
    %get3A_931 = arith.index_cast %get3A_929 : i32 to index
    %get3A_932 = arith.index_cast %get3A_930 : i32 to index
    %get3A_933 = arith.index_cast %add3A_928 : i32 to index
    %get3A_934 = tpu.vector_load %arg5[%get3A_931, %get3A_932, %get3A_933] {strides = array<i32>} : memref<4x16x128xf32, #tpu.memory_space<vmem>>, vector<16xf32>,
    %add3A_935 = arith.constant 16 : i32
    %add3A_936 = arith.addi %mul3A_36, %add3A_935 : i32
    %get3A_937 = arith.constant 2 : i32
    %get3A_938 = arith.constant 7 : i32
    %get3A_939 = arith.index_cast %get3A_937 : i32 to index
    %get3A_940 = arith.index_cast %get3A_938 : i32 to index
    %get3A_941 = arith.index_cast %add3A_936 : i32 to index
    %get3A_942 = tpu.vector_load %arg5[%get3A_939, %get3A_940, %get3A_941] {strides = array<i32>} : memref<4x16x128xf32, #tpu.memory_space<vmem>>, vector<16xf32>,
    %add3A_943 = arith.addf %get3A_934, %get3A_942 : vector<16xf32>
    %add3A_944 = arith.constant 16 : i32
    %add3A_945 = arith.addi %mul3A_36, %add3A_944 : i32
    %get3A_946 = arith.constant 1 : i32
    %get3A_947 = arith.constant 7 : i32
    %get3A_948 = arith.index_cast %get3A_946 : i32 to index
    %get3A_949 = arith.index_cast %get3A_947 : i32 to index
    %get3A_950 = arith.index_cast %add3A_945 : i32 to index
    %get3A_951 = tpu.vector_load %arg5[%get3A_948, %get3A_949, %get3A_950] {strides = array<i32>} : memref<4x16x128xf32, #tpu.memory_space<vmem>>, vector<16xf32>,
    %add3A_952 = arith.constant 16 : i32
    %add3A_953 = arith.addi %mul3A_36, %add3A_952 : i32
    %get3A_954 = arith.constant 3 : i32
    %get3A_955 = arith.constant 7 : i32
    %get3A_956 = arith.index_cast %get3A_954 : i32 to index
    %get3A_957 = arith.index_cast %get3A_955 : i32 to index
    %get3A_958 = arith.index_cast %add3A_953 : i32 to index
    %get3A_959 = tpu.vector_load %arg5[%get3A_956, %get3A_957, %get3A_958] {strides = array<i32>} : memref<4x16x128xf32, #tpu.memory_space<vmem>>, vector<16xf32>,
    %add3A_960 = arith.addf %get3A_951, %get3A_959 : vector<16xf32>
    %mul3A_961 = arith.mulf %add3A_943, %add3A_943 : vector<16xf32>
    %sub3A_962 = arith.subf %mul3A_961, %add3A_960 : vector<16xf32>
    %add3A_963 = arith.addf %add3A_926, %sub3A_962 : vector<16xf32>
    %add3A_964 = arith.constant 16 : i32
    %add3A_965 = arith.addi %mul3A_36, %add3A_964 : i32
    %get3A_966 = arith.constant 0 : i32
    %get3A_967 = arith.constant 8 : i32
    %get3A_968 = arith.index_cast %get3A_966 : i32 to index
    %get3A_969 = arith.index_cast %get3A_967 : i32 to index
    %get3A_970 = arith.index_cast %add3A_965 : i32 to index
    %get3A_971 = tpu.vector_load %arg5[%get3A_968, %get3A_969, %get3A_970] {strides = array<i32>} : memref<4x16x128xf32, #tpu.memory_space<vmem>>, vector<16xf32>,
    %add3A_972 = arith.constant 16 : i32
    %add3A_973 = arith.addi %mul3A_36, %add3A_972 : i32
    %get3A_974 = arith.constant 2 : i32
    %get3A_975 = arith.constant 8 : i32
    %get3A_976 = arith.index_cast %get3A_974 : i32 to index
    %get3A_977 = arith.index_cast %get3A_975 : i32 to index
    %get3A_978 = arith.index_cast %add3A_973 : i32 to index
    %get3A_979 = tpu.vector_load %arg5[%get3A_976, %get3A_977, %get3A_978] {strides = array<i32>} : memref<4x16x128xf32, #tpu.memory_space<vmem>>, vector<16xf32>,
    %add3A_980 = arith.addf %get3A_971, %get3A_979 : vector<16xf32>
    %add3A_981 = arith.constant 16 : i32
    %add3A_982 = arith.addi %mul3A_36, %add3A_981 : i32
    %get3A_983 = arith.constant 1 : i32
    %get3A_984 = arith.constant 8 : i32
    %get3A_985 = arith.index_cast %get3A_983 : i32 to index
    %get3A_986 = arith.index_cast %get3A_984 : i32 to index
    %get3A_987 = arith.index_cast %add3A_982 : i32 to index
    %get3A_988 = tpu.vector_load %arg5[%get3A_985, %get3A_986, %get3A_987] {strides = array<i32>} : memref<4x16x128xf32, #tpu.memory_space<vmem>>, vector<16xf32>,
    %add3A_989 = arith.constant 16 : i32
    %add3A_990 = arith.addi %mul3A_36, %add3A_989 : i32
    %get3A_991 = arith.constant 3 : i32
    %get3A_992 = arith.constant 8 : i32
    %get3A_993 = arith.index_cast %get3A_991 : i32 to index
    %get3A_994 = arith.index_cast %get3A_992 : i32 to index
    %get3A_995 = arith.index_cast %add3A_990 : i32 to index
    %get3A_996 = tpu.vector_load %arg5[%get3A_993, %get3A_994, %get3A_995] {strides = array<i32>} : memref<4x16x128xf32, #tpu.memory_space<vmem>>, vector<16xf32>,
    %add3A_997 = arith.addf %get3A_988, %get3A_996 : vector<16xf32>
    %mul3A_998 = arith.mulf %add3A_980, %add3A_980 : vector<16xf32>
    %sub3A_999 = arith.subf %mul3A_998, %add3A_997 : vector<16xf32>
    %add3A_1000 = arith.addf %add3A_963, %sub3A_999 : vector<16xf32>
    %add3A_1001 = arith.constant 16 : i32
    %add3A_1002 = arith.addi %mul3A_36, %add3A_1001 : i32
    %get3A_1003 = arith.constant 0 : i32
    %get3A_1004 = arith.constant 9 : i32
    %get3A_1005 = arith.index_cast %get3A_1003 : i32 to index
    %get3A_1006 = arith.index_cast %get3A_1004 : i32 to index
    %get3A_1007 = arith.index_cast %add3A_1002 : i32 to index
    %get3A_1008 = tpu.vector_load %arg5[%get3A_1005, %get3A_1006, %get3A_1007] {strides = array<i32>} : memref<4x16x128xf32, #tpu.memory_space<vmem>>, vector<16xf32>,
    %add3A_1009 = arith.constant 16 : i32
    %add3A_1010 = arith.addi %mul3A_36, %add3A_1009 : i32
    %get3A_1011 = arith.constant 2 : i32
    %get3A_1012 = arith.constant 9 : i32
    %get3A_1013 = arith.index_cast %get3A_1011 : i32 to index
    %get3A_1014 = arith.index_cast %get3A_1012 : i32 to index
    %get3A_1015 = arith.index_cast %add3A_1010 : i32 to index
    %get3A_1016 = tpu.vector_load %arg5[%get3A_1013, %get3A_1014, %get3A_1015] {strides = array<i32>} : memref<4x16x128xf32, #tpu.memory_space<vmem>>, vector<16xf32>,
    %add3A_1017 = arith.addf %get3A_1008, %get3A_1016 : vector<16xf32>
    %add3A_1018 = arith.constant 16 : i32
    %add3A_1019 = arith.addi %mul3A_36, %add3A_1018 : i32
    %get3A_1020 = arith.constant 1 : i32
    %get3A_1021 = arith.constant 9 : i32
    %get3A_1022 = arith.index_cast %get3A_1020 : i32 to index
    %get3A_1023 = arith.index_cast %get3A_1021 : i32 to index
    %get3A_1024 = arith.index_cast %add3A_1019 : i32 to index
    %get3A_1025 = tpu.vector_load %arg5[%get3A_1022, %get3A_1023, %get3A_1024] {strides = array<i32>} : memref<4x16x128xf32, #tpu.memory_space<vmem>>, vector<16xf32>,
    %add3A_1026 = arith.constant 16 : i32
    %add3A_1027 = arith.addi %mul3A_36, %add3A_1026 : i32
    %get3A_1028 = arith.constant 3 : i32
    %get3A_1029 = arith.constant 9 : i32
    %get3A_1030 = arith.index_cast %get3A_1028 : i32 to index
    %get3A_1031 = arith.index_cast %get3A_1029 : i32 to index
    %get3A_1032 = arith.index_cast %add3A_1027 : i32 to index
    %get3A_1033 = tpu.vector_load %arg5[%get3A_1030, %get3A_1031, %get3A_1032] {strides = array<i32>} : memref<4x16x128xf32, #tpu.memory_space<vmem>>, vector<16xf32>,
    %add3A_1034 = arith.addf %get3A_1025, %get3A_1033 : vector<16xf32>
    %mul3A_1035 = arith.mulf %add3A_1017, %add3A_1017 : vector<16xf32>
    %sub3A_1036 = arith.subf %mul3A_1035, %add3A_1034 : vector<16xf32>
    %add3A_1037 = arith.addf %add3A_1000, %sub3A_1036 : vector<16xf32>
    %add3A_1038 = arith.constant 16 : i32
    %add3A_1039 = arith.addi %mul3A_36, %add3A_1038 : i32
    %get3A_1040 = arith.constant 0 : i32
    %get3A_1041 = arith.constant 10 : i32
    %get3A_1042 = arith.index_cast %get3A_1040 : i32 to index
    %get3A_1043 = arith.index_cast %get3A_1041 : i32 to index
    %get3A_1044 = arith.index_cast %add3A_1039 : i32 to index
    %get3A_1045 = tpu.vector_load %arg5[%get3A_1042, %get3A_1043, %get3A_1044] {strides = array<i32>} : memref<4x16x128xf32, #tpu.memory_space<vmem>>, vector<16xf32>,
    %add3A_1046 = arith.constant 16 : i32
    %add3A_1047 = arith.addi %mul3A_36, %add3A_1046 : i32
    %get3A_1048 = arith.constant 2 : i32
    %get3A_1049 = arith.constant 10 : i32
    %get3A_1050 = arith.index_cast %get3A_1048 : i32 to index
    %get3A_1051 = arith.index_cast %get3A_1049 : i32 to index
    %get3A_1052 = arith.index_cast %add3A_1047 : i32 to index
    %get3A_1053 = tpu.vector_load %arg5[%get3A_1050, %get3A_1051, %get3A_1052] {strides = array<i32>} : memref<4x16x128xf32, #tpu.memory_space<vmem>>, vector<16xf32>,
    %add3A_1054 = arith.addf %get3A_1045, %get3A_1053 : vector<16xf32>
    %add3A_1055 = arith.constant 16 : i32
    %add3A_1056 = arith.addi %mul3A_36, %add3A_1055 : i32
    %get3A_1057 = arith.constant 1 : i32
    %get3A_1058 = arith.constant 10 : i32
    %get3A_1059 = arith.index_cast %get3A_1057 : i32 to index
    %get3A_1060 = arith.index_cast %get3A_1058 : i32 to index
    %get3A_1061 = arith.index_cast %add3A_1056 : i32 to index
    %get3A_1062 = tpu.vector_load %arg5[%get3A_1059, %get3A_1060, %get3A_1061] {strides = array<i32>} : memref<4x16x128xf32, #tpu.memory_space<vmem>>, vector<16xf32>,
    %add3A_1063 = arith.constant 16 : i32
    %add3A_1064 = arith.addi %mul3A_36, %add3A_1063 : i32
    %get3A_1065 = arith.constant 3 : i32
    %get3A_1066 = arith.constant 10 : i32
    %get3A_1067 = arith.index_cast %get3A_1065 : i32 to index
    %get3A_1068 = arith.index_cast %get3A_1066 : i32 to index
    %get3A_1069 = arith.index_cast %add3A_1064 : i32 to index
    %get3A_1070 = tpu.vector_load %arg5[%get3A_1067, %get3A_1068, %get3A_1069] {strides = array<i32>} : memref<4x16x128xf32, #tpu.memory_space<vmem>>, vector<16xf32>,
    %add3A_1071 = arith.addf %get3A_1062, %get3A_1070 : vector<16xf32>
    %mul3A_1072 = arith.mulf %add3A_1054, %add3A_1054 : vector<16xf32>
    %sub3A_1073 = arith.subf %mul3A_1072, %add3A_1071 : vector<16xf32>
    %add3A_1074 = arith.addf %add3A_1037, %sub3A_1073 : vector<16xf32>
    %add3A_1075 = arith.constant 16 : i32
    %add3A_1076 = arith.addi %mul3A_36, %add3A_1075 : i32
    %get3A_1077 = arith.constant 0 : i32
    %get3A_1078 = arith.constant 11 : i32
    %get3A_1079 = arith.index_cast %get3A_1077 : i32 to index
    %get3A_1080 = arith.index_cast %get3A_1078 : i32 to index
    %get3A_1081 = arith.index_cast %add3A_1076 : i32 to index
    %get3A_1082 = tpu.vector_load %arg5[%get3A_1079, %get3A_1080, %get3A_1081] {strides = array<i32>} : memref<4x16x128xf32, #tpu.memory_space<vmem>>, vector<16xf32>,
    %add3A_1083 = arith.constant 16 : i32
    %add3A_1084 = arith.addi %mul3A_36, %add3A_1083 : i32
    %get3A_1085 = arith.constant 2 : i32
    %get3A_1086 = arith.constant 11 : i32
    %get3A_1087 = arith.index_cast %get3A_1085 : i32 to index
    %get3A_1088 = arith.index_cast %get3A_1086 : i32 to index
    %get3A_1089 = arith.index_cast %add3A_1084 : i32 to index
    %get3A_1090 = tpu.vector_load %arg5[%get3A_1087, %get3A_1088, %get3A_1089] {strides = array<i32>} : memref<4x16x128xf32, #tpu.memory_space<vmem>>, vector<16xf32>,
    %add3A_1091 = arith.addf %get3A_1082, %get3A_1090 : vector<16xf32>
    %add3A_1092 = arith.constant 16 : i32
    %add3A_1093 = arith.addi %mul3A_36, %add3A_1092 : i32
    %get3A_1094 = arith.constant 1 : i32
    %get3A_1095 = arith.constant 11 : i32
    %get3A_1096 = arith.index_cast %get3A_1094 : i32 to index
    %get3A_1097 = arith.index_cast %get3A_1095 : i32 to index
    %get3A_1098 = arith.index_cast %add3A_1093 : i32 to index
    %get3A_1099 = tpu.vector_load %arg5[%get3A_1096, %get3A_1097, %get3A_1098] {strides = array<i32>} : memref<4x16x128xf32, #tpu.memory_space<vmem>>, vector<16xf32>,
    %add3A_1100 = arith.constant 16 : i32
    %add3A_1101 = arith.addi %mul3A_36, %add3A_1100 : i32
    %get3A_1102 = arith.constant 3 : i32
    %get3A_1103 = arith.constant 11 : i32
    %get3A_1104 = arith.index_cast %get3A_1102 : i32 to index
    %get3A_1105 = arith.index_cast %get3A_1103 : i32 to index
    %get3A_1106 = arith.index_cast %add3A_1101 : i32 to index
    %get3A_1107 = tpu.vector_load %arg5[%get3A_1104, %get3A_1105, %get3A_1106] {strides = array<i32>} : memref<4x16x128xf32, #tpu.memory_space<vmem>>, vector<16xf32>,
    %add3A_1108 = arith.addf %get3A_1099, %get3A_1107 : vector<16xf32>
    %mul3A_1109 = arith.mulf %add3A_1091, %add3A_1091 : vector<16xf32>
    %sub3A_1110 = arith.subf %mul3A_1109, %add3A_1108 : vector<16xf32>
    %add3A_1111 = arith.addf %add3A_1074, %sub3A_1110 : vector<16xf32>
    %add3A_1112 = arith.constant 16 : i32
    %add3A_1113 = arith.addi %mul3A_36, %add3A_1112 : i32
    %get3A_1114 = arith.constant 0 : i32
    %get3A_1115 = arith.constant 12 : i32
    %get3A_1116 = arith.index_cast %get3A_1114 : i32 to index
    %get3A_1117 = arith.index_cast %get3A_1115 : i32 to index
    %get3A_1118 = arith.index_cast %add3A_1113 : i32 to index
    %get3A_1119 = tpu.vector_load %arg5[%get3A_1116, %get3A_1117, %get3A_1118] {strides = array<i32>} : memref<4x16x128xf32, #tpu.memory_space<vmem>>, vector<16xf32>,
    %add3A_1120 = arith.constant 16 : i32
    %add3A_1121 = arith.addi %mul3A_36, %add3A_1120 : i32
    %get3A_1122 = arith.constant 2 : i32
    %get3A_1123 = arith.constant 12 : i32
    %get3A_1124 = arith.index_cast %get3A_1122 : i32 to index
    %get3A_1125 = arith.index_cast %get3A_1123 : i32 to index
    %get3A_1126 = arith.index_cast %add3A_1121 : i32 to index
    %get3A_1127 = tpu.vector_load %arg5[%get3A_1124, %get3A_1125, %get3A_1126] {strides = array<i32>} : memref<4x16x128xf32, #tpu.memory_space<vmem>>, vector<16xf32>,
    %add3A_1128 = arith.addf %get3A_1119, %get3A_1127 : vector<16xf32>
    %add3A_1129 = arith.constant 16 : i32
    %add3A_1130 = arith.addi %mul3A_36, %add3A_1129 : i32
    %get3A_1131 = arith.constant 1 : i32
    %get3A_1132 = arith.constant 12 : i32
    %get3A_1133 = arith.index_cast %get3A_1131 : i32 to index
    %get3A_1134 = arith.index_cast %get3A_1132 : i32 to index
    %get3A_1135 = arith.index_cast %add3A_1130 : i32 to index
    %get3A_1136 = tpu.vector_load %arg5[%get3A_1133, %get3A_1134, %get3A_1135] {strides = array<i32>} : memref<4x16x128xf32, #tpu.memory_space<vmem>>, vector<16xf32>,
    %add3A_1137 = arith.constant 16 : i32
    %add3A_1138 = arith.addi %mul3A_36, %add3A_1137 : i32
    %get3A_1139 = arith.constant 3 : i32
    %get3A_1140 = arith.constant 12 : i32
    %get3A_1141 = arith.index_cast %get3A_1139 : i32 to index
    %get3A_1142 = arith.index_cast %get3A_1140 : i32 to index
    %get3A_1143 = arith.index_cast %add3A_1138 : i32 to index
    %get3A_1144 = tpu.vector_load %arg5[%get3A_1141, %get3A_1142, %get3A_1143] {strides = array<i32>} : memref<4x16x128xf32, #tpu.memory_space<vmem>>, vector<16xf32>,
    %add3A_1145 = arith.addf %get3A_1136, %get3A_1144 : vector<16xf32>
    %mul3A_1146 = arith.mulf %add3A_1128, %add3A_1128 : vector<16xf32>
    %sub3A_1147 = arith.subf %mul3A_1146, %add3A_1145 : vector<16xf32>
    %add3A_1148 = arith.addf %add3A_1111, %sub3A_1147 : vector<16xf32>
    %add3A_1149 = arith.constant 16 : i32
    %add3A_1150 = arith.addi %mul3A_36, %add3A_1149 : i32
    %get3A_1151 = arith.constant 0 : i32
    %get3A_1152 = arith.constant 13 : i32
    %get3A_1153 = arith.index_cast %get3A_1151 : i32 to index
    %get3A_1154 = arith.index_cast %get3A_1152 : i32 to index
    %get3A_1155 = arith.index_cast %add3A_1150 : i32 to index
    %get3A_1156 = tpu.vector_load %arg5[%get3A_1153, %get3A_1154, %get3A_1155] {strides = array<i32>} : memref<4x16x128xf32, #tpu.memory_space<vmem>>, vector<16xf32>,
    %add3A_1157 = arith.constant 16 : i32
    %add3A_1158 = arith.addi %mul3A_36, %add3A_1157 : i32
    %get3A_1159 = arith.constant 2 : i32
    %get3A_1160 = arith.constant 13 : i32
    %get3A_1161 = arith.index_cast %get3A_1159 : i32 to index
    %get3A_1162 = arith.index_cast %get3A_1160 : i32 to index
    %get3A_1163 = arith.index_cast %add3A_1158 : i32 to index
    %get3A_1164 = tpu.vector_load %arg5[%get3A_1161, %get3A_1162, %get3A_1163] {strides = array<i32>} : memref<4x16x128xf32, #tpu.memory_space<vmem>>, vector<16xf32>,
    %add3A_1165 = arith.addf %get3A_1156, %get3A_1164 : vector<16xf32>
    %add3A_1166 = arith.constant 16 : i32
    %add3A_1167 = arith.addi %mul3A_36, %add3A_1166 : i32
    %get3A_1168 = arith.constant 1 : i32
    %get3A_1169 = arith.constant 13 : i32
    %get3A_1170 = arith.index_cast %get3A_1168 : i32 to index
    %get3A_1171 = arith.index_cast %get3A_1169 : i32 to index
    %get3A_1172 = arith.index_cast %add3A_1167 : i32 to index
    %get3A_1173 = tpu.vector_load %arg5[%get3A_1170, %get3A_1171, %get3A_1172] {strides = array<i32>} : memref<4x16x128xf32, #tpu.memory_space<vmem>>, vector<16xf32>,
    %add3A_1174 = arith.constant 16 : i32
    %add3A_1175 = arith.addi %mul3A_36, %add3A_1174 : i32
    %get3A_1176 = arith.constant 3 : i32
    %get3A_1177 = arith.constant 13 : i32
    %get3A_1178 = arith.index_cast %get3A_1176 : i32 to index
    %get3A_1179 = arith.index_cast %get3A_1177 : i32 to index
    %get3A_1180 = arith.index_cast %add3A_1175 : i32 to index
    %get3A_1181 = tpu.vector_load %arg5[%get3A_1178, %get3A_1179, %get3A_1180] {strides = array<i32>} : memref<4x16x128xf32, #tpu.memory_space<vmem>>, vector<16xf32>,
    %add3A_1182 = arith.addf %get3A_1173, %get3A_1181 : vector<16xf32>
    %mul3A_1183 = arith.mulf %add3A_1165, %add3A_1165 : vector<16xf32>
    %sub3A_1184 = arith.subf %mul3A_1183, %add3A_1182 : vector<16xf32>
    %add3A_1185 = arith.addf %add3A_1148, %sub3A_1184 : vector<16xf32>
    %add3A_1186 = arith.constant 16 : i32
    %add3A_1187 = arith.addi %mul3A_36, %add3A_1186 : i32
    %get3A_1188 = arith.constant 0 : i32
    %get3A_1189 = arith.constant 14 : i32
    %get3A_1190 = arith.index_cast %get3A_1188 : i32 to index
    %get3A_1191 = arith.index_cast %get3A_1189 : i32 to index
    %get3A_1192 = arith.index_cast %add3A_1187 : i32 to index
    %get3A_1193 = tpu.vector_load %arg5[%get3A_1190, %get3A_1191, %get3A_1192] {strides = array<i32>} : memref<4x16x128xf32, #tpu.memory_space<vmem>>, vector<16xf32>,
    %add3A_1194 = arith.constant 16 : i32
    %add3A_1195 = arith.addi %mul3A_36, %add3A_1194 : i32
    %get3A_1196 = arith.constant 2 : i32
    %get3A_1197 = arith.constant 14 : i32
    %get3A_1198 = arith.index_cast %get3A_1196 : i32 to index
    %get3A_1199 = arith.index_cast %get3A_1197 : i32 to index
    %get3A_1200 = arith.index_cast %add3A_1195 : i32 to index
    %get3A_1201 = tpu.vector_load %arg5[%get3A_1198, %get3A_1199, %get3A_1200] {strides = array<i32>} : memref<4x16x128xf32, #tpu.memory_space<vmem>>, vector<16xf32>,
    %add3A_1202 = arith.addf %get3A_1193, %get3A_1201 : vector<16xf32>
    %add3A_1203 = arith.constant 16 : i32
    %add3A_1204 = arith.addi %mul3A_36, %add3A_1203 : i32
    %get3A_1205 = arith.constant 1 : i32
    %get3A_1206 = arith.constant 14 : i32
    %get3A_1207 = arith.index_cast %get3A_1205 : i32 to index
    %get3A_1208 = arith.index_cast %get3A_1206 : i32 to index
    %get3A_1209 = arith.index_cast %add3A_1204 : i32 to index
    %get3A_1210 = tpu.vector_load %arg5[%get3A_1207, %get3A_1208, %get3A_1209] {strides = array<i32>} : memref<4x16x128xf32, #tpu.memory_space<vmem>>, vector<16xf32>,
    %add3A_1211 = arith.constant 16 : i32
    %add3A_1212 = arith.addi %mul3A_36, %add3A_1211 : i32
    %get3A_1213 = arith.constant 3 : i32
    %get3A_1214 = arith.constant 14 : i32
    %get3A_1215 = arith.index_cast %get3A_1213 : i32 to index
    %get3A_1216 = arith.index_cast %get3A_1214 : i32 to index
    %get3A_1217 = arith.index_cast %add3A_1212 : i32 to index
    %get3A_1218 = tpu.vector_load %arg5[%get3A_1215, %get3A_1216, %get3A_1217] {strides = array<i32>} : memref<4x16x128xf32, #tpu.memory_space<vmem>>, vector<16xf32>,
    %add3A_1219 = arith.addf %get3A_1210, %get3A_1218 : vector<16xf32>
    %mul3A_1220 = arith.mulf %add3A_1202, %add3A_1202 : vector<16xf32>
    %sub3A_1221 = arith.subf %mul3A_1220, %add3A_1219 : vector<16xf32>
    %add3A_1222 = arith.addf %add3A_1185, %sub3A_1221 : vector<16xf32>
    %add3A_1223 = arith.constant 16 : i32
    %add3A_1224 = arith.addi %mul3A_36, %add3A_1223 : i32
    %get3A_1225 = arith.constant 0 : i32
    %get3A_1226 = arith.constant 15 : i32
    %get3A_1227 = arith.index_cast %get3A_1225 : i32 to index
    %get3A_1228 = arith.index_cast %get3A_1226 : i32 to index
    %get3A_1229 = arith.index_cast %add3A_1224 : i32 to index
    %get3A_1230 = tpu.vector_load %arg5[%get3A_1227, %get3A_1228, %get3A_1229] {strides = array<i32>} : memref<4x16x128xf32, #tpu.memory_space<vmem>>, vector<16xf32>,
    %add3A_1231 = arith.constant 16 : i32
    %add3A_1232 = arith.addi %mul3A_36, %add3A_1231 : i32
    %get3A_1233 = arith.constant 2 : i32
    %get3A_1234 = arith.constant 15 : i32
    %get3A_1235 = arith.index_cast %get3A_1233 : i32 to index
    %get3A_1236 = arith.index_cast %get3A_1234 : i32 to index
    %get3A_1237 = arith.index_cast %add3A_1232 : i32 to index
    %get3A_1238 = tpu.vector_load %arg5[%get3A_1235, %get3A_1236, %get3A_1237] {strides = array<i32>} : memref<4x16x128xf32, #tpu.memory_space<vmem>>, vector<16xf32>,
    %add3A_1239 = arith.addf %get3A_1230, %get3A_1238 : vector<16xf32>
    %add3A_1240 = arith.constant 16 : i32
    %add3A_1241 = arith.addi %mul3A_36, %add3A_1240 : i32
    %get3A_1242 = arith.constant 1 : i32
    %get3A_1243 = arith.constant 15 : i32
    %get3A_1244 = arith.index_cast %get3A_1242 : i32 to index
    %get3A_1245 = arith.index_cast %get3A_1243 : i32 to index
    %get3A_1246 = arith.index_cast %add3A_1241 : i32 to index
    %get3A_1247 = tpu.vector_load %arg5[%get3A_1244, %get3A_1245, %get3A_1246] {strides = array<i32>} : memref<4x16x128xf32, #tpu.memory_space<vmem>>, vector<16xf32>,
    %add3A_1248 = arith.constant 16 : i32
    %add3A_1249 = arith.addi %mul3A_36, %add3A_1248 : i32
    %get3A_1250 = arith.constant 3 : i32
    %get3A_1251 = arith.constant 15 : i32
    %get3A_1252 = arith.index_cast %get3A_1250 : i32 to index
    %get3A_1253 = arith.index_cast %get3A_1251 : i32 to index
    %get3A_1254 = arith.index_cast %add3A_1249 : i32 to index
    %get3A_1255 = tpu.vector_load %arg5[%get3A_1252, %get3A_1253, %get3A_1254] {strides = array<i32>} : memref<4x16x128xf32, #tpu.memory_space<vmem>>, vector<16xf32>,
    %add3A_1256 = arith.addf %get3A_1247, %get3A_1255 : vector<16xf32>
    %mul3A_1257 = arith.mulf %add3A_1239, %add3A_1239 : vector<16xf32>
    %sub3A_1258 = arith.subf %mul3A_1257, %add3A_1256 : vector<16xf32>
    %add3A_1259 = arith.addf %add3A_1222, %sub3A_1258 : vector<16xf32>
    %mul3A_1260 = arith.constant 5.000000e-01 : f32
    %mul3A_1261 = vector.broadcast %mul3A_1260 : f32 to vector<16xf32>
    %mul3A_1262 = arith.mulf %mul3A_1261, %add3A_1259 : vector<16xf32>
    %mul3A_1263 = arith.mulf %mul3A_1262, %get3A_54 : vector<16xf32>
    %add3A_1264 = arith.addf %mul3A_1263, %get3A_58 : vector<16xf32>
    %neg3A_1265 = arith.constant 0.000000e+00 : f32
    %neg3A_1266 = vector.broadcast %neg3A_1265 : f32 to vector<16xf32>
    %neg3A_1267 = arith.subf %neg3A_1266, %add3A_1264 : vector<16xf32>
    %exp3A_1268 = math.exp %neg3A_1267 : vector<16xf32>
    %add3A_1269 = arith.constant 1.000000e+00 : f32
    %add3A_1270 = vector.broadcast %add3A_1269 : f32 to vector<16xf32>
    %add3A_1271 = arith.addf %add3A_1270, %exp3A_1268 : vector<16xf32>
    %div3A_1272 = arith.constant 1.000000e+00 : f32
    %div3A_1273 = vector.broadcast %div3A_1272 : f32 to vector<16xf32>
    %div3A_1274 = arith.divf %div3A_1273, %add3A_1271 : vector<16xf32>
    %swap3A_1275 = arith.constant 16 : index
    %swap3A_1276 = tpu.vector_load %arg7[%swap3A_1275] {strides = array<i32>} : memref<32xf32, #tpu.memory_space<vmem>>, vector<16xf32>,
    tpu.vector_store %arg7[%swap3A_1275], %div3A_1274 {strides = array<i32>} : memref<32xf32, #tpu.memory_space<vmem>>, vector<16xf32>,
    "tpu.region"() ({
      %run_scoped3A_1277 = tpu.sem_alloc : memref<!tpu.dma_semaphore, #tpu.memory_space<semaphore_mem>>
      %dma_start3A = tpu.memref_slice %arg4[%mul3A_2] : memref<1024xf32, #tpu.memory_space<hbm>> -> memref<32xf32, #tpu.memory_space<hbm>>
      %dma_start3A_1278 = tpu.memref_slice %arg4[%mul3A_2] : memref<1024xf32, #tpu.memory_space<hbm>> -> memref<32xf32, #tpu.memory_space<hbm>>
      tpu.enqueue_dma source(%arg7 : memref<32xf32, #tpu.memory_space<vmem>>) target(%dma_start3A_1278 : memref<32xf32, #tpu.memory_space<hbm>>) target_semaphore(%run_scoped3A_1277 : memref<!tpu.dma_semaphore, #tpu.memory_space<semaphore_mem>>)
      %dma_wait3A = tpu.memref_slice %arg4[%mul3A_2] : memref<1024xf32, #tpu.memory_space<hbm>> -> memref<32xf32, #tpu.memory_space<hbm>>
      %dma_wait3A_1279 = tpu.memref_slice %arg4[%mul3A_2] : memref<1024xf32, #tpu.memory_space<hbm>> -> memref<32xf32, #tpu.memory_space<hbm>>
      tpu.wait_dma2 semaphore(%run_scoped3A_1277 : memref<!tpu.dma_semaphore, #tpu.memory_space<semaphore_mem>>) src(%arg7 : memref<32xf32, #tpu.memory_space<vmem>>) dst(%dma_wait3A_1279 : memref<32xf32, #tpu.memory_space<hbm>>)
      tpu.yield
    }) : () -> ()
    return
  }
}

</mosaic_0001>

<sc_bundles>
// kernel: _afm_call.4.cloned.1.call-start
scs
__scs_entry_jumppad:
0x0: {  	(pc) =	sbr.rel $0x88, $3  }
0x1: {  	(tag) =	ssettag $0x0;
	lr =	simm.s32 $0x1  }
0x2: {  	[smem:$0x3F9E] =	sst lr;
	_ =	strace $0xD0000000  }
0x3: {  	_ = 	snop  }
0x4: {  	_ = 	snop  }
0x5: {  	_ = 	snop  }
0x6: {  	_ = 	snop  }
0x7: {  	_ = 	snop  }
__scs_overlays_trampoline_lowered:
0x8: {  	[smem:$0x3FAD] =	sst s0  }
0x9: {  	[smem:$0x3FAE] =	sst s1  }
0xa: {  	[smem:$0x3FAF] =	sst s2  }
0xb: {  	[smem:$0x3FB0] =	sst s3  }
0xc: {  	[smem:$0x3FB1] =	sst s4  }
0xd: {  	[smem:$0x3FB2] =	sst s5  }
0xe: {  	[smem:$0x3FB3] =	sst s6  }
0xf: {  	[smem:$0x3FB4] =	sst s7  }
0x10: {  	[smem:$0x3FB5] =	sst s8  }
0x11: {  	[smem:$0x3FB6] =	sst s9;
	s0 =	simm.s32 @!p0 $0x0  }
0x12: {  	s1 =	sld [smem:$0x3F9C];
	s0 =	simm.s32 @p0 $0x1  }
0x13: {  	[smem:$0x3FB7] =	sst s0;
	s0 =	simm.s32 @!p1 $0x0  }
0x14: {  	s2 =	sld [smem:$0x3F9B];
	s0 =	simm.s32 @p1 $0x1  }
0x15: {  	[smem:$0x3FB8] =	sst s0;
	s0 =	simm.s32 @!p2 $0x0  }
0x16: {  	s3 =	sld [smem:$0x3FDB];
	s0 =	simm.s32 @p2 $0x1  }
0x17: {  	s4 =	simm.s32 $0x1BF5;
	[smem:$0x3FBA] =	sst s0  }
0x18: {  	s0 =	sld [smem:$0x3F9D];
	_ =	swait.ge [sflag:s4], $0x0  }
0x19: {  	s7 =	sld [smem:$0x3F9E]  }
0x1a: {  	s8 =	sadd.s32 $0xFFFFE003, lr  }
0x1b: {  	s9 =	sadd.s32 $0xFFFFFEF7, lr;
	s5 =	simm.s32 $0xFFFFFFFF;
	p2 =	slt.u32 s8, $0xFFFFF086  }
0x1c: {  	p1 =	slt.u32 s9, $0xF7A;
	s5 =	simm.s32 @!p2 $0x0  }
0x1d: {  	s5 =	simm.s32 @p1 $0x1;
	p0 =	seq.s32 s7, s2  }
0x1e: {  	s7 =	smul.u32 @!p0 $0xF7A, s2;
	p2 =	seq.s32 @!p0 s5, $0x0  }
0x1f: {  	s9 =	smul.u32 $0xF7A, s1;
	s8 =	simm.s32 @!p0 $0x1BF5;
	p2 =	por !p2, p0  }
0x20: {  	[sflag:s8] =	ssyncset.s32 @!p0 $0xFFFFF086;
	s6 =	sadd.s32 @!p0 s3, s7;
	s7 =	simm.s32 @!p0 $0x108  }
0x21: {  	s3 =	sadd.s32 s3, s9;
	s6 =	sadd.s32 @!p0 $0x88, s6;
	s7 =	simm.s32 @p2 $0x1082  }
0x22: {  	[simem:s7], [sflag:s8] =	dma.local @!p0 [hbm:s6], $0xF7A  }
0x23: {  	s9 =	sor.u32 $0xD0000000, s2;
	s6 =	simm.s32 $0x108;
	_ =	swait.ge @!p0 [sflag:s8], $0x0  }
0x24: {  	s3 =	sadd.s32 $0x88, s3;
	s6 =	simm.s32 @!p1 $0x1082;
	[sflag:s4] =	ssyncset.s32 $0xFFFFF086  }
0x25: {  	[simem:s6], [sflag:s4] =	dma.local [hbm:s3], $0xF7A  }
0x26: {  	[smem:$0x3F9E] =	sst s1;
	(tag) =	ssettag s2;
	_ =	strace s9  }
0x27: {  	s1 =	sld [smem:$0x3FAE]  }
0x28: {  	s2 =	sld [smem:$0x3FAF]  }
0x29: {  	s4 =	sld [smem:$0x3FB1]  }
0x2a: {  	p0 =	seq.s32 s5, $0x0;
	s5 =	sld [smem:$0x3FB2]  }
0x2b: {  	s6 =	sld [smem:$0x3FB3]  }
0x2c: {  	s7 =	sld [smem:$0x3FB4]  }
0x2d: {  	s3 =	simm.s32 $0x108;
	s8 =	sld [smem:$0x3FB5]  }
0x2e: {  	s3 =	simm.s32 @!p0 $0x1082;
	s9 =	sld [smem:$0x3FB6]  }
0x2f: {  	lr =	sadd.s32 s0, s3;
	s0 =	sld [smem:$0x3FAD]  }
0x30: {  	s3 =	sld [smem:$0x3FB0]  }
0x31: {  	[smem:$0x3FB9] =	sst s10  }
0x32: {  	s10 =	sld [smem:$0x3FB7];
	_ =	sdelay $0x3  }
0x33: {  	p0 =	seq.s32 s10, $0x1;
	s10 =	sld [smem:$0x3FB9];
	_ =	sdelay $0x3  }
0x34: {  	[smem:$0x3FB9] =	sst s10  }
0x35: {  	s10 =	sld [smem:$0x3FB8];
	_ =	sdelay $0x3  }
0x36: {  	p1 =	seq.s32 s10, $0x1;
	s10 =	sld [smem:$0x3FB9];
	_ =	sdelay $0x3  }
0x37: {  	[smem:$0x3FB9] =	sst s10  }
0x38: {  	s10 =	sld [smem:$0x3FBA]  }
0x39: {  	_ = 	snop;
	(pc) =	sbr.ind lr, $3  }
0x3a: {  	_ = 	snop  }
0x3b: {  	_ = 	snop  }
0x3c: {  	p2 =	seq.s32 s10, $0x1;
	s10 =	sld [smem:$0x3FB9]  }
0x3d: {  	_ =	shalt  }
0x3e: {  	_ =	shalt  }
0x3f: {  	_ =	shalt  }
0x40: {  	_ =	shalt  }
0x41: {  	_ =	shalt  }
0x42: {  	_ =	shalt  }
0x43: {  	_ =	shalt  }
0x44: {  	_ =	shalt  }
0x45: {  	_ =	shalt  }
0x46: {  	_ =	shalt  }
0x47: {  	_ =	shalt  }
0x48: {  	_ =	shalt  }
0x49: {  	_ =	shalt  }
0x4a: {  	_ =	shalt  }
0x4b: {  	_ =	shalt  }
0x4c: {  	_ =	shalt  }
0x4d: {  	_ =	shalt  }
0x4e: {  	_ =	shalt  }
0x4f: {  	_ =	shalt  }
0x50: {  	_ =	shalt  }
0x51: {  	_ =	shalt  }
0x52: {  	_ =	shalt  }
0x53: {  	_ =	shalt  }
0x54: {  	_ =	shalt  }
0x55: {  	_ =	shalt  }
0x56: {  	_ =	shalt  }
0x57: {  	_ =	shalt  }
0x58: {  	_ =	shalt  }
0x59: {  	_ =	shalt  }
0x5a: {  	_ =	shalt  }
0x5b: {  	_ =	shalt  }
0x5c: {  	_ =	shalt  }
0x5d: {  	_ =	shalt  }
0x5e: {  	_ =	shalt  }
0x5f: {  	_ =	shalt  }
0x60: {  	_ =	shalt  }
0x61: {  	_ =	shalt  }
0x62: {  	_ =	shalt  }
0x63: {  	_ =	shalt  }
0x64: {  	_ =	shalt  }
0x65: {  	_ =	shalt  }
0x66: {  	_ =	shalt  }
0x67: {  	_ =	shalt  }
0x68: {  	_ =	shalt  }
0x69: {  	_ =	shalt  }
0x6a: {  	_ =	shalt  }
0x6b: {  	_ =	shalt  }
0x6c: {  	_ =	shalt  }
0x6d: {  	_ =	shalt  }
0x6e: {  	_ =	shalt  }
0x6f: {  	_ =	shalt  }
0x70: {  	_ =	shalt  }
0x71: {  	_ =	shalt  }
0x72: {  	_ =	shalt  }
0x73: {  	_ =	shalt  }
0x74: {  	_ =	shalt  }
0x75: {  	_ =	shalt  }
0x76: {  	_ =	shalt  }
0x77: {  	_ =	shalt  }
0x78: {  	_ =	shalt  }
0x79: {  	_ =	shalt  }
0x7a: {  	_ =	shalt  }
0x7b: {  	_ =	shalt  }
0x7c: {  	_ =	shalt  }
0x7d: {  	_ =	shalt  }
0x7e: {  	_ =	shalt  }
0x7f: {  	_ =	shalt  }
0x80: {  	_ =	shalt  }
0x81: {  	_ =	shalt  }
0x82: {  	_ =	shalt  }
0x83: {  	_ =	shalt  }
0x84: {  	_ =	shalt  }
0x85: {  	_ =	shalt  }
0x86: {  	_ =	shalt  }
0x87: {  	_ =	shalt  }
.Lfunc_end0:
.L_simem_size_0:
called_computation_lowered:
.L_overlay_start_0:
0x88: {  	s2 =	sld [smem:$0x3FD9]  }
0x89: {  	s3 =	sld [smem:$0x3FFE];
	_ =	sdelay $0x1  }
0x8a: {  	s1 =	srdreg.scid  }
0x8b: {  	s0 =	sand.u32 $0x1, s1  }
0x8c: {  	s17 =	sshll.u32 s0, $0xA;
	s2 =	sadd.s32 s3, s2  }
0x8d: {  	s2 =	sadd.s32 s2, s17  }
0x8e: {  	[smem:$0x3FC5] =	sst s2  }
0x8f: {  	_ = 	snop  }
0x90: {  	s2 =	sld [smem:$0x3FC9]  }
0x91: {  	s18 =	sld [smem:$0x3FC8];
	(tm) =	ssettm $0x1  }
0x92: {  	s4 =	sld [smem:$0x3FFB];
	_ =	sdelay $0x3  }
0x93: {  	_ =	strace s4  }
0x94: {  	s4 =	sld [smem:$0x3FFC];
	_ =	sdelay $0x3  }
0x95: {  	_ =	strace s4  }
0x96: {  	s4 =	sld [smem:$0x3FFD];
	_ =	sdelay $0x3  }
0x97: {  	_ =	strace s4  }
0x98: {  	_ =	strace $0x8FFFFFFF  }
0x99: {  	s19 =	sld [smem:$0x3FDB];
	_ =	sdelay $0x1  }
0x9a: {  	s5 =	simm.s32 $_scs_section_size  }
0x9b: {  	s6 =	simm.s32 $_size__tile_overlayer_lowered;
	s7 =	simm.s32 $_tile_overlayer_lowered  }
0x9c: {  	s22 =	simm.s32 $0x1BFF;
	s21 =	sshll.u32 s7, $0x1;
	s4 =	sadd.s32 s5, s19  }
0x9d: {  	s8 =	simm.s32 $0x0;
	s20 =	sshll.u32 s6, $0x1;
	s6 =	sadd.s32 s21, s4  }
0x9e: {  	[timem:s8], [sflag:s22] =	dma.local [hbm:s6], s20  }
0x9f: {  	_ =	swait.ge [sflag:s22], s20  }
0xa0: {  	s5 =	ssub.s32 $0x0, s20;
	[sflag:s22] =	ssyncset.done $0x0  }
0xa1: {  	[sflag:s22] =	ssyncadd.s32 s5;
	_ =	sdelay $0x1  }
0xa2: {  	s23 =	simm.s32 $0x1B8B  }
0xa3: {  	_ =	swait.ge [sflag:s23], $0x1  }
0xa4: {  	[sflag:s23] =	ssyncset.done $0x0  }
0xa5: {  	s25 =	simm.s32 $0x1B8E;
	s24 =	sld [smem:$0x3FFE];
	[sflag:s23] =	ssyncadd.s32 $0xFFFFFFFF  }
0xa6: {  	s26 =	simm.s32 $execute0_lowered;
	[smem:$0x3FD2] =	sst s25  }
0xa7: {  	s6 =	sshll.u32 s26, $0x1;
	_ =	strace $0x80000046;
	[dreg:$0x1] =	wrdreg $0xFFFFFFFF  }
0xa8: {  	s28 =	simm.s32 $_size_execute0_lowered;
	s4 =	sadd.s32 s4, s6;
	[dreg:$0x0] =	wrdreg $0x0  }
0xa9: {  	s6 =	sshll.u32 s28, $0x1;
	[dreg:$0x2] =	wrdreg s4  }
0xaa: {  	[dreg:$0x3] =	wrdreg s6  }
0xab: {  	[dreg:$0x4] =	wrdreg $0xC0  }
0xac: {  	_ =	task [dreg:s8], $0x5FFFF  }
0xad: {  	[dreg:$0x1] =	wrdreg $0xFFFFFFFF  }
0xae: {  	[dreg:$0x0] =	wrdreg $0x60  }
0xaf: {  	[dreg:$0x2] =	wrdreg s2  }
0xb0: {  	[dreg:$0x3] =	wrdreg s18  }
0xb1: {  	[dreg:$0x4] =	wrdreg s24  }
0xb2: {  	[dreg:$0x5] =	wrdreg $0x9  }
0xb3: {  	_ =	task.clear_ibuf [dreg:s8], $0x6FFFF;
	_ =	strace $0x90000046  }
0xb4: {  	s29 =	simm.s32 $0x9;
	_ =	strace $0x80000048  }
0xb5: {  	_ =	swait.ge [sflag:s29], $0x1  }
0xb6: {  	[sflag:s29] =	ssyncadd.s32 $0xFFFFFFFF  }
0xb7: {  	_ =	strace $0x90000048  }
0xb8: {  	_ =	sfence  }
0xb9: {  	s30 =	sld [smem:$0x0];
	_ =	sdelay $0x2  }
0xba: {  	s31 =	sshll.u32 s1, $0xD;
	s1 =	sshrl.u32 s1, $0x2  }
0xbb: {  	s3 =	sand.u32 $0x4000, s31;
	s1 =	sadd.s32 s1, s30  }
0xbc: {  	s0 =	sor.u32 s3, s0;
	s1 =	sshll.u32 s1, $0x11  }
0xbd: {  	s0 =	sor.u32 s1, s0  }
0xbe: {  	s0 =	sadd.s32 $0x8F2B, s0  }
0xbf: {  	[sflag:s0] =	ssyncadd.remote.s32 $0x1  }
0xc0: {  	_ =	sfence.sel $0xFFFF  }
0xc1: {  	[dreg:$0x0] =	wrdreg $0xFFFFFFFF;
	(pc) =	sbr.abs _section_cstart, $3  }
0xc2: {  	[dreg:$0x1] =	wrdreg $0xFFFFFFFF  }
0xc3: {  	_ =	task.clear_ibuf [dreg:s8], $0x2FFFF;
	_ =	strace $0x9FFFFFFF  }
0xc4: {  	(tm) =	ssettm $0x7FFFFFFF  }
0xc5: {  	_ =	shalt  }
tec
execute0_lowered:
.L_overlay_start_1:
0x0: {  	(tag) =	ssettag $0x1  }
0x1: {  	s0 =	rddreg [dreg:$0x0]  }
0x2: {  	s3 =	rddreg [dreg:$0x1]  }
0x3: {  	s4 =	rddreg [dreg:$0x2];
	s1 =	srdreg.scid;
	s2 =	simm.s32 $0x0  }
0x4: {  	s10 =	simm.s32 $0x400;
	s11 =	simm.s32 $0x1;
	[dreg:$0x4] =	wrdreg s0  }
0x5: {  	s12 =	simm.s32 $0x1C700;
	s13 =	simm.s32 $0x0;
	s0 =	rddreg [dreg:$0x3]  }
0x6: {  	s5 =	sand.u32 $0x1, s1;
	[smem:$0x7FF] =	sst s2;
	s1 =	stileid.u32  }
0x7: {  	s6 =	sshll.u32 s5, $0xC;
	_ =	strace $0x80000047;
	s28 =	sshll.u32 s1, $0x8  }
0x8: {  	s7 =	ssub.s32 $0x2, s5;
	s8 =	sshll.u32 s1, $0x4;
	s29 =	sshll.u32 s5, $0xB  }
0x9: {  	s30 =	smul.u32 $0xD0, s5;
	s4 =	sadd.s32 s6, s4;
	s6 =	sand.u32 $0x800, s28  }
0xa: {  	s9 =	sshrl.u32 s7, $0x1;
	s8 =	sand.u32 $0x70, s8;
	s3 =	sadd.s32 s3, s29  }
0xb: {  	s4 =	sadd.s32 s6, s4;
	s31 =	ssub.s32 s7, s9;
	s6 =	sor.u32 s30, s1  }
0xc: {  	s7 =	simm.s32 $0x18700;
	s9 =	simm.s32 $0x80;
	s4 =	sadd.s32 s8, s4  }
0xd: {  	s5 =	smax.u32 s31, $0x1;
	s8 =	simm.s32 $0x2;
	s4 =	sadd.s32 $0x800, s4  }
.LBB2_1:
0xe: {  	[tilespmem:s7], [sflag:$0x2] =	stream.linear.gather [hbm4b:s3+s2], $0x4000, $0x38;
	[tilespmem:$0x1CF00] =	vst v63  }
0xf: {  	_ =	swait.ge [sflag:s8], $0x4000  }
0x10: {  	[sflag:s8] =	ssyncset.done $0x0  }
0x11: {  	v0 =	vimm.f32 $0.0e+00;
	[sflag:s8] =	ssyncadd.s32 $0xFFFFC000  }
0x12: {  	[tilespmem:$0x1C700] =	vst v0  }
0x13: {  	[tilespmem:$0x1CB00] =	vst v0  }
0x14: {  	[tilespmem:$0x1C710] =	vst v0  }
0x15: {  	[tilespmem:$0x1CB10] =	vst v0  }
0x16: {  	[tilespmem:$0x1C720] =	vst v0  }
0x17: {  	[tilespmem:$0x1CB20] =	vst v0  }
0x18: {  	[tilespmem:$0x1C730] =	vst v0  }
0x19: {  	[tilespmem:$0x1CB30] =	vst v0  }
0x1a: {  	[tilespmem:$0x1C740] =	vst v0  }
0x1b: {  	[tilespmem:$0x1CB40] =	vst v0  }
0x1c: {  	[tilespmem:$0x1C750] =	vst v0  }
0x1d: {  	[tilespmem:$0x1CB50] =	vst v0  }
0x1e: {  	[tilespmem:$0x1C760] =	vst v0  }
0x1f: {  	[tilespmem:$0x1CB60] =	vst v0  }
0x20: {  	[tilespmem:$0x1C770] =	vst v0  }
0x21: {  	[tilespmem:$0x1CB70] =	vst v0  }
0x22: {  	[tilespmem:$0x1C780] =	vst v0  }
0x23: {  	[tilespmem:$0x1CB80] =	vst v0  }
0x24: {  	[tilespmem:$0x1C790] =	vst v0  }
0x25: {  	[tilespmem:$0x1CB90] =	vst v0  }
0x26: {  	[tilespmem:$0x1C7A0] =	vst v0  }
0x27: {  	[tilespmem:$0x1CBA0] =	vst v0  }
0x28: {  	[tilespmem:$0x1C7B0] =	vst v0  }
0x29: {  	[tilespmem:$0x1CBB0] =	vst v0  }
0x2a: {  	[tilespmem:$0x1C7C0] =	vst v0  }
0x2b: {  	[tilespmem:$0x1CBC0] =	vst v0  }
0x2c: {  	[tilespmem:$0x1C7D0] =	vst v0  }
0x2d: {  	[tilespmem:$0x1CBD0] =	vst v0  }
0x2e: {  	[tilespmem:$0x1C7E0] =	vst v0  }
0x2f: {  	[tilespmem:$0x1CBE0] =	vst v0  }
0x30: {  	[tilespmem:$0x1C7F0] =	vst v0  }
0x31: {  	[tilespmem:$0x1CBF0] =	vst v0  }
0x32: {  	[tilespmem:$0x1C800] =	vst v0  }
0x33: {  	[tilespmem:$0x1CC00] =	vst v0  }
0x34: {  	[tilespmem:$0x1C810] =	vst v0  }
0x35: {  	[tilespmem:$0x1CC10] =	vst v0  }
0x36: {  	[tilespmem:$0x1C820] =	vst v0  }
0x37: {  	[tilespmem:$0x1CC20] =	vst v0  }
0x38: {  	[tilespmem:$0x1C830] =	vst v0  }
0x39: {  	[tilespmem:$0x1CC30] =	vst v0  }
0x3a: {  	[tilespmem:$0x1C840] =	vst v0  }
0x3b: {  	[tilespmem:$0x1CC40] =	vst v0  }
0x3c: {  	[tilespmem:$0x1C850] =	vst v0  }
0x3d: {  	[tilespmem:$0x1CC50] =	vst v0  }
0x3e: {  	[tilespmem:$0x1C860] =	vst v0  }
0x3f: {  	[tilespmem:$0x1CC60] =	vst v0  }
0x40: {  	[tilespmem:$0x1C870] =	vst v0  }
0x41: {  	[tilespmem:$0x1CC70] =	vst v0  }
0x42: {  	[tilespmem:$0x1C880] =	vst v0  }
0x43: {  	[tilespmem:$0x1CC80] =	vst v0  }
0x44: {  	[tilespmem:$0x1C890] =	vst v0  }
0x45: {  	[tilespmem:$0x1CC90] =	vst v0  }
0x46: {  	[tilespmem:$0x1C8A0] =	vst v0  }
0x47: {  	[tilespmem:$0x1CCA0] =	vst v0  }
0x48: {  	[tilespmem:$0x1C8B0] =	vst v0  }
0x49: {  	[tilespmem:$0x1CCB0] =	vst v0  }
0x4a: {  	[tilespmem:$0x1C8C0] =	vst v0  }
0x4b: {  	[tilespmem:$0x1CCC0] =	vst v0  }
0x4c: {  	[tilespmem:$0x1C8D0] =	vst v0  }
0x4d: {  	[tilespmem:$0x1CCD0] =	vst v0  }
0x4e: {  	[tilespmem:$0x1C8E0] =	vst v0  }
0x4f: {  	[tilespmem:$0x1CCE0] =	vst v0  }
0x50: {  	[tilespmem:$0x1C8F0] =	vst v0  }
0x51: {  	[tilespmem:$0x1CCF0] =	vst v0  }
0x52: {  	[tilespmem:$0x1C900] =	vst v0  }
0x53: {  	[tilespmem:$0x1CD00] =	vst v0  }
0x54: {  	[tilespmem:$0x1C910] =	vst v0  }
0x55: {  	[tilespmem:$0x1CD10] =	vst v0  }
0x56: {  	[tilespmem:$0x1C920] =	vst v0  }
0x57: {  	[tilespmem:$0x1CD20] =	vst v0  }
0x58: {  	[tilespmem:$0x1C930] =	vst v0  }
0x59: {  	[tilespmem:$0x1CD30] =	vst v0  }
0x5a: {  	[tilespmem:$0x1C940] =	vst v0  }
0x5b: {  	[tilespmem:$0x1CD40] =	vst v0  }
0x5c: {  	[tilespmem:$0x1C950] =	vst v0  }
0x5d: {  	[tilespmem:$0x1CD50] =	vst v0  }
0x5e: {  	[tilespmem:$0x1C960] =	vst v0  }
0x5f: {  	[tilespmem:$0x1CD60] =	vst v0  }
0x60: {  	[tilespmem:$0x1C970] =	vst v0  }
0x61: {  	[tilespmem:$0x1CD70] =	vst v0  }
0x62: {  	[tilespmem:$0x1C980] =	vst v0  }
0x63: {  	[tilespmem:$0x1CD80] =	vst v0  }
0x64: {  	[tilespmem:$0x1C990] =	vst v0  }
0x65: {  	[tilespmem:$0x1CD90] =	vst v0  }
0x66: {  	[tilespmem:$0x1C9A0] =	vst v0  }
0x67: {  	[tilespmem:$0x1CDA0] =	vst v0  }
0x68: {  	[tilespmem:$0x1C9B0] =	vst v0  }
0x69: {  	[tilespmem:$0x1CDB0] =	vst v0  }
0x6a: {  	[tilespmem:$0x1C9C0] =	vst v0  }
0x6b: {  	[tilespmem:$0x1CDC0] =	vst v0  }
0x6c: {  	[tilespmem:$0x1C9D0] =	vst v0  }
0x6d: {  	[tilespmem:$0x1CDD0] =	vst v0  }
0x6e: {  	[tilespmem:$0x1C9E0] =	vst v0  }
0x6f: {  	[tilespmem:$0x1CDE0] =	vst v0  }
0x70: {  	[tilespmem:$0x1C9F0] =	vst v0  }
0x71: {  	[tilespmem:$0x1CDF0] =	vst v0  }
0x72: {  	[tilespmem:$0x1CA00] =	vst v0  }
0x73: {  	[tilespmem:$0x1CE00] =	vst v0  }
0x74: {  	[tilespmem:$0x1CA10] =	vst v0  }
0x75: {  	[tilespmem:$0x1CE10] =	vst v0  }
0x76: {  	[tilespmem:$0x1CA20] =	vst v0  }
0x77: {  	[tilespmem:$0x1CE20] =	vst v0  }
0x78: {  	[tilespmem:$0x1CA30] =	vst v0  }
0x79: {  	[tilespmem:$0x1CE30] =	vst v0  }
0x7a: {  	[tilespmem:$0x1CA40] =	vst v0  }
0x7b: {  	[tilespmem:$0x1CE40] =	vst v0  }
0x7c: {  	[tilespmem:$0x1CA50] =	vst v0  }
0x7d: {  	[tilespmem:$0x1CE50] =	vst v0  }
0x7e: {  	[tilespmem:$0x1CA60] =	vst v0  }
0x7f: {  	[tilespmem:$0x1CE60] =	vst v0  }
0x80: {  	[tilespmem:$0x1CA70] =	vst v0  }
0x81: {  	[tilespmem:$0x1CE70] =	vst v0  }
0x82: {  	[tilespmem:$0x1CA80] =	vst v0  }
0x83: {  	[tilespmem:$0x1CE80] =	vst v0  }
0x84: {  	[tilespmem:$0x1CA90] =	vst v0  }
0x85: {  	[tilespmem:$0x1CE90] =	vst v0  }
0x86: {  	[tilespmem:$0x1CAA0] =	vst v0  }
0x87: {  	[tilespmem:$0x1CEA0] =	vst v0  }
0x88: {  	[tilespmem:$0x1CAB0] =	vst v0  }
0x89: {  	[tilespmem:$0x1CEB0] =	vst v0  }
0x8a: {  	[tilespmem:$0x1CAC0] =	vst v0  }
0x8b: {  	[tilespmem:$0x1CEC0] =	vst v0  }
0x8c: {  	[tilespmem:$0x1CAD0] =	vst v0  }
0x8d: {  	[tilespmem:$0x1CED0] =	vst v0  }
0x8e: {  	[tilespmem:$0x1CAE0] =	vst v0  }
0x8f: {  	[tilespmem:$0x1CEE0] =	vst v0  }
0x90: {  	s14 =	simm.s32 $0xFFFFCC00;
	s15 =	smov.u32 s6;
	[tilespmem:$0x1CAF0] =	vst v0  }
0x91: {  	s16 =	simm.s32 $0x0;
	s17 =	simm.s32 $0x0;
	s18 =	simm.s32 $0x0;
	[tilespmem:$0x1CEF0] =	vst v0  }
.LBB2_2:
0x92: {  	_ = 	snop  }
0x93: {  	(v2sf) =	vpush v0, $0x0;
	_ =	sdelay $0xe  }
0x94: {  	s19 =	spop (v2sf)  }
0x95: {  	s19 =	sand.u32 $0x7FFFFFFF, s19  }
0x96: {  	s19 =	scvt.f32.s32 s19;
	_ =	sdelay $0x1  }
0x97: {  	s19 =	sshrl.u32 s19, $0x1F  }
0x98: {  	s19 =	sadd.s32 s19, s15  }
0x99: {  	s20 =	sshrl.u32 s19, $0x3  }
0x9a: {  	s19 =	sshll.u32 s19, $0x7;
	s20 =	smul.u32 $0xC3800, s20  }
0x9b: {  	s19 =	sand.u32 $0x380, s19  }
0x9c: {  	s19 =	sor.u32 s19, s20  }
0x9d: {  	s21 =	rddreg [dreg:$0x4];
	s19 =	sshrl.u32 s19, $0x3  }
0x9e: {  	s19 =	sadd.s32 s21, s19  }
0x9f: {  	[tilespmem:s2], [sflag:$0x1] =	stream.strided.gather [hbm4b:s19+s9], $0x18700, s10, s9, $0x38;
	[tilespmem:$0x1CF00] =	vst v63  }
0xa0: {  	s21 =	sadd.s32 $0x3400, s14;
	_ =	swait.ge [sflag:s11], $0x18700  }
0xa1: {  	s22 =	sand.u32 $0x380, s18;
	s19 =	sand.u32 $0x2000, s21;
	[sflag:s11] =	ssyncset.done $0x0  }
0xa2: {  	s19 =	sor.u32 s22, s19;
	[sflag:s11] =	ssyncadd.s32 $0xFFFE7900  }
0xa3: {  	v1 =	vld [tilespmem:s19+$0x18700];
	_ =	sdelay $0x7  }
0xa4: {  	v1 =	vld.idx.msk [tilespmem:v1+s2+$0x0], $0xffff  }
0xa5: {  	v2 =	vld [tilespmem:$0x1C700]  }
0xa6: {  	v3 =	vld [tilespmem:$0x1CB00];
	_ =	sdelay $0x2  }
0xa7: {  	v4 =	vmul.f32 v1, v1  }
0xa8: {  	v2 =	vadd.f32 v2, v1  }
0xa9: {  	v3 =	vadd.f32 v3, v4  }
0xaa: {  	[tilespmem:$0x1C700] =	vst v2  }
0xab: {  	s19 =	sadd.s32 $0x18700, s19;
	[tilespmem:$0x1CB00] =	vst v3  }
0xac: {  	v2 =	vld [tilespmem:s19+$0x10];
	_ =	sdelay $0x7  }
0xad: {  	v2 =	vld.idx.msk [tilespmem:v2+s2+$0x0], $0xffff  }
0xae: {  	v3 =	vld [tilespmem:$0x1C710]  }
0xaf: {  	v50 =	vld [tilespmem:$0x1CB10];
	_ =	sdelay $0x2  }
0xb0: {  	v5 =	vmul.f32 v2, v2  }
0xb1: {  	v3 =	vadd.f32 v3, v2  }
0xb2: {  	v4 =	vadd.f32 v50, v5  }
0xb3: {  	[tilespmem:$0x1C710] =	vst v3  }
0xb4: {  	[tilespmem:$0x1CB10] =	vst v4  }
0xb5: {  	v3 =	vld [tilespmem:s19+$0x20];
	_ =	sdelay $0x7  }
0xb6: {  	v3 =	vld.idx.msk [tilespmem:v3+s2+$0x0], $0xffff  }
0xb7: {  	v51 =	vld [tilespmem:$0x1C720]  }
0xb8: {  	v52 =	vld [tilespmem:$0x1CB20];
	_ =	sdelay $0x2  }
0xb9: {  	v6 =	vmul.f32 v3, v3  }
0xba: {  	v4 =	vadd.f32 v51, v3  }
0xbb: {  	v5 =	vadd.f32 v52, v6  }
0xbc: {  	[tilespmem:$0x1C720] =	vst v4  }
0xbd: {  	[tilespmem:$0x1CB20] =	vst v5  }
0xbe: {  	v4 =	vld [tilespmem:s19+$0x30];
	_ =	sdelay $0x7  }
0xbf: {  	v4 =	vld.idx.msk [tilespmem:v4+s2+$0x0], $0xffff  }
0xc0: {  	v53 =	vld [tilespmem:$0x1C730]  }
0xc1: {  	v54 =	vld [tilespmem:$0x1CB30];
	_ =	sdelay $0x2  }
0xc2: {  	v7 =	vmul.f32 v4, v4  }
0xc3: {  	v5 =	vadd.f32 v53, v4  }
0xc4: {  	v6 =	vadd.f32 v54, v7  }
0xc5: {  	[tilespmem:$0x1C730] =	vst v5  }
0xc6: {  	[tilespmem:$0x1CB30] =	vst v6  }
0xc7: {  	v5 =	vld [tilespmem:s19+$0x40];
	_ =	sdelay $0x7  }
0xc8: {  	v5 =	vld.idx.msk [tilespmem:v5+s2+$0x0], $0xffff  }
0xc9: {  	v55 =	vld [tilespmem:$0x1C740]  }
0xca: {  	v56 =	vld [tilespmem:$0x1CB40];
	_ =	sdelay $0x2  }
0xcb: {  	v8 =	vmul.f32 v5, v5  }
0xcc: {  	v6 =	vadd.f32 v55, v5  }
0xcd: {  	v7 =	vadd.f32 v56, v8  }
0xce: {  	[tilespmem:$0x1C740] =	vst v6  }
0xcf: {  	[tilespmem:$0x1CB40] =	vst v7  }
0xd0: {  	v6 =	vld [tilespmem:s19+$0x50];
	_ =	sdelay $0x7  }
0xd1: {  	v6 =	vld.idx.msk [tilespmem:v6+s2+$0x0], $0xffff  }
0xd2: {  	v57 =	vld [tilespmem:$0x1C750]  }
0xd3: {  	v58 =	vld [tilespmem:$0x1CB50];
	_ =	sdelay $0x2  }
0xd4: {  	v9 =	vmul.f32 v6, v6  }
0xd5: {  	v7 =	vadd.f32 v57, v6  }
0xd6: {  	v8 =	vadd.f32 v58, v9  }
0xd7: {  	[tilespmem:$0x1C750] =	vst v7  }
0xd8: {  	[tilespmem:$0x1CB50] =	vst v8  }
0xd9: {  	v7 =	vld [tilespmem:s19+$0x60];
	_ =	sdelay $0x7  }
0xda: {  	v7 =	vld.idx.msk [tilespmem:v7+s2+$0x0], $0xffff  }
0xdb: {  	v59 =	vld [tilespmem:$0x1C760]  }
0xdc: {  	v60 =	vld [tilespmem:$0x1CB60];
	_ =	sdelay $0x2  }
0xdd: {  	v10 =	vmul.f32 v7, v7  }
0xde: {  	v8 =	vadd.f32 v59, v7  }
0xdf: {  	v9 =	vadd.f32 v60, v10  }
0xe0: {  	[tilespmem:$0x1C760] =	vst v8  }
0xe1: {  	[tilespmem:$0x1CB60] =	vst v9  }
0xe2: {  	v8 =	vld [tilespmem:s19+$0x70];
	_ =	sdelay $0x7  }
0xe3: {  	v8 =	vld.idx.msk [tilespmem:v8+s2+$0x0], $0xffff  }
0xe4: {  	v61 =	vld [tilespmem:$0x1C770]  }
0xe5: {  	v62 =	vld [tilespmem:$0x1CB70];
	_ =	sdelay $0x2  }
0xe6: {  	v11 =	vmul.f32 v8, v8  }
0xe7: {  	v9 =	vadd.f32 v61, v8  }
0xe8: {  	v10 =	vadd.f32 v62, v11  }
0xe9: {  	[tilespmem:$0x1C770] =	vst v9  }
0xea: {  	[tilespmem:$0x1CB70] =	vst v10  }
0xeb: {  	v9 =	vld [tilespmem:s19+$0x400];
	_ =	sdelay $0x7  }
0xec: {  	v9 =	vld.idx.msk [tilespmem:v9+s2+$0x0], $0xffff  }
0xed: {  	v63 =	vld [tilespmem:$0x1C780]  }
0xee: {  	v16 =	vld [tilespmem:$0x1CB80];
	_ =	sdelay $0x2  }
0xef: {  	v12 =	vmul.f32 v9, v9  }
0xf0: {  	v10 =	vadd.f32 v63, v9  }
0xf1: {  	v11 =	vadd.f32 v16, v12  }
0xf2: {  	[tilespmem:$0x1C780] =	vst v10  }
0xf3: {  	[tilespmem:$0x1CB80] =	vst v11  }
0xf4: {  	v10 =	vld [tilespmem:s19+$0x410];
	_ =	sdelay $0x7  }
0xf5: {  	v10 =	vld.idx.msk [tilespmem:v10+s2+$0x0], $0xffff  }
0xf6: {  	v17 =	vld [tilespmem:$0x1C790]  }
0xf7: {  	v18 =	vld [tilespmem:$0x1CB90];
	_ =	sdelay $0x2  }
0xf8: {  	v13 =	vmul.f32 v10, v10  }
0xf9: {  	v11 =	vadd.f32 v17, v10  }
0xfa: {  	v12 =	vadd.f32 v18, v13  }
0xfb: {  	[tilespmem:$0x1C790] =	vst v11  }
0xfc: {  	[tilespmem:$0x1CB90] =	vst v12  }
0xfd: {  	v11 =	vld [tilespmem:s19+$0x420];
	_ =	sdelay $0x7  }
0xfe: {  	v11 =	vld.idx.msk [tilespmem:v11+s2+$0x0], $0xffff  }
0xff: {  	v19 =	vld [tilespmem:$0x1C7A0]  }
0x100: {  	v20 =	vld [tilespmem:$0x1CBA0];
	_ =	sdelay $0x2  }
0x101: {  	v14 =	vmul.f32 v11, v11  }
0x102: {  	v12 =	vadd.f32 v19, v11  }
0x103: {  	v13 =	vadd.f32 v20, v14  }
0x104: {  	[tilespmem:$0x1C7A0] =	vst v12  }
0x105: {  	[tilespmem:$0x1CBA0] =	vst v13  }
0x106: {  	v12 =	vld [tilespmem:s19+$0x430];
	_ =	sdelay $0x7  }
0x107: {  	v12 =	vld.idx.msk [tilespmem:v12+s2+$0x0], $0xffff  }
0x108: {  	v21 =	vld [tilespmem:$0x1C7B0]  }
0x109: {  	v22 =	vld [tilespmem:$0x1CBB0];
	_ =	sdelay $0x2  }
0x10a: {  	v15 =	vmul.f32 v12, v12  }
0x10b: {  	v13 =	vadd.f32 v21, v12  }
0x10c: {  	v14 =	vadd.f32 v22, v15  }
0x10d: {  	[tilespmem:$0x1C7B0] =	vst v13  }
0x10e: {  	[tilespmem:$0x1CBB0] =	vst v14  }
0x10f: {  	v13 =	vld [tilespmem:s19+$0x440];
	_ =	sdelay $0x7  }
0x110: {  	v13 =	vld.idx.msk [tilespmem:v13+s2+$0x0], $0xffff  }
0x111: {  	v23 =	vld [tilespmem:$0x1C7C0]  }
0x112: {  	v24 =	vld [tilespmem:$0x1CBC0];
	_ =	sdelay $0x2  }
0x113: {  	v16 =	vmul.f32 v13, v13  }
0x114: {  	v14 =	vadd.f32 v23, v13  }
0x115: {  	v15 =	vadd.f32 v24, v16  }
0x116: {  	[tilespmem:$0x1C7C0] =	vst v14  }
0x117: {  	[tilespmem:$0x1CBC0] =	vst v15  }
0x118: {  	v14 =	vld [tilespmem:s19+$0x450];
	_ =	sdelay $0x7  }
0x119: {  	v14 =	vld.idx.msk [tilespmem:v14+s2+$0x0], $0xffff  }
0x11a: {  	v25 =	vld [tilespmem:$0x1C7D0]  }
0x11b: {  	v26 =	vld [tilespmem:$0x1CBD0];
	_ =	sdelay $0x2  }
0x11c: {  	v17 =	vmul.f32 v14, v14  }
0x11d: {  	v15 =	vadd.f32 v25, v14  }
0x11e: {  	v16 =	vadd.f32 v26, v17  }
0x11f: {  	[tilespmem:$0x1C7D0] =	vst v15  }
0x120: {  	[tilespmem:$0x1CBD0] =	vst v16  }
0x121: {  	v15 =	vld [tilespmem:s19+$0x460];
	_ =	sdelay $0x7  }
0x122: {  	v15 =	vld.idx.msk [tilespmem:v15+s2+$0x0], $0xffff  }
0x123: {  	v27 =	vld [tilespmem:$0x1C7E0]  }
0x124: {  	v28 =	vld [tilespmem:$0x1CBE0];
	_ =	sdelay $0x2  }
0x125: {  	v18 =	vmul.f32 v15, v15  }
0x126: {  	v16 =	vadd.f32 v27, v15  }
0x127: {  	v17 =	vadd.f32 v28, v18  }
0x128: {  	[tilespmem:$0x1C7E0] =	vst v16  }
0x129: {  	[tilespmem:$0x1CBE0] =	vst v17  }
0x12a: {  	v16 =	vld [tilespmem:s19+$0x470];
	_ =	sdelay $0x7  }
0x12b: {  	v16 =	vld.idx.msk [tilespmem:v16+s2+$0x0], $0xffff  }
0x12c: {  	v29 =	vld [tilespmem:$0x1C7F0]  }
0x12d: {  	v30 =	vld [tilespmem:$0x1CBF0];
	_ =	sdelay $0x2  }
0x12e: {  	v19 =	vmul.f32 v16, v16  }
0x12f: {  	v17 =	vadd.f32 v29, v16  }
0x130: {  	v18 =	vadd.f32 v30, v19  }
0x131: {  	[tilespmem:$0x1C7F0] =	vst v17  }
0x132: {  	[tilespmem:$0x1CBF0] =	vst v18  }
0x133: {  	v17 =	vld [tilespmem:s19+$0x800];
	_ =	sdelay $0x7  }
0x134: {  	v17 =	vld.idx.msk [tilespmem:v17+s2+$0x0], $0xffff  }
0x135: {  	v31 =	vld [tilespmem:$0x1C800]  }
0x136: {  	v32 =	vld [tilespmem:$0x1CC00];
	_ =	sdelay $0x2  }
0x137: {  	v20 =	vmul.f32 v17, v17  }
0x138: {  	v18 =	vadd.f32 v31, v17  }
0x139: {  	v19 =	vadd.f32 v32, v20  }
0x13a: {  	[tilespmem:$0x1C800] =	vst v18  }
0x13b: {  	[tilespmem:$0x1CC00] =	vst v19  }
0x13c: {  	v18 =	vld [tilespmem:s19+$0x810];
	_ =	sdelay $0x7  }
0x13d: {  	v18 =	vld.idx.msk [tilespmem:v18+s2+$0x0], $0xffff  }
0x13e: {  	v33 =	vld [tilespmem:$0x1C810]  }
0x13f: {  	v34 =	vld [tilespmem:$0x1CC10];
	_ =	sdelay $0x2  }
0x140: {  	v21 =	vmul.f32 v18, v18  }
0x141: {  	v19 =	vadd.f32 v33, v18  }
0x142: {  	v20 =	vadd.f32 v34, v21  }
0x143: {  	[tilespmem:$0x1C810] =	vst v19  }
0x144: {  	[tilespmem:$0x1CC10] =	vst v20  }
0x145: {  	v19 =	vld [tilespmem:s19+$0x820];
	_ =	sdelay $0x7  }
0x146: {  	v19 =	vld.idx.msk [tilespmem:v19+s2+$0x0], $0xffff  }
0x147: {  	v35 =	vld [tilespmem:$0x1C820]  }
0x148: {  	v36 =	vld [tilespmem:$0x1CC20];
	_ =	sdelay $0x2  }
0x149: {  	v22 =	vmul.f32 v19, v19  }
0x14a: {  	v20 =	vadd.f32 v35, v19  }
0x14b: {  	v21 =	vadd.f32 v36, v22  }
0x14c: {  	[tilespmem:$0x1C820] =	vst v20  }
0x14d: {  	[tilespmem:$0x1CC20] =	vst v21  }
0x14e: {  	v20 =	vld [tilespmem:s19+$0x830];
	_ =	sdelay $0x7  }
0x14f: {  	v20 =	vld.idx.msk [tilespmem:v20+s2+$0x0], $0xffff  }
0x150: {  	v37 =	vld [tilespmem:$0x1C830]  }
0x151: {  	v38 =	vld [tilespmem:$0x1CC30];
	_ =	sdelay $0x2  }
0x152: {  	v23 =	vmul.f32 v20, v20  }
0x153: {  	v21 =	vadd.f32 v37, v20  }
0x154: {  	v22 =	vadd.f32 v38, v23  }
0x155: {  	[tilespmem:$0x1C830] =	vst v21  }
0x156: {  	[tilespmem:$0x1CC30] =	vst v22  }
0x157: {  	v21 =	vld [tilespmem:s19+$0x840];
	_ =	sdelay $0x7  }
0x158: {  	v21 =	vld.idx.msk [tilespmem:v21+s2+$0x0], $0xffff  }
0x159: {  	v39 =	vld [tilespmem:$0x1C840]  }
0x15a: {  	v40 =	vld [tilespmem:$0x1CC40];
	_ =	sdelay $0x2  }
0x15b: {  	v24 =	vmul.f32 v21, v21  }
0x15c: {  	v22 =	vadd.f32 v39, v21  }
0x15d: {  	v23 =	vadd.f32 v40, v24  }
0x15e: {  	[tilespmem:$0x1C840] =	vst v22  }
0x15f: {  	[tilespmem:$0x1CC40] =	vst v23  }
0x160: {  	v22 =	vld [tilespmem:s19+$0x850];
	_ =	sdelay $0x7  }
0x161: {  	v22 =	vld.idx.msk [tilespmem:v22+s2+$0x0], $0xffff  }
0x162: {  	v41 =	vld [tilespmem:$0x1C850]  }
0x163: {  	v42 =	vld [tilespmem:$0x1CC50];
	_ =	sdelay $0x2  }
0x164: {  	v25 =	vmul.f32 v22, v22  }
0x165: {  	v23 =	vadd.f32 v41, v22  }
0x166: {  	v24 =	vadd.f32 v42, v25  }
0x167: {  	[tilespmem:$0x1C850] =	vst v23  }
0x168: {  	[tilespmem:$0x1CC50] =	vst v24  }
0x169: {  	v23 =	vld [tilespmem:s19+$0x860];
	_ =	sdelay $0x7  }
0x16a: {  	v23 =	vld.idx.msk [tilespmem:v23+s2+$0x0], $0xffff  }
0x16b: {  	v43 =	vld [tilespmem:$0x1C860]  }
0x16c: {  	v44 =	vld [tilespmem:$0x1CC60];
	_ =	sdelay $0x2  }
0x16d: {  	v26 =	vmul.f32 v23, v23  }
0x16e: {  	v24 =	vadd.f32 v43, v23  }
0x16f: {  	v25 =	vadd.f32 v44, v26  }
0x170: {  	[tilespmem:$0x1C860] =	vst v24  }
0x171: {  	[tilespmem:$0x1CC60] =	vst v25  }
0x172: {  	v24 =	vld [tilespmem:s19+$0x870];
	_ =	sdelay $0x7  }
0x173: {  	v24 =	vld.idx.msk [tilespmem:v24+s2+$0x0], $0xffff  }
0x174: {  	v45 =	vld [tilespmem:$0x1C870]  }
0x175: {  	v46 =	vld [tilespmem:$0x1CC70];
	_ =	sdelay $0x2  }
0x176: {  	v27 =	vmul.f32 v24, v24  }
0x177: {  	v25 =	vadd.f32 v45, v24  }
0x178: {  	v26 =	vadd.f32 v46, v27  }
0x179: {  	[tilespmem:$0x1C870] =	vst v25  }
0x17a: {  	[tilespmem:$0x1CC70] =	vst v26  }
0x17b: {  	v25 =	vld [tilespmem:s19+$0xC00];
	_ =	sdelay $0x7  }
0x17c: {  	v25 =	vld.idx.msk [tilespmem:v25+s2+$0x0], $0xffff  }
0x17d: {  	v47 =	vld [tilespmem:$0x1C880]  }
0x17e: {  	v48 =	vld [tilespmem:$0x1CC80];
	_ =	sdelay $0x2  }
0x17f: {  	v28 =	vmul.f32 v25, v25  }
0x180: {  	v26 =	vadd.f32 v47, v25  }
0x181: {  	v27 =	vadd.f32 v48, v28  }
0x182: {  	[tilespmem:$0x1C880] =	vst v26  }
0x183: {  	[tilespmem:$0x1CC80] =	vst v27  }
0x184: {  	v26 =	vld [tilespmem:s19+$0xC10];
	_ =	sdelay $0x7  }
0x185: {  	v26 =	vld.idx.msk [tilespmem:v26+s2+$0x0], $0xffff  }
0x186: {  	v49 =	vld [tilespmem:$0x1C890]  }
0x187: {  	v50 =	vld [tilespmem:$0x1CC90];
	_ =	sdelay $0x2  }
0x188: {  	v29 =	vmul.f32 v26, v26  }
0x189: {  	v27 =	vadd.f32 v49, v26  }
0x18a: {  	v28 =	vadd.f32 v50, v29  }
0x18b: {  	[tilespmem:$0x1C890] =	vst v27  }
0x18c: {  	[tilespmem:$0x1CC90] =	vst v28  }
0x18d: {  	v27 =	vld [tilespmem:s19+$0xC20];
	_ =	sdelay $0x7  }
0x18e: {  	v27 =	vld.idx.msk [tilespmem:v27+s2+$0x0], $0xffff  }
0x18f: {  	v51 =	vld [tilespmem:$0x1C8A0]  }
0x190: {  	v52 =	vld [tilespmem:$0x1CCA0];
	_ =	sdelay $0x2  }
0x191: {  	v30 =	vmul.f32 v27, v27  }
0x192: {  	v28 =	vadd.f32 v51, v27  }
0x193: {  	v29 =	vadd.f32 v52, v30  }
0x194: {  	[tilespmem:$0x1C8A0] =	vst v28  }
0x195: {  	[tilespmem:$0x1CCA0] =	vst v29  }
0x196: {  	v28 =	vld [tilespmem:s19+$0xC30];
	_ =	sdelay $0x7  }
0x197: {  	v28 =	vld.idx.msk [tilespmem:v28+s2+$0x0], $0xffff  }
0x198: {  	v53 =	vld [tilespmem:$0x1C8B0]  }
0x199: {  	v54 =	vld [tilespmem:$0x1CCB0];
	_ =	sdelay $0x2  }
0x19a: {  	v31 =	vmul.f32 v28, v28  }
0x19b: {  	v29 =	vadd.f32 v53, v28  }
0x19c: {  	v30 =	vadd.f32 v54, v31  }
0x19d: {  	[tilespmem:$0x1C8B0] =	vst v29  }
0x19e: {  	[tilespmem:$0x1CCB0] =	vst v30  }
0x19f: {  	v29 =	vld [tilespmem:s19+$0xC40];
	_ =	sdelay $0x7  }
0x1a0: {  	v29 =	vld.idx.msk [tilespmem:v29+s2+$0x0], $0xffff  }
0x1a1: {  	v55 =	vld [tilespmem:$0x1C8C0]  }
0x1a2: {  	v56 =	vld [tilespmem:$0x1CCC0];
	_ =	sdelay $0x2  }
0x1a3: {  	v32 =	vmul.f32 v29, v29  }
0x1a4: {  	v30 =	vadd.f32 v55, v29  }
0x1a5: {  	v31 =	vadd.f32 v56, v32  }
0x1a6: {  	[tilespmem:$0x1C8C0] =	vst v30  }
0x1a7: {  	[tilespmem:$0x1CCC0] =	vst v31  }
0x1a8: {  	v30 =	vld [tilespmem:s19+$0xC50];
	_ =	sdelay $0x7  }
0x1a9: {  	v30 =	vld.idx.msk [tilespmem:v30+s2+$0x0], $0xffff  }
0x1aa: {  	v57 =	vld [tilespmem:$0x1C8D0]  }
0x1ab: {  	v58 =	vld [tilespmem:$0x1CCD0];
	_ =	sdelay $0x2  }
0x1ac: {  	v33 =	vmul.f32 v30, v30  }
0x1ad: {  	v31 =	vadd.f32 v57, v30  }
0x1ae: {  	v32 =	vadd.f32 v58, v33  }
0x1af: {  	[tilespmem:$0x1C8D0] =	vst v31  }
0x1b0: {  	[tilespmem:$0x1CCD0] =	vst v32  }
0x1b1: {  	v31 =	vld [tilespmem:s19+$0xC60];
	_ =	sdelay $0x7  }
0x1b2: {  	v31 =	vld.idx.msk [tilespmem:v31+s2+$0x0], $0xffff  }
0x1b3: {  	v59 =	vld [tilespmem:$0x1C8E0]  }
0x1b4: {  	v60 =	vld [tilespmem:$0x1CCE0];
	_ =	sdelay $0x2  }
0x1b5: {  	v34 =	vmul.f32 v31, v31  }
0x1b6: {  	v32 =	vadd.f32 v59, v31  }
0x1b7: {  	v33 =	vadd.f32 v60, v34  }
0x1b8: {  	[tilespmem:$0x1C8E0] =	vst v32  }
0x1b9: {  	[tilespmem:$0x1CCE0] =	vst v33  }
0x1ba: {  	v32 =	vld [tilespmem:s19+$0xC70];
	_ =	sdelay $0x7  }
0x1bb: {  	v32 =	vld.idx.msk [tilespmem:v32+s2+$0x0], $0xffff  }
0x1bc: {  	v61 =	vld [tilespmem:$0x1C8F0]  }
0x1bd: {  	v62 =	vld [tilespmem:$0x1CCF0];
	_ =	sdelay $0x2  }
0x1be: {  	v35 =	vmul.f32 v32, v32  }
0x1bf: {  	v33 =	vadd.f32 v61, v32  }
0x1c0: {  	v34 =	vadd.f32 v62, v35  }
0x1c1: {  	[tilespmem:$0x1C8F0] =	vst v33  }
0x1c2: {  	[tilespmem:$0x1CCF0] =	vst v34  }
0x1c3: {  	v33 =	vld [tilespmem:s19+$0x1000];
	_ =	sdelay $0x7  }
0x1c4: {  	v33 =	vld.idx.msk [tilespmem:v33+s2+$0x0], $0xffff  }
0x1c5: {  	v63 =	vld [tilespmem:$0x1C900]  }
0x1c6: {  	v40 =	vld [tilespmem:$0x1CD00];
	_ =	sdelay $0x2  }
0x1c7: {  	v36 =	vmul.f32 v33, v33  }
0x1c8: {  	v34 =	vadd.f32 v63, v33  }
0x1c9: {  	v35 =	vadd.f32 v40, v36  }
0x1ca: {  	[tilespmem:$0x1C900] =	vst v34  }
0x1cb: {  	[tilespmem:$0x1CD00] =	vst v35  }
0x1cc: {  	v34 =	vld [tilespmem:s19+$0x1010];
	_ =	sdelay $0x7  }
0x1cd: {  	v34 =	vld.idx.msk [tilespmem:v34+s2+$0x0], $0xffff  }
0x1ce: {  	v41 =	vld [tilespmem:$0x1C910]  }
0x1cf: {  	v42 =	vld [tilespmem:$0x1CD10];
	_ =	sdelay $0x2  }
0x1d0: {  	v37 =	vmul.f32 v34, v34  }
0x1d1: {  	v35 =	vadd.f32 v41, v34  }
0x1d2: {  	v36 =	vadd.f32 v42, v37  }
0x1d3: {  	[tilespmem:$0x1C910] =	vst v35  }
0x1d4: {  	[tilespmem:$0x1CD10] =	vst v36  }
0x1d5: {  	v35 =	vld [tilespmem:s19+$0x1020];
	_ =	sdelay $0x7  }
0x1d6: {  	v35 =	vld.idx.msk [tilespmem:v35+s2+$0x0], $0xffff  }
0x1d7: {  	v43 =	vld [tilespmem:$0x1C920]  }
0x1d8: {  	v44 =	vld [tilespmem:$0x1CD20];
	_ =	sdelay $0x2  }
0x1d9: {  	v38 =	vmul.f32 v35, v35  }
0x1da: {  	v36 =	vadd.f32 v43, v35  }
0x1db: {  	v37 =	vadd.f32 v44, v38  }
0x1dc: {  	[tilespmem:$0x1C920] =	vst v36  }
0x1dd: {  	[tilespmem:$0x1CD20] =	vst v37  }
0x1de: {  	v36 =	vld [tilespmem:s19+$0x1030];
	_ =	sdelay $0x7  }
0x1df: {  	v36 =	vld.idx.msk [tilespmem:v36+s2+$0x0], $0xffff  }
0x1e0: {  	v45 =	vld [tilespmem:$0x1C930]  }
0x1e1: {  	v46 =	vld [tilespmem:$0x1CD30];
	_ =	sdelay $0x2  }
0x1e2: {  	v39 =	vmul.f32 v36, v36  }
0x1e3: {  	v37 =	vadd.f32 v45, v36  }
0x1e4: {  	v38 =	vadd.f32 v46, v39  }
0x1e5: {  	[tilespmem:$0x1C930] =	vst v37  }
0x1e6: {  	[tilespmem:$0x1CD30] =	vst v38  }
0x1e7: {  	v37 =	vld [tilespmem:s19+$0x1040];
	_ =	sdelay $0x7  }
0x1e8: {  	v37 =	vld.idx.msk [tilespmem:v37+s2+$0x0], $0xffff  }
0x1e9: {  	v47 =	vld [tilespmem:$0x1C940]  }
0x1ea: {  	v48 =	vld [tilespmem:$0x1CD40];
	_ =	sdelay $0x2  }
0x1eb: {  	v40 =	vmul.f32 v37, v37  }
0x1ec: {  	v38 =	vadd.f32 v47, v37  }
0x1ed: {  	v39 =	vadd.f32 v48, v40  }
0x1ee: {  	[tilespmem:$0x1C940] =	vst v38  }
0x1ef: {  	[tilespmem:$0x1CD40] =	vst v39  }
0x1f0: {  	v38 =	vld [tilespmem:s19+$0x1050];
	_ =	sdelay $0x7  }
0x1f1: {  	v38 =	vld.idx.msk [tilespmem:v38+s2+$0x0], $0xffff  }
0x1f2: {  	v49 =	vld [tilespmem:$0x1C950]  }
0x1f3: {  	v50 =	vld [tilespmem:$0x1CD50];
	_ =	sdelay $0x2  }
0x1f4: {  	v41 =	vmul.f32 v38, v38  }
0x1f5: {  	v39 =	vadd.f32 v49, v38  }
0x1f6: {  	v40 =	vadd.f32 v50, v41  }
0x1f7: {  	[tilespmem:$0x1C950] =	vst v39  }
0x1f8: {  	[tilespmem:$0x1CD50] =	vst v40  }
0x1f9: {  	v39 =	vld [tilespmem:s19+$0x1060];
	_ =	sdelay $0x7  }
0x1fa: {  	v39 =	vld.idx.msk [tilespmem:v39+s2+$0x0], $0xffff  }
0x1fb: {  	v51 =	vld [tilespmem:$0x1C960]  }
0x1fc: {  	v52 =	vld [tilespmem:$0x1CD60];
	_ =	sdelay $0x2  }
0x1fd: {  	v42 =	vmul.f32 v39, v39  }
0x1fe: {  	v40 =	vadd.f32 v51, v39  }
0x1ff: {  	v41 =	vadd.f32 v52, v42  }
0x200: {  	[tilespmem:$0x1C960] =	vst v40  }
0x201: {  	[tilespmem:$0x1CD60] =	vst v41  }
0x202: {  	v40 =	vld [tilespmem:s19+$0x1070];
	_ =	sdelay $0x7  }
0x203: {  	v40 =	vld.idx.msk [tilespmem:v40+s2+$0x0], $0xffff  }
0x204: {  	v53 =	vld [tilespmem:$0x1C970]  }
0x205: {  	v54 =	vld [tilespmem:$0x1CD70];
	_ =	sdelay $0x2  }
0x206: {  	v43 =	vmul.f32 v40, v40  }
0x207: {  	v41 =	vadd.f32 v53, v40  }
0x208: {  	v42 =	vadd.f32 v54, v43  }
0x209: {  	[tilespmem:$0x1C970] =	vst v41  }
0x20a: {  	[tilespmem:$0x1CD70] =	vst v42  }
0x20b: {  	v41 =	vld [tilespmem:s19+$0x1400];
	_ =	sdelay $0x7  }
0x20c: {  	v41 =	vld.idx.msk [tilespmem:v41+s2+$0x0], $0xffff  }
0x20d: {  	v55 =	vld [tilespmem:$0x1C980]  }
0x20e: {  	v56 =	vld [tilespmem:$0x1CD80];
	_ =	sdelay $0x2  }
0x20f: {  	v44 =	vmul.f32 v41, v41  }
0x210: {  	v42 =	vadd.f32 v55, v41  }
0x211: {  	v43 =	vadd.f32 v56, v44  }
0x212: {  	[tilespmem:$0x1C980] =	vst v42  }
0x213: {  	[tilespmem:$0x1CD80] =	vst v43  }
0x214: {  	v42 =	vld [tilespmem:s19+$0x1410];
	_ =	sdelay $0x7  }
0x215: {  	v42 =	vld.idx.msk [tilespmem:v42+s2+$0x0], $0xffff  }
0x216: {  	v57 =	vld [tilespmem:$0x1C990]  }
0x217: {  	v58 =	vld [tilespmem:$0x1CD90];
	_ =	sdelay $0x2  }
0x218: {  	v45 =	vmul.f32 v42, v42  }
0x219: {  	v43 =	vadd.f32 v57, v42  }
0x21a: {  	v44 =	vadd.f32 v58, v45  }
0x21b: {  	[tilespmem:$0x1C990] =	vst v43  }
0x21c: {  	[tilespmem:$0x1CD90] =	vst v44  }
0x21d: {  	v43 =	vld [tilespmem:s19+$0x1420];
	_ =	sdelay $0x7  }
0x21e: {  	v43 =	vld.idx.msk [tilespmem:v43+s2+$0x0], $0xffff  }
0x21f: {  	v59 =	vld [tilespmem:$0x1C9A0]  }
0x220: {  	v60 =	vld [tilespmem:$0x1CDA0];
	_ =	sdelay $0x2  }
0x221: {  	v46 =	vmul.f32 v43, v43  }
0x222: {  	v44 =	vadd.f32 v59, v43  }
0x223: {  	v45 =	vadd.f32 v60, v46  }
0x224: {  	[tilespmem:$0x1C9A0] =	vst v44  }
0x225: {  	[tilespmem:$0x1CDA0] =	vst v45  }
0x226: {  	v44 =	vld [tilespmem:s19+$0x1430];
	_ =	sdelay $0x7  }
0x227: {  	v44 =	vld.idx.msk [tilespmem:v44+s2+$0x0], $0xffff  }
0x228: {  	v61 =	vld [tilespmem:$0x1C9B0]  }
0x229: {  	v62 =	vld [tilespmem:$0x1CDB0];
	_ =	sdelay $0x2  }
0x22a: {  	v47 =	vmul.f32 v44, v44  }
0x22b: {  	v45 =	vadd.f32 v61, v44  }
0x22c: {  	v46 =	vadd.f32 v62, v47  }
0x22d: {  	[tilespmem:$0x1C9B0] =	vst v45  }
0x22e: {  	[tilespmem:$0x1CDB0] =	vst v46  }
0x22f: {  	v45 =	vld [tilespmem:s19+$0x1440];
	_ =	sdelay $0x7  }
0x230: {  	v45 =	vld.idx.msk [tilespmem:v45+s2+$0x0], $0xffff  }
0x231: {  	v63 =	vld [tilespmem:$0x1C9C0]  }
0x232: {  	v52 =	vld [tilespmem:$0x1CDC0];
	_ =	sdelay $0x2  }
0x233: {  	v48 =	vmul.f32 v45, v45  }
0x234: {  	v46 =	vadd.f32 v63, v45  }
0x235: {  	v47 =	vadd.f32 v52, v48  }
0x236: {  	[tilespmem:$0x1C9C0] =	vst v46  }
0x237: {  	[tilespmem:$0x1CDC0] =	vst v47  }
0x238: {  	v46 =	vld [tilespmem:s19+$0x1450];
	_ =	sdelay $0x7  }
0x239: {  	v46 =	vld.idx.msk [tilespmem:v46+s2+$0x0], $0xffff  }
0x23a: {  	v53 =	vld [tilespmem:$0x1C9D0]  }
0x23b: {  	v54 =	vld [tilespmem:$0x1CDD0];
	_ =	sdelay $0x2  }
0x23c: {  	v49 =	vmul.f32 v46, v46  }
0x23d: {  	v47 =	vadd.f32 v53, v46  }
0x23e: {  	v48 =	vadd.f32 v54, v49  }
0x23f: {  	[tilespmem:$0x1C9D0] =	vst v47  }
0x240: {  	[tilespmem:$0x1CDD0] =	vst v48  }
0x241: {  	v47 =	vld [tilespmem:s19+$0x1460];
	_ =	sdelay $0x7  }
0x242: {  	v47 =	vld.idx.msk [tilespmem:v47+s2+$0x0], $0xffff  }
0x243: {  	v55 =	vld [tilespmem:$0x1C9E0]  }
0x244: {  	v56 =	vld [tilespmem:$0x1CDE0];
	_ =	sdelay $0x2  }
0x245: {  	v50 =	vmul.f32 v47, v47  }
0x246: {  	v48 =	vadd.f32 v55, v47  }
0x247: {  	v49 =	vadd.f32 v56, v50  }
0x248: {  	[tilespmem:$0x1C9E0] =	vst v48  }
0x249: {  	[tilespmem:$0x1CDE0] =	vst v49  }
0x24a: {  	v48 =	vld [tilespmem:s19+$0x1470];
	_ =	sdelay $0x7  }
0x24b: {  	v48 =	vld.idx.msk [tilespmem:v48+s2+$0x0], $0xffff  }
0x24c: {  	v57 =	vld [tilespmem:$0x1C9F0]  }
0x24d: {  	v58 =	vld [tilespmem:$0x1CDF0];
	_ =	sdelay $0x2  }
0x24e: {  	v51 =	vmul.f32 v48, v48  }
0x24f: {  	v49 =	vadd.f32 v57, v48  }
0x250: {  	v50 =	vadd.f32 v58, v51  }
0x251: {  	[tilespmem:$0x1C9F0] =	vst v49  }
0x252: {  	[tilespmem:$0x1CDF0] =	vst v50  }
0x253: {  	v49 =	vld [tilespmem:s19+$0x1800];
	_ =	sdelay $0x7  }
0x254: {  	v49 =	vld.idx.msk [tilespmem:v49+s2+$0x0], $0xffff  }
0x255: {  	v59 =	vld [tilespmem:$0x1CA00]  }
0x256: {  	v60 =	vld [tilespmem:$0x1CE00];
	_ =	sdelay $0x2  }
0x257: {  	v52 =	vmul.f32 v49, v49  }
0x258: {  	v50 =	vadd.f32 v59, v49  }
0x259: {  	v51 =	vadd.f32 v60, v52  }
0x25a: {  	[tilespmem:$0x1CA00] =	vst v50  }
0x25b: {  	[tilespmem:$0x1CE00] =	vst v51  }
0x25c: {  	v50 =	vld [tilespmem:s19+$0x1810];
	_ =	sdelay $0x7  }
0x25d: {  	v50 =	vld.idx.msk [tilespmem:v50+s2+$0x0], $0xffff  }
0x25e: {  	v61 =	vld [tilespmem:$0x1CA10]  }
0x25f: {  	v62 =	vld [tilespmem:$0x1CE10];
	_ =	sdelay $0x2  }
0x260: {  	v53 =	vmul.f32 v50, v50  }
0x261: {  	v51 =	vadd.f32 v61, v50  }
0x262: {  	v52 =	vadd.f32 v62, v53  }
0x263: {  	[tilespmem:$0x1CA10] =	vst v51  }
0x264: {  	[tilespmem:$0x1CE10] =	vst v52  }
0x265: {  	v51 =	vld [tilespmem:s19+$0x1820];
	_ =	sdelay $0x7  }
0x266: {  	v51 =	vld.idx.msk [tilespmem:v51+s2+$0x0], $0xffff  }
0x267: {  	v63 =	vld [tilespmem:$0x1CA20]  }
0x268: {  	v57 =	vld [tilespmem:$0x1CE20];
	_ =	sdelay $0x2  }
0x269: {  	v54 =	vmul.f32 v51, v51  }
0x26a: {  	v52 =	vadd.f32 v63, v51  }
0x26b: {  	v53 =	vadd.f32 v57, v54  }
0x26c: {  	[tilespmem:$0x1CA20] =	vst v52  }
0x26d: {  	[tilespmem:$0x1CE20] =	vst v53  }
0x26e: {  	v52 =	vld [tilespmem:s19+$0x1830];
	_ =	sdelay $0x7  }
0x26f: {  	v52 =	vld.idx.msk [tilespmem:v52+s2+$0x0], $0xffff  }
0x270: {  	v58 =	vld [tilespmem:$0x1CA30]  }
0x271: {  	v59 =	vld [tilespmem:$0x1CE30];
	_ =	sdelay $0x2  }
0x272: {  	v55 =	vmul.f32 v52, v52  }
0x273: {  	v53 =	vadd.f32 v58, v52  }
0x274: {  	v54 =	vadd.f32 v59, v55  }
0x275: {  	[tilespmem:$0x1CA30] =	vst v53  }
0x276: {  	[tilespmem:$0x1CE30] =	vst v54  }
0x277: {  	v53 =	vld [tilespmem:s19+$0x1840];
	_ =	sdelay $0x7  }
0x278: {  	v53 =	vld.idx.msk [tilespmem:v53+s2+$0x0], $0xffff  }
0x279: {  	v60 =	vld [tilespmem:$0x1CA40]  }
0x27a: {  	v61 =	vld [tilespmem:$0x1CE40];
	_ =	sdelay $0x2  }
0x27b: {  	v56 =	vmul.f32 v53, v53  }
0x27c: {  	v54 =	vadd.f32 v60, v53  }
0x27d: {  	v55 =	vadd.f32 v61, v56  }
0x27e: {  	[tilespmem:$0x1CA40] =	vst v54  }
0x27f: {  	[tilespmem:$0x1CE40] =	vst v55  }
0x280: {  	v54 =	vld [tilespmem:s19+$0x1850];
	_ =	sdelay $0x7  }
0x281: {  	v54 =	vld.idx.msk [tilespmem:v54+s2+$0x0], $0xffff  }
0x282: {  	v62 =	vld [tilespmem:$0x1CA50]  }
0x283: {  	v63 =	vld [tilespmem:$0x1CE50];
	_ =	sdelay $0x2  }
0x284: {  	v57 =	vmul.f32 v54, v54  }
0x285: {  	v55 =	vadd.f32 v62, v54  }
0x286: {  	v56 =	vadd.f32 v63, v57  }
0x287: {  	[tilespmem:$0x1CA50] =	vst v55  }
0x288: {  	[tilespmem:$0x1CE50] =	vst v56  }
0x289: {  	v55 =	vld [tilespmem:s19+$0x1860];
	_ =	sdelay $0x7  }
0x28a: {  	v55 =	vld.idx.msk [tilespmem:v55+s2+$0x0], $0xffff  }
0x28b: {  	v60 =	vld [tilespmem:$0x1CA60]  }
0x28c: {  	v61 =	vld [tilespmem:$0x1CE60];
	_ =	sdelay $0x2  }
0x28d: {  	v58 =	vmul.f32 v55, v55  }
0x28e: {  	v56 =	vadd.f32 v60, v55  }
0x28f: {  	v57 =	vadd.f32 v61, v58  }
0x290: {  	[tilespmem:$0x1CA60] =	vst v56  }
0x291: {  	[tilespmem:$0x1CE60] =	vst v57  }
0x292: {  	v56 =	vld [tilespmem:s19+$0x1870];
	_ =	sdelay $0x7  }
0x293: {  	v56 =	vld.idx.msk [tilespmem:v56+s2+$0x0], $0xffff  }
0x294: {  	v62 =	vld [tilespmem:$0x1CA70]  }
0x295: {  	v63 =	vld [tilespmem:$0x1CE70];
	_ =	sdelay $0x2  }
0x296: {  	v59 =	vmul.f32 v56, v56  }
0x297: {  	s23 =	sand.u32 $0x7, s16;
	v57 =	vadd.f32 v62, v56  }
0x298: {  	s19 =	sshll.u32 s23, $0x7;
	v58 =	vadd.f32 v63, v59  }
0x299: {  	s19 =	sadd.s32 s19, s17;
	[tilespmem:$0x1CA70] =	vst v57  }
0x29a: {  	s24 =	sor.u32 $0x1C00, s19;
	[tilespmem:$0x1CE70] =	vst v58  }
0x29b: {  	v57 =	vld [tilespmem:s24+$0x18700];
	_ =	sdelay $0x7  }
0x29c: {  	v57 =	vld.idx.msk [tilespmem:v57+s2+$0x0], $0xffff  }
0x29d: {  	v58 =	vld [tilespmem:$0x1CA80]  }
0x29e: {  	v59 =	vld [tilespmem:$0x1CE80];
	_ =	sdelay $0x2  }
0x29f: {  	v60 =	vmul.f32 v57, v57  }
0x2a0: {  	v58 =	vadd.f32 v58, v57  }
0x2a1: {  	v59 =	vadd.f32 v59, v60  }
0x2a2: {  	[tilespmem:$0x1CA80] =	vst v58  }
0x2a3: {  	v0 =	vadd.f32 v1, v0;
	s25 =	sor.u32 $0x1C10, s19;
	[tilespmem:$0x1CE80] =	vst v59  }
0x2a4: {  	v1 =	vld [tilespmem:s25+$0x18700]  }
0x2a5: {  	v0 =	vadd.f32 v2, v0;
	_ =	sdelay $0x1  }
0x2a6: {  	v0 =	vadd.f32 v3, v0;
	_ =	sdelay $0x1  }
0x2a7: {  	v0 =	vadd.f32 v4, v0;
	_ =	sdelay $0x1  }
0x2a8: {  	v0 =	vadd.f32 v5, v0  }
0x2a9: {  	v1 =	vld.idx.msk [tilespmem:v1+s2+$0x0], $0xffff  }
0x2aa: {  	v2 =	vld [tilespmem:$0x1CA90];
	v0 =	vadd.f32 v6, v0  }
0x2ab: {  	v3 =	vld [tilespmem:$0x1CE90]  }
0x2ac: {  	v0 =	vadd.f32 v7, v0;
	_ =	sdelay $0x1  }
0x2ad: {  	v0 =	vadd.f32 v8, v0;
	v8 =	vmul.f32 v1, v1  }
0x2ae: {  	v2 =	vadd.f32 v2, v1  }
0x2af: {  	v0 =	vadd.f32 v9, v0;
	v3 =	vadd.f32 v3, v8  }
0x2b0: {  	[tilespmem:$0x1CA90] =	vst v2  }
0x2b1: {  	v0 =	vadd.f32 v10, v0;
	s26 =	sor.u32 $0x1C20, s19;
	[tilespmem:$0x1CE90] =	vst v3  }
0x2b2: {  	v2 =	vld [tilespmem:s26+$0x18700]  }
0x2b3: {  	v0 =	vadd.f32 v11, v0;
	_ =	sdelay $0x1  }
0x2b4: {  	v0 =	vadd.f32 v12, v0;
	_ =	sdelay $0x1  }
0x2b5: {  	v0 =	vadd.f32 v13, v0;
	_ =	sdelay $0x1  }
0x2b6: {  	v0 =	vadd.f32 v14, v0  }
0x2b7: {  	v2 =	vld.idx.msk [tilespmem:v2+s2+$0x0], $0xffff  }
0x2b8: {  	v0 =	vadd.f32 v15, v0;
	v3 =	vld [tilespmem:$0x1CAA0]  }
0x2b9: {  	v15 =	vld [tilespmem:$0x1CEA0]  }
0x2ba: {  	v0 =	vadd.f32 v16, v0;
	_ =	sdelay $0x1  }
0x2bb: {  	v0 =	vadd.f32 v17, v0;
	v17 =	vmul.f32 v2, v2  }
0x2bc: {  	v3 =	vadd.f32 v3, v2  }
0x2bd: {  	v0 =	vadd.f32 v18, v0;
	v4 =	vadd.f32 v15, v17  }
0x2be: {  	[tilespmem:$0x1CAA0] =	vst v3  }
0x2bf: {  	v0 =	vadd.f32 v19, v0;
	s28 =	sor.u32 $0x1C30, s19;
	[tilespmem:$0x1CEA0] =	vst v4  }
0x2c0: {  	v3 =	vld [tilespmem:s28+$0x18700]  }
0x2c1: {  	v0 =	vadd.f32 v20, v0;
	_ =	sdelay $0x1  }
0x2c2: {  	v0 =	vadd.f32 v21, v0;
	_ =	sdelay $0x1  }
0x2c3: {  	v0 =	vadd.f32 v22, v0;
	_ =	sdelay $0x1  }
0x2c4: {  	v0 =	vadd.f32 v23, v0  }
0x2c5: {  	v3 =	vld.idx.msk [tilespmem:v3+s2+$0x0], $0xffff  }
0x2c6: {  	v23 =	vld [tilespmem:$0x1CAB0];
	v0 =	vadd.f32 v24, v0  }
0x2c7: {  	v24 =	vld [tilespmem:$0x1CEB0]  }
0x2c8: {  	v0 =	vadd.f32 v25, v0;
	_ =	sdelay $0x1  }
0x2c9: {  	v0 =	vadd.f32 v26, v0;
	v26 =	vmul.f32 v3, v3  }
0x2ca: {  	v4 =	vadd.f32 v23, v3  }
0x2cb: {  	v0 =	vadd.f32 v27, v0;
	v5 =	vadd.f32 v24, v26  }
0x2cc: {  	[tilespmem:$0x1CAB0] =	vst v4  }
0x2cd: {  	v0 =	vadd.f32 v28, v0;
	s29 =	sor.u32 $0x1C40, s19;
	[tilespmem:$0x1CEB0] =	vst v5  }
0x2ce: {  	v4 =	vld [tilespmem:s29+$0x18700]  }
0x2cf: {  	v0 =	vadd.f32 v29, v0;
	_ =	sdelay $0x1  }
0x2d0: {  	v0 =	vadd.f32 v30, v0;
	_ =	sdelay $0x1  }
0x2d1: {  	v0 =	vadd.f32 v31, v0;
	_ =	sdelay $0x1  }
0x2d2: {  	v0 =	vadd.f32 v32, v0  }
0x2d3: {  	v4 =	vld.idx.msk [tilespmem:v4+s2+$0x0], $0xffff  }
0x2d4: {  	v32 =	vld [tilespmem:$0x1CAC0];
	v0 =	vadd.f32 v33, v0  }
0x2d5: {  	v33 =	vld [tilespmem:$0x1CEC0]  }
0x2d6: {  	v0 =	vadd.f32 v34, v0;
	_ =	sdelay $0x1  }
0x2d7: {  	v0 =	vadd.f32 v35, v0;
	v35 =	vmul.f32 v4, v4  }
0x2d8: {  	v5 =	vadd.f32 v32, v4  }
0x2d9: {  	v0 =	vadd.f32 v36, v0;
	v6 =	vadd.f32 v33, v35  }
0x2da: {  	[tilespmem:$0x1CAC0] =	vst v5  }
0x2db: {  	v0 =	vadd.f32 v37, v0;
	s30 =	sor.u32 $0x1C50, s19;
	[tilespmem:$0x1CEC0] =	vst v6  }
0x2dc: {  	v5 =	vld [tilespmem:s30+$0x18700]  }
0x2dd: {  	v0 =	vadd.f32 v38, v0;
	_ =	sdelay $0x1  }
0x2de: {  	v0 =	vadd.f32 v39, v0;
	_ =	sdelay $0x1  }
0x2df: {  	v0 =	vadd.f32 v40, v0;
	_ =	sdelay $0x1  }
0x2e0: {  	v0 =	vadd.f32 v41, v0  }
0x2e1: {  	v5 =	vld.idx.msk [tilespmem:v5+s2+$0x0], $0xffff  }
0x2e2: {  	v0 =	vadd.f32 v42, v0;
	v42 =	vld [tilespmem:$0x1CAD0]  }
0x2e3: {  	v58 =	vld [tilespmem:$0x1CED0]  }
0x2e4: {  	v0 =	vadd.f32 v43, v0;
	_ =	sdelay $0x1  }
0x2e5: {  	v0 =	vadd.f32 v44, v0;
	v59 =	vmul.f32 v5, v5  }
0x2e6: {  	v6 =	vadd.f32 v42, v5  }
0x2e7: {  	v0 =	vadd.f32 v45, v0;
	v7 =	vadd.f32 v58, v59  }
0x2e8: {  	[tilespmem:$0x1CAD0] =	vst v6  }
0x2e9: {  	v0 =	vadd.f32 v46, v0;
	s31 =	sor.u32 $0x1C60, s19;
	[tilespmem:$0x1CED0] =	vst v7  }
0x2ea: {  	v6 =	vld [tilespmem:s31+$0x18700]  }
0x2eb: {  	v0 =	vadd.f32 v47, v0;
	_ =	sdelay $0x1  }
0x2ec: {  	v0 =	vadd.f32 v48, v0;
	_ =	sdelay $0x1  }
0x2ed: {  	v0 =	vadd.f32 v49, v0;
	_ =	sdelay $0x1  }
0x2ee: {  	v0 =	vadd.f32 v50, v0  }
0x2ef: {  	v6 =	vld.idx.msk [tilespmem:v6+s2+$0x0], $0xffff  }
0x2f0: {  	v0 =	vadd.f32 v51, v0;
	v60 =	vld [tilespmem:$0x1CAE0]  }
0x2f1: {  	v61 =	vld [tilespmem:$0x1CEE0]  }
0x2f2: {  	v0 =	vadd.f32 v52, v0;
	_ =	sdelay $0x1  }
0x2f3: {  	v0 =	vadd.f32 v53, v0;
	v62 =	vmul.f32 v6, v6  }
0x2f4: {  	v7 =	vadd.f32 v60, v6  }
0x2f5: {  	v0 =	vadd.f32 v54, v0;
	v8 =	vadd.f32 v61, v62  }
0x2f6: {  	[tilespmem:$0x1CAE0] =	vst v7  }
0x2f7: {  	v0 =	vadd.f32 v55, v0;
	s19 =	sor.u32 $0x1C70, s19;
	[tilespmem:$0x1CEE0] =	vst v8  }
0x2f8: {  	v7 =	vld [tilespmem:s19+$0x18700]  }
0x2f9: {  	v0 =	vadd.f32 v56, v0;
	_ =	sdelay $0x1  }
0x2fa: {  	v0 =	vadd.f32 v57, v0;
	_ =	sdelay $0x1  }
0x2fb: {  	v0 =	vadd.f32 v1, v0;
	_ =	sdelay $0x1  }
0x2fc: {  	v0 =	vadd.f32 v2, v0  }
0x2fd: {  	v1 =	vld.idx.msk [tilespmem:v7+s2+$0x0], $0xffff  }
0x2fe: {  	v2 =	vld [tilespmem:$0x1CAF0];
	v0 =	vadd.f32 v3, v0  }
0x2ff: {  	v3 =	vld [tilespmem:$0x1CEF0]  }
0x300: {  	v0 =	vadd.f32 v4, v0  }
0x301: {  	p0 =	sne.s32 s18, $0x600  }
.Ltmp0:
0x302: {  	v0 =	vadd.f32 v5, v0;
	v63 =	vmul.f32 v1, v1;
	(pc) =	sbr.rel @p0 .LBB2_2-.Ltmp0, $4  }
0x303: {  	v2 =	vadd.f32 v2, v1  }
0x304: {  	v0 =	vadd.f32 v6, v0;
	v3 =	vadd.f32 v3, v63  }
0x305: {  	s16 =	sadd.s32 $0x1, s16;
	s18 =	sadd.s32 $0x80, s18;
	[tilespmem:$0x1CAF0] =	vst v2  }
0x306: {  	s15 =	sadd.s32 $0x10, s15;
	s14 =	sadd.s32 $0x400, s14;
	s17 =	sadd.s32 $0x400, s17;
	v0 =	vadd.f32 v1, v0;
	[tilespmem:$0x1CEF0] =	vst v3  }
0x307: {  	s13 =	sadd.s32 $0x1, s13  }
0x308: {  	p0 =	sne.s32 s13, s5  }
.Ltmp1:
0x309: {  	_ = 	snop;
	(pc) =	sbr.rel @p0 .LBB2_1-.Ltmp1, $4  }
0x30a: {  	[hbm4b:s4+s9] =	stream.strided.scatter [tilespmem:s12], [sflag:$0x2], $0x800, s10, s9, $0x38;
	[tilespmem:$0x1CF00] =	vst v63  }
0x30b: {  	_ =	swait.ge [sflag:s8], $0x800  }
0x30c: {  	[sflag:s8] =	ssyncset.done $0x0  }
0x30d: {  	[sflag:s8] =	ssyncadd.s32 $0xFFFFF800  }
0x30e: {  	_ =	sfence.sel $0x180000  }
0x30f: {  	[bflag:$0x0] =	sbarrier.arrive $0xFFFF  }
0x310: {  	p0 =	sne.s32 s1, $0x0;
	_ =	strace $0x90000047  }
0x311: {  	s0 =	sadd.s32 @!p0 $0x100000, s0;
	[bflag:$0x2] =	sbarrier.arrive $0xFFFF  }
0x312: {  	[sflag:s0] =	ssyncadd.tile.s32 @!p0 $0x1;
	_ =	shalt  }
.Lfunc_end2:
_tile_overlayer_lowered:
.L_overlay_start_2:
0x313: {  	(tag) =	ssettag $0x2  }
0x314: {  	s0 =	rddreg [dreg:$0x0];
	s2 =	stileid.u32  }
0x315: {  	s1 =	rddreg [dreg:$0x1];
	p0 =	sne.s32 s2, $0x0  }
0x316: {  	s3 =	rddreg [dreg:$0x2];
	[bflag:$0x3] =	sbarrier.arrive $0xFFFF;
	s2 =	simm.s32 @!p0 $0x1C02  }
0x317: {  	[timem:s3], [sflag:s2] =	dma.local @!p0 [hbm:s0], s1  }
0x318: {  	s0 =	simm.s32 @!p0 $0x2  }
0x319: {  	_ =	swait.ge @!p0 [sflag:s0], s1  }
0x31a: {  	s1 =	ssub.s32 @!p0 $0x0, s1;
	[sflag:s0] =	ssyncset.done @!p0 $0x0  }
0x31b: {  	[sflag:s0] =	ssyncadd.s32 @!p0 s1  }
0x31c: {  	[bflag:$0x3] =	sbarrier.arrive $0xFFFF  }
0x31d: {  	_ =	shalt  }

// kernel: _afm_call.7.cloned.1.call-start
scs
__scs_entry_jumppad:
0x0: {  	(pc) =	sbr.rel $0x88, $3  }
0x1: {  	(tag) =	ssettag $0x0;
	lr =	simm.s32 $0x1  }
0x2: {  	[smem:$0x3F9E] =	sst lr;
	_ =	strace $0xD0000000  }
0x3: {  	_ = 	snop  }
0x4: {  	_ = 	snop  }
0x5: {  	_ = 	snop  }
0x6: {  	_ = 	snop  }
0x7: {  	_ = 	snop  }
__scs_overlays_trampoline_lowered:
0x8: {  	[smem:$0x3FAD] =	sst s0  }
0x9: {  	[smem:$0x3FAE] =	sst s1  }
0xa: {  	[smem:$0x3FAF] =	sst s2  }
0xb: {  	[smem:$0x3FB0] =	sst s3  }
0xc: {  	[smem:$0x3FB1] =	sst s4  }
0xd: {  	[smem:$0x3FB2] =	sst s5  }
0xe: {  	[smem:$0x3FB3] =	sst s6  }
0xf: {  	[smem:$0x3FB4] =	sst s7  }
0x10: {  	[smem:$0x3FB5] =	sst s8  }
0x11: {  	[smem:$0x3FB6] =	sst s9;
	s0 =	simm.s32 @!p0 $0x0  }
0x12: {  	s1 =	sld [smem:$0x3F9C];
	s0 =	simm.s32 @p0 $0x1  }
0x13: {  	[smem:$0x3FB7] =	sst s0;
	s0 =	simm.s32 @!p1 $0x0  }
0x14: {  	s2 =	sld [smem:$0x3F9B];
	s0 =	simm.s32 @p1 $0x1  }
0x15: {  	[smem:$0x3FB8] =	sst s0;
	s0 =	simm.s32 @!p2 $0x0  }
0x16: {  	s3 =	sld [smem:$0x3FDB];
	s0 =	simm.s32 @p2 $0x1  }
0x17: {  	s4 =	simm.s32 $0x1BF5;
	[smem:$0x3FBA] =	sst s0  }
0x18: {  	s0 =	sld [smem:$0x3F9D];
	_ =	swait.ge [sflag:s4], $0x0  }
0x19: {  	s7 =	sld [smem:$0x3F9E]  }
0x1a: {  	s8 =	sadd.s32 $0xFFFFE003, lr  }
0x1b: {  	s9 =	sadd.s32 $0xFFFFFEF7, lr;
	s5 =	simm.s32 $0xFFFFFFFF;
	p2 =	slt.u32 s8, $0xFFFFF086  }
0x1c: {  	p1 =	slt.u32 s9, $0xF7A;
	s5 =	simm.s32 @!p2 $0x0  }
0x1d: {  	s5 =	simm.s32 @p1 $0x1;
	p0 =	seq.s32 s7, s2  }
0x1e: {  	s7 =	smul.u32 @!p0 $0xF7A, s2;
	p2 =	seq.s32 @!p0 s5, $0x0  }
0x1f: {  	s9 =	smul.u32 $0xF7A, s1;
	s8 =	simm.s32 @!p0 $0x1BF5;
	p2 =	por !p2, p0  }
0x20: {  	[sflag:s8] =	ssyncset.s32 @!p0 $0xFFFFF086;
	s6 =	sadd.s32 @!p0 s3, s7;
	s7 =	simm.s32 @!p0 $0x108  }
0x21: {  	s3 =	sadd.s32 s3, s9;
	s6 =	sadd.s32 @!p0 $0x88, s6;
	s7 =	simm.s32 @p2 $0x1082  }
0x22: {  	[simem:s7], [sflag:s8] =	dma.local @!p0 [hbm:s6], $0xF7A  }
0x23: {  	s9 =	sor.u32 $0xD0000000, s2;
	s6 =	simm.s32 $0x108;
	_ =	swait.ge @!p0 [sflag:s8], $0x0  }
0x24: {  	s3 =	sadd.s32 $0x88, s3;
	s6 =	simm.s32 @!p1 $0x1082;
	[sflag:s4] =	ssyncset.s32 $0xFFFFF086  }
0x25: {  	[simem:s6], [sflag:s4] =	dma.local [hbm:s3], $0xF7A  }
0x26: {  	[smem:$0x3F9E] =	sst s1;
	(tag) =	ssettag s2;
	_ =	strace s9  }
0x27: {  	s1 =	sld [smem:$0x3FAE]  }
0x28: {  	s2 =	sld [smem:$0x3FAF]  }
0x29: {  	s4 =	sld [smem:$0x3FB1]  }
0x2a: {  	p0 =	seq.s32 s5, $0x0;
	s5 =	sld [smem:$0x3FB2]  }
0x2b: {  	s6 =	sld [smem:$0x3FB3]  }
0x2c: {  	s7 =	sld [smem:$0x3FB4]  }
0x2d: {  	s3 =	simm.s32 $0x108;
	s8 =	sld [smem:$0x3FB5]  }
0x2e: {  	s3 =	simm.s32 @!p0 $0x1082;
	s9 =	sld [smem:$0x3FB6]  }
0x2f: {  	lr =	sadd.s32 s0, s3;
	s0 =	sld [smem:$0x3FAD]  }
0x30: {  	s3 =	sld [smem:$0x3FB0]  }
0x31: {  	[smem:$0x3FB9] =	sst s10  }
0x32: {  	s10 =	sld [smem:$0x3FB7];
	_ =	sdelay $0x3  }
0x33: {  	p0 =	seq.s32 s10, $0x1;
	s10 =	sld [smem:$0x3FB9];
	_ =	sdelay $0x3  }
0x34: {  	[smem:$0x3FB9] =	sst s10  }
0x35: {  	s10 =	sld [smem:$0x3FB8];
	_ =	sdelay $0x3  }
0x36: {  	p1 =	seq.s32 s10, $0x1;
	s10 =	sld [smem:$0x3FB9];
	_ =	sdelay $0x3  }
0x37: {  	[smem:$0x3FB9] =	sst s10  }
0x38: {  	s10 =	sld [smem:$0x3FBA]  }
0x39: {  	_ = 	snop;
	(pc) =	sbr.ind lr, $3  }
0x3a: {  	_ = 	snop  }
0x3b: {  	_ = 	snop  }
0x3c: {  	p2 =	seq.s32 s10, $0x1;
	s10 =	sld [smem:$0x3FB9]  }
0x3d: {  	_ =	shalt  }
0x3e: {  	_ =	shalt  }
0x3f: {  	_ =	shalt  }
0x40: {  	_ =	shalt  }
0x41: {  	_ =	shalt  }
0x42: {  	_ =	shalt  }
0x43: {  	_ =	shalt  }
0x44: {  	_ =	shalt  }
0x45: {  	_ =	shalt  }
0x46: {  	_ =	shalt  }
0x47: {  	_ =	shalt  }
0x48: {  	_ =	shalt  }
0x49: {  	_ =	shalt  }
0x4a: {  	_ =	shalt  }
0x4b: {  	_ =	shalt  }
0x4c: {  	_ =	shalt  }
0x4d: {  	_ =	shalt  }
0x4e: {  	_ =	shalt  }
0x4f: {  	_ =	shalt  }
0x50: {  	_ =	shalt  }
0x51: {  	_ =	shalt  }
0x52: {  	_ =	shalt  }
0x53: {  	_ =	shalt  }
0x54: {  	_ =	shalt  }
0x55: {  	_ =	shalt  }
0x56: {  	_ =	shalt  }
0x57: {  	_ =	shalt  }
0x58: {  	_ =	shalt  }
0x59: {  	_ =	shalt  }
0x5a: {  	_ =	shalt  }
0x5b: {  	_ =	shalt  }
0x5c: {  	_ =	shalt  }
0x5d: {  	_ =	shalt  }
0x5e: {  	_ =	shalt  }
0x5f: {  	_ =	shalt  }
0x60: {  	_ =	shalt  }
0x61: {  	_ =	shalt  }
0x62: {  	_ =	shalt  }
0x63: {  	_ =	shalt  }
0x64: {  	_ =	shalt  }
0x65: {  	_ =	shalt  }
0x66: {  	_ =	shalt  }
0x67: {  	_ =	shalt  }
0x68: {  	_ =	shalt  }
0x69: {  	_ =	shalt  }
0x6a: {  	_ =	shalt  }
0x6b: {  	_ =	shalt  }
0x6c: {  	_ =	shalt  }
0x6d: {  	_ =	shalt  }
0x6e: {  	_ =	shalt  }
0x6f: {  	_ =	shalt  }
0x70: {  	_ =	shalt  }
0x71: {  	_ =	shalt  }
0x72: {  	_ =	shalt  }
0x73: {  	_ =	shalt  }
0x74: {  	_ =	shalt  }
0x75: {  	_ =	shalt  }
0x76: {  	_ =	shalt  }
0x77: {  	_ =	shalt  }
0x78: {  	_ =	shalt  }
0x79: {  	_ =	shalt  }
0x7a: {  	_ =	shalt  }
0x7b: {  	_ =	shalt  }
0x7c: {  	_ =	shalt  }
0x7d: {  	_ =	shalt  }
0x7e: {  	_ =	shalt  }
0x7f: {  	_ =	shalt  }
0x80: {  	_ =	shalt  }
0x81: {  	_ =	shalt  }
0x82: {  	_ =	shalt  }
0x83: {  	_ =	shalt  }
0x84: {  	_ =	shalt  }
0x85: {  	_ =	shalt  }
0x86: {  	_ =	shalt  }
0x87: {  	_ =	shalt  }
.Lfunc_end0:
.L_simem_size_0:
called_computation.1_lowered:
.L_overlay_start_0:
0x88: {  	s2 =	sld [smem:$0x3FD9]  }
0x89: {  	s3 =	sld [smem:$0x3FFE];
	_ =	sdelay $0x1  }
0x8a: {  	s1 =	srdreg.scid  }
0x8b: {  	s0 =	sand.u32 $0x1, s1  }
0x8c: {  	s17 =	sshll.u32 s0, $0xA;
	s2 =	sadd.s32 s3, s2  }
0x8d: {  	s2 =	sadd.s32 s2, s17  }
0x8e: {  	[smem:$0x3FC5] =	sst s2  }
0x8f: {  	_ = 	snop  }
0x90: {  	s2 =	sld [smem:$0x3FC7]  }
0x91: {  	s18 =	sld [smem:$0x3FD0];
	(tm) =	ssettm $0x1  }
0x92: {  	s4 =	sld [smem:$0x3FFB];
	_ =	sdelay $0x3  }
0x93: {  	_ =	strace s4  }
0x94: {  	s4 =	sld [smem:$0x3FFC];
	_ =	sdelay $0x3  }
0x95: {  	_ =	strace s4  }
0x96: {  	s4 =	sld [smem:$0x3FFD];
	_ =	sdelay $0x3  }
0x97: {  	_ =	strace s4  }
0x98: {  	_ =	strace $0x8FFFFFFF  }
0x99: {  	s19 =	sld [smem:$0x3FDB];
	_ =	sdelay $0x1  }
0x9a: {  	s5 =	simm.s32 $_scs_section_size  }
0x9b: {  	s6 =	simm.s32 $_size__tile_overlayer_lowered;
	s7 =	simm.s32 $_tile_overlayer_lowered  }
0x9c: {  	s22 =	simm.s32 $0x1BFF;
	s21 =	sshll.u32 s7, $0x1;
	s4 =	sadd.s32 s5, s19  }
0x9d: {  	s8 =	simm.s32 $0x0;
	s20 =	sshll.u32 s6, $0x1;
	s6 =	sadd.s32 s21, s4  }
0x9e: {  	[timem:s8], [sflag:s22] =	dma.local [hbm:s6], s20  }
0x9f: {  	_ =	swait.ge [sflag:s22], s20  }
0xa0: {  	s5 =	ssub.s32 $0x0, s20;
	[sflag:s22] =	ssyncset.done $0x0  }
0xa1: {  	[sflag:s22] =	ssyncadd.s32 s5;
	_ =	sdelay $0x1  }
0xa2: {  	s23 =	simm.s32 $0x1B8B  }
0xa3: {  	_ =	swait.ge [sflag:s23], $0x1  }
0xa4: {  	[sflag:s23] =	ssyncset.done $0x0  }
0xa5: {  	s25 =	simm.s32 $0x1B8E;
	s24 =	sld [smem:$0x3FFE];
	[sflag:s23] =	ssyncadd.s32 $0xFFFFFFFF  }
0xa6: {  	s26 =	simm.s32 $execute0_lowered;
	[smem:$0x3FD2] =	sst s25  }
0xa7: {  	s6 =	sshll.u32 s26, $0x1;
	_ =	strace $0x80000049;
	[dreg:$0x1] =	wrdreg $0xFFFFFFFF  }
0xa8: {  	s28 =	simm.s32 $_size_execute0_lowered;
	s4 =	sadd.s32 s4, s6;
	[dreg:$0x0] =	wrdreg $0x0  }
0xa9: {  	s6 =	sshll.u32 s28, $0x1;
	[dreg:$0x2] =	wrdreg s4  }
0xaa: {  	[dreg:$0x3] =	wrdreg s6  }
0xab: {  	[dreg:$0x4] =	wrdreg $0xC0  }
0xac: {  	_ =	task [dreg:s8], $0x5FFFF  }
0xad: {  	[dreg:$0x1] =	wrdreg $0xFFFFFFFF  }
0xae: {  	[dreg:$0x0] =	wrdreg $0x60  }
0xaf: {  	[dreg:$0x2] =	wrdreg s24  }
0xb0: {  	[dreg:$0x3] =	wrdreg s2  }
0xb1: {  	[dreg:$0x4] =	wrdreg s18  }
0xb2: {  	[dreg:$0x5] =	wrdreg $0x9  }
0xb3: {  	_ =	task.clear_ibuf [dreg:s8], $0x6FFFF;
	_ =	strace $0x90000049  }
0xb4: {  	s29 =	simm.s32 $0x9;
	_ =	strace $0x8000004B  }
0xb5: {  	_ =	swait.ge [sflag:s29], $0x1  }
0xb6: {  	[sflag:s29] =	ssyncadd.s32 $0xFFFFFFFF  }
0xb7: {  	_ =	strace $0x9000004B  }
0xb8: {  	_ =	sfence  }
0xb9: {  	s30 =	sld [smem:$0x0];
	_ =	sdelay $0x2  }
0xba: {  	s31 =	sshll.u32 s1, $0xD;
	s1 =	sshrl.u32 s1, $0x2  }
0xbb: {  	s3 =	sand.u32 $0x4000, s31;
	s1 =	sadd.s32 s1, s30  }
0xbc: {  	s0 =	sor.u32 s3, s0;
	s1 =	sshll.u32 s1, $0x11  }
0xbd: {  	s0 =	sor.u32 s1, s0  }
0xbe: {  	s0 =	sadd.s32 $0x8F2B, s0  }
0xbf: {  	[sflag:s0] =	ssyncadd.remote.s32 $0x1  }
0xc0: {  	_ =	sfence.sel $0xFFFF  }
0xc1: {  	[dreg:$0x0] =	wrdreg $0xFFFFFFFF;
	(pc) =	sbr.abs _section_cstart, $3  }
0xc2: {  	[dreg:$0x1] =	wrdreg $0xFFFFFFFF  }
0xc3: {  	_ =	task.clear_ibuf [dreg:s8], $0x2FFFF;
	_ =	strace $0x9FFFFFFF  }
0xc4: {  	(tm) =	ssettm $0x7FFFFFFF  }
0xc5: {  	_ =	shalt  }
tec
execute0_lowered:
.L_overlay_start_1:
0x0: {  	(tag) =	ssettag $0x1  }
0x1: {  	s4 =	rddreg [dreg:$0x0]  }
0x2: {  	s1 =	rddreg [dreg:$0x1]  }
0x3: {  	s9 =	rddreg [dreg:$0x2]  }
0x4: {  	s0 =	rddreg [dreg:$0x3];
	s3 =	simm.s32 $0x0  }
0x5: {  	s2 =	stileid.u32;
	s5 =	srdreg.scid;
	s13 =	simm.s32 $0x400  }
0x6: {  	s14 =	simm.s32 $0x4000;
	s15 =	simm.s32 $0x800;
	s16 =	simm.s32 $0x1000  }
0x7: {  	s17 =	simm.s32 $0x1800;
	s18 =	simm.s32 $0x2100;
	[smem:$0x7FF] =	sst s3  }
0x8: {  	s5 =	sand.u32 $0x1, s5;
	s6 =	sshll.u32 s2, $0x1;
	s7 =	sshll.u32 s2, $0x6  }
0x9: {  	_ =	strace $0x8000004A;
	s8 =	ssub.s32 $0x2, s5;
	s10 =	sor.u32 s5, s6  }
0xa: {  	s29 =	sand.u32 $0x380, s7;
	s30 =	sshrl.u32 s8, $0x1;
	s31 =	sshll.u32 s10, $0x5  }
0xb: {  	s11 =	sadd.s32 s29, s4;
	s10 =	sshll.u32 s10, $0x2;
	s12 =	ssub.s32 s8, s30  }
0xc: {  	s4 =	sand.u32 $0x60, s31;
	s5 =	sadd.s32 $0x800, s11;
	s6 =	sadd.s32 $0xC00, s11  }
0xd: {  	s7 =	sadd.s32 $0x1800, s11;
	s8 =	sadd.s32 $0x1C00, s11;
	s9 =	sadd.s32 s9, s10  }
0xe: {  	s11 =	simm.s32 $0x2000;
	s10 =	smax.u32 s12, $0x1;
	s12 =	simm.s32 $0x1  }
.LBB2_1:
0xf: {  	[tilespmem:s11], [sflag:$0x1] =	stream.linear.gather [hbm4b:s1+s3], $0x100, $0x38;
	[tilespmem:$0x2180] =	vst v63  }
0x10: {  	_ =	swait.ge [sflag:s12], $0x100  }
0x11: {  	[sflag:s12] =	ssyncset.done $0x0  }
0x12: {  	[sflag:s12] =	ssyncadd.s32 $0xFFFFFF00  }
0x13: {  	[tilespmem:s3], [sflag:$0x1] =	stream.strided.gather [hbm4b:s5+s13], $0x800, s14, s13, $0x38;
	[tilespmem:$0x2180] =	vst v63  }
0x14: {  	_ =	swait.ge [sflag:s12], $0x800  }
0x15: {  	[sflag:s12] =	ssyncset.done $0x0  }
0x16: {  	[sflag:s12] =	ssyncadd.s32 $0xFFFFF800  }
0x17: {  	[tilespmem:s15], [sflag:$0x1] =	stream.strided.gather [hbm4b:s6+s13], $0x800, s14, s13, $0x38;
	[tilespmem:$0x2180] =	vst v63  }
0x18: {  	_ =	swait.ge [sflag:s12], $0x800  }
0x19: {  	[sflag:s12] =	ssyncset.done $0x0  }
0x1a: {  	[sflag:s12] =	ssyncadd.s32 $0xFFFFF800  }
0x1b: {  	[tilespmem:s16], [sflag:$0x1] =	stream.strided.gather [hbm4b:s7+s13], $0x800, s14, s13, $0x38;
	[tilespmem:$0x2180] =	vst v63  }
0x1c: {  	_ =	swait.ge [sflag:s12], $0x800  }
0x1d: {  	[sflag:s12] =	ssyncset.done $0x0  }
0x1e: {  	[sflag:s12] =	ssyncadd.s32 $0xFFFFF800  }
0x1f: {  	[tilespmem:s17], [sflag:$0x1] =	stream.strided.gather [hbm4b:s8+s13], $0x800, s14, s13, $0x38;
	[tilespmem:$0x2180] =	vst v63  }
0x20: {  	_ =	swait.ge [sflag:s12], $0x800  }
0x21: {  	[sflag:s12] =	ssyncset.done $0x0  }
0x22: {  	[sflag:s12] =	ssyncadd.s32 $0xFFFFF800  }
0x23: {  	v0 =	vld [tilespmem:s4+$0x0]  }
0x24: {  	v1 =	vld [tilespmem:s4+$0x1000]  }
0x25: {  	v2 =	vld [tilespmem:s4+$0x800]  }
0x26: {  	v3 =	vld [tilespmem:s4+$0x1800]  }
0x27: {  	v4 =	vld [tilespmem:s4+$0x80]  }
0x28: {  	v5 =	vld [tilespmem:s4+$0x1080]  }
0x29: {  	v6 =	vld [tilespmem:s4+$0x880]  }
0x2a: {  	v7 =	vld [tilespmem:s4+$0x1880]  }
0x2b: {  	v8 =	vld [tilespmem:s4+$0x100]  }
0x2c: {  	v9 =	vld [tilespmem:s4+$0x1100]  }
0x2d: {  	v10 =	vld [tilespmem:s4+$0x900]  }
0x2e: {  	v11 =	vld [tilespmem:s4+$0x1900]  }
0x2f: {  	v12 =	vld [tilespmem:s4+$0x180]  }
0x30: {  	v13 =	vld [tilespmem:s4+$0x1180]  }
0x31: {  	v14 =	vld [tilespmem:s4+$0x980]  }
0x32: {  	v15 =	vld [tilespmem:s4+$0x1980]  }
0x33: {  	v16 =	vld [tilespmem:s4+$0x200]  }
0x34: {  	v17 =	vld [tilespmem:s4+$0x1200]  }
0x35: {  	v18 =	vld [tilespmem:s4+$0xA00]  }
0x36: {  	v19 =	vld [tilespmem:s4+$0x1A00]  }
0x37: {  	v20 =	vld [tilespmem:s4+$0x280]  }
0x38: {  	v21 =	vld [tilespmem:s4+$0x1280]  }
0x39: {  	v22 =	vld [tilespmem:s4+$0xA80]  }
0x3a: {  	v23 =	vld [tilespmem:s4+$0x1A80]  }
0x3b: {  	v24 =	vld [tilespmem:s4+$0x300]  }
0x3c: {  	v25 =	vld [tilespmem:s4+$0x1300]  }
0x3d: {  	v26 =	vld [tilespmem:s4+$0xB00]  }
0x3e: {  	v27 =	vld [tilespmem:s4+$0x1B00]  }
0x3f: {  	v28 =	vld [tilespmem:s4+$0x380]  }
0x40: {  	v29 =	vld [tilespmem:s4+$0x1380]  }
0x41: {  	v30 =	vld [tilespmem:s4+$0xB80]  }
0x42: {  	v60 =	vld [tilespmem:s4+$0x1B80]  }
0x43: {  	v61 =	vld [tilespmem:s4+$0x400]  }
0x44: {  	v63 =	vld [tilespmem:s4+$0x1400]  }
0x45: {  	v32 =	vld [tilespmem:s4+$0xC00]  }
0x46: {  	v33 =	vld [tilespmem:s4+$0x1C00]  }
0x47: {  	v36 =	vld [tilespmem:s4+$0x480]  }
0x48: {  	v37 =	vld [tilespmem:s4+$0x1480]  }
0x49: {  	v39 =	vld [tilespmem:s4+$0xC80];
	v0 =	vadd.f32 v1, v0;
	v59 =	vadd.f32 v5, v4  }
0x4a: {  	v41 =	vld [tilespmem:s4+$0x1C80];
	v2 =	vadd.f32 v3, v2;
	v62 =	vadd.f32 v7, v6  }
0x4b: {  	v43 =	vld [tilespmem:s4+$0x500];
	v31 =	vadd.f32 v9, v8;
	v34 =	vadd.f32 v11, v10  }
0x4c: {  	v46 =	vld [tilespmem:s4+$0x1500];
	v35 =	vadd.f32 v13, v12;
	v0 =	vmul.f32 v0, v0;
	v1 =	vmul.f32 v59, v59  }
0x4d: {  	v47 =	vld [tilespmem:s4+$0xD00];
	v38 =	vadd.f32 v15, v14;
	v40 =	vadd.f32 v17, v16  }
0x4e: {  	v49 =	vld [tilespmem:s4+$0x1D00];
	v7 =	vmul.f32 v31, v31;
	v0 =	vsub.f32 v0, v2;
	v1 =	vsub.f32 v1, v62  }
0x4f: {  	v51 =	vld [tilespmem:s4+$0x580];
	v44 =	vadd.f32 v19, v18;
	v45 =	vadd.f32 v21, v20  }
0x50: {  	v53 =	vld [tilespmem:s4+$0x1580];
	v9 =	vmul.f32 v35, v35;
	v5 =	vsub.f32 v7, v34;
	v0 =	vadd.f32 v1, v0  }
0x51: {  	v56 =	vld [tilespmem:s4+$0xD80];
	v48 =	vadd.f32 v23, v22;
	v50 =	vadd.f32 v25, v24  }
0x52: {  	v57 =	vld [tilespmem:s4+$0x1D80];
	v12 =	vmul.f32 v40, v40;
	v42 =	vsub.f32 v9, v38;
	v0 =	vadd.f32 v5, v0  }
0x53: {  	v4 =	vadd.f32 v60, v30;
	v3 =	vadd.f32 v63, v61;
	v60 =	vld [tilespmem:s4+$0x1600]  }
0x54: {  	v61 =	vld [tilespmem:s4+$0xE00];
	v14 =	vmul.f32 v45, v45;
	v9 =	vsub.f32 v12, v44;
	v0 =	vadd.f32 v42, v0  }
0x55: {  	v54 =	vadd.f32 v27, v26;
	v55 =	vadd.f32 v29, v28;
	v63 =	vld [tilespmem:s4+$0x680]  }
0x56: {  	v21 =	vld [tilespmem:s4+$0x1680];
	v17 =	vmul.f32 v50, v50;
	v52 =	vsub.f32 v14, v48;
	v0 =	vadd.f32 v9, v0  }
0x57: {  	v22 =	vld [tilespmem:s4+$0xE80];
	v58 =	vmul.f32 v55, v55  }
0x58: {  	v23 =	vld [tilespmem:s4+$0x1E80];
	v14 =	vsub.f32 v17, v54;
	v0 =	vadd.f32 v52, v0  }
0x59: {  	v27 =	vld [tilespmem:s4+$0x700];
	v4 =	vsub.f32 v58, v4;
	v2 =	vadd.f32 v33, v32  }
0x5a: {  	v59 =	vld [tilespmem:s4+$0x600];
	v3 =	vmul.f32 v3, v3;
	v1 =	vadd.f32 v37, v36;
	v0 =	vadd.f32 v14, v0  }
0x5b: {  	v28 =	vld [tilespmem:s4+$0x1700];
	v17 =	vadd.f32 v41, v39;
	v7 =	vadd.f32 v46, v43  }
0x5c: {  	v62 =	vld [tilespmem:s4+$0x1E00];
	v2 =	vsub.f32 v3, v2;
	v1 =	vmul.f32 v1, v1;
	v0 =	vadd.f32 v4, v0  }
0x5d: {  	v24 =	vadd.f32 v49, v47;
	v26 =	vadd.f32 v53, v51;
	v30 =	vld [tilespmem:s4+$0xF00]  }
0x5e: {  	v31 =	vld [tilespmem:s4+$0x1F00];
	v25 =	vmul.f32 v7, v7;
	v1 =	vsub.f32 v1, v17;
	v0 =	vadd.f32 v2, v0  }
0x5f: {  	v29 =	vadd.f32 v57, v56;
	v35 =	vld [tilespmem:s4+$0x1780];
	v7 =	vmul.f32 v26, v26;
	v6 =	vadd.f32 v60, v59  }
0x60: {  	v33 =	vld [tilespmem:s4+$0x780];
	v3 =	vsub.f32 v25, v24;
	v0 =	vadd.f32 v1, v0  }
0x61: {  	v36 =	vld [tilespmem:s4+$0xF80];
	v32 =	vsub.f32 v7, v29;
	v34 =	vadd.f32 v62, v61;
	v6 =	vmul.f32 v6, v6  }
0x62: {  	v37 =	vld [tilespmem:s4+$0x1F80];
	v4 =	vadd.f32 v21, v63;
	v0 =	vadd.f32 v3, v0  }
0x63: {  	v6 =	vsub.f32 v6, v34;
	v2 =	vadd.f32 v23, v22  }
0x64: {  	v4 =	vmul.f32 v4, v4;
	v1 =	vadd.f32 v28, v27;
	v0 =	vadd.f32 v32, v0  }
0x65: {  	v38 =	vadd.f32 v31, v30;
	v5 =	vadd.f32 v35, v33  }
0x66: {  	v2 =	vsub.f32 v4, v2;
	v1 =	vmul.f32 v1, v1;
	v0 =	vadd.f32 v6, v0  }
0x67: {  	v39 =	vadd.f32 v37, v36  }
0x68: {  	v40 =	vmul.f32 v5, v5;
	v1 =	vsub.f32 v1, v38;
	v0 =	vadd.f32 v2, v0;
	_ =	sdelay $0x1  }
0x69: {  	v2 =	vsub.f32 v40, v39;
	v1 =	vadd.f32 v1, v0  }
0x6a: {  	v0 =	vld [tilespmem:$0x2000]  }
0x6b: {  	v2 =	vadd.f32 v2, v1  }
0x6c: {  	v1 =	vld [tilespmem:$0x2080]  }
0x6d: {  	v2 =	vmul.f32 $5.000000000e-01, v2;
	_ =	sdelay $0x1  }
0x6e: {  	v2 =	vmul.f32 v2, v0;
	_ =	sdelay $0x1  }
0x6f: {  	v2 =	vadd.f32 v2, v1;
	_ =	sdelay $0x1  }
0x70: {  	v2 =	vsub.f32 $0.0e+00, v2;
	_ =	sdelay $0x1  }
0x71: {  	v2 =	vmul.f32 $1.442695020e+00, v2;
	_ =	sdelay $0x1  }
0x72: {  	(erf) = vpow2.f32 v2;
	_ =	sdelay $0x8  }
0x73: {  	v2 =	vpop (erf)  }
0x74: {  	v2 =	vadd.f32 $1.000000000e+00, v2;
	_ =	sdelay $0x1  }
0x75: {  	(erf) = vrcp.f32 v2;
	_ =	sdelay $0x8  }
0x76: {  	v2 =	vpop (erf)  }
0x77: {  	[tilespmem:$0x2100] =	vst v2  }
0x78: {  	v2 =	vld [tilespmem:s4+$0x10]  }
0x79: {  	v41 =	vld [tilespmem:s4+$0x1010]  }
0x7a: {  	v42 =	vld [tilespmem:s4+$0x810]  }
0x7b: {  	v43 =	vld [tilespmem:s4+$0x1810]  }
0x7c: {  	v44 =	vld [tilespmem:s4+$0x90]  }
0x7d: {  	v45 =	vld [tilespmem:s4+$0x1090]  }
0x7e: {  	v46 =	vld [tilespmem:s4+$0x890]  }
0x7f: {  	v47 =	vld [tilespmem:s4+$0x1890]  }
0x80: {  	v48 =	vld [tilespmem:s4+$0x110]  }
0x81: {  	v49 =	vld [tilespmem:s4+$0x1110]  }
0x82: {  	v50 =	vld [tilespmem:s4+$0x910]  }
0x83: {  	v51 =	vld [tilespmem:s4+$0x1910]  }
0x84: {  	v52 =	vld [tilespmem:s4+$0x190]  }
0x85: {  	v53 =	vld [tilespmem:s4+$0x1190]  }
0x86: {  	v54 =	vld [tilespmem:s4+$0x990]  }
0x87: {  	v55 =	vld [tilespmem:s4+$0x1990]  }
0x88: {  	v56 =	vld [tilespmem:s4+$0x210]  }
0x89: {  	v57 =	vld [tilespmem:s4+$0x1210]  }
0x8a: {  	v58 =	vld [tilespmem:s4+$0xA10]  }
0x8b: {  	v59 =	vld [tilespmem:s4+$0x1A10]  }
0x8c: {  	v60 =	vld [tilespmem:s4+$0x290]  }
0x8d: {  	v61 =	vld [tilespmem:s4+$0x1290]  }
0x8e: {  	v62 =	vld [tilespmem:s4+$0xA90]  }
0x8f: {  	v63 =	vld [tilespmem:s4+$0x1A90]  }
0x90: {  	v26 =	vld [tilespmem:s4+$0x310]  }
0x91: {  	v36 =	vld [tilespmem:s4+$0x1310]  }
0x92: {  	v37 =	vld [tilespmem:s4+$0xB10]  }
0x93: {  	v38 =	vld [tilespmem:s4+$0x1B10]  }
0x94: {  	v39 =	vld [tilespmem:s4+$0x390]  }
0x95: {  	v31 =	vld [tilespmem:s4+$0x1390]  }
0x96: {  	v32 =	vld [tilespmem:s4+$0xB90]  }
0x97: {  	v25 =	vld [tilespmem:s4+$0x590]  }
0x98: {  	v27 =	vld [tilespmem:s4+$0x1590]  }
0x99: {  	v34 =	vld [tilespmem:s4+$0xD90]  }
0x9a: {  	v35 =	vld [tilespmem:s4+$0x1D90]  }
0x9b: {  	v2 =	vadd.f32 v41, v2;
	v41 =	vld [tilespmem:s4+$0x1B90]  }
0x9c: {  	v4 =	vadd.f32 v43, v42;
	v42 =	vld [tilespmem:s4+$0x410]  }
0x9d: {  	v40 =	vadd.f32 v45, v44;
	v44 =	vld [tilespmem:s4+$0x1410]  }
0x9e: {  	v43 =	vadd.f32 v47, v46;
	v46 =	vld [tilespmem:s4+$0xC10]  }
0x9f: {  	v47 =	vld [tilespmem:s4+$0x1C10]  }
0xa0: {  	v45 =	vadd.f32 v49, v48;
	v48 =	vadd.f32 v51, v50;
	v50 =	vld [tilespmem:s4+$0x490]  }
0xa1: {  	v49 =	vadd.f32 v53, v52;
	v51 =	vld [tilespmem:s4+$0x1490];
	v2 =	vmul.f32 v2, v2;
	v3 =	vmul.f32 v40, v40  }
0xa2: {  	v52 =	vadd.f32 v55, v54;
	v53 =	vld [tilespmem:s4+$0xC90];
	v54 =	vadd.f32 v57, v56  }
0xa3: {  	v55 =	vld [tilespmem:s4+$0x1C90];
	v9 =	vmul.f32 v45, v45;
	v2 =	vsub.f32 v2, v4;
	v3 =	vsub.f32 v3, v43  }
0xa4: {  	v57 =	vld [tilespmem:s4+$0x510];
	v58 =	vadd.f32 v59, v58;
	v59 =	vadd.f32 v61, v60  }
0xa5: {  	v60 =	vld [tilespmem:s4+$0x1510];
	v11 =	vmul.f32 v49, v49;
	v7 =	vsub.f32 v9, v48;
	v2 =	vadd.f32 v3, v2  }
0xa6: {  	v61 =	vld [tilespmem:s4+$0xD10];
	v62 =	vadd.f32 v63, v62  }
0xa7: {  	v63 =	vld [tilespmem:s4+$0x1D10];
	v14 =	vmul.f32 v54, v54;
	v56 =	vsub.f32 v11, v52;
	v2 =	vadd.f32 v7, v2  }
0xa8: {  	v24 =	vadd.f32 v36, v26;
	v29 =	vadd.f32 v38, v37;
	v37 =	vld [tilespmem:s4+$0x610]  }
0xa9: {  	v38 =	vld [tilespmem:s4+$0x1610];
	v16 =	vmul.f32 v59, v59;
	v11 =	vsub.f32 v14, v58;
	v2 =	vadd.f32 v56, v2  }
0xaa: {  	v33 =	vadd.f32 v31, v39;
	v39 =	vld [tilespmem:s4+$0xE10];
	v19 =	vmul.f32 v24, v24  }
0xab: {  	v40 =	vld [tilespmem:s4+$0x1E10];
	v26 =	vsub.f32 v16, v62;
	v2 =	vadd.f32 v11, v2  }
0xac: {  	v45 =	vld [tilespmem:s4+$0x1E90];
	v16 =	vsub.f32 v19, v29;
	v6 =	vadd.f32 v41, v32  }
0xad: {  	v36 =	vmul.f32 v33, v33;
	v49 =	vld [tilespmem:s4+$0x710];
	v5 =	vadd.f32 v44, v42;
	v2 =	vadd.f32 v26, v2  }
0xae: {  	v43 =	vld [tilespmem:s4+$0x1690];
	v4 =	vadd.f32 v47, v46;
	v3 =	vadd.f32 v51, v50  }
0xaf: {  	v52 =	vld [tilespmem:s4+$0xF10];
	v6 =	vsub.f32 v36, v6;
	v5 =	vmul.f32 v5, v5;
	v2 =	vadd.f32 v16, v2  }
0xb0: {  	v41 =	vld [tilespmem:s4+$0x690];
	v42 =	vadd.f32 v55, v53;
	v9 =	vadd.f32 v60, v57  }
0xb1: {  	v44 =	vld [tilespmem:s4+$0xE90];
	v3 =	vmul.f32 v3, v3;
	v4 =	vsub.f32 v5, v4;
	v2 =	vadd.f32 v6, v2  }
0xb2: {  	v48 =	vadd.f32 v27, v25;
	v46 =	vadd.f32 v63, v61;
	v53 =	vld [tilespmem:s4+$0x1F10]  }
0xb3: {  	v55 =	vld [tilespmem:s4+$0x790];
	v47 =	vmul.f32 v9, v9;
	v3 =	vsub.f32 v3, v42;
	v2 =	vadd.f32 v4, v2  }
0xb4: {  	v8 =	vadd.f32 v38, v37;
	v50 =	vld [tilespmem:s4+$0x1710];
	v51 =	vadd.f32 v35, v34;
	v9 =	vmul.f32 v48, v48  }
0xb5: {  	v57 =	vld [tilespmem:s4+$0x1790];
	v5 =	vsub.f32 v47, v46;
	v2 =	vadd.f32 v3, v2  }
0xb6: {  	v59 =	vld [tilespmem:s4+$0x1F90];
	v8 =	vmul.f32 v8, v8;
	v54 =	vsub.f32 v9, v51;
	v56 =	vadd.f32 v40, v39  }
0xb7: {  	v58 =	vld [tilespmem:s4+$0xF90];
	v6 =	vadd.f32 v43, v41;
	v2 =	vadd.f32 v5, v2  }
0xb8: {  	v8 =	vsub.f32 v8, v56;
	v4 =	vadd.f32 v45, v44  }
0xb9: {  	v6 =	vmul.f32 v6, v6;
	v3 =	vadd.f32 v50, v49;
	v2 =	vadd.f32 v54, v2  }
0xba: {  	v60 =	vadd.f32 v53, v52;
	v7 =	vadd.f32 v57, v55  }
0xbb: {  	v4 =	vsub.f32 v6, v4;
	v3 =	vmul.f32 v3, v3;
	v2 =	vadd.f32 v8, v2  }
0xbc: {  	v61 =	vadd.f32 v59, v58  }
0xbd: {  	v62 =	vmul.f32 v7, v7;
	v3 =	vsub.f32 v3, v60;
	v2 =	vadd.f32 v4, v2;
	_ =	sdelay $0x1  }
0xbe: {  	v63 =	vsub.f32 v62, v61;
	v2 =	vadd.f32 v3, v2;
	_ =	sdelay $0x1  }
0xbf: {  	v2 =	vadd.f32 v63, v2;
	_ =	sdelay $0x1  }
0xc0: {  	v2 =	vmul.f32 $5.000000000e-01, v2;
	_ =	sdelay $0x1  }
0xc1: {  	v0 =	vmul.f32 v2, v0;
	_ =	sdelay $0x1  }
0xc2: {  	v0 =	vadd.f32 v0, v1;
	_ =	sdelay $0x1  }
0xc3: {  	v0 =	vsub.f32 $0.0e+00, v0;
	_ =	sdelay $0x1  }
0xc4: {  	v0 =	vmul.f32 $1.442695020e+00, v0;
	_ =	sdelay $0x1  }
0xc5: {  	(erf) = vpow2.f32 v0;
	_ =	sdelay $0x8  }
0xc6: {  	v0 =	vpop (erf)  }
0xc7: {  	v0 =	vadd.f32 $1.000000000e+00, v0;
	_ =	sdelay $0x1  }
0xc8: {  	(erf) = vrcp.f32 v0;
	_ =	sdelay $0x8  }
0xc9: {  	p0 =	sne.s32 s10, $0x1;
	v0 =	vpop (erf)  }
.Ltmp0:
0xca: {  	[tilespmem:$0x2110] =	vst v0;
	(pc) =	sbr.rel @p0 .LBB2_1-.Ltmp0, $4  }
0xcb: {  	[hbm4b:s9+s3] =	stream.linear.scatter [tilespmem:s18], [sflag:$0x1], $0x20, $0x38;
	[tilespmem:$0x2180] =	vst v63  }
0xcc: {  	_ =	swait.ge [sflag:s12], $0x20  }
0xcd: {  	[sflag:s12] =	ssyncset.done $0x0  }
0xce: {  	s10 =	sadd.s32 $0xFFFFFFFF, s10;
	[sflag:s12] =	ssyncadd.s32 $0xFFFFFFE0  }
0xcf: {  	_ =	sfence.sel $0x180000  }
0xd0: {  	[bflag:$0x0] =	sbarrier.arrive $0xFFFF  }
0xd1: {  	p0 =	sne.s32 s2, $0x0;
	_ =	strace $0x9000004A  }
0xd2: {  	s0 =	sadd.s32 @!p0 $0x100000, s0;
	[bflag:$0x2] =	sbarrier.arrive $0xFFFF  }
0xd3: {  	[sflag:s0] =	ssyncadd.tile.s32 @!p0 $0x1;
	_ =	shalt  }
.Lfunc_end2:
_tile_overlayer_lowered:
.L_overlay_start_2:
0xd4: {  	(tag) =	ssettag $0x2  }
0xd5: {  	s0 =	rddreg [dreg:$0x0];
	s2 =	stileid.u32  }
0xd6: {  	s1 =	rddreg [dreg:$0x1];
	p0 =	sne.s32 s2, $0x0  }
0xd7: {  	s3 =	rddreg [dreg:$0x2];
	[bflag:$0x3] =	sbarrier.arrive $0xFFFF;
	s2 =	simm.s32 @!p0 $0x1C01  }
0xd8: {  	[timem:s3], [sflag:s2] =	dma.local @!p0 [hbm:s0], s1  }
0xd9: {  	s0 =	simm.s32 @!p0 $0x1  }
0xda: {  	_ =	swait.ge @!p0 [sflag:s0], s1  }
0xdb: {  	s1 =	ssub.s32 @!p0 $0x0, s1;
	[sflag:s0] =	ssyncset.done @!p0 $0x0  }
0xdc: {  	[sflag:s0] =	ssyncadd.s32 @!p0 s1  }
0xdd: {  	[bflag:$0x3] =	sbarrier.arrive $0xFFFF  }
0xde: {  	_ =	shalt  }

</sc_bundles>
